<compile_context>
chip_gen: v7x
topology: tpu7x:2x2x1
jax: 0.10.2.dev20260603
libtpu: 0.0.44.dev20260713+nightly
codegen_flags: <defaults>
</compile_context>

<pallas_src>
import functools

import jax
import jax.numpy as jnp
from jax import lax
from jax.experimental import pallas as pl
from jax.experimental.pallas import tpu as pltpu
from jax.experimental.pallas import tpu_sc as plsc

N = 10000
E = 320000
VOCAB = 1000
F = 128
HID = 128
LAT = 64

NC = 2
NS = 16
NW = NC * NS
EPT = E // NW
RPT = N // NS

_MESH = dict(core_axis_name="c", subcore_axis_name="s")



def _deg_gather(dst, x, table):

    @functools.partial(
        pl.kernel,
        out_type=(jax.ShapeDtypeStruct((NW, N), jnp.float32),
                  jax.ShapeDtypeStruct((N, F), jnp.float32)),
        mesh=plsc.VectorSubcoreMesh(**_MESH),
        scratch_types=[
            pltpu.VMEM((N,), jnp.float32),
            pltpu.VMEM((2000,), jnp.int32),
            pltpu.VMEM((312,), jnp.int32),
            pltpu.VMEM((312, F), jnp.float32),
            pltpu.VMEM((16,), jnp.int32),
            pltpu.VMEM((16, F), jnp.float32),
            pltpu.SemaphoreType.DMA,
        ],
        compiler_params=pltpu.CompilerParams(needs_layout_passes=False),
    )
    def k(dst_hbm, x_hbm, tab_hbm, out_hbm, rows_hbm,
          hist, dbuf, xbuf, rbuf, xbuf2, rbuf2, sem):
        wid = lax.axis_index("c") * NS + lax.axis_index("s")
        zeros16 = jnp.zeros((16,), jnp.float32)
        ones16 = jnp.full((16,), 1.0, jnp.float32)

        base = pl.multiple_of(wid * 312, 8)
        pltpu.sync_copy(x_hbm.at[pl.ds(base, 312)], xbuf)
        descs = [pltpu.async_copy(
            tab_hbm.at[xbuf.at[pl.ds(kk * 104, 104)]],
            rbuf.at[pl.ds(kk * 104, 104)], sem) for kk in range(3)]

        def zbody(i, c):
            hist[pl.ds(i * 16, 16)] = zeros16
            return c

        lax.fori_loop(0, N // 16, zbody, 0)

        ebase = wid * EPT

        def cbody(cc, c):
            b = pl.multiple_of(ebase + cc * 2000, 8)
            pltpu.sync_copy(dst_hbm.at[pl.ds(b, 2000)], dbuf)

            def ibody(j, c2):
                idx = dbuf[pl.ds(j * 16, 16)]
                plsc.addupdate_scatter(hist, [idx], ones16)
                return c2

            lax.fori_loop(0, 2000 // 16, ibody, 0)
            return c

        lax.fori_loop(0, EPT // 2000, cbody, 0)
        pltpu.sync_copy(hist, out_hbm.at[wid])

        for kk in range(3):
            descs[kk].wait()
        pltpu.sync_copy(rbuf, rows_hbm.at[pl.ds(base, 312)])

        @pl.when(wid == 0)
        def _tail():
            pltpu.sync_copy(x_hbm.at[pl.ds(312 * NW, 16)], xbuf2)
            pltpu.async_copy(tab_hbm.at[xbuf2], rbuf2, sem).wait()
            pltpu.sync_copy(rbuf2, rows_hbm.at[pl.ds(312 * NW, 16)])

    return k(dst, x, table)


NPAD = N + 128
CPT = 80
NGRP = CPT // 8


def _edge_scatter(src2d, dst2d, hwp):

    @functools.partial(
        pl.kernel,
        out_type=jax.ShapeDtypeStruct((NC, N, F), jnp.float32),
        mesh=plsc.VectorSubcoreMesh(**_MESH),
        scratch_types=[
            [pltpu.VMEM((128,), jnp.int32)] * 8,
            [pltpu.VMEM((128,), jnp.int32)] * 8,
            pltpu.VMEM((128, F), jnp.float32),
            pltpu.VMEM((128, F), jnp.float32),
            pltpu.VMEM_SHARED((NPAD, F), jnp.float32),
            [pltpu.SemaphoreType.DMA] * 2,
            [pltpu.SemaphoreType.DMA] * 2,
            [pltpu.SemaphoreType.DMA] * 8,
        ],
    )
    def k(src_hbm, dst_hbm, hwp_hbm, out_hbm,
          sbufs, dbufs, r0, r1, acc, gsems, ssems, isems):
        cid = lax.axis_index("c")
        sid = lax.axis_index("s")
        wid = cid * NS + sid
        rows = [r0, r1]
        zeros16 = jnp.zeros((16,), jnp.float32)

        def zbody(i, c):
            for c8 in range(F // 16):
                r0[i, pl.ds(c8 * 16, 16)] = zeros16
            return c

        lax.fori_loop(0, 128, zbody, 0)

        chunks_a = [(0, 128), (128, 128), (256, 128), (384, 128), (512, 112)]
        chunks_b = [(0, 128), (128, 128), (256, 128), (384, 128), (512, 128)]

        @pl.when(sid != NS - 1)
        def _init_a():
            base = pl.multiple_of(sid * 624, 8)
            for off, sz in chunks_a:
                pltpu.sync_copy(r0.at[pl.ds(0, sz)],
                                acc.at[pl.ds(base + off, sz)])

        @pl.when(sid == NS - 1)
        def _init_b():
            for off, sz in chunks_b:
                pltpu.sync_copy(r0.at[pl.ds(0, sz)],
                                acc.at[pl.ds(9360 + off, sz)])

        @pl.when(sid == 0)
        def _init_trash():
            pltpu.sync_copy(r0, acc.at[pl.ds(N, NPAD - N)])

        plsc.subcore_barrier()

        gbase = wid * (CPT * 128)

        NB8 = CPT // 8

        def idx_load(slot, chunk):
            b = pl.multiple_of(gbase + chunk * 128, 8)
            pltpu.async_copy(src_hbm.at[pl.ds(b, 128)], sbufs[slot],
                             isems[slot])
            pltpu.async_copy(dst_hbm.at[pl.ds(b, 128)], dbufs[slot],
                             isems[slot])

        def idx_wait(slot):
            pltpu.make_async_copy(src_hbm.at[pl.ds(0, 128)], sbufs[slot],
                                  isems[slot]).wait()
            pltpu.make_async_copy(src_hbm.at[pl.ds(0, 128)], dbufs[slot],
                                  isems[slot]).wait()

        def drain_scatter(s):
            pltpu.make_async_copy(hwp_hbm.at[pl.ds(0, 128)], rows[s],
                                  ssems[s]).wait()

        def wait_gather(s):
            pltpu.make_async_copy(hwp_hbm.at[pl.ds(0, 128)], rows[s],
                                  gsems[s]).wait()

        for j in range(6):
            idx_load(j, j)

        def body(r, c):
            gd = [None, None]
            for j in range(8):
                s = j % 2
                ps = (j + 1) % 2
                pslot = (j - 2) % 8

                if j < 2:
                    @pl.when(r > 0)
                    def _d(s=s):
                        drain_scatter(s)

                    idx_load(pslot, 8 * r + j + 6)
                else:
                    drain_scatter(s)

                    @pl.when(r < NB8 - 1)
                    def _p2(pslot=pslot, r=r, j=j):
                        idx_load(pslot, 8 * r + j + 6)

                idx_wait(j)
                gd[s] = pltpu.async_copy(hwp_hbm.at[sbufs[j]], rows[s],
                                         gsems[s])
                if j == 0:
                    @pl.when(r > 0)
                    def _s0(ps=ps):
                        wait_gather(ps)
                        pltpu.async_copy(rows[ps], acc.at[dbufs[7]],
                                         ssems[ps], add=True)
                else:
                    gd[ps].wait()
                    pltpu.async_copy(rows[ps], acc.at[dbufs[j - 1]],
                                     ssems[ps], add=True)
            return c

        lax.fori_loop(0, NB8, body, 0)

        wait_gather(1)
        pltpu.async_copy(rows[1], acc.at[dbufs[7]], ssems[1], add=True)
        drain_scatter(0)
        drain_scatter(1)

        plsc.subcore_barrier()

        @pl.when(sid != NS - 1)
        def _wb_a():
            base = pl.multiple_of(sid * 624, 8)
            for off, sz in chunks_a:
                pltpu.sync_copy(acc.at[pl.ds(base + off, sz)],
                                out_hbm.at[cid, pl.ds(base + off, sz)])

        @pl.when(sid == NS - 1)
        def _wb_b():
            for off, sz in chunks_b:
                pltpu.sync_copy(acc.at[pl.ds(9360 + off, sz)],
                                out_hbm.at[cid, pl.ds(9360 + off, sz)])

    return k(src2d, dst2d, hwp)



def _prep1(emb, W1):

    def body(emb_ref, w1_ref, t1_ref):
        t1_ref[...] = jnp.dot(emb_ref[...], w1_ref[...],
                              preferred_element_type=jnp.float32)

    return pl.pallas_call(
        body,
        out_shape=jax.ShapeDtypeStruct((VOCAB, F), jnp.float32),
    )(emb, W1)


_BLK = 1000
_NB = N // _BLK


def _prep2(hist, rows):

    def body(hist_ref, rows_ref, dinv_ref, hwp_ref):
        ones = jnp.ones((NW, 1), jnp.float32)
        deg = lax.dot_general(
            hist_ref[...], ones, (((0,), (0,)), ((), ())),
            preferred_element_type=jnp.float32,
            precision=lax.Precision.HIGHEST,
        )
        dinv = lax.rsqrt(deg + 1.0)
        dinv_ref[...] = dinv
        hwp_ref[...] = rows_ref[...] * dinv

    return pl.pallas_call(
        body,
        out_shape=(
            jax.ShapeDtypeStruct((N, 1), jnp.float32),
            jax.ShapeDtypeStruct((N, F), jnp.float32),
        ),
    )(hist, rows)


def _combine(acc, hwp, dinv, b, W):

    def body(acc_ref, hwp_ref, dinv_ref, b_ref, w_ref, out_ref):
        s = acc_ref[0] + acc_ref[1] + hwp_ref[...]
        h = jnp.maximum(s * dinv_ref[...] + b_ref[...], 0.0)
        out_ref[...] = jnp.dot(h, w_ref[...],
                               preferred_element_type=jnp.float32) * dinv_ref[...]

    return pl.pallas_call(
        body,
        grid=(_NB,),
        in_specs=[
            pl.BlockSpec((NC, _BLK, F), lambda i: (0, i, 0)),
            pl.BlockSpec((_BLK, F), lambda i: (i, 0)),
            pl.BlockSpec((_BLK, 1), lambda i: (i, 0)),
            pl.BlockSpec((1, F), lambda i: (0, 0)),
            pl.BlockSpec((F, F), lambda i: (0, 0)),
        ],
        out_specs=pl.BlockSpec((_BLK, F), lambda i: (i, 0)),
        out_shape=jax.ShapeDtypeStruct((N, F), jnp.float32),
    )(acc, hwp, dinv, b, W)


def _head(acc, hwp, dinv, b2, Wmu, bmu, Wlv, blv, W3, b3, W4, b4, Wc, bc, eps):
    def body(acc_ref, hwp_ref, dinv_ref, b2_ref, wmu_ref, bmu_ref, wlv_ref,
             blv_ref, w3_ref, b3_ref, w4_ref, b4_ref, wc_ref, bc_ref, eps_ref,
             recon_ref, cap_ref, mu_ref, lv_ref):
        s = acc_ref[0] + acc_ref[1] + hwp_ref[...]
        h2 = jnp.maximum(s * dinv_ref[...] + b2_ref[...], 0.0)
        mu = jnp.dot(h2, wmu_ref[...], preferred_element_type=jnp.float32) + bmu_ref[...]
        lv = jnp.dot(h2, wlv_ref[...], preferred_element_type=jnp.float32) + blv_ref[...]
        mu_ref[...] = mu
        lv_ref[...] = lv
        z = mu + eps_ref[...] * jnp.exp(0.5 * lv)
        d = jnp.maximum(jnp.dot(z, w3_ref[...],
                                preferred_element_type=jnp.float32) + b3_ref[...], 0.0)
        recon_ref[...] = jnp.dot(d, w4_ref[...],
                                 preferred_element_type=jnp.float32) + b4_ref[...]
        logit = jnp.dot(z, wc_ref[...],
                        preferred_element_type=jnp.float32) + bc_ref[...]
        cap_ref[...] = jax.nn.sigmoid(logit)

    return pl.pallas_call(
        body,
        grid=(_NB,),
        in_specs=[
            pl.BlockSpec((NC, _BLK, F), lambda i: (0, i, 0)),
            pl.BlockSpec((_BLK, F), lambda i: (i, 0)),
            pl.BlockSpec((_BLK, 1), lambda i: (i, 0)),
            pl.BlockSpec((1, HID), lambda i: (0, 0)),
            pl.BlockSpec((HID, LAT), lambda i: (0, 0)),
            pl.BlockSpec((1, LAT), lambda i: (0, 0)),
            pl.BlockSpec((HID, LAT), lambda i: (0, 0)),
            pl.BlockSpec((1, LAT), lambda i: (0, 0)),
            pl.BlockSpec((LAT, HID), lambda i: (0, 0)),
            pl.BlockSpec((1, HID), lambda i: (0, 0)),
            pl.BlockSpec((HID, VOCAB), lambda i: (0, 0)),
            pl.BlockSpec((1, VOCAB), lambda i: (0, 0)),
            pl.BlockSpec((LAT, 1), lambda i: (0, 0)),
            pl.BlockSpec((1, 1), lambda i: (0, 0)),
            pl.BlockSpec((_BLK, LAT), lambda i: (i, 0)),
        ],
        out_specs=(
            pl.BlockSpec((_BLK, VOCAB), lambda i: (i, 0)),
            pl.BlockSpec((_BLK, 1), lambda i: (i, 0)),
            pl.BlockSpec((_BLK, LAT), lambda i: (i, 0)),
            pl.BlockSpec((_BLK, LAT), lambda i: (i, 0)),
        ),
        out_shape=(
            jax.ShapeDtypeStruct((N, VOCAB), jnp.float32),
            jax.ShapeDtypeStruct((N, 1), jnp.float32),
            jax.ShapeDtypeStruct((N, LAT), jnp.float32),
            jax.ShapeDtypeStruct((N, LAT), jnp.float32),
        ),
    )(acc, hwp, dinv, b2, Wmu, bmu, Wlv, blv, W3, b3, W4, b4, Wc, bc, eps)



def kernel(x, edge_index, emb, W1, b1, W2, b2, Wmu, bmu, Wlv, blv,
           W3, b3, W4, b4, Wc, bc):
    x = x.astype(jnp.int32)
    src = edge_index[0].astype(jnp.int32)
    dst = edge_index[1].astype(jnp.int32)
    npad = CPT * 128 - EPT
    spread = jnp.arange(npad, dtype=jnp.int32) % 128
    pads = jnp.broadcast_to(spread, (NW, npad))
    padd = jnp.broadcast_to(N + spread, (NW, npad))
    src2d = jnp.concatenate([src.reshape(NW, EPT), pads],
                            axis=1).reshape(NW * CPT * 128)
    dst2d = jnp.concatenate([dst.reshape(NW, EPT), padd],
                            axis=1).reshape(NW * CPT * 128)

    T1 = _prep1(emb, W1)
    hist, rows = _deg_gather(dst, x, T1)
    dinv, hwp1 = _prep2(hist, rows)
    acc1 = _edge_scatter(src2d, dst2d, hwp1)
    hwp2 = _combine(acc1, hwp1, dinv, b1.reshape(1, -1), W2)
    acc2 = _edge_scatter(src2d, dst2d, hwp2)
    eps = jax.random.normal(jax.random.key(42), (N, LAT), jnp.float32)
    recon, cap, mu, logvar = _head(
        acc2, hwp2, dinv, b2.reshape(1, -1), Wmu, bmu.reshape(1, -1),
        Wlv, blv.reshape(1, -1), W3, b3.reshape(1, -1), W4, b4.reshape(1, -1),
        Wc, bc.reshape(1, -1), eps)
    return recon, cap, mu, logvar

# --- scband reference (transcript-rebuilt; emitter-appended) ---
"""Pipeline reference for scband-vae-32667521253538 (READ-ONLY COPY).

The authoritative reference and input builder live on the scoring server;
editing this copy changes nothing except your own understanding.
"""

import jax, jax.numpy as jnp
import numpy as np

N = 10000
E = 320000
VOCAB = 1000
F_IN = 128
HID = 128
LAT = 64


def _lin(k, fan_in, fan_out):
    return jax.random.normal(k, (fan_in, fan_out), jnp.float32) * (1.0 / np.sqrt(fan_in))


def setup_inputs(seed: int = 0) -> dict:
    key = jax.random.key(seed)
    ks = jax.random.split(key, 20)
    x = jax.random.randint(ks[0], (N,), 0, VOCAB, dtype=jnp.int64 if jax.config.jax_enable_x64 else jnp.int32)
    edge_index = jax.random.randint(ks[1], (2, E), 0, N, dtype=jnp.int64 if jax.config.jax_enable_x64 else jnp.int32)
    return {
        "x": x,
        "edge_index": edge_index,
        "emb": jax.random.normal(ks[2], (VOCAB, F_IN), jnp.float32) * 0.02,
        "W1": _lin(ks[3], F_IN, HID), "b1": jnp.zeros((HID,), jnp.float32),
        "W2": _lin(ks[4], HID, HID), "b2": jnp.zeros((HID,), jnp.float32),
        "Wmu": _lin(ks[5], HID, LAT), "bmu": jnp.zeros((LAT,), jnp.float32),
        "Wlv": _lin(ks[6], HID, LAT), "blv": jnp.zeros((LAT,), jnp.float32),
        "W3": _lin(ks[7], LAT, HID), "b3": jnp.zeros((HID,), jnp.float32),
        "W4": _lin(ks[8], HID, VOCAB), "b4": jnp.zeros((VOCAB,), jnp.float32),
        "Wc": _lin(ks[9], LAT, 1), "bc": jnp.zeros((1,), jnp.float32),
    }


def gcn_conv(h, edge_index, W, b):
    # GCNConv: h' = D^{-1/2} (A + I) D^{-1/2} (h W) + b
    num_nodes = h.shape[0]
    loop = jnp.arange(num_nodes, dtype=edge_index.dtype)
    src = jnp.concatenate([edge_index[0], loop])
    dst = jnp.concatenate([edge_index[1], loop])
    deg = jnp.zeros((num_nodes,), jnp.float32).at[dst].add(1.0)
    deg_inv_sqrt = jnp.where(deg > 0, deg ** -0.5, 0.0)
    norm = deg_inv_sqrt[src] * deg_inv_sqrt[dst]
    hw = h @ W
    msg = hw[src] * norm[:, None]
    out = jnp.zeros((num_nodes, hw.shape[1]), hw.dtype).at[dst].add(msg)
    return out + b


def reference(x, edge_index, emb, W1, b1, W2, b2, Wmu, bmu, Wlv, blv, W3, b3, W4, b4, Wc, bc):
    h = jnp.take(emb, x, axis=0)
    h = jax.nn.relu(gcn_conv(h, edge_index, W1, b1))
    h = jax.nn.relu(gcn_conv(h, edge_index, W2, b2))
    mu = h @ Wmu + bmu
    logvar = h @ Wlv + blv
    std = jnp.exp(0.5 * logvar)
    eps = jax.random.normal(jax.random.key(42), std.shape, std.dtype)
    z = mu + eps * std
    d = jax.nn.relu(z @ W3 + b3)
    recon_x = d @ W4 + b4
    capitalize = jax.nn.sigmoid(z @ Wc + bc)
    return (recon_x, capitalize, mu, logvar)

if __name__ == "__main__":
    import jax
    _d = setup_inputs()
    print(jax.jit(kernel)(*tuple(_d.values())))

</pallas_src>

<mosaic_0001>
#map = affine_map<(d0, d1) -> (0)>
#map1 = affine_map<(d0, d1) -> (0, 0)>
module attributes {stable_mosaic.version = 14 : i64} {
  func.func @k(%arg0: i32, %arg1: i32, %arg2: memref<320000xi32, #tpu.memory_space<hbm>>, %arg3: memref<10000xi32, #tpu.memory_space<hbm>>, %arg4: memref<1000x128xf32, #tpu.memory_space<hbm>>, %arg5: memref<32x10000xf32, #tpu.memory_space<hbm>>, %arg6: memref<10000x128xf32, #tpu.memory_space<hbm>>, %arg7: memref<10000xf32, #tpu.memory_space<vmem>>, %arg8: memref<2000xi32, #tpu.memory_space<vmem>>, %arg9: memref<312xi32, #tpu.memory_space<vmem>>, %arg10: memref<312x128xf32, #tpu.memory_space<vmem>>, %arg11: memref<16xi32, #tpu.memory_space<vmem>>, %arg12: memref<16x128xf32, #tpu.memory_space<vmem>>, %arg13: memref<!tpu.dma_semaphore, #tpu.memory_space<semaphore_mem>>) attributes {dimension_semantics = [#tpu.dimension_semantics<core_parallel>, #tpu.dimension_semantics<subcore_parallel>], iteration_bounds = array<i64: 2, 16>, scalar_prefetch = 0 : i64, scratch_operands = 7 : i64, tpu.core_type = #tpu.core_type<sc_vector_subcore>, window_params = [{transform_indices = #map}, {transform_indices = #map}, {transform_indices = #map1}, {transform_indices = #map1}, {transform_indices = #map1}]} {
    %mul3A = arith.constant 16 : i32
    %mul3A_0 = arith.muli %arg0, %mul3A : i32
    %add3A = arith.addi %mul3A_0, %arg1 : i32
    %broadcast_in_dim3A = arith.constant 0.000000e+00 : f32
    %broadcast_in_dim3A_1 = vector.broadcast %broadcast_in_dim3A : f32 to vector<16xf32>
    %broadcast_in_dim3A_2 = arith.constant 1.000000e+00 : f32
    %broadcast_in_dim3A_3 = vector.broadcast %broadcast_in_dim3A_2 : f32 to vector<16xf32>
    %mul3A_4 = arith.constant 312 : i32
    %mul3A_5 = arith.muli %add3A, %mul3A_4 : i32
    %multiple_of3A = tpu.assume_multiple %mul3A_5, 8 : i32
    "tpu.region"() ({
      %run_scoped3A = tpu.sem_alloc : memref<!tpu.dma_semaphore, #tpu.memory_space<semaphore_mem>>
      %dma_start3A_67 = tpu.memref_slice %arg3[%multiple_of3A] : memref<10000xi32, #tpu.memory_space<hbm>> -> memref<312xi32, #tpu.memory_space<hbm>>
      %dma_start3A_68 = tpu.memref_slice %arg3[%multiple_of3A] : memref<10000xi32, #tpu.memory_space<hbm>> -> memref<312xi32, #tpu.memory_space<hbm>>
      tpu.enqueue_dma source(%dma_start3A_68 : memref<312xi32, #tpu.memory_space<hbm>>) target(%arg9 : memref<312xi32, #tpu.memory_space<vmem>>) target_semaphore(%run_scoped3A : memref<!tpu.dma_semaphore, #tpu.memory_space<semaphore_mem>>)
      %dma_wait3A_69 = tpu.memref_slice %arg3[%multiple_of3A] : memref<10000xi32, #tpu.memory_space<hbm>> -> memref<312xi32, #tpu.memory_space<hbm>>
      %dma_wait3A_70 = tpu.memref_slice %arg3[%multiple_of3A] : memref<10000xi32, #tpu.memory_space<hbm>> -> memref<312xi32, #tpu.memory_space<hbm>>
      tpu.wait_dma2 semaphore(%run_scoped3A : memref<!tpu.dma_semaphore, #tpu.memory_space<semaphore_mem>>) src(%dma_wait3A_70 : memref<312xi32, #tpu.memory_space<hbm>>) dst(%arg9 : memref<312xi32, #tpu.memory_space<vmem>>)
      tpu.yield
    }) : () -> ()
    %dma_start3A = arith.constant 0 : i32
    %dma_start3A_6 = arith.constant 0 : i32
    %dma_start3A_7 = tpu.memref_slice %arg10[%dma_start3A, %dma_start3A_6] : memref<312x128xf32, #tpu.memory_space<vmem>> -> memref<104x128xf32, #tpu.memory_space<vmem>>
    %dma_start3A_8 = arith.constant 0 : i32
    %dma_start3A_9 = tpu.memref_slice %arg9[%dma_start3A_8] : memref<312xi32, #tpu.memory_space<vmem>> -> memref<104xi32, #tpu.memory_space<vmem>>
    %dma_start3A_10 = arith.constant 0 : i32
    %dma_start3A_11 = arith.constant 0 : i32
    %dma_start3A_12 = tpu.memref_slice %arg4[%dma_start3A_10, %dma_start3A_11] : memref<1000x128xf32, #tpu.memory_space<hbm>> -> memref<1000x128xf32, #tpu.memory_space<hbm>>
    tpu.enqueue_indirect_dma source(%dma_start3A_12 : memref<1000x128xf32, #tpu.memory_space<hbm>>) target(%dma_start3A_7 : memref<104x128xf32, #tpu.memory_space<vmem>>) offsets(%dma_start3A_9 : memref<104xi32, #tpu.memory_space<vmem>>) semaphore(%arg13 : memref<!tpu.dma_semaphore, #tpu.memory_space<semaphore_mem>>)
    %dma_start3A_13 = arith.constant 104 : i32
    %dma_start3A_14 = arith.constant 0 : i32
    %dma_start3A_15 = tpu.memref_slice %arg10[%dma_start3A_13, %dma_start3A_14] : memref<312x128xf32, #tpu.memory_space<vmem>> -> memref<104x128xf32, #tpu.memory_space<vmem>>
    %dma_start3A_16 = arith.constant 104 : i32
    %dma_start3A_17 = tpu.memref_slice %arg9[%dma_start3A_16] : memref<312xi32, #tpu.memory_space<vmem>> -> memref<104xi32, #tpu.memory_space<vmem>>
    %dma_start3A_18 = arith.constant 0 : i32
    %dma_start3A_19 = arith.constant 0 : i32
    %dma_start3A_20 = tpu.memref_slice %arg4[%dma_start3A_18, %dma_start3A_19] : memref<1000x128xf32, #tpu.memory_space<hbm>> -> memref<1000x128xf32, #tpu.memory_space<hbm>>
    tpu.enqueue_indirect_dma source(%dma_start3A_20 : memref<1000x128xf32, #tpu.memory_space<hbm>>) target(%dma_start3A_15 : memref<104x128xf32, #tpu.memory_space<vmem>>) offsets(%dma_start3A_17 : memref<104xi32, #tpu.memory_space<vmem>>) semaphore(%arg13 : memref<!tpu.dma_semaphore, #tpu.memory_space<semaphore_mem>>)
    %dma_start3A_21 = arith.constant 208 : i32
    %dma_start3A_22 = arith.constant 0 : i32
    %dma_start3A_23 = tpu.memref_slice %arg10[%dma_start3A_21, %dma_start3A_22] : memref<312x128xf32, #tpu.memory_space<vmem>> -> memref<104x128xf32, #tpu.memory_space<vmem>>
    %dma_start3A_24 = arith.constant 208 : i32
    %dma_start3A_25 = tpu.memref_slice %arg9[%dma_start3A_24] : memref<312xi32, #tpu.memory_space<vmem>> -> memref<104xi32, #tpu.memory_space<vmem>>
    %dma_start3A_26 = arith.constant 0 : i32
    %dma_start3A_27 = arith.constant 0 : i32
    %dma_start3A_28 = tpu.memref_slice %arg4[%dma_start3A_26, %dma_start3A_27] : memref<1000x128xf32, #tpu.memory_space<hbm>> -> memref<1000x128xf32, #tpu.memory_space<hbm>>
    tpu.enqueue_indirect_dma source(%dma_start3A_28 : memref<1000x128xf32, #tpu.memory_space<hbm>>) target(%dma_start3A_23 : memref<104x128xf32, #tpu.memory_space<vmem>>) offsets(%dma_start3A_25 : memref<104xi32, #tpu.memory_space<vmem>>) semaphore(%arg13 : memref<!tpu.dma_semaphore, #tpu.memory_space<semaphore_mem>>)
    %scan3A = arith.constant 0 : i32
    %scan3A_29 = arith.constant 0 : i32
    %scan3A_30 = arith.constant 625 : i32
    %scan3A_31 = arith.addi %scan3A_29, %scan3A_30 : i32
    %scan3A_32 = arith.constant 1 : i32
    scf.for %scan3A_67 = %scan3A_29 to %scan3A_31 step %scan3A_32  : i32 {
      %mul3A_68 = arith.constant 16 : i32
      %mul3A_69 = arith.muli %scan3A_67, %mul3A_68 : i32
      %swap3A = arith.index_cast %mul3A_69 : i32 to index
      %swap3A_70 = tpu.vector_load %arg7[%swap3A] {strides = array<i32>} : memref<10000xf32, #tpu.memory_space<vmem>>, vector<16xf32>,
      tpu.vector_store %arg7[%swap3A], %broadcast_in_dim3A_1 {strides = array<i32>} : memref<10000xf32, #tpu.memory_space<vmem>>, vector<16xf32>,
    }
    %scan3A_33 = arith.constant 625 : i32
    %mul3A_34 = arith.constant 10000 : i32
    %mul3A_35 = arith.muli %add3A, %mul3A_34 : i32
    %scan3A_36 = arith.constant 0 : i32
    %scan3A_37 = arith.constant 0 : i32
    %scan3A_38 = arith.constant 5 : i32
    %scan3A_39 = arith.addi %scan3A_37, %scan3A_38 : i32
    %scan3A_40 = arith.constant 1 : i32
    scf.for %scan3A_67 = %scan3A_37 to %scan3A_39 step %scan3A_40  : i32 {
      %mul3A_68 = arith.constant 2000 : i32
      %mul3A_69 = arith.muli %scan3A_67, %mul3A_68 : i32
      %add3A_70 = arith.addi %mul3A_35, %mul3A_69 : i32
      %multiple_of3A_71 = tpu.assume_multiple %add3A_70, 8 : i32
      "tpu.region"() ({
        %run_scoped3A = tpu.sem_alloc : memref<!tpu.dma_semaphore, #tpu.memory_space<semaphore_mem>>
        %dma_start3A_78 = tpu.memref_slice %arg2[%multiple_of3A_71] : memref<320000xi32, #tpu.memory_space<hbm>> -> memref<2000xi32, #tpu.memory_space<hbm>>
        %dma_start3A_79 = tpu.memref_slice %arg2[%multiple_of3A_71] : memref<320000xi32, #tpu.memory_space<hbm>> -> memref<2000xi32, #tpu.memory_space<hbm>>
        tpu.enqueue_dma source(%dma_start3A_79 : memref<2000xi32, #tpu.memory_space<hbm>>) target(%arg8 : memref<2000xi32, #tpu.memory_space<vmem>>) target_semaphore(%run_scoped3A : memref<!tpu.dma_semaphore, #tpu.memory_space<semaphore_mem>>)
        %dma_wait3A_80 = tpu.memref_slice %arg2[%multiple_of3A_71] : memref<320000xi32, #tpu.memory_space<hbm>> -> memref<2000xi32, #tpu.memory_space<hbm>>
        %dma_wait3A_81 = tpu.memref_slice %arg2[%multiple_of3A_71] : memref<320000xi32, #tpu.memory_space<hbm>> -> memref<2000xi32, #tpu.memory_space<hbm>>
        tpu.wait_dma2 semaphore(%run_scoped3A : memref<!tpu.dma_semaphore, #tpu.memory_space<semaphore_mem>>) src(%dma_wait3A_81 : memref<2000xi32, #tpu.memory_space<hbm>>) dst(%arg8 : memref<2000xi32, #tpu.memory_space<vmem>>)
        tpu.yield
      }) : () -> ()
      %scan3A_72 = arith.constant 0 : i32
      %scan3A_73 = arith.constant 0 : i32
      %scan3A_74 = arith.constant 125 : i32
      %scan3A_75 = arith.addi %scan3A_73, %scan3A_74 : i32
      %scan3A_76 = arith.constant 1 : i32
      scf.for %scan3A_78 = %scan3A_73 to %scan3A_75 step %scan3A_76  : i32 {
        %mul3A_79 = arith.constant 16 : i32
        %mul3A_80 = arith.muli %scan3A_78, %mul3A_79 : i32
        %get3A = arith.index_cast %mul3A_80 : i32 to index
        %get3A_81 = tpu.vector_load %arg8[%get3A] {strides = array<i32>} : memref<2000xi32, #tpu.memory_space<vmem>>, vector<16xi32>,
        tpu.vector_store_idx %arg7[%get3A_81], %broadcast_in_dim3A_3 {add = true} : memref<10000xf32, #tpu.memory_space<vmem>>[vector<16xi32>], vector<16xf32>,
      }
      %scan3A_77 = arith.constant 125 : i32
    }
    %scan3A_41 = arith.constant 5 : i32
    "tpu.region"() ({
      %run_scoped3A = tpu.sem_alloc : memref<!tpu.dma_semaphore, #tpu.memory_space<semaphore_mem>>
      %dma_start3A_67 = arith.constant 0 : i32
      %dma_start3A_68 = tpu.memref_slice %arg5[%add3A, %dma_start3A_67] : memref<32x10000xf32, #tpu.memory_space<hbm>> -> memref<1x10000xf32, #tpu.memory_space<hbm>>
      %dma_start3A_69 = tpu.memref_squeeze %dma_start3A_68 : memref<1x10000xf32, #tpu.memory_space<hbm>> -> memref<10000xf32, #tpu.memory_space<hbm>>
      %dma_start3A_70 = arith.constant 0 : i32
      %dma_start3A_71 = tpu.memref_slice %arg5[%add3A, %dma_start3A_70] : memref<32x10000xf32, #tpu.memory_space<hbm>> -> memref<1x10000xf32, #tpu.memory_space<hbm>>
      %dma_start3A_72 = tpu.memref_squeeze %dma_start3A_71 : memref<1x10000xf32, #tpu.memory_space<hbm>> -> memref<10000xf32, #tpu.memory_space<hbm>>
      tpu.enqueue_dma source(%arg7 : memref<10000xf32, #tpu.memory_space<vmem>>) target(%dma_start3A_72 : memref<10000xf32, #tpu.memory_space<hbm>>) target_semaphore(%run_scoped3A : memref<!tpu.dma_semaphore, #tpu.memory_space<semaphore_mem>>)
      %dma_wait3A_73 = arith.constant 0 : i32
      %dma_wait3A_74 = tpu.memref_slice %arg5[%add3A, %dma_wait3A_73] : memref<32x10000xf32, #tpu.memory_space<hbm>> -> memref<1x10000xf32, #tpu.memory_space<hbm>>
      %dma_wait3A_75 = tpu.memref_squeeze %dma_wait3A_74 : memref<1x10000xf32, #tpu.memory_space<hbm>> -> memref<10000xf32, #tpu.memory_space<hbm>>
      %dma_wait3A_76 = arith.constant 0 : i32
      %dma_wait3A_77 = tpu.memref_slice %arg5[%add3A, %dma_wait3A_76] : memref<32x10000xf32, #tpu.memory_space<hbm>> -> memref<1x10000xf32, #tpu.memory_space<hbm>>
      %dma_wait3A_78 = tpu.memref_squeeze %dma_wait3A_77 : memref<1x10000xf32, #tpu.memory_space<hbm>> -> memref<10000xf32, #tpu.memory_space<hbm>>
      tpu.wait_dma2 semaphore(%run_scoped3A : memref<!tpu.dma_semaphore, #tpu.memory_space<semaphore_mem>>) src(%arg7 : memref<10000xf32, #tpu.memory_space<vmem>>) dst(%dma_wait3A_78 : memref<10000xf32, #tpu.memory_space<hbm>>)
      tpu.yield
    }) : () -> ()
    %dma_wait3A = arith.constant 0 : i32
    %dma_wait3A_42 = arith.constant 0 : i32
    %dma_wait3A_43 = tpu.memref_slice %arg10[%dma_wait3A, %dma_wait3A_42] : memref<312x128xf32, #tpu.memory_space<vmem>> -> memref<104x128xf32, #tpu.memory_space<vmem>>
    %dma_wait3A_44 = arith.constant 0 : i32
    %dma_wait3A_45 = tpu.memref_slice %arg9[%dma_wait3A_44] : memref<312xi32, #tpu.memory_space<vmem>> -> memref<104xi32, #tpu.memory_space<vmem>>
    %dma_wait3A_46 = arith.constant 0 : i32
    %dma_wait3A_47 = arith.constant 0 : i32
    %dma_wait3A_48 = tpu.memref_slice %arg4[%dma_wait3A_46, %dma_wait3A_47] : memref<1000x128xf32, #tpu.memory_space<hbm>> -> memref<1000x128xf32, #tpu.memory_space<hbm>>
    tpu.wait_indirect_dma semaphore(%arg13 : memref<!tpu.dma_semaphore, #tpu.memory_space<semaphore_mem>>) src(%dma_wait3A_48 : memref<1000x128xf32, #tpu.memory_space<hbm>>) dst(%dma_wait3A_43 : memref<104x128xf32, #tpu.memory_space<vmem>>)
    %dma_wait3A_49 = arith.constant 104 : i32
    %dma_wait3A_50 = arith.constant 0 : i32
    %dma_wait3A_51 = tpu.memref_slice %arg10[%dma_wait3A_49, %dma_wait3A_50] : memref<312x128xf32, #tpu.memory_space<vmem>> -> memref<104x128xf32, #tpu.memory_space<vmem>>
    %dma_wait3A_52 = arith.constant 104 : i32
    %dma_wait3A_53 = tpu.memref_slice %arg9[%dma_wait3A_52] : memref<312xi32, #tpu.memory_space<vmem>> -> memref<104xi32, #tpu.memory_space<vmem>>
    %dma_wait3A_54 = arith.constant 0 : i32
    %dma_wait3A_55 = arith.constant 0 : i32
    %dma_wait3A_56 = tpu.memref_slice %arg4[%dma_wait3A_54, %dma_wait3A_55] : memref<1000x128xf32, #tpu.memory_space<hbm>> -> memref<1000x128xf32, #tpu.memory_space<hbm>>
    tpu.wait_indirect_dma semaphore(%arg13 : memref<!tpu.dma_semaphore, #tpu.memory_space<semaphore_mem>>) src(%dma_wait3A_56 : memref<1000x128xf32, #tpu.memory_space<hbm>>) dst(%dma_wait3A_51 : memref<104x128xf32, #tpu.memory_space<vmem>>)
    %dma_wait3A_57 = arith.constant 208 : i32
    %dma_wait3A_58 = arith.constant 0 : i32
    %dma_wait3A_59 = tpu.memref_slice %arg10[%dma_wait3A_57, %dma_wait3A_58] : memref<312x128xf32, #tpu.memory_space<vmem>> -> memref<104x128xf32, #tpu.memory_space<vmem>>
    %dma_wait3A_60 = arith.constant 208 : i32
    %dma_wait3A_61 = tpu.memref_slice %arg9[%dma_wait3A_60] : memref<312xi32, #tpu.memory_space<vmem>> -> memref<104xi32, #tpu.memory_space<vmem>>
    %dma_wait3A_62 = arith.constant 0 : i32
    %dma_wait3A_63 = arith.constant 0 : i32
    %dma_wait3A_64 = tpu.memref_slice %arg4[%dma_wait3A_62, %dma_wait3A_63] : memref<1000x128xf32, #tpu.memory_space<hbm>> -> memref<1000x128xf32, #tpu.memory_space<hbm>>
    tpu.wait_indirect_dma semaphore(%arg13 : memref<!tpu.dma_semaphore, #tpu.memory_space<semaphore_mem>>) src(%dma_wait3A_64 : memref<1000x128xf32, #tpu.memory_space<hbm>>) dst(%dma_wait3A_59 : memref<104x128xf32, #tpu.memory_space<vmem>>)
    "tpu.region"() ({
      %run_scoped3A = tpu.sem_alloc : memref<!tpu.dma_semaphore, #tpu.memory_space<semaphore_mem>>
      %dma_start3A_67 = arith.constant 0 : i32
      %dma_start3A_68 = tpu.memref_slice %arg6[%multiple_of3A, %dma_start3A_67] : memref<10000x128xf32, #tpu.memory_space<hbm>> -> memref<312x128xf32, #tpu.memory_space<hbm>>
      %dma_start3A_69 = arith.constant 0 : i32
      %dma_start3A_70 = tpu.memref_slice %arg6[%multiple_of3A, %dma_start3A_69] : memref<10000x128xf32, #tpu.memory_space<hbm>> -> memref<312x128xf32, #tpu.memory_space<hbm>>
      tpu.enqueue_dma source(%arg10 : memref<312x128xf32, #tpu.memory_space<vmem>>) target(%dma_start3A_70 : memref<312x128xf32, #tpu.memory_space<hbm>>) target_semaphore(%run_scoped3A : memref<!tpu.dma_semaphore, #tpu.memory_space<semaphore_mem>>)
      %dma_wait3A_71 = arith.constant 0 : i32
      %dma_wait3A_72 = tpu.memref_slice %arg6[%multiple_of3A, %dma_wait3A_71] : memref<10000x128xf32, #tpu.memory_space<hbm>> -> memref<312x128xf32, #tpu.memory_space<hbm>>
      %dma_wait3A_73 = arith.constant 0 : i32
      %dma_wait3A_74 = tpu.memref_slice %arg6[%multiple_of3A, %dma_wait3A_73] : memref<10000x128xf32, #tpu.memory_space<hbm>> -> memref<312x128xf32, #tpu.memory_space<hbm>>
      tpu.wait_dma2 semaphore(%run_scoped3A : memref<!tpu.dma_semaphore, #tpu.memory_space<semaphore_mem>>) src(%arg10 : memref<312x128xf32, #tpu.memory_space<vmem>>) dst(%dma_wait3A_74 : memref<312x128xf32, #tpu.memory_space<hbm>>)
      tpu.yield
    }) : () -> ()
    %eq3A = arith.constant 0 : i32
    %eq3A_65 = arith.cmpi eq, %add3A, %eq3A : i32
    %convert_element_type3A = arith.extui %eq3A_65 : i1 to i32
    %cond3A = arith.constant 0 : i32
    %cond3A_66 = arith.cmpi ne, %convert_element_type3A, %cond3A : i32
    scf.if %cond3A_66 {
      "tpu.region"() ({
        %run_scoped3A = tpu.sem_alloc : memref<!tpu.dma_semaphore, #tpu.memory_space<semaphore_mem>>
        %dma_start3A_73 = arith.constant 9984 : i32
        %dma_start3A_74 = tpu.memref_slice %arg3[%dma_start3A_73] : memref<10000xi32, #tpu.memory_space<hbm>> -> memref<16xi32, #tpu.memory_space<hbm>>
        %dma_start3A_75 = arith.constant 9984 : i32
        %dma_start3A_76 = tpu.memref_slice %arg3[%dma_start3A_75] : memref<10000xi32, #tpu.memory_space<hbm>> -> memref<16xi32, #tpu.memory_space<hbm>>
        tpu.enqueue_dma source(%dma_start3A_76 : memref<16xi32, #tpu.memory_space<hbm>>) target(%arg11 : memref<16xi32, #tpu.memory_space<vmem>>) target_semaphore(%run_scoped3A : memref<!tpu.dma_semaphore, #tpu.memory_space<semaphore_mem>>)
        %dma_wait3A_77 = arith.constant 9984 : i32
        %dma_wait3A_78 = tpu.memref_slice %arg3[%dma_wait3A_77] : memref<10000xi32, #tpu.memory_space<hbm>> -> memref<16xi32, #tpu.memory_space<hbm>>
        %dma_wait3A_79 = arith.constant 9984 : i32
        %dma_wait3A_80 = tpu.memref_slice %arg3[%dma_wait3A_79] : memref<10000xi32, #tpu.memory_space<hbm>> -> memref<16xi32, #tpu.memory_space<hbm>>
        tpu.wait_dma2 semaphore(%run_scoped3A : memref<!tpu.dma_semaphore, #tpu.memory_space<semaphore_mem>>) src(%dma_wait3A_80 : memref<16xi32, #tpu.memory_space<hbm>>) dst(%arg11 : memref<16xi32, #tpu.memory_space<vmem>>)
        tpu.yield
      }) : () -> ()
      %dma_start3A_67 = arith.constant 0 : i32
      %dma_start3A_68 = arith.constant 0 : i32
      %dma_start3A_69 = tpu.memref_slice %arg4[%dma_start3A_67, %dma_start3A_68] : memref<1000x128xf32, #tpu.memory_space<hbm>> -> memref<1000x128xf32, #tpu.memory_space<hbm>>
      tpu.enqueue_indirect_dma source(%dma_start3A_69 : memref<1000x128xf32, #tpu.memory_space<hbm>>) target(%arg12 : memref<16x128xf32, #tpu.memory_space<vmem>>) offsets(%arg11 : memref<16xi32, #tpu.memory_space<vmem>>) semaphore(%arg13 : memref<!tpu.dma_semaphore, #tpu.memory_space<semaphore_mem>>)
      %dma_wait3A_70 = arith.constant 0 : i32
      %dma_wait3A_71 = arith.constant 0 : i32
      %dma_wait3A_72 = tpu.memref_slice %arg4[%dma_wait3A_70, %dma_wait3A_71] : memref<1000x128xf32, #tpu.memory_space<hbm>> -> memref<1000x128xf32, #tpu.memory_space<hbm>>
      tpu.wait_indirect_dma semaphore(%arg13 : memref<!tpu.dma_semaphore, #tpu.memory_space<semaphore_mem>>) src(%dma_wait3A_72 : memref<1000x128xf32, #tpu.memory_space<hbm>>) dst(%arg12 : memref<16x128xf32, #tpu.memory_space<vmem>>)
      "tpu.region"() ({
        %run_scoped3A = tpu.sem_alloc : memref<!tpu.dma_semaphore, #tpu.memory_space<semaphore_mem>>
        %dma_start3A_73 = arith.constant 9984 : i32
        %dma_start3A_74 = arith.constant 0 : i32
        %dma_start3A_75 = tpu.memref_slice %arg6[%dma_start3A_73, %dma_start3A_74] : memref<10000x128xf32, #tpu.memory_space<hbm>> -> memref<16x128xf32, #tpu.memory_space<hbm>>
        %dma_start3A_76 = arith.constant 9984 : i32
        %dma_start3A_77 = arith.constant 0 : i32
        %dma_start3A_78 = tpu.memref_slice %arg6[%dma_start3A_76, %dma_start3A_77] : memref<10000x128xf32, #tpu.memory_space<hbm>> -> memref<16x128xf32, #tpu.memory_space<hbm>>
        tpu.enqueue_dma source(%arg12 : memref<16x128xf32, #tpu.memory_space<vmem>>) target(%dma_start3A_78 : memref<16x128xf32, #tpu.memory_space<hbm>>) target_semaphore(%run_scoped3A : memref<!tpu.dma_semaphore, #tpu.memory_space<semaphore_mem>>)
        %dma_wait3A_79 = arith.constant 9984 : i32
        %dma_wait3A_80 = arith.constant 0 : i32
        %dma_wait3A_81 = tpu.memref_slice %arg6[%dma_wait3A_79, %dma_wait3A_80] : memref<10000x128xf32, #tpu.memory_space<hbm>> -> memref<16x128xf32, #tpu.memory_space<hbm>>
        %dma_wait3A_82 = arith.constant 9984 : i32
        %dma_wait3A_83 = arith.constant 0 : i32
        %dma_wait3A_84 = tpu.memref_slice %arg6[%dma_wait3A_82, %dma_wait3A_83] : memref<10000x128xf32, #tpu.memory_space<hbm>> -> memref<16x128xf32, #tpu.memory_space<hbm>>
        tpu.wait_dma2 semaphore(%run_scoped3A : memref<!tpu.dma_semaphore, #tpu.memory_space<semaphore_mem>>) src(%arg12 : memref<16x128xf32, #tpu.memory_space<vmem>>) dst(%dma_wait3A_84 : memref<16x128xf32, #tpu.memory_space<hbm>>)
        tpu.yield
      }) : () -> ()
    } else {
    }
    return
  }
}

#map = affine_map<(d0, d1) -> (0)>
#map1 = affine_map<(d0, d1) -> (0, 0)>
#map2 = affine_map<(d0, d1) -> (0, 0, 0)>
module attributes {stable_mosaic.version = 14 : i64} {
  func.func @k(%arg0: i32, %arg1: i32, %arg2: memref<327680xi32, #tpu.memory_space<hbm>>, %arg3: memref<327680xi32, #tpu.memory_space<hbm>>, %arg4: memref<10000x128xf32, #tpu.memory_space<hbm>>, %arg5: memref<2x10000x128xf32, #tpu.memory_space<hbm>>, %arg6: memref<128xi32, #tpu.memory_space<vmem>>, %arg7: memref<128xi32, #tpu.memory_space<vmem>>, %arg8: memref<128xi32, #tpu.memory_space<vmem>>, %arg9: memref<128xi32, #tpu.memory_space<vmem>>, %arg10: memref<128xi32, #tpu.memory_space<vmem>>, %arg11: memref<128xi32, #tpu.memory_space<vmem>>, %arg12: memref<128xi32, #tpu.memory_space<vmem>>, %arg13: memref<128xi32, #tpu.memory_space<vmem>>, %arg14: memref<128xi32, #tpu.memory_space<vmem>>, %arg15: memref<128xi32, #tpu.memory_space<vmem>>, %arg16: memref<128xi32, #tpu.memory_space<vmem>>, %arg17: memref<128xi32, #tpu.memory_space<vmem>>, %arg18: memref<128xi32, #tpu.memory_space<vmem>>, %arg19: memref<128xi32, #tpu.memory_space<vmem>>, %arg20: memref<128xi32, #tpu.memory_space<vmem>>, %arg21: memref<128xi32, #tpu.memory_space<vmem>>, %arg22: memref<128x128xf32, #tpu.memory_space<vmem>>, %arg23: memref<128x128xf32, #tpu.memory_space<vmem>>, %arg24: memref<10128x128xf32, #tpu.memory_space<vmem_shared>>, %arg25: memref<!tpu.dma_semaphore, #tpu.memory_space<semaphore_mem>>, %arg26: memref<!tpu.dma_semaphore, #tpu.memory_space<semaphore_mem>>, %arg27: memref<!tpu.dma_semaphore, #tpu.memory_space<semaphore_mem>>, %arg28: memref<!tpu.dma_semaphore, #tpu.memory_space<semaphore_mem>>, %arg29: memref<!tpu.dma_semaphore, #tpu.memory_space<semaphore_mem>>, %arg30: memref<!tpu.dma_semaphore, #tpu.memory_space<semaphore_mem>>, %arg31: memref<!tpu.dma_semaphore, #tpu.memory_space<semaphore_mem>>, %arg32: memref<!tpu.dma_semaphore, #tpu.memory_space<semaphore_mem>>, %arg33: memref<!tpu.dma_semaphore, #tpu.memory_space<semaphore_mem>>, %arg34: memref<!tpu.dma_semaphore, #tpu.memory_space<semaphore_mem>>, %arg35: memref<!tpu.dma_semaphore, #tpu.memory_space<semaphore_mem>>, %arg36: memref<!tpu.dma_semaphore, #tpu.memory_space<semaphore_mem>>) attributes {dimension_semantics = [#tpu.dimension_semantics<core_parallel>, #tpu.dimension_semantics<subcore_parallel>], iteration_bounds = array<i64: 2, 16>, scalar_prefetch = 0 : i64, scratch_operands = 31 : i64, tpu.core_type = #tpu.core_type<sc_vector_subcore>, window_params = [{transform_indices = #map}, {transform_indices = #map}, {transform_indices = #map1}, {transform_indices = #map2}]} {
    %mul3A = arith.constant 16 : i32
    %mul3A_0 = arith.muli %arg0, %mul3A : i32
    %add3A = arith.addi %mul3A_0, %arg1 : i32
    %broadcast_in_dim3A = arith.constant 0.000000e+00 : f32
    %broadcast_in_dim3A_1 = vector.broadcast %broadcast_in_dim3A : f32 to vector<16xf32>
    %scan3A = arith.constant 0 : i32
    %scan3A_2 = arith.constant 0 : i32
    %scan3A_3 = arith.constant 128 : i32
    %scan3A_4 = arith.addi %scan3A_2, %scan3A_3 : i32
    %scan3A_5 = arith.constant 1 : i32
    scf.for %scan3A_97 = %scan3A_2 to %scan3A_4 step %scan3A_5  : i32 {
      %swap3A = arith.index_cast %scan3A_97 : i32 to index
      %swap3A_98 = arith.constant 0 : index
      %swap3A_99 = tpu.vector_load %arg22[%swap3A, %swap3A_98] {strides = array<i32>} : memref<128x128xf32, #tpu.memory_space<vmem>>, vector<1x16xf32>,
      %swap3A_100 = vector.shape_cast %swap3A_99 : vector<1x16xf32> to vector<16xf32>
      %swap3A_101 = vector.shape_cast %broadcast_in_dim3A_1 : vector<16xf32> to vector<1x16xf32>
      tpu.vector_store %arg22[%swap3A, %swap3A_98], %swap3A_101 {strides = array<i32>} : memref<128x128xf32, #tpu.memory_space<vmem>>, vector<1x16xf32>,
      %swap3A_102 = arith.index_cast %scan3A_97 : i32 to index
      %swap3A_103 = arith.constant 16 : index
      %swap3A_104 = tpu.vector_load %arg22[%swap3A_102, %swap3A_103] {strides = array<i32>} : memref<128x128xf32, #tpu.memory_space<vmem>>, vector<1x16xf32>,
      %swap3A_105 = vector.shape_cast %swap3A_104 : vector<1x16xf32> to vector<16xf32>
      %swap3A_106 = vector.shape_cast %broadcast_in_dim3A_1 : vector<16xf32> to vector<1x16xf32>
      tpu.vector_store %arg22[%swap3A_102, %swap3A_103], %swap3A_106 {strides = array<i32>} : memref<128x128xf32, #tpu.memory_space<vmem>>, vector<1x16xf32>,
      %swap3A_107 = arith.index_cast %scan3A_97 : i32 to index
      %swap3A_108 = arith.constant 32 : index
      %swap3A_109 = tpu.vector_load %arg22[%swap3A_107, %swap3A_108] {strides = array<i32>} : memref<128x128xf32, #tpu.memory_space<vmem>>, vector<1x16xf32>,
      %swap3A_110 = vector.shape_cast %swap3A_109 : vector<1x16xf32> to vector<16xf32>
      %swap3A_111 = vector.shape_cast %broadcast_in_dim3A_1 : vector<16xf32> to vector<1x16xf32>
      tpu.vector_store %arg22[%swap3A_107, %swap3A_108], %swap3A_111 {strides = array<i32>} : memref<128x128xf32, #tpu.memory_space<vmem>>, vector<1x16xf32>,
      %swap3A_112 = arith.index_cast %scan3A_97 : i32 to index
      %swap3A_113 = arith.constant 48 : index
      %swap3A_114 = tpu.vector_load %arg22[%swap3A_112, %swap3A_113] {strides = array<i32>} : memref<128x128xf32, #tpu.memory_space<vmem>>, vector<1x16xf32>,
      %swap3A_115 = vector.shape_cast %swap3A_114 : vector<1x16xf32> to vector<16xf32>
      %swap3A_116 = vector.shape_cast %broadcast_in_dim3A_1 : vector<16xf32> to vector<1x16xf32>
      tpu.vector_store %arg22[%swap3A_112, %swap3A_113], %swap3A_116 {strides = array<i32>} : memref<128x128xf32, #tpu.memory_space<vmem>>, vector<1x16xf32>,
      %swap3A_117 = arith.index_cast %scan3A_97 : i32 to index
      %swap3A_118 = arith.constant 64 : index
      %swap3A_119 = tpu.vector_load %arg22[%swap3A_117, %swap3A_118] {strides = array<i32>} : memref<128x128xf32, #tpu.memory_space<vmem>>, vector<1x16xf32>,
      %swap3A_120 = vector.shape_cast %swap3A_119 : vector<1x16xf32> to vector<16xf32>
      %swap3A_121 = vector.shape_cast %broadcast_in_dim3A_1 : vector<16xf32> to vector<1x16xf32>
      tpu.vector_store %arg22[%swap3A_117, %swap3A_118], %swap3A_121 {strides = array<i32>} : memref<128x128xf32, #tpu.memory_space<vmem>>, vector<1x16xf32>,
      %swap3A_122 = arith.index_cast %scan3A_97 : i32 to index
      %swap3A_123 = arith.constant 80 : index
      %swap3A_124 = tpu.vector_load %arg22[%swap3A_122, %swap3A_123] {strides = array<i32>} : memref<128x128xf32, #tpu.memory_space<vmem>>, vector<1x16xf32>,
      %swap3A_125 = vector.shape_cast %swap3A_124 : vector<1x16xf32> to vector<16xf32>
      %swap3A_126 = vector.shape_cast %broadcast_in_dim3A_1 : vector<16xf32> to vector<1x16xf32>
      tpu.vector_store %arg22[%swap3A_122, %swap3A_123], %swap3A_126 {strides = array<i32>} : memref<128x128xf32, #tpu.memory_space<vmem>>, vector<1x16xf32>,
      %swap3A_127 = arith.index_cast %scan3A_97 : i32 to index
      %swap3A_128 = arith.constant 96 : index
      %swap3A_129 = tpu.vector_load %arg22[%swap3A_127, %swap3A_128] {strides = array<i32>} : memref<128x128xf32, #tpu.memory_space<vmem>>, vector<1x16xf32>,
      %swap3A_130 = vector.shape_cast %swap3A_129 : vector<1x16xf32> to vector<16xf32>
      %swap3A_131 = vector.shape_cast %broadcast_in_dim3A_1 : vector<16xf32> to vector<1x16xf32>
      tpu.vector_store %arg22[%swap3A_127, %swap3A_128], %swap3A_131 {strides = array<i32>} : memref<128x128xf32, #tpu.memory_space<vmem>>, vector<1x16xf32>,
      %swap3A_132 = arith.index_cast %scan3A_97 : i32 to index
      %swap3A_133 = arith.constant 112 : index
      %swap3A_134 = tpu.vector_load %arg22[%swap3A_132, %swap3A_133] {strides = array<i32>} : memref<128x128xf32, #tpu.memory_space<vmem>>, vector<1x16xf32>,
      %swap3A_135 = vector.shape_cast %swap3A_134 : vector<1x16xf32> to vector<16xf32>
      %swap3A_136 = vector.shape_cast %broadcast_in_dim3A_1 : vector<16xf32> to vector<1x16xf32>
      tpu.vector_store %arg22[%swap3A_132, %swap3A_133], %swap3A_136 {strides = array<i32>} : memref<128x128xf32, #tpu.memory_space<vmem>>, vector<1x16xf32>,
    }
    %scan3A_6 = arith.constant 128 : i32
    %ne3A = arith.constant 15 : i32
    %ne3A_7 = arith.cmpi ne, %arg1, %ne3A : i32
    %convert_element_type3A = arith.extui %ne3A_7 : i1 to i32
    %cond3A = arith.constant 0 : i32
    %cond3A_8 = arith.cmpi ne, %convert_element_type3A, %cond3A : i32
    scf.if %cond3A_8 {
      %mul3A_97 = arith.constant 624 : i32
      %mul3A_98 = arith.muli %arg1, %mul3A_97 : i32
      %multiple_of3A_99 = tpu.assume_multiple %mul3A_98, 8 : i32
      %add3A_100 = arith.constant 0 : i32
      %add3A_101 = arith.addi %multiple_of3A_99, %add3A_100 : i32
      "tpu.region"() ({
        %run_scoped3A = tpu.sem_alloc : memref<!tpu.dma_semaphore, #tpu.memory_space<semaphore_mem>>
        %dma_start3A_110 = arith.constant 0 : i32
        %dma_start3A_111 = arith.constant 0 : i32
        %dma_start3A_112 = tpu.memref_slice %arg22[%dma_start3A_110, %dma_start3A_111] : memref<128x128xf32, #tpu.memory_space<vmem>> -> memref<128x128xf32, #tpu.memory_space<vmem>>
        %dma_start3A_113 = arith.constant 0 : i32
        %dma_start3A_114 = tpu.memref_slice %arg24[%add3A_101, %dma_start3A_113] : memref<10128x128xf32, #tpu.memory_space<vmem_shared>> -> memref<128x128xf32, #tpu.memory_space<vmem_shared>>
        %dma_start3A_115 = arith.constant 0 : i32
        %dma_start3A_116 = tpu.memref_slice %arg24[%add3A_101, %dma_start3A_115] : memref<10128x128xf32, #tpu.memory_space<vmem_shared>> -> memref<128x128xf32, #tpu.memory_space<vmem_shared>>
        %dma_start3A_117 = arith.constant 0 : i32
        %dma_start3A_118 = arith.constant 0 : i32
        %dma_start3A_119 = tpu.memref_slice %arg22[%dma_start3A_117, %dma_start3A_118] : memref<128x128xf32, #tpu.memory_space<vmem>> -> memref<128x128xf32, #tpu.memory_space<vmem>>
        tpu.enqueue_dma source(%dma_start3A_119 : memref<128x128xf32, #tpu.memory_space<vmem>>) target(%dma_start3A_116 : memref<128x128xf32, #tpu.memory_space<vmem_shared>>) target_semaphore(%run_scoped3A : memref<!tpu.dma_semaphore, #tpu.memory_space<semaphore_mem>>)
        %dma_wait3A_120 = arith.constant 0 : i32
        %dma_wait3A_121 = arith.constant 0 : i32
        %dma_wait3A_122 = tpu.memref_slice %arg22[%dma_wait3A_120, %dma_wait3A_121] : memref<128x128xf32, #tpu.memory_space<vmem>> -> memref<128x128xf32, #tpu.memory_space<vmem>>
        %dma_wait3A_123 = arith.constant 0 : i32
        %dma_wait3A_124 = tpu.memref_slice %arg24[%add3A_101, %dma_wait3A_123] : memref<10128x128xf32, #tpu.memory_space<vmem_shared>> -> memref<128x128xf32, #tpu.memory_space<vmem_shared>>
        %dma_wait3A_125 = arith.constant 0 : i32
        %dma_wait3A_126 = tpu.memref_slice %arg24[%add3A_101, %dma_wait3A_125] : memref<10128x128xf32, #tpu.memory_space<vmem_shared>> -> memref<128x128xf32, #tpu.memory_space<vmem_shared>>
        %dma_wait3A_127 = arith.constant 0 : i32
        %dma_wait3A_128 = arith.constant 0 : i32
        %dma_wait3A_129 = tpu.memref_slice %arg22[%dma_wait3A_127, %dma_wait3A_128] : memref<128x128xf32, #tpu.memory_space<vmem>> -> memref<128x128xf32, #tpu.memory_space<vmem>>
        tpu.wait_dma2 semaphore(%run_scoped3A : memref<!tpu.dma_semaphore, #tpu.memory_space<semaphore_mem>>) src(%dma_wait3A_129 : memref<128x128xf32, #tpu.memory_space<vmem>>) dst(%dma_wait3A_126 : memref<128x128xf32, #tpu.memory_space<vmem_shared>>)
        tpu.yield
      }) : () -> ()
      %add3A_102 = arith.constant 128 : i32
      %add3A_103 = arith.addi %multiple_of3A_99, %add3A_102 : i32
      "tpu.region"() ({
        %run_scoped3A = tpu.sem_alloc : memref<!tpu.dma_semaphore, #tpu.memory_space<semaphore_mem>>
        %dma_start3A_110 = arith.constant 0 : i32
        %dma_start3A_111 = arith.constant 0 : i32
        %dma_start3A_112 = tpu.memref_slice %arg22[%dma_start3A_110, %dma_start3A_111] : memref<128x128xf32, #tpu.memory_space<vmem>> -> memref<128x128xf32, #tpu.memory_space<vmem>>
        %dma_start3A_113 = arith.constant 0 : i32
        %dma_start3A_114 = tpu.memref_slice %arg24[%add3A_103, %dma_start3A_113] : memref<10128x128xf32, #tpu.memory_space<vmem_shared>> -> memref<128x128xf32, #tpu.memory_space<vmem_shared>>
        %dma_start3A_115 = arith.constant 0 : i32
        %dma_start3A_116 = tpu.memref_slice %arg24[%add3A_103, %dma_start3A_115] : memref<10128x128xf32, #tpu.memory_space<vmem_shared>> -> memref<128x128xf32, #tpu.memory_space<vmem_shared>>
        %dma_start3A_117 = arith.constant 0 : i32
        %dma_start3A_118 = arith.constant 0 : i32
        %dma_start3A_119 = tpu.memref_slice %arg22[%dma_start3A_117, %dma_start3A_118] : memref<128x128xf32, #tpu.memory_space<vmem>> -> memref<128x128xf32, #tpu.memory_space<vmem>>
        tpu.enqueue_dma source(%dma_start3A_119 : memref<128x128xf32, #tpu.memory_space<vmem>>) target(%dma_start3A_116 : memref<128x128xf32, #tpu.memory_space<vmem_shared>>) target_semaphore(%run_scoped3A : memref<!tpu.dma_semaphore, #tpu.memory_space<semaphore_mem>>)
        %dma_wait3A_120 = arith.constant 0 : i32
        %dma_wait3A_121 = arith.constant 0 : i32
        %dma_wait3A_122 = tpu.memref_slice %arg22[%dma_wait3A_120, %dma_wait3A_121] : memref<128x128xf32, #tpu.memory_space<vmem>> -> memref<128x128xf32, #tpu.memory_space<vmem>>
        %dma_wait3A_123 = arith.constant 0 : i32
        %dma_wait3A_124 = tpu.memref_slice %arg24[%add3A_103, %dma_wait3A_123] : memref<10128x128xf32, #tpu.memory_space<vmem_shared>> -> memref<128x128xf32, #tpu.memory_space<vmem_shared>>
        %dma_wait3A_125 = arith.constant 0 : i32
        %dma_wait3A_126 = tpu.memref_slice %arg24[%add3A_103, %dma_wait3A_125] : memref<10128x128xf32, #tpu.memory_space<vmem_shared>> -> memref<128x128xf32, #tpu.memory_space<vmem_shared>>
        %dma_wait3A_127 = arith.constant 0 : i32
        %dma_wait3A_128 = arith.constant 0 : i32
        %dma_wait3A_129 = tpu.memref_slice %arg22[%dma_wait3A_127, %dma_wait3A_128] : memref<128x128xf32, #tpu.memory_space<vmem>> -> memref<128x128xf32, #tpu.memory_space<vmem>>
        tpu.wait_dma2 semaphore(%run_scoped3A : memref<!tpu.dma_semaphore, #tpu.memory_space<semaphore_mem>>) src(%dma_wait3A_129 : memref<128x128xf32, #tpu.memory_space<vmem>>) dst(%dma_wait3A_126 : memref<128x128xf32, #tpu.memory_space<vmem_shared>>)
        tpu.yield
      }) : () -> ()
      %add3A_104 = arith.constant 256 : i32
      %add3A_105 = arith.addi %multiple_of3A_99, %add3A_104 : i32
      "tpu.region"() ({
        %run_scoped3A = tpu.sem_alloc : memref<!tpu.dma_semaphore, #tpu.memory_space<semaphore_mem>>
        %dma_start3A_110 = arith.constant 0 : i32
        %dma_start3A_111 = arith.constant 0 : i32
        %dma_start3A_112 = tpu.memref_slice %arg22[%dma_start3A_110, %dma_start3A_111] : memref<128x128xf32, #tpu.memory_space<vmem>> -> memref<128x128xf32, #tpu.memory_space<vmem>>
        %dma_start3A_113 = arith.constant 0 : i32
        %dma_start3A_114 = tpu.memref_slice %arg24[%add3A_105, %dma_start3A_113] : memref<10128x128xf32, #tpu.memory_space<vmem_shared>> -> memref<128x128xf32, #tpu.memory_space<vmem_shared>>
        %dma_start3A_115 = arith.constant 0 : i32
        %dma_start3A_116 = tpu.memref_slice %arg24[%add3A_105, %dma_start3A_115] : memref<10128x128xf32, #tpu.memory_space<vmem_shared>> -> memref<128x128xf32, #tpu.memory_space<vmem_shared>>
        %dma_start3A_117 = arith.constant 0 : i32
        %dma_start3A_118 = arith.constant 0 : i32
        %dma_start3A_119 = tpu.memref_slice %arg22[%dma_start3A_117, %dma_start3A_118] : memref<128x128xf32, #tpu.memory_space<vmem>> -> memref<128x128xf32, #tpu.memory_space<vmem>>
        tpu.enqueue_dma source(%dma_start3A_119 : memref<128x128xf32, #tpu.memory_space<vmem>>) target(%dma_start3A_116 : memref<128x128xf32, #tpu.memory_space<vmem_shared>>) target_semaphore(%run_scoped3A : memref<!tpu.dma_semaphore, #tpu.memory_space<semaphore_mem>>)
        %dma_wait3A_120 = arith.constant 0 : i32
        %dma_wait3A_121 = arith.constant 0 : i32
        %dma_wait3A_122 = tpu.memref_slice %arg22[%dma_wait3A_120, %dma_wait3A_121] : memref<128x128xf32, #tpu.memory_space<vmem>> -> memref<128x128xf32, #tpu.memory_space<vmem>>
        %dma_wait3A_123 = arith.constant 0 : i32
        %dma_wait3A_124 = tpu.memref_slice %arg24[%add3A_105, %dma_wait3A_123] : memref<10128x128xf32, #tpu.memory_space<vmem_shared>> -> memref<128x128xf32, #tpu.memory_space<vmem_shared>>
        %dma_wait3A_125 = arith.constant 0 : i32
        %dma_wait3A_126 = tpu.memref_slice %arg24[%add3A_105, %dma_wait3A_125] : memref<10128x128xf32, #tpu.memory_space<vmem_shared>> -> memref<128x128xf32, #tpu.memory_space<vmem_shared>>
        %dma_wait3A_127 = arith.constant 0 : i32
        %dma_wait3A_128 = arith.constant 0 : i32
        %dma_wait3A_129 = tpu.memref_slice %arg22[%dma_wait3A_127, %dma_wait3A_128] : memref<128x128xf32, #tpu.memory_space<vmem>> -> memref<128x128xf32, #tpu.memory_space<vmem>>
        tpu.wait_dma2 semaphore(%run_scoped3A : memref<!tpu.dma_semaphore, #tpu.memory_space<semaphore_mem>>) src(%dma_wait3A_129 : memref<128x128xf32, #tpu.memory_space<vmem>>) dst(%dma_wait3A_126 : memref<128x128xf32, #tpu.memory_space<vmem_shared>>)
        tpu.yield
      }) : () -> ()
      %add3A_106 = arith.constant 384 : i32
      %add3A_107 = arith.addi %multiple_of3A_99, %add3A_106 : i32
      "tpu.region"() ({
        %run_scoped3A = tpu.sem_alloc : memref<!tpu.dma_semaphore, #tpu.memory_space<semaphore_mem>>
        %dma_start3A_110 = arith.constant 0 : i32
        %dma_start3A_111 = arith.constant 0 : i32
        %dma_start3A_112 = tpu.memref_slice %arg22[%dma_start3A_110, %dma_start3A_111] : memref<128x128xf32, #tpu.memory_space<vmem>> -> memref<128x128xf32, #tpu.memory_space<vmem>>
        %dma_start3A_113 = arith.constant 0 : i32
        %dma_start3A_114 = tpu.memref_slice %arg24[%add3A_107, %dma_start3A_113] : memref<10128x128xf32, #tpu.memory_space<vmem_shared>> -> memref<128x128xf32, #tpu.memory_space<vmem_shared>>
        %dma_start3A_115 = arith.constant 0 : i32
        %dma_start3A_116 = tpu.memref_slice %arg24[%add3A_107, %dma_start3A_115] : memref<10128x128xf32, #tpu.memory_space<vmem_shared>> -> memref<128x128xf32, #tpu.memory_space<vmem_shared>>
        %dma_start3A_117 = arith.constant 0 : i32
        %dma_start3A_118 = arith.constant 0 : i32
        %dma_start3A_119 = tpu.memref_slice %arg22[%dma_start3A_117, %dma_start3A_118] : memref<128x128xf32, #tpu.memory_space<vmem>> -> memref<128x128xf32, #tpu.memory_space<vmem>>
        tpu.enqueue_dma source(%dma_start3A_119 : memref<128x128xf32, #tpu.memory_space<vmem>>) target(%dma_start3A_116 : memref<128x128xf32, #tpu.memory_space<vmem_shared>>) target_semaphore(%run_scoped3A : memref<!tpu.dma_semaphore, #tpu.memory_space<semaphore_mem>>)
        %dma_wait3A_120 = arith.constant 0 : i32
        %dma_wait3A_121 = arith.constant 0 : i32
        %dma_wait3A_122 = tpu.memref_slice %arg22[%dma_wait3A_120, %dma_wait3A_121] : memref<128x128xf32, #tpu.memory_space<vmem>> -> memref<128x128xf32, #tpu.memory_space<vmem>>
        %dma_wait3A_123 = arith.constant 0 : i32
        %dma_wait3A_124 = tpu.memref_slice %arg24[%add3A_107, %dma_wait3A_123] : memref<10128x128xf32, #tpu.memory_space<vmem_shared>> -> memref<128x128xf32, #tpu.memory_space<vmem_shared>>
        %dma_wait3A_125 = arith.constant 0 : i32
        %dma_wait3A_126 = tpu.memref_slice %arg24[%add3A_107, %dma_wait3A_125] : memref<10128x128xf32, #tpu.memory_space<vmem_shared>> -> memref<128x128xf32, #tpu.memory_space<vmem_shared>>
        %dma_wait3A_127 = arith.constant 0 : i32
        %dma_wait3A_128 = arith.constant 0 : i32
        %dma_wait3A_129 = tpu.memref_slice %arg22[%dma_wait3A_127, %dma_wait3A_128] : memref<128x128xf32, #tpu.memory_space<vmem>> -> memref<128x128xf32, #tpu.memory_space<vmem>>
        tpu.wait_dma2 semaphore(%run_scoped3A : memref<!tpu.dma_semaphore, #tpu.memory_space<semaphore_mem>>) src(%dma_wait3A_129 : memref<128x128xf32, #tpu.memory_space<vmem>>) dst(%dma_wait3A_126 : memref<128x128xf32, #tpu.memory_space<vmem_shared>>)
        tpu.yield
      }) : () -> ()
      %add3A_108 = arith.constant 512 : i32
      %add3A_109 = arith.addi %multiple_of3A_99, %add3A_108 : i32
      "tpu.region"() ({
        %run_scoped3A = tpu.sem_alloc : memref<!tpu.dma_semaphore, #tpu.memory_space<semaphore_mem>>
        %dma_start3A_110 = arith.constant 0 : i32
        %dma_start3A_111 = arith.constant 0 : i32
        %dma_start3A_112 = tpu.memref_slice %arg22[%dma_start3A_110, %dma_start3A_111] : memref<128x128xf32, #tpu.memory_space<vmem>> -> memref<112x128xf32, #tpu.memory_space<vmem>>
        %dma_start3A_113 = arith.constant 0 : i32
        %dma_start3A_114 = tpu.memref_slice %arg24[%add3A_109, %dma_start3A_113] : memref<10128x128xf32, #tpu.memory_space<vmem_shared>> -> memref<112x128xf32, #tpu.memory_space<vmem_shared>>
        %dma_start3A_115 = arith.constant 0 : i32
        %dma_start3A_116 = tpu.memref_slice %arg24[%add3A_109, %dma_start3A_115] : memref<10128x128xf32, #tpu.memory_space<vmem_shared>> -> memref<112x128xf32, #tpu.memory_space<vmem_shared>>
        %dma_start3A_117 = arith.constant 0 : i32
        %dma_start3A_118 = arith.constant 0 : i32
        %dma_start3A_119 = tpu.memref_slice %arg22[%dma_start3A_117, %dma_start3A_118] : memref<128x128xf32, #tpu.memory_space<vmem>> -> memref<112x128xf32, #tpu.memory_space<vmem>>
        tpu.enqueue_dma source(%dma_start3A_119 : memref<112x128xf32, #tpu.memory_space<vmem>>) target(%dma_start3A_116 : memref<112x128xf32, #tpu.memory_space<vmem_shared>>) target_semaphore(%run_scoped3A : memref<!tpu.dma_semaphore, #tpu.memory_space<semaphore_mem>>)
        %dma_wait3A_120 = arith.constant 0 : i32
        %dma_wait3A_121 = arith.constant 0 : i32
        %dma_wait3A_122 = tpu.memref_slice %arg22[%dma_wait3A_120, %dma_wait3A_121] : memref<128x128xf32, #tpu.memory_space<vmem>> -> memref<112x128xf32, #tpu.memory_space<vmem>>
        %dma_wait3A_123 = arith.constant 0 : i32
        %dma_wait3A_124 = tpu.memref_slice %arg24[%add3A_109, %dma_wait3A_123] : memref<10128x128xf32, #tpu.memory_space<vmem_shared>> -> memref<112x128xf32, #tpu.memory_space<vmem_shared>>
        %dma_wait3A_125 = arith.constant 0 : i32
        %dma_wait3A_126 = tpu.memref_slice %arg24[%add3A_109, %dma_wait3A_125] : memref<10128x128xf32, #tpu.memory_space<vmem_shared>> -> memref<112x128xf32, #tpu.memory_space<vmem_shared>>
        %dma_wait3A_127 = arith.constant 0 : i32
        %dma_wait3A_128 = arith.constant 0 : i32
        %dma_wait3A_129 = tpu.memref_slice %arg22[%dma_wait3A_127, %dma_wait3A_128] : memref<128x128xf32, #tpu.memory_space<vmem>> -> memref<112x128xf32, #tpu.memory_space<vmem>>
        tpu.wait_dma2 semaphore(%run_scoped3A : memref<!tpu.dma_semaphore, #tpu.memory_space<semaphore_mem>>) src(%dma_wait3A_129 : memref<112x128xf32, #tpu.memory_space<vmem>>) dst(%dma_wait3A_126 : memref<112x128xf32, #tpu.memory_space<vmem_shared>>)
        tpu.yield
      }) : () -> ()
    } else {
    }
    %eq3A = arith.constant 15 : i32
    %eq3A_9 = arith.cmpi eq, %arg1, %eq3A : i32
    %convert_element_type3A_10 = arith.extui %eq3A_9 : i1 to i32
    %cond3A_11 = arith.constant 0 : i32
    %cond3A_12 = arith.cmpi ne, %convert_element_type3A_10, %cond3A_11 : i32
    scf.if %cond3A_12 {
      "tpu.region"() ({
        %run_scoped3A = tpu.sem_alloc : memref<!tpu.dma_semaphore, #tpu.memory_space<semaphore_mem>>
        %dma_start3A_97 = arith.constant 0 : i32
        %dma_start3A_98 = arith.constant 0 : i32
        %dma_start3A_99 = tpu.memref_slice %arg22[%dma_start3A_97, %dma_start3A_98] : memref<128x128xf32, #tpu.memory_space<vmem>> -> memref<128x128xf32, #tpu.memory_space<vmem>>
        %dma_start3A_100 = arith.constant 9360 : i32
        %dma_start3A_101 = arith.constant 0 : i32
        %dma_start3A_102 = tpu.memref_slice %arg24[%dma_start3A_100, %dma_start3A_101] : memref<10128x128xf32, #tpu.memory_space<vmem_shared>> -> memref<128x128xf32, #tpu.memory_space<vmem_shared>>
        %dma_start3A_103 = arith.constant 9360 : i32
        %dma_start3A_104 = arith.constant 0 : i32
        %dma_start3A_105 = tpu.memref_slice %arg24[%dma_start3A_103, %dma_start3A_104] : memref<10128x128xf32, #tpu.memory_space<vmem_shared>> -> memref<128x128xf32, #tpu.memory_space<vmem_shared>>
        %dma_start3A_106 = arith.constant 0 : i32
        %dma_start3A_107 = arith.constant 0 : i32
        %dma_start3A_108 = tpu.memref_slice %arg22[%dma_start3A_106, %dma_start3A_107] : memref<128x128xf32, #tpu.memory_space<vmem>> -> memref<128x128xf32, #tpu.memory_space<vmem>>
        tpu.enqueue_dma source(%dma_start3A_108 : memref<128x128xf32, #tpu.memory_space<vmem>>) target(%dma_start3A_105 : memref<128x128xf32, #tpu.memory_space<vmem_shared>>) target_semaphore(%run_scoped3A : memref<!tpu.dma_semaphore, #tpu.memory_space<semaphore_mem>>)
        %dma_wait3A_109 = arith.constant 0 : i32
        %dma_wait3A_110 = arith.constant 0 : i32
        %dma_wait3A_111 = tpu.memref_slice %arg22[%dma_wait3A_109, %dma_wait3A_110] : memref<128x128xf32, #tpu.memory_space<vmem>> -> memref<128x128xf32, #tpu.memory_space<vmem>>
        %dma_wait3A_112 = arith.constant 9360 : i32
        %dma_wait3A_113 = arith.constant 0 : i32
        %dma_wait3A_114 = tpu.memref_slice %arg24[%dma_wait3A_112, %dma_wait3A_113] : memref<10128x128xf32, #tpu.memory_space<vmem_shared>> -> memref<128x128xf32, #tpu.memory_space<vmem_shared>>
        %dma_wait3A_115 = arith.constant 9360 : i32
        %dma_wait3A_116 = arith.constant 0 : i32
        %dma_wait3A_117 = tpu.memref_slice %arg24[%dma_wait3A_115, %dma_wait3A_116] : memref<10128x128xf32, #tpu.memory_space<vmem_shared>> -> memref<128x128xf32, #tpu.memory_space<vmem_shared>>
        %dma_wait3A_118 = arith.constant 0 : i32
        %dma_wait3A_119 = arith.constant 0 : i32
        %dma_wait3A_120 = tpu.memref_slice %arg22[%dma_wait3A_118, %dma_wait3A_119] : memref<128x128xf32, #tpu.memory_space<vmem>> -> memref<128x128xf32, #tpu.memory_space<vmem>>
        tpu.wait_dma2 semaphore(%run_scoped3A : memref<!tpu.dma_semaphore, #tpu.memory_space<semaphore_mem>>) src(%dma_wait3A_120 : memref<128x128xf32, #tpu.memory_space<vmem>>) dst(%dma_wait3A_117 : memref<128x128xf32, #tpu.memory_space<vmem_shared>>)
        tpu.yield
      }) : () -> ()
      "tpu.region"() ({
        %run_scoped3A = tpu.sem_alloc : memref<!tpu.dma_semaphore, #tpu.memory_space<semaphore_mem>>
        %dma_start3A_97 = arith.constant 0 : i32
        %dma_start3A_98 = arith.constant 0 : i32
        %dma_start3A_99 = tpu.memref_slice %arg22[%dma_start3A_97, %dma_start3A_98] : memref<128x128xf32, #tpu.memory_space<vmem>> -> memref<128x128xf32, #tpu.memory_space<vmem>>
        %dma_start3A_100 = arith.constant 9488 : i32
        %dma_start3A_101 = arith.constant 0 : i32
        %dma_start3A_102 = tpu.memref_slice %arg24[%dma_start3A_100, %dma_start3A_101] : memref<10128x128xf32, #tpu.memory_space<vmem_shared>> -> memref<128x128xf32, #tpu.memory_space<vmem_shared>>
        %dma_start3A_103 = arith.constant 9488 : i32
        %dma_start3A_104 = arith.constant 0 : i32
        %dma_start3A_105 = tpu.memref_slice %arg24[%dma_start3A_103, %dma_start3A_104] : memref<10128x128xf32, #tpu.memory_space<vmem_shared>> -> memref<128x128xf32, #tpu.memory_space<vmem_shared>>
        %dma_start3A_106 = arith.constant 0 : i32
        %dma_start3A_107 = arith.constant 0 : i32
        %dma_start3A_108 = tpu.memref_slice %arg22[%dma_start3A_106, %dma_start3A_107] : memref<128x128xf32, #tpu.memory_space<vmem>> -> memref<128x128xf32, #tpu.memory_space<vmem>>
        tpu.enqueue_dma source(%dma_start3A_108 : memref<128x128xf32, #tpu.memory_space<vmem>>) target(%dma_start3A_105 : memref<128x128xf32, #tpu.memory_space<vmem_shared>>) target_semaphore(%run_scoped3A : memref<!tpu.dma_semaphore, #tpu.memory_space<semaphore_mem>>)
        %dma_wait3A_109 = arith.constant 0 : i32
        %dma_wait3A_110 = arith.constant 0 : i32
        %dma_wait3A_111 = tpu.memref_slice %arg22[%dma_wait3A_109, %dma_wait3A_110] : memref<128x128xf32, #tpu.memory_space<vmem>> -> memref<128x128xf32, #tpu.memory_space<vmem>>
        %dma_wait3A_112 = arith.constant 9488 : i32
        %dma_wait3A_113 = arith.constant 0 : i32
        %dma_wait3A_114 = tpu.memref_slice %arg24[%dma_wait3A_112, %dma_wait3A_113] : memref<10128x128xf32, #tpu.memory_space<vmem_shared>> -> memref<128x128xf32, #tpu.memory_space<vmem_shared>>
        %dma_wait3A_115 = arith.constant 9488 : i32
        %dma_wait3A_116 = arith.constant 0 : i32
        %dma_wait3A_117 = tpu.memref_slice %arg24[%dma_wait3A_115, %dma_wait3A_116] : memref<10128x128xf32, #tpu.memory_space<vmem_shared>> -> memref<128x128xf32, #tpu.memory_space<vmem_shared>>
        %dma_wait3A_118 = arith.constant 0 : i32
        %dma_wait3A_119 = arith.constant 0 : i32
        %dma_wait3A_120 = tpu.memref_slice %arg22[%dma_wait3A_118, %dma_wait3A_119] : memref<128x128xf32, #tpu.memory_space<vmem>> -> memref<128x128xf32, #tpu.memory_space<vmem>>
        tpu.wait_dma2 semaphore(%run_scoped3A : memref<!tpu.dma_semaphore, #tpu.memory_space<semaphore_mem>>) src(%dma_wait3A_120 : memref<128x128xf32, #tpu.memory_space<vmem>>) dst(%dma_wait3A_117 : memref<128x128xf32, #tpu.memory_space<vmem_shared>>)
        tpu.yield
      }) : () -> ()
      "tpu.region"() ({
        %run_scoped3A = tpu.sem_alloc : memref<!tpu.dma_semaphore, #tpu.memory_space<semaphore_mem>>
        %dma_start3A_97 = arith.constant 0 : i32
        %dma_start3A_98 = arith.constant 0 : i32
        %dma_start3A_99 = tpu.memref_slice %arg22[%dma_start3A_97, %dma_start3A_98] : memref<128x128xf32, #tpu.memory_space<vmem>> -> memref<128x128xf32, #tpu.memory_space<vmem>>
        %dma_start3A_100 = arith.constant 9616 : i32
        %dma_start3A_101 = arith.constant 0 : i32
        %dma_start3A_102 = tpu.memref_slice %arg24[%dma_start3A_100, %dma_start3A_101] : memref<10128x128xf32, #tpu.memory_space<vmem_shared>> -> memref<128x128xf32, #tpu.memory_space<vmem_shared>>
        %dma_start3A_103 = arith.constant 9616 : i32
        %dma_start3A_104 = arith.constant 0 : i32
        %dma_start3A_105 = tpu.memref_slice %arg24[%dma_start3A_103, %dma_start3A_104] : memref<10128x128xf32, #tpu.memory_space<vmem_shared>> -> memref<128x128xf32, #tpu.memory_space<vmem_shared>>
        %dma_start3A_106 = arith.constant 0 : i32
        %dma_start3A_107 = arith.constant 0 : i32
        %dma_start3A_108 = tpu.memref_slice %arg22[%dma_start3A_106, %dma_start3A_107] : memref<128x128xf32, #tpu.memory_space<vmem>> -> memref<128x128xf32, #tpu.memory_space<vmem>>
        tpu.enqueue_dma source(%dma_start3A_108 : memref<128x128xf32, #tpu.memory_space<vmem>>) target(%dma_start3A_105 : memref<128x128xf32, #tpu.memory_space<vmem_shared>>) target_semaphore(%run_scoped3A : memref<!tpu.dma_semaphore, #tpu.memory_space<semaphore_mem>>)
        %dma_wait3A_109 = arith.constant 0 : i32
        %dma_wait3A_110 = arith.constant 0 : i32
        %dma_wait3A_111 = tpu.memref_slice %arg22[%dma_wait3A_109, %dma_wait3A_110] : memref<128x128xf32, #tpu.memory_space<vmem>> -> memref<128x128xf32, #tpu.memory_space<vmem>>
        %dma_wait3A_112 = arith.constant 9616 : i32
        %dma_wait3A_113 = arith.constant 0 : i32
        %dma_wait3A_114 = tpu.memref_slice %arg24[%dma_wait3A_112, %dma_wait3A_113] : memref<10128x128xf32, #tpu.memory_space<vmem_shared>> -> memref<128x128xf32, #tpu.memory_space<vmem_shared>>
        %dma_wait3A_115 = arith.constant 9616 : i32
        %dma_wait3A_116 = arith.constant 0 : i32
        %dma_wait3A_117 = tpu.memref_slice %arg24[%dma_wait3A_115, %dma_wait3A_116] : memref<10128x128xf32, #tpu.memory_space<vmem_shared>> -> memref<128x128xf32, #tpu.memory_space<vmem_shared>>
        %dma_wait3A_118 = arith.constant 0 : i32
        %dma_wait3A_119 = arith.constant 0 : i32
        %dma_wait3A_120 = tpu.memref_slice %arg22[%dma_wait3A_118, %dma_wait3A_119] : memref<128x128xf32, #tpu.memory_space<vmem>> -> memref<128x128xf32, #tpu.memory_space<vmem>>
        tpu.wait_dma2 semaphore(%run_scoped3A : memref<!tpu.dma_semaphore, #tpu.memory_space<semaphore_mem>>) src(%dma_wait3A_120 : memref<128x128xf32, #tpu.memory_space<vmem>>) dst(%dma_wait3A_117 : memref<128x128xf32, #tpu.memory_space<vmem_shared>>)
        tpu.yield
      }) : () -> ()
      "tpu.region"() ({
        %run_scoped3A = tpu.sem_alloc : memref<!tpu.dma_semaphore, #tpu.memory_space<semaphore_mem>>
        %dma_start3A_97 = arith.constant 0 : i32
        %dma_start3A_98 = arith.constant 0 : i32
        %dma_start3A_99 = tpu.memref_slice %arg22[%dma_start3A_97, %dma_start3A_98] : memref<128x128xf32, #tpu.memory_space<vmem>> -> memref<128x128xf32, #tpu.memory_space<vmem>>
        %dma_start3A_100 = arith.constant 9744 : i32
        %dma_start3A_101 = arith.constant 0 : i32
        %dma_start3A_102 = tpu.memref_slice %arg24[%dma_start3A_100, %dma_start3A_101] : memref<10128x128xf32, #tpu.memory_space<vmem_shared>> -> memref<128x128xf32, #tpu.memory_space<vmem_shared>>
        %dma_start3A_103 = arith.constant 9744 : i32
        %dma_start3A_104 = arith.constant 0 : i32
        %dma_start3A_105 = tpu.memref_slice %arg24[%dma_start3A_103, %dma_start3A_104] : memref<10128x128xf32, #tpu.memory_space<vmem_shared>> -> memref<128x128xf32, #tpu.memory_space<vmem_shared>>
        %dma_start3A_106 = arith.constant 0 : i32
        %dma_start3A_107 = arith.constant 0 : i32
        %dma_start3A_108 = tpu.memref_slice %arg22[%dma_start3A_106, %dma_start3A_107] : memref<128x128xf32, #tpu.memory_space<vmem>> -> memref<128x128xf32, #tpu.memory_space<vmem>>
        tpu.enqueue_dma source(%dma_start3A_108 : memref<128x128xf32, #tpu.memory_space<vmem>>) target(%dma_start3A_105 : memref<128x128xf32, #tpu.memory_space<vmem_shared>>) target_semaphore(%run_scoped3A : memref<!tpu.dma_semaphore, #tpu.memory_space<semaphore_mem>>)
        %dma_wait3A_109 = arith.constant 0 : i32
        %dma_wait3A_110 = arith.constant 0 : i32
        %dma_wait3A_111 = tpu.memref_slice %arg22[%dma_wait3A_109, %dma_wait3A_110] : memref<128x128xf32, #tpu.memory_space<vmem>> -> memref<128x128xf32, #tpu.memory_space<vmem>>
        %dma_wait3A_112 = arith.constant 9744 : i32
        %dma_wait3A_113 = arith.constant 0 : i32
        %dma_wait3A_114 = tpu.memref_slice %arg24[%dma_wait3A_112, %dma_wait3A_113] : memref<10128x128xf32, #tpu.memory_space<vmem_shared>> -> memref<128x128xf32, #tpu.memory_space<vmem_shared>>
        %dma_wait3A_115 = arith.constant 9744 : i32
        %dma_wait3A_116 = arith.constant 0 : i32
        %dma_wait3A_117 = tpu.memref_slice %arg24[%dma_wait3A_115, %dma_wait3A_116] : memref<10128x128xf32, #tpu.memory_space<vmem_shared>> -> memref<128x128xf32, #tpu.memory_space<vmem_shared>>
        %dma_wait3A_118 = arith.constant 0 : i32
        %dma_wait3A_119 = arith.constant 0 : i32
        %dma_wait3A_120 = tpu.memref_slice %arg22[%dma_wait3A_118, %dma_wait3A_119] : memref<128x128xf32, #tpu.memory_space<vmem>> -> memref<128x128xf32, #tpu.memory_space<vmem>>
        tpu.wait_dma2 semaphore(%run_scoped3A : memref<!tpu.dma_semaphore, #tpu.memory_space<semaphore_mem>>) src(%dma_wait3A_120 : memref<128x128xf32, #tpu.memory_space<vmem>>) dst(%dma_wait3A_117 : memref<128x128xf32, #tpu.memory_space<vmem_shared>>)
        tpu.yield
      }) : () -> ()
      "tpu.region"() ({
        %run_scoped3A = tpu.sem_alloc : memref<!tpu.dma_semaphore, #tpu.memory_space<semaphore_mem>>
        %dma_start3A_97 = arith.constant 0 : i32
        %dma_start3A_98 = arith.constant 0 : i32
        %dma_start3A_99 = tpu.memref_slice %arg22[%dma_start3A_97, %dma_start3A_98] : memref<128x128xf32, #tpu.memory_space<vmem>> -> memref<128x128xf32, #tpu.memory_space<vmem>>
        %dma_start3A_100 = arith.constant 9872 : i32
        %dma_start3A_101 = arith.constant 0 : i32
        %dma_start3A_102 = tpu.memref_slice %arg24[%dma_start3A_100, %dma_start3A_101] : memref<10128x128xf32, #tpu.memory_space<vmem_shared>> -> memref<128x128xf32, #tpu.memory_space<vmem_shared>>
        %dma_start3A_103 = arith.constant 9872 : i32
        %dma_start3A_104 = arith.constant 0 : i32
        %dma_start3A_105 = tpu.memref_slice %arg24[%dma_start3A_103, %dma_start3A_104] : memref<10128x128xf32, #tpu.memory_space<vmem_shared>> -> memref<128x128xf32, #tpu.memory_space<vmem_shared>>
        %dma_start3A_106 = arith.constant 0 : i32
        %dma_start3A_107 = arith.constant 0 : i32
        %dma_start3A_108 = tpu.memref_slice %arg22[%dma_start3A_106, %dma_start3A_107] : memref<128x128xf32, #tpu.memory_space<vmem>> -> memref<128x128xf32, #tpu.memory_space<vmem>>
        tpu.enqueue_dma source(%dma_start3A_108 : memref<128x128xf32, #tpu.memory_space<vmem>>) target(%dma_start3A_105 : memref<128x128xf32, #tpu.memory_space<vmem_shared>>) target_semaphore(%run_scoped3A : memref<!tpu.dma_semaphore, #tpu.memory_space<semaphore_mem>>)
        %dma_wait3A_109 = arith.constant 0 : i32
        %dma_wait3A_110 = arith.constant 0 : i32
        %dma_wait3A_111 = tpu.memref_slice %arg22[%dma_wait3A_109, %dma_wait3A_110] : memref<128x128xf32, #tpu.memory_space<vmem>> -> memref<128x128xf32, #tpu.memory_space<vmem>>
        %dma_wait3A_112 = arith.constant 9872 : i32
        %dma_wait3A_113 = arith.constant 0 : i32
        %dma_wait3A_114 = tpu.memref_slice %arg24[%dma_wait3A_112, %dma_wait3A_113] : memref<10128x128xf32, #tpu.memory_space<vmem_shared>> -> memref<128x128xf32, #tpu.memory_space<vmem_shared>>
        %dma_wait3A_115 = arith.constant 9872 : i32
        %dma_wait3A_116 = arith.constant 0 : i32
        %dma_wait3A_117 = tpu.memref_slice %arg24[%dma_wait3A_115, %dma_wait3A_116] : memref<10128x128xf32, #tpu.memory_space<vmem_shared>> -> memref<128x128xf32, #tpu.memory_space<vmem_shared>>
        %dma_wait3A_118 = arith.constant 0 : i32
        %dma_wait3A_119 = arith.constant 0 : i32
        %dma_wait3A_120 = tpu.memref_slice %arg22[%dma_wait3A_118, %dma_wait3A_119] : memref<128x128xf32, #tpu.memory_space<vmem>> -> memref<128x128xf32, #tpu.memory_space<vmem>>
        tpu.wait_dma2 semaphore(%run_scoped3A : memref<!tpu.dma_semaphore, #tpu.memory_space<semaphore_mem>>) src(%dma_wait3A_120 : memref<128x128xf32, #tpu.memory_space<vmem>>) dst(%dma_wait3A_117 : memref<128x128xf32, #tpu.memory_space<vmem_shared>>)
        tpu.yield
      }) : () -> ()
    } else {
    }
    %eq3A_13 = arith.constant 0 : i32
    %eq3A_14 = arith.cmpi eq, %arg1, %eq3A_13 : i32
    %convert_element_type3A_15 = arith.extui %eq3A_14 : i1 to i32
    %cond3A_16 = arith.constant 0 : i32
    %cond3A_17 = arith.cmpi ne, %convert_element_type3A_15, %cond3A_16 : i32
    scf.if %cond3A_17 {
      "tpu.region"() ({
        %run_scoped3A = tpu.sem_alloc : memref<!tpu.dma_semaphore, #tpu.memory_space<semaphore_mem>>
        %dma_start3A_97 = arith.constant 10000 : i32
        %dma_start3A_98 = arith.constant 0 : i32
        %dma_start3A_99 = tpu.memref_slice %arg24[%dma_start3A_97, %dma_start3A_98] : memref<10128x128xf32, #tpu.memory_space<vmem_shared>> -> memref<128x128xf32, #tpu.memory_space<vmem_shared>>
        %dma_start3A_100 = arith.constant 10000 : i32
        %dma_start3A_101 = arith.constant 0 : i32
        %dma_start3A_102 = tpu.memref_slice %arg24[%dma_start3A_100, %dma_start3A_101] : memref<10128x128xf32, #tpu.memory_space<vmem_shared>> -> memref<128x128xf32, #tpu.memory_space<vmem_shared>>
        tpu.enqueue_dma source(%arg22 : memref<128x128xf32, #tpu.memory_space<vmem>>) target(%dma_start3A_102 : memref<128x128xf32, #tpu.memory_space<vmem_shared>>) target_semaphore(%run_scoped3A : memref<!tpu.dma_semaphore, #tpu.memory_space<semaphore_mem>>)
        %dma_wait3A_103 = arith.constant 10000 : i32
        %dma_wait3A_104 = arith.constant 0 : i32
        %dma_wait3A_105 = tpu.memref_slice %arg24[%dma_wait3A_103, %dma_wait3A_104] : memref<10128x128xf32, #tpu.memory_space<vmem_shared>> -> memref<128x128xf32, #tpu.memory_space<vmem_shared>>
        %dma_wait3A_106 = arith.constant 10000 : i32
        %dma_wait3A_107 = arith.constant 0 : i32
        %dma_wait3A_108 = tpu.memref_slice %arg24[%dma_wait3A_106, %dma_wait3A_107] : memref<10128x128xf32, #tpu.memory_space<vmem_shared>> -> memref<128x128xf32, #tpu.memory_space<vmem_shared>>
        tpu.wait_dma2 semaphore(%run_scoped3A : memref<!tpu.dma_semaphore, #tpu.memory_space<semaphore_mem>>) src(%arg22 : memref<128x128xf32, #tpu.memory_space<vmem>>) dst(%dma_wait3A_108 : memref<128x128xf32, #tpu.memory_space<vmem_shared>>)
        tpu.yield
      }) : () -> ()
    } else {
    }
    %barrier3A = arith.constant 0 : index
    tpu.barrier barrier_id(%barrier3A)
    %mul3A_18 = arith.constant 10240 : i32
    %mul3A_19 = arith.muli %add3A, %mul3A_18 : i32
    %add3A_20 = arith.constant 0 : i32
    %add3A_21 = arith.addi %mul3A_19, %add3A_20 : i32
    %multiple_of3A = tpu.assume_multiple %add3A_21, 8 : i32
    %dma_start3A = tpu.memref_slice %arg2[%multiple_of3A] : memref<327680xi32, #tpu.memory_space<hbm>> -> memref<128xi32, #tpu.memory_space<hbm>>
    %dma_start3A_22 = tpu.memref_slice %arg2[%multiple_of3A] : memref<327680xi32, #tpu.memory_space<hbm>> -> memref<128xi32, #tpu.memory_space<hbm>>
    tpu.enqueue_dma source(%dma_start3A_22 : memref<128xi32, #tpu.memory_space<hbm>>) target(%arg6 : memref<128xi32, #tpu.memory_space<vmem>>) target_semaphore(%arg29 : memref<!tpu.dma_semaphore, #tpu.memory_space<semaphore_mem>>)
    %dma_start3A_23 = tpu.memref_slice %arg3[%multiple_of3A] : memref<327680xi32, #tpu.memory_space<hbm>> -> memref<128xi32, #tpu.memory_space<hbm>>
    %dma_start3A_24 = tpu.memref_slice %arg3[%multiple_of3A] : memref<327680xi32, #tpu.memory_space<hbm>> -> memref<128xi32, #tpu.memory_space<hbm>>
    tpu.enqueue_dma source(%dma_start3A_24 : memref<128xi32, #tpu.memory_space<hbm>>) target(%arg14 : memref<128xi32, #tpu.memory_space<vmem>>) target_semaphore(%arg29 : memref<!tpu.dma_semaphore, #tpu.memory_space<semaphore_mem>>)
    %add3A_25 = arith.constant 128 : i32
    %add3A_26 = arith.addi %mul3A_19, %add3A_25 : i32
    %multiple_of3A_27 = tpu.assume_multiple %add3A_26, 8 : i32
    %dma_start3A_28 = tpu.memref_slice %arg2[%multiple_of3A_27] : memref<327680xi32, #tpu.memory_space<hbm>> -> memref<128xi32, #tpu.memory_space<hbm>>
    %dma_start3A_29 = tpu.memref_slice %arg2[%multiple_of3A_27] : memref<327680xi32, #tpu.memory_space<hbm>> -> memref<128xi32, #tpu.memory_space<hbm>>
    tpu.enqueue_dma source(%dma_start3A_29 : memref<128xi32, #tpu.memory_space<hbm>>) target(%arg7 : memref<128xi32, #tpu.memory_space<vmem>>) target_semaphore(%arg30 : memref<!tpu.dma_semaphore, #tpu.memory_space<semaphore_mem>>)
    %dma_start3A_30 = tpu.memref_slice %arg3[%multiple_of3A_27] : memref<327680xi32, #tpu.memory_space<hbm>> -> memref<128xi32, #tpu.memory_space<hbm>>
    %dma_start3A_31 = tpu.memref_slice %arg3[%multiple_of3A_27] : memref<327680xi32, #tpu.memory_space<hbm>> -> memref<128xi32, #tpu.memory_space<hbm>>
    tpu.enqueue_dma source(%dma_start3A_31 : memref<128xi32, #tpu.memory_space<hbm>>) target(%arg15 : memref<128xi32, #tpu.memory_space<vmem>>) target_semaphore(%arg30 : memref<!tpu.dma_semaphore, #tpu.memory_space<semaphore_mem>>)
    %add3A_32 = arith.constant 256 : i32
    %add3A_33 = arith.addi %mul3A_19, %add3A_32 : i32
    %multiple_of3A_34 = tpu.assume_multiple %add3A_33, 8 : i32
    %dma_start3A_35 = tpu.memref_slice %arg2[%multiple_of3A_34] : memref<327680xi32, #tpu.memory_space<hbm>> -> memref<128xi32, #tpu.memory_space<hbm>>
    %dma_start3A_36 = tpu.memref_slice %arg2[%multiple_of3A_34] : memref<327680xi32, #tpu.memory_space<hbm>> -> memref<128xi32, #tpu.memory_space<hbm>>
    tpu.enqueue_dma source(%dma_start3A_36 : memref<128xi32, #tpu.memory_space<hbm>>) target(%arg8 : memref<128xi32, #tpu.memory_space<vmem>>) target_semaphore(%arg31 : memref<!tpu.dma_semaphore, #tpu.memory_space<semaphore_mem>>)
    %dma_start3A_37 = tpu.memref_slice %arg3[%multiple_of3A_34] : memref<327680xi32, #tpu.memory_space<hbm>> -> memref<128xi32, #tpu.memory_space<hbm>>
    %dma_start3A_38 = tpu.memref_slice %arg3[%multiple_of3A_34] : memref<327680xi32, #tpu.memory_space<hbm>> -> memref<128xi32, #tpu.memory_space<hbm>>
    tpu.enqueue_dma source(%dma_start3A_38 : memref<128xi32, #tpu.memory_space<hbm>>) target(%arg16 : memref<128xi32, #tpu.memory_space<vmem>>) target_semaphore(%arg31 : memref<!tpu.dma_semaphore, #tpu.memory_space<semaphore_mem>>)
    %add3A_39 = arith.constant 384 : i32
    %add3A_40 = arith.addi %mul3A_19, %add3A_39 : i32
    %multiple_of3A_41 = tpu.assume_multiple %add3A_40, 8 : i32
    %dma_start3A_42 = tpu.memref_slice %arg2[%multiple_of3A_41] : memref<327680xi32, #tpu.memory_space<hbm>> -> memref<128xi32, #tpu.memory_space<hbm>>
    %dma_start3A_43 = tpu.memref_slice %arg2[%multiple_of3A_41] : memref<327680xi32, #tpu.memory_space<hbm>> -> memref<128xi32, #tpu.memory_space<hbm>>
    tpu.enqueue_dma source(%dma_start3A_43 : memref<128xi32, #tpu.memory_space<hbm>>) target(%arg9 : memref<128xi32, #tpu.memory_space<vmem>>) target_semaphore(%arg32 : memref<!tpu.dma_semaphore, #tpu.memory_space<semaphore_mem>>)
    %dma_start3A_44 = tpu.memref_slice %arg3[%multiple_of3A_41] : memref<327680xi32, #tpu.memory_space<hbm>> -> memref<128xi32, #tpu.memory_space<hbm>>
    %dma_start3A_45 = tpu.memref_slice %arg3[%multiple_of3A_41] : memref<327680xi32, #tpu.memory_space<hbm>> -> memref<128xi32, #tpu.memory_space<hbm>>
    tpu.enqueue_dma source(%dma_start3A_45 : memref<128xi32, #tpu.memory_space<hbm>>) target(%arg17 : memref<128xi32, #tpu.memory_space<vmem>>) target_semaphore(%arg32 : memref<!tpu.dma_semaphore, #tpu.memory_space<semaphore_mem>>)
    %add3A_46 = arith.constant 512 : i32
    %add3A_47 = arith.addi %mul3A_19, %add3A_46 : i32
    %multiple_of3A_48 = tpu.assume_multiple %add3A_47, 8 : i32
    %dma_start3A_49 = tpu.memref_slice %arg2[%multiple_of3A_48] : memref<327680xi32, #tpu.memory_space<hbm>> -> memref<128xi32, #tpu.memory_space<hbm>>
    %dma_start3A_50 = tpu.memref_slice %arg2[%multiple_of3A_48] : memref<327680xi32, #tpu.memory_space<hbm>> -> memref<128xi32, #tpu.memory_space<hbm>>
    tpu.enqueue_dma source(%dma_start3A_50 : memref<128xi32, #tpu.memory_space<hbm>>) target(%arg10 : memref<128xi32, #tpu.memory_space<vmem>>) target_semaphore(%arg33 : memref<!tpu.dma_semaphore, #tpu.memory_space<semaphore_mem>>)
    %dma_start3A_51 = tpu.memref_slice %arg3[%multiple_of3A_48] : memref<327680xi32, #tpu.memory_space<hbm>> -> memref<128xi32, #tpu.memory_space<hbm>>
    %dma_start3A_52 = tpu.memref_slice %arg3[%multiple_of3A_48] : memref<327680xi32, #tpu.memory_space<hbm>> -> memref<128xi32, #tpu.memory_space<hbm>>
    tpu.enqueue_dma source(%dma_start3A_52 : memref<128xi32, #tpu.memory_space<hbm>>) target(%arg18 : memref<128xi32, #tpu.memory_space<vmem>>) target_semaphore(%arg33 : memref<!tpu.dma_semaphore, #tpu.memory_space<semaphore_mem>>)
    %add3A_53 = arith.constant 640 : i32
    %add3A_54 = arith.addi %mul3A_19, %add3A_53 : i32
    %multiple_of3A_55 = tpu.assume_multiple %add3A_54, 8 : i32
    %dma_start3A_56 = tpu.memref_slice %arg2[%multiple_of3A_55] : memref<327680xi32, #tpu.memory_space<hbm>> -> memref<128xi32, #tpu.memory_space<hbm>>
    %dma_start3A_57 = tpu.memref_slice %arg2[%multiple_of3A_55] : memref<327680xi32, #tpu.memory_space<hbm>> -> memref<128xi32, #tpu.memory_space<hbm>>
    tpu.enqueue_dma source(%dma_start3A_57 : memref<128xi32, #tpu.memory_space<hbm>>) target(%arg11 : memref<128xi32, #tpu.memory_space<vmem>>) target_semaphore(%arg34 : memref<!tpu.dma_semaphore, #tpu.memory_space<semaphore_mem>>)
    %dma_start3A_58 = tpu.memref_slice %arg3[%multiple_of3A_55] : memref<327680xi32, #tpu.memory_space<hbm>> -> memref<128xi32, #tpu.memory_space<hbm>>
    %dma_start3A_59 = tpu.memref_slice %arg3[%multiple_of3A_55] : memref<327680xi32, #tpu.memory_space<hbm>> -> memref<128xi32, #tpu.memory_space<hbm>>
    tpu.enqueue_dma source(%dma_start3A_59 : memref<128xi32, #tpu.memory_space<hbm>>) target(%arg19 : memref<128xi32, #tpu.memory_space<vmem>>) target_semaphore(%arg34 : memref<!tpu.dma_semaphore, #tpu.memory_space<semaphore_mem>>)
    %scan3A_60 = arith.constant 0 : i32
    %scan3A_61 = arith.constant 0 : i32
    %scan3A_62 = arith.constant 10 : i32
    %scan3A_63 = arith.addi %scan3A_61, %scan3A_62 : i32
    %scan3A_64 = arith.constant 1 : i32
    scf.for %scan3A_97 = %scan3A_61 to %scan3A_63 step %scan3A_64  : i32 {
      %gt3A = arith.constant 0 : i32
      %gt3A_98 = arith.cmpi sgt, %scan3A_97, %gt3A : i32
      %convert_element_type3A_99 = arith.extui %gt3A_98 : i1 to i32
      %cond3A_100 = arith.constant 0 : i32
      %cond3A_101 = arith.cmpi ne, %convert_element_type3A_99, %cond3A_100 : i32
      scf.if %cond3A_101 {
        %dma_wait3A_335 = arith.constant 0 : i32
        %dma_wait3A_336 = arith.constant 0 : i32
        %dma_wait3A_337 = tpu.memref_slice %arg4[%dma_wait3A_335, %dma_wait3A_336] : memref<10000x128xf32, #tpu.memory_space<hbm>> -> memref<128x128xf32, #tpu.memory_space<hbm>>
        %dma_wait3A_338 = arith.constant 0 : i32
        %dma_wait3A_339 = arith.constant 0 : i32
        %dma_wait3A_340 = tpu.memref_slice %arg4[%dma_wait3A_338, %dma_wait3A_339] : memref<10000x128xf32, #tpu.memory_space<hbm>> -> memref<128x128xf32, #tpu.memory_space<hbm>>
        tpu.wait_dma2 semaphore(%arg27 : memref<!tpu.dma_semaphore, #tpu.memory_space<semaphore_mem>>) src(%dma_wait3A_340 : memref<128x128xf32, #tpu.memory_space<hbm>>) dst(%arg22 : memref<128x128xf32, #tpu.memory_space<vmem>>)
      } else {
      }
      %mul3A_102 = arith.constant 8 : i32
      %mul3A_103 = arith.muli %mul3A_102, %scan3A_97 : i32
      %add3A_104 = arith.constant 0 : i32
      %add3A_105 = arith.addi %mul3A_103, %add3A_104 : i32
      %add3A_106 = arith.constant 6 : i32
      %add3A_107 = arith.addi %add3A_105, %add3A_106 : i32
      %mul3A_108 = arith.constant 128 : i32
      %mul3A_109 = arith.muli %add3A_107, %mul3A_108 : i32
      %add3A_110 = arith.addi %mul3A_19, %mul3A_109 : i32
      %multiple_of3A_111 = tpu.assume_multiple %add3A_110, 8 : i32
      %dma_start3A_112 = tpu.memref_slice %arg2[%multiple_of3A_111] : memref<327680xi32, #tpu.memory_space<hbm>> -> memref<128xi32, #tpu.memory_space<hbm>>
      %dma_start3A_113 = tpu.memref_slice %arg2[%multiple_of3A_111] : memref<327680xi32, #tpu.memory_space<hbm>> -> memref<128xi32, #tpu.memory_space<hbm>>
      tpu.enqueue_dma source(%dma_start3A_113 : memref<128xi32, #tpu.memory_space<hbm>>) target(%arg12 : memref<128xi32, #tpu.memory_space<vmem>>) target_semaphore(%arg35 : memref<!tpu.dma_semaphore, #tpu.memory_space<semaphore_mem>>)
      %dma_start3A_114 = tpu.memref_slice %arg3[%multiple_of3A_111] : memref<327680xi32, #tpu.memory_space<hbm>> -> memref<128xi32, #tpu.memory_space<hbm>>
      %dma_start3A_115 = tpu.memref_slice %arg3[%multiple_of3A_111] : memref<327680xi32, #tpu.memory_space<hbm>> -> memref<128xi32, #tpu.memory_space<hbm>>
      tpu.enqueue_dma source(%dma_start3A_115 : memref<128xi32, #tpu.memory_space<hbm>>) target(%arg20 : memref<128xi32, #tpu.memory_space<vmem>>) target_semaphore(%arg35 : memref<!tpu.dma_semaphore, #tpu.memory_space<semaphore_mem>>)
      %dma_wait3A_116 = arith.constant 0 : i32
      %dma_wait3A_117 = tpu.memref_slice %arg2[%dma_wait3A_116] : memref<327680xi32, #tpu.memory_space<hbm>> -> memref<128xi32, #tpu.memory_space<hbm>>
      %dma_wait3A_118 = arith.constant 0 : i32
      %dma_wait3A_119 = tpu.memref_slice %arg2[%dma_wait3A_118] : memref<327680xi32, #tpu.memory_space<hbm>> -> memref<128xi32, #tpu.memory_space<hbm>>
      tpu.wait_dma2 semaphore(%arg29 : memref<!tpu.dma_semaphore, #tpu.memory_space<semaphore_mem>>) src(%dma_wait3A_119 : memref<128xi32, #tpu.memory_space<hbm>>) dst(%arg6 : memref<128xi32, #tpu.memory_space<vmem>>)
      %dma_wait3A_120 = arith.constant 0 : i32
      %dma_wait3A_121 = tpu.memref_slice %arg2[%dma_wait3A_120] : memref<327680xi32, #tpu.memory_space<hbm>> -> memref<128xi32, #tpu.memory_space<hbm>>
      %dma_wait3A_122 = arith.constant 0 : i32
      %dma_wait3A_123 = tpu.memref_slice %arg2[%dma_wait3A_122] : memref<327680xi32, #tpu.memory_space<hbm>> -> memref<128xi32, #tpu.memory_space<hbm>>
      tpu.wait_dma2 semaphore(%arg29 : memref<!tpu.dma_semaphore, #tpu.memory_space<semaphore_mem>>) src(%dma_wait3A_123 : memref<128xi32, #tpu.memory_space<hbm>>) dst(%arg14 : memref<128xi32, #tpu.memory_space<vmem>>)
      %dma_start3A_124 = arith.constant 0 : i32
      %dma_start3A_125 = arith.constant 0 : i32
      %dma_start3A_126 = tpu.memref_slice %arg4[%dma_start3A_124, %dma_start3A_125] : memref<10000x128xf32, #tpu.memory_space<hbm>> -> memref<10000x128xf32, #tpu.memory_space<hbm>>
      tpu.enqueue_indirect_dma source(%dma_start3A_126 : memref<10000x128xf32, #tpu.memory_space<hbm>>) target(%arg22 : memref<128x128xf32, #tpu.memory_space<vmem>>) offsets(%arg6 : memref<128xi32, #tpu.memory_space<vmem>>) semaphore(%arg25 : memref<!tpu.dma_semaphore, #tpu.memory_space<semaphore_mem>>)
      %gt3A_127 = arith.constant 0 : i32
      %gt3A_128 = arith.cmpi sgt, %scan3A_97, %gt3A_127 : i32
      %convert_element_type3A_129 = arith.extui %gt3A_128 : i1 to i32
      %cond3A_130 = arith.constant 0 : i32
      %cond3A_131 = arith.cmpi ne, %convert_element_type3A_129, %cond3A_130 : i32
      scf.if %cond3A_131 {
        %dma_wait3A_335 = arith.constant 0 : i32
        %dma_wait3A_336 = arith.constant 0 : i32
        %dma_wait3A_337 = tpu.memref_slice %arg4[%dma_wait3A_335, %dma_wait3A_336] : memref<10000x128xf32, #tpu.memory_space<hbm>> -> memref<128x128xf32, #tpu.memory_space<hbm>>
        %dma_wait3A_338 = arith.constant 0 : i32
        %dma_wait3A_339 = arith.constant 0 : i32
        %dma_wait3A_340 = tpu.memref_slice %arg4[%dma_wait3A_338, %dma_wait3A_339] : memref<10000x128xf32, #tpu.memory_space<hbm>> -> memref<128x128xf32, #tpu.memory_space<hbm>>
        tpu.wait_dma2 semaphore(%arg26 : memref<!tpu.dma_semaphore, #tpu.memory_space<semaphore_mem>>) src(%dma_wait3A_340 : memref<128x128xf32, #tpu.memory_space<hbm>>) dst(%arg23 : memref<128x128xf32, #tpu.memory_space<vmem>>)
        %dma_start3A_341 = arith.constant 0 : i32
        %dma_start3A_342 = arith.constant 0 : i32
        %dma_start3A_343 = tpu.memref_slice %arg24[%dma_start3A_341, %dma_start3A_342] : memref<10128x128xf32, #tpu.memory_space<vmem_shared>> -> memref<10128x128xf32, #tpu.memory_space<vmem_shared>>
        tpu.enqueue_indirect_dma source(%arg23 : memref<128x128xf32, #tpu.memory_space<vmem>>) target(%dma_start3A_343 : memref<10128x128xf32, #tpu.memory_space<vmem_shared>>) offsets(%arg21 : memref<128xi32, #tpu.memory_space<vmem>>) semaphore(%arg28 : memref<!tpu.dma_semaphore, #tpu.memory_space<semaphore_mem>>) {add = true}
      } else {
      }
      %gt3A_132 = arith.constant 0 : i32
      %gt3A_133 = arith.cmpi sgt, %scan3A_97, %gt3A_132 : i32
      %convert_element_type3A_134 = arith.extui %gt3A_133 : i1 to i32
      %cond3A_135 = arith.constant 0 : i32
      %cond3A_136 = arith.cmpi ne, %convert_element_type3A_134, %cond3A_135 : i32
      scf.if %cond3A_136 {
        %dma_wait3A_335 = arith.constant 0 : i32
        %dma_wait3A_336 = arith.constant 0 : i32
        %dma_wait3A_337 = tpu.memref_slice %arg4[%dma_wait3A_335, %dma_wait3A_336] : memref<10000x128xf32, #tpu.memory_space<hbm>> -> memref<128x128xf32, #tpu.memory_space<hbm>>
        %dma_wait3A_338 = arith.constant 0 : i32
        %dma_wait3A_339 = arith.constant 0 : i32
        %dma_wait3A_340 = tpu.memref_slice %arg4[%dma_wait3A_338, %dma_wait3A_339] : memref<10000x128xf32, #tpu.memory_space<hbm>> -> memref<128x128xf32, #tpu.memory_space<hbm>>
        tpu.wait_dma2 semaphore(%arg28 : memref<!tpu.dma_semaphore, #tpu.memory_space<semaphore_mem>>) src(%dma_wait3A_340 : memref<128x128xf32, #tpu.memory_space<hbm>>) dst(%arg23 : memref<128x128xf32, #tpu.memory_space<vmem>>)
      } else {
      }
      %mul3A_137 = arith.constant 8 : i32
      %mul3A_138 = arith.muli %mul3A_137, %scan3A_97 : i32
      %add3A_139 = arith.constant 1 : i32
      %add3A_140 = arith.addi %mul3A_138, %add3A_139 : i32
      %add3A_141 = arith.constant 6 : i32
      %add3A_142 = arith.addi %add3A_140, %add3A_141 : i32
      %mul3A_143 = arith.constant 128 : i32
      %mul3A_144 = arith.muli %add3A_142, %mul3A_143 : i32
      %add3A_145 = arith.addi %mul3A_19, %mul3A_144 : i32
      %multiple_of3A_146 = tpu.assume_multiple %add3A_145, 8 : i32
      %dma_start3A_147 = tpu.memref_slice %arg2[%multiple_of3A_146] : memref<327680xi32, #tpu.memory_space<hbm>> -> memref<128xi32, #tpu.memory_space<hbm>>
      %dma_start3A_148 = tpu.memref_slice %arg2[%multiple_of3A_146] : memref<327680xi32, #tpu.memory_space<hbm>> -> memref<128xi32, #tpu.memory_space<hbm>>
      tpu.enqueue_dma source(%dma_start3A_148 : memref<128xi32, #tpu.memory_space<hbm>>) target(%arg13 : memref<128xi32, #tpu.memory_space<vmem>>) target_semaphore(%arg36 : memref<!tpu.dma_semaphore, #tpu.memory_space<semaphore_mem>>)
      %dma_start3A_149 = tpu.memref_slice %arg3[%multiple_of3A_146] : memref<327680xi32, #tpu.memory_space<hbm>> -> memref<128xi32, #tpu.memory_space<hbm>>
      %dma_start3A_150 = tpu.memref_slice %arg3[%multiple_of3A_146] : memref<327680xi32, #tpu.memory_space<hbm>> -> memref<128xi32, #tpu.memory_space<hbm>>
      tpu.enqueue_dma source(%dma_start3A_150 : memref<128xi32, #tpu.memory_space<hbm>>) target(%arg21 : memref<128xi32, #tpu.memory_space<vmem>>) target_semaphore(%arg36 : memref<!tpu.dma_semaphore, #tpu.memory_space<semaphore_mem>>)
      %dma_wait3A_151 = arith.constant 0 : i32
      %dma_wait3A_152 = tpu.memref_slice %arg2[%dma_wait3A_151] : memref<327680xi32, #tpu.memory_space<hbm>> -> memref<128xi32, #tpu.memory_space<hbm>>
      %dma_wait3A_153 = arith.constant 0 : i32
      %dma_wait3A_154 = tpu.memref_slice %arg2[%dma_wait3A_153] : memref<327680xi32, #tpu.memory_space<hbm>> -> memref<128xi32, #tpu.memory_space<hbm>>
      tpu.wait_dma2 semaphore(%arg30 : memref<!tpu.dma_semaphore, #tpu.memory_space<semaphore_mem>>) src(%dma_wait3A_154 : memref<128xi32, #tpu.memory_space<hbm>>) dst(%arg7 : memref<128xi32, #tpu.memory_space<vmem>>)
      %dma_wait3A_155 = arith.constant 0 : i32
      %dma_wait3A_156 = tpu.memref_slice %arg2[%dma_wait3A_155] : memref<327680xi32, #tpu.memory_space<hbm>> -> memref<128xi32, #tpu.memory_space<hbm>>
      %dma_wait3A_157 = arith.constant 0 : i32
      %dma_wait3A_158 = tpu.memref_slice %arg2[%dma_wait3A_157] : memref<327680xi32, #tpu.memory_space<hbm>> -> memref<128xi32, #tpu.memory_space<hbm>>
      tpu.wait_dma2 semaphore(%arg30 : memref<!tpu.dma_semaphore, #tpu.memory_space<semaphore_mem>>) src(%dma_wait3A_158 : memref<128xi32, #tpu.memory_space<hbm>>) dst(%arg15 : memref<128xi32, #tpu.memory_space<vmem>>)
      %dma_start3A_159 = arith.constant 0 : i32
      %dma_start3A_160 = arith.constant 0 : i32
      %dma_start3A_161 = tpu.memref_slice %arg4[%dma_start3A_159, %dma_start3A_160] : memref<10000x128xf32, #tpu.memory_space<hbm>> -> memref<10000x128xf32, #tpu.memory_space<hbm>>
      tpu.enqueue_indirect_dma source(%dma_start3A_161 : memref<10000x128xf32, #tpu.memory_space<hbm>>) target(%arg23 : memref<128x128xf32, #tpu.memory_space<vmem>>) offsets(%arg7 : memref<128xi32, #tpu.memory_space<vmem>>) semaphore(%arg26 : memref<!tpu.dma_semaphore, #tpu.memory_space<semaphore_mem>>)
      %dma_wait3A_162 = arith.constant 0 : i32
      %dma_wait3A_163 = arith.constant 0 : i32
      %dma_wait3A_164 = tpu.memref_slice %arg4[%dma_wait3A_162, %dma_wait3A_163] : memref<10000x128xf32, #tpu.memory_space<hbm>> -> memref<10000x128xf32, #tpu.memory_space<hbm>>
      tpu.wait_indirect_dma semaphore(%arg25 : memref<!tpu.dma_semaphore, #tpu.memory_space<semaphore_mem>>) src(%dma_wait3A_164 : memref<10000x128xf32, #tpu.memory_space<hbm>>) dst(%arg22 : memref<128x128xf32, #tpu.memory_space<vmem>>)
      %dma_start3A_165 = arith.constant 0 : i32
      %dma_start3A_166 = arith.constant 0 : i32
      %dma_start3A_167 = tpu.memref_slice %arg24[%dma_start3A_165, %dma_start3A_166] : memref<10128x128xf32, #tpu.memory_space<vmem_shared>> -> memref<10128x128xf32, #tpu.memory_space<vmem_shared>>
      tpu.enqueue_indirect_dma source(%arg22 : memref<128x128xf32, #tpu.memory_space<vmem>>) target(%dma_start3A_167 : memref<10128x128xf32, #tpu.memory_space<vmem_shared>>) offsets(%arg14 : memref<128xi32, #tpu.memory_space<vmem>>) semaphore(%arg27 : memref<!tpu.dma_semaphore, #tpu.memory_space<semaphore_mem>>) {add = true}
      %dma_wait3A_168 = arith.constant 0 : i32
      %dma_wait3A_169 = arith.constant 0 : i32
      %dma_wait3A_170 = tpu.memref_slice %arg4[%dma_wait3A_168, %dma_wait3A_169] : memref<10000x128xf32, #tpu.memory_space<hbm>> -> memref<128x128xf32, #tpu.memory_space<hbm>>
      %dma_wait3A_171 = arith.constant 0 : i32
      %dma_wait3A_172 = arith.constant 0 : i32
      %dma_wait3A_173 = tpu.memref_slice %arg4[%dma_wait3A_171, %dma_wait3A_172] : memref<10000x128xf32, #tpu.memory_space<hbm>> -> memref<128x128xf32, #tpu.memory_space<hbm>>
      tpu.wait_dma2 semaphore(%arg27 : memref<!tpu.dma_semaphore, #tpu.memory_space<semaphore_mem>>) src(%dma_wait3A_173 : memref<128x128xf32, #tpu.memory_space<hbm>>) dst(%arg22 : memref<128x128xf32, #tpu.memory_space<vmem>>)
      %lt3A = arith.constant 9 : i32
      %lt3A_174 = arith.cmpi slt, %scan3A_97, %lt3A : i32
      %convert_element_type3A_175 = arith.extui %lt3A_174 : i1 to i32
      %cond3A_176 = arith.constant 0 : i32
      %cond3A_177 = arith.cmpi ne, %convert_element_type3A_175, %cond3A_176 : i32
      scf.if %cond3A_177 {
        %mul3A_335 = arith.constant 8 : i32
        %mul3A_336 = arith.muli %mul3A_335, %scan3A_97 : i32
        %add3A_337 = arith.constant 2 : i32
        %add3A_338 = arith.addi %mul3A_336, %add3A_337 : i32
        %add3A_339 = arith.constant 6 : i32
        %add3A_340 = arith.addi %add3A_338, %add3A_339 : i32
        %mul3A_341 = arith.constant 128 : i32
        %mul3A_342 = arith.muli %add3A_340, %mul3A_341 : i32
        %add3A_343 = arith.addi %mul3A_19, %mul3A_342 : i32
        %multiple_of3A_344 = tpu.assume_multiple %add3A_343, 8 : i32
        %dma_start3A_345 = tpu.memref_slice %arg2[%multiple_of3A_344] : memref<327680xi32, #tpu.memory_space<hbm>> -> memref<128xi32, #tpu.memory_space<hbm>>
        %dma_start3A_346 = tpu.memref_slice %arg2[%multiple_of3A_344] : memref<327680xi32, #tpu.memory_space<hbm>> -> memref<128xi32, #tpu.memory_space<hbm>>
        tpu.enqueue_dma source(%dma_start3A_346 : memref<128xi32, #tpu.memory_space<hbm>>) target(%arg6 : memref<128xi32, #tpu.memory_space<vmem>>) target_semaphore(%arg29 : memref<!tpu.dma_semaphore, #tpu.memory_space<semaphore_mem>>)
        %dma_start3A_347 = tpu.memref_slice %arg3[%multiple_of3A_344] : memref<327680xi32, #tpu.memory_space<hbm>> -> memref<128xi32, #tpu.memory_space<hbm>>
        %dma_start3A_348 = tpu.memref_slice %arg3[%multiple_of3A_344] : memref<327680xi32, #tpu.memory_space<hbm>> -> memref<128xi32, #tpu.memory_space<hbm>>
        tpu.enqueue_dma source(%dma_start3A_348 : memref<128xi32, #tpu.memory_space<hbm>>) target(%arg14 : memref<128xi32, #tpu.memory_space<vmem>>) target_semaphore(%arg29 : memref<!tpu.dma_semaphore, #tpu.memory_space<semaphore_mem>>)
      } else {
      }
      %dma_wait3A_178 = arith.constant 0 : i32
      %dma_wait3A_179 = tpu.memref_slice %arg2[%dma_wait3A_178] : memref<327680xi32, #tpu.memory_space<hbm>> -> memref<128xi32, #tpu.memory_space<hbm>>
      %dma_wait3A_180 = arith.constant 0 : i32
      %dma_wait3A_181 = tpu.memref_slice %arg2[%dma_wait3A_180] : memref<327680xi32, #tpu.memory_space<hbm>> -> memref<128xi32, #tpu.memory_space<hbm>>
      tpu.wait_dma2 semaphore(%arg31 : memref<!tpu.dma_semaphore, #tpu.memory_space<semaphore_mem>>) src(%dma_wait3A_181 : memref<128xi32, #tpu.memory_space<hbm>>) dst(%arg8 : memref<128xi32, #tpu.memory_space<vmem>>)
      %dma_wait3A_182 = arith.constant 0 : i32
      %dma_wait3A_183 = tpu.memref_slice %arg2[%dma_wait3A_182] : memref<327680xi32, #tpu.memory_space<hbm>> -> memref<128xi32, #tpu.memory_space<hbm>>
      %dma_wait3A_184 = arith.constant 0 : i32
      %dma_wait3A_185 = tpu.memref_slice %arg2[%dma_wait3A_184] : memref<327680xi32, #tpu.memory_space<hbm>> -> memref<128xi32, #tpu.memory_space<hbm>>
      tpu.wait_dma2 semaphore(%arg31 : memref<!tpu.dma_semaphore, #tpu.memory_space<semaphore_mem>>) src(%dma_wait3A_185 : memref<128xi32, #tpu.memory_space<hbm>>) dst(%arg16 : memref<128xi32, #tpu.memory_space<vmem>>)
      %dma_start3A_186 = arith.constant 0 : i32
      %dma_start3A_187 = arith.constant 0 : i32
      %dma_start3A_188 = tpu.memref_slice %arg4[%dma_start3A_186, %dma_start3A_187] : memref<10000x128xf32, #tpu.memory_space<hbm>> -> memref<10000x128xf32, #tpu.memory_space<hbm>>
      tpu.enqueue_indirect_dma source(%dma_start3A_188 : memref<10000x128xf32, #tpu.memory_space<hbm>>) target(%arg22 : memref<128x128xf32, #tpu.memory_space<vmem>>) offsets(%arg8 : memref<128xi32, #tpu.memory_space<vmem>>) semaphore(%arg25 : memref<!tpu.dma_semaphore, #tpu.memory_space<semaphore_mem>>)
      %dma_wait3A_189 = arith.constant 0 : i32
      %dma_wait3A_190 = arith.constant 0 : i32
      %dma_wait3A_191 = tpu.memref_slice %arg4[%dma_wait3A_189, %dma_wait3A_190] : memref<10000x128xf32, #tpu.memory_space<hbm>> -> memref<10000x128xf32, #tpu.memory_space<hbm>>
      tpu.wait_indirect_dma semaphore(%arg26 : memref<!tpu.dma_semaphore, #tpu.memory_space<semaphore_mem>>) src(%dma_wait3A_191 : memref<10000x128xf32, #tpu.memory_space<hbm>>) dst(%arg23 : memref<128x128xf32, #tpu.memory_space<vmem>>)
      %dma_start3A_192 = arith.constant 0 : i32
      %dma_start3A_193 = arith.constant 0 : i32
      %dma_start3A_194 = tpu.memref_slice %arg24[%dma_start3A_192, %dma_start3A_193] : memref<10128x128xf32, #tpu.memory_space<vmem_shared>> -> memref<10128x128xf32, #tpu.memory_space<vmem_shared>>
      tpu.enqueue_indirect_dma source(%arg23 : memref<128x128xf32, #tpu.memory_space<vmem>>) target(%dma_start3A_194 : memref<10128x128xf32, #tpu.memory_space<vmem_shared>>) offsets(%arg15 : memref<128xi32, #tpu.memory_space<vmem>>) semaphore(%arg28 : memref<!tpu.dma_semaphore, #tpu.memory_space<semaphore_mem>>) {add = true}
      %dma_wait3A_195 = arith.constant 0 : i32
      %dma_wait3A_196 = arith.constant 0 : i32
      %dma_wait3A_197 = tpu.memref_slice %arg4[%dma_wait3A_195, %dma_wait3A_196] : memref<10000x128xf32, #tpu.memory_space<hbm>> -> memref<128x128xf32, #tpu.memory_space<hbm>>
      %dma_wait3A_198 = arith.constant 0 : i32
      %dma_wait3A_199 = arith.constant 0 : i32
      %dma_wait3A_200 = tpu.memref_slice %arg4[%dma_wait3A_198, %dma_wait3A_199] : memref<10000x128xf32, #tpu.memory_space<hbm>> -> memref<128x128xf32, #tpu.memory_space<hbm>>
      tpu.wait_dma2 semaphore(%arg28 : memref<!tpu.dma_semaphore, #tpu.memory_space<semaphore_mem>>) src(%dma_wait3A_200 : memref<128x128xf32, #tpu.memory_space<hbm>>) dst(%arg23 : memref<128x128xf32, #tpu.memory_space<vmem>>)
      %lt3A_201 = arith.constant 9 : i32
      %lt3A_202 = arith.cmpi slt, %scan3A_97, %lt3A_201 : i32
      %convert_element_type3A_203 = arith.extui %lt3A_202 : i1 to i32
      %cond3A_204 = arith.constant 0 : i32
      %cond3A_205 = arith.cmpi ne, %convert_element_type3A_203, %cond3A_204 : i32
      scf.if %cond3A_205 {
        %mul3A_335 = arith.constant 8 : i32
        %mul3A_336 = arith.muli %mul3A_335, %scan3A_97 : i32
        %add3A_337 = arith.constant 3 : i32
        %add3A_338 = arith.addi %mul3A_336, %add3A_337 : i32
        %add3A_339 = arith.constant 6 : i32
        %add3A_340 = arith.addi %add3A_338, %add3A_339 : i32
        %mul3A_341 = arith.constant 128 : i32
        %mul3A_342 = arith.muli %add3A_340, %mul3A_341 : i32
        %add3A_343 = arith.addi %mul3A_19, %mul3A_342 : i32
        %multiple_of3A_344 = tpu.assume_multiple %add3A_343, 8 : i32
        %dma_start3A_345 = tpu.memref_slice %arg2[%multiple_of3A_344] : memref<327680xi32, #tpu.memory_space<hbm>> -> memref<128xi32, #tpu.memory_space<hbm>>
        %dma_start3A_346 = tpu.memref_slice %arg2[%multiple_of3A_344] : memref<327680xi32, #tpu.memory_space<hbm>> -> memref<128xi32, #tpu.memory_space<hbm>>
        tpu.enqueue_dma source(%dma_start3A_346 : memref<128xi32, #tpu.memory_space<hbm>>) target(%arg7 : memref<128xi32, #tpu.memory_space<vmem>>) target_semaphore(%arg30 : memref<!tpu.dma_semaphore, #tpu.memory_space<semaphore_mem>>)
        %dma_start3A_347 = tpu.memref_slice %arg3[%multiple_of3A_344] : memref<327680xi32, #tpu.memory_space<hbm>> -> memref<128xi32, #tpu.memory_space<hbm>>
        %dma_start3A_348 = tpu.memref_slice %arg3[%multiple_of3A_344] : memref<327680xi32, #tpu.memory_space<hbm>> -> memref<128xi32, #tpu.memory_space<hbm>>
        tpu.enqueue_dma source(%dma_start3A_348 : memref<128xi32, #tpu.memory_space<hbm>>) target(%arg15 : memref<128xi32, #tpu.memory_space<vmem>>) target_semaphore(%arg30 : memref<!tpu.dma_semaphore, #tpu.memory_space<semaphore_mem>>)
      } else {
      }
      %dma_wait3A_206 = arith.constant 0 : i32
      %dma_wait3A_207 = tpu.memref_slice %arg2[%dma_wait3A_206] : memref<327680xi32, #tpu.memory_space<hbm>> -> memref<128xi32, #tpu.memory_space<hbm>>
      %dma_wait3A_208 = arith.constant 0 : i32
      %dma_wait3A_209 = tpu.memref_slice %arg2[%dma_wait3A_208] : memref<327680xi32, #tpu.memory_space<hbm>> -> memref<128xi32, #tpu.memory_space<hbm>>
      tpu.wait_dma2 semaphore(%arg32 : memref<!tpu.dma_semaphore, #tpu.memory_space<semaphore_mem>>) src(%dma_wait3A_209 : memref<128xi32, #tpu.memory_space<hbm>>) dst(%arg9 : memref<128xi32, #tpu.memory_space<vmem>>)
      %dma_wait3A_210 = arith.constant 0 : i32
      %dma_wait3A_211 = tpu.memref_slice %arg2[%dma_wait3A_210] : memref<327680xi32, #tpu.memory_space<hbm>> -> memref<128xi32, #tpu.memory_space<hbm>>
      %dma_wait3A_212 = arith.constant 0 : i32
      %dma_wait3A_213 = tpu.memref_slice %arg2[%dma_wait3A_212] : memref<327680xi32, #tpu.memory_space<hbm>> -> memref<128xi32, #tpu.memory_space<hbm>>
      tpu.wait_dma2 semaphore(%arg32 : memref<!tpu.dma_semaphore, #tpu.memory_space<semaphore_mem>>) src(%dma_wait3A_213 : memref<128xi32, #tpu.memory_space<hbm>>) dst(%arg17 : memref<128xi32, #tpu.memory_space<vmem>>)
      %dma_start3A_214 = arith.constant 0 : i32
      %dma_start3A_215 = arith.constant 0 : i32
      %dma_start3A_216 = tpu.memref_slice %arg4[%dma_start3A_214, %dma_start3A_215] : memref<10000x128xf32, #tpu.memory_space<hbm>> -> memref<10000x128xf32, #tpu.memory_space<hbm>>
      tpu.enqueue_indirect_dma source(%dma_start3A_216 : memref<10000x128xf32, #tpu.memory_space<hbm>>) target(%arg23 : memref<128x128xf32, #tpu.memory_space<vmem>>) offsets(%arg9 : memref<128xi32, #tpu.memory_space<vmem>>) semaphore(%arg26 : memref<!tpu.dma_semaphore, #tpu.memory_space<semaphore_mem>>)
      %dma_wait3A_217 = arith.constant 0 : i32
      %dma_wait3A_218 = arith.constant 0 : i32
      %dma_wait3A_219 = tpu.memref_slice %arg4[%dma_wait3A_217, %dma_wait3A_218] : memref<10000x128xf32, #tpu.memory_space<hbm>> -> memref<10000x128xf32, #tpu.memory_space<hbm>>
      tpu.wait_indirect_dma semaphore(%arg25 : memref<!tpu.dma_semaphore, #tpu.memory_space<semaphore_mem>>) src(%dma_wait3A_219 : memref<10000x128xf32, #tpu.memory_space<hbm>>) dst(%arg22 : memref<128x128xf32, #tpu.memory_space<vmem>>)
      %dma_start3A_220 = arith.constant 0 : i32
      %dma_start3A_221 = arith.constant 0 : i32
      %dma_start3A_222 = tpu.memref_slice %arg24[%dma_start3A_220, %dma_start3A_221] : memref<10128x128xf32, #tpu.memory_space<vmem_shared>> -> memref<10128x128xf32, #tpu.memory_space<vmem_shared>>
      tpu.enqueue_indirect_dma source(%arg22 : memref<128x128xf32, #tpu.memory_space<vmem>>) target(%dma_start3A_222 : memref<10128x128xf32, #tpu.memory_space<vmem_shared>>) offsets(%arg16 : memref<128xi32, #tpu.memory_space<vmem>>) semaphore(%arg27 : memref<!tpu.dma_semaphore, #tpu.memory_space<semaphore_mem>>) {add = true}
      %dma_wait3A_223 = arith.constant 0 : i32
      %dma_wait3A_224 = arith.constant 0 : i32
      %dma_wait3A_225 = tpu.memref_slice %arg4[%dma_wait3A_223, %dma_wait3A_224] : memref<10000x128xf32, #tpu.memory_space<hbm>> -> memref<128x128xf32, #tpu.memory_space<hbm>>
      %dma_wait3A_226 = arith.constant 0 : i32
      %dma_wait3A_227 = arith.constant 0 : i32
      %dma_wait3A_228 = tpu.memref_slice %arg4[%dma_wait3A_226, %dma_wait3A_227] : memref<10000x128xf32, #tpu.memory_space<hbm>> -> memref<128x128xf32, #tpu.memory_space<hbm>>
      tpu.wait_dma2 semaphore(%arg27 : memref<!tpu.dma_semaphore, #tpu.memory_space<semaphore_mem>>) src(%dma_wait3A_228 : memref<128x128xf32, #tpu.memory_space<hbm>>) dst(%arg22 : memref<128x128xf32, #tpu.memory_space<vmem>>)
      %lt3A_229 = arith.constant 9 : i32
      %lt3A_230 = arith.cmpi slt, %scan3A_97, %lt3A_229 : i32
      %convert_element_type3A_231 = arith.extui %lt3A_230 : i1 to i32
      %cond3A_232 = arith.constant 0 : i32
      %cond3A_233 = arith.cmpi ne, %convert_element_type3A_231, %cond3A_232 : i32
      scf.if %cond3A_233 {
        %mul3A_335 = arith.constant 8 : i32
        %mul3A_336 = arith.muli %mul3A_335, %scan3A_97 : i32
        %add3A_337 = arith.constant 4 : i32
        %add3A_338 = arith.addi %mul3A_336, %add3A_337 : i32
        %add3A_339 = arith.constant 6 : i32
        %add3A_340 = arith.addi %add3A_338, %add3A_339 : i32
        %mul3A_341 = arith.constant 128 : i32
        %mul3A_342 = arith.muli %add3A_340, %mul3A_341 : i32
        %add3A_343 = arith.addi %mul3A_19, %mul3A_342 : i32
        %multiple_of3A_344 = tpu.assume_multiple %add3A_343, 8 : i32
        %dma_start3A_345 = tpu.memref_slice %arg2[%multiple_of3A_344] : memref<327680xi32, #tpu.memory_space<hbm>> -> memref<128xi32, #tpu.memory_space<hbm>>
        %dma_start3A_346 = tpu.memref_slice %arg2[%multiple_of3A_344] : memref<327680xi32, #tpu.memory_space<hbm>> -> memref<128xi32, #tpu.memory_space<hbm>>
        tpu.enqueue_dma source(%dma_start3A_346 : memref<128xi32, #tpu.memory_space<hbm>>) target(%arg8 : memref<128xi32, #tpu.memory_space<vmem>>) target_semaphore(%arg31 : memref<!tpu.dma_semaphore, #tpu.memory_space<semaphore_mem>>)
        %dma_start3A_347 = tpu.memref_slice %arg3[%multiple_of3A_344] : memref<327680xi32, #tpu.memory_space<hbm>> -> memref<128xi32, #tpu.memory_space<hbm>>
        %dma_start3A_348 = tpu.memref_slice %arg3[%multiple_of3A_344] : memref<327680xi32, #tpu.memory_space<hbm>> -> memref<128xi32, #tpu.memory_space<hbm>>
        tpu.enqueue_dma source(%dma_start3A_348 : memref<128xi32, #tpu.memory_space<hbm>>) target(%arg16 : memref<128xi32, #tpu.memory_space<vmem>>) target_semaphore(%arg31 : memref<!tpu.dma_semaphore, #tpu.memory_space<semaphore_mem>>)
      } else {
      }
      %dma_wait3A_234 = arith.constant 0 : i32
      %dma_wait3A_235 = tpu.memref_slice %arg2[%dma_wait3A_234] : memref<327680xi32, #tpu.memory_space<hbm>> -> memref<128xi32, #tpu.memory_space<hbm>>
      %dma_wait3A_236 = arith.constant 0 : i32
      %dma_wait3A_237 = tpu.memref_slice %arg2[%dma_wait3A_236] : memref<327680xi32, #tpu.memory_space<hbm>> -> memref<128xi32, #tpu.memory_space<hbm>>
      tpu.wait_dma2 semaphore(%arg33 : memref<!tpu.dma_semaphore, #tpu.memory_space<semaphore_mem>>) src(%dma_wait3A_237 : memref<128xi32, #tpu.memory_space<hbm>>) dst(%arg10 : memref<128xi32, #tpu.memory_space<vmem>>)
      %dma_wait3A_238 = arith.constant 0 : i32
      %dma_wait3A_239 = tpu.memref_slice %arg2[%dma_wait3A_238] : memref<327680xi32, #tpu.memory_space<hbm>> -> memref<128xi32, #tpu.memory_space<hbm>>
      %dma_wait3A_240 = arith.constant 0 : i32
      %dma_wait3A_241 = tpu.memref_slice %arg2[%dma_wait3A_240] : memref<327680xi32, #tpu.memory_space<hbm>> -> memref<128xi32, #tpu.memory_space<hbm>>
      tpu.wait_dma2 semaphore(%arg33 : memref<!tpu.dma_semaphore, #tpu.memory_space<semaphore_mem>>) src(%dma_wait3A_241 : memref<128xi32, #tpu.memory_space<hbm>>) dst(%arg18 : memref<128xi32, #tpu.memory_space<vmem>>)
      %dma_start3A_242 = arith.constant 0 : i32
      %dma_start3A_243 = arith.constant 0 : i32
      %dma_start3A_244 = tpu.memref_slice %arg4[%dma_start3A_242, %dma_start3A_243] : memref<10000x128xf32, #tpu.memory_space<hbm>> -> memref<10000x128xf32, #tpu.memory_space<hbm>>
      tpu.enqueue_indirect_dma source(%dma_start3A_244 : memref<10000x128xf32, #tpu.memory_space<hbm>>) target(%arg22 : memref<128x128xf32, #tpu.memory_space<vmem>>) offsets(%arg10 : memref<128xi32, #tpu.memory_space<vmem>>) semaphore(%arg25 : memref<!tpu.dma_semaphore, #tpu.memory_space<semaphore_mem>>)
      %dma_wait3A_245 = arith.constant 0 : i32
      %dma_wait3A_246 = arith.constant 0 : i32
      %dma_wait3A_247 = tpu.memref_slice %arg4[%dma_wait3A_245, %dma_wait3A_246] : memref<10000x128xf32, #tpu.memory_space<hbm>> -> memref<10000x128xf32, #tpu.memory_space<hbm>>
      tpu.wait_indirect_dma semaphore(%arg26 : memref<!tpu.dma_semaphore, #tpu.memory_space<semaphore_mem>>) src(%dma_wait3A_247 : memref<10000x128xf32, #tpu.memory_space<hbm>>) dst(%arg23 : memref<128x128xf32, #tpu.memory_space<vmem>>)
      %dma_start3A_248 = arith.constant 0 : i32
      %dma_start3A_249 = arith.constant 0 : i32
      %dma_start3A_250 = tpu.memref_slice %arg24[%dma_start3A_248, %dma_start3A_249] : memref<10128x128xf32, #tpu.memory_space<vmem_shared>> -> memref<10128x128xf32, #tpu.memory_space<vmem_shared>>
      tpu.enqueue_indirect_dma source(%arg23 : memref<128x128xf32, #tpu.memory_space<vmem>>) target(%dma_start3A_250 : memref<10128x128xf32, #tpu.memory_space<vmem_shared>>) offsets(%arg17 : memref<128xi32, #tpu.memory_space<vmem>>) semaphore(%arg28 : memref<!tpu.dma_semaphore, #tpu.memory_space<semaphore_mem>>) {add = true}
      %dma_wait3A_251 = arith.constant 0 : i32
      %dma_wait3A_252 = arith.constant 0 : i32
      %dma_wait3A_253 = tpu.memref_slice %arg4[%dma_wait3A_251, %dma_wait3A_252] : memref<10000x128xf32, #tpu.memory_space<hbm>> -> memref<128x128xf32, #tpu.memory_space<hbm>>
      %dma_wait3A_254 = arith.constant 0 : i32
      %dma_wait3A_255 = arith.constant 0 : i32
      %dma_wait3A_256 = tpu.memref_slice %arg4[%dma_wait3A_254, %dma_wait3A_255] : memref<10000x128xf32, #tpu.memory_space<hbm>> -> memref<128x128xf32, #tpu.memory_space<hbm>>
      tpu.wait_dma2 semaphore(%arg28 : memref<!tpu.dma_semaphore, #tpu.memory_space<semaphore_mem>>) src(%dma_wait3A_256 : memref<128x128xf32, #tpu.memory_space<hbm>>) dst(%arg23 : memref<128x128xf32, #tpu.memory_space<vmem>>)
      %lt3A_257 = arith.constant 9 : i32
      %lt3A_258 = arith.cmpi slt, %scan3A_97, %lt3A_257 : i32
      %convert_element_type3A_259 = arith.extui %lt3A_258 : i1 to i32
      %cond3A_260 = arith.constant 0 : i32
      %cond3A_261 = arith.cmpi ne, %convert_element_type3A_259, %cond3A_260 : i32
      scf.if %cond3A_261 {
        %mul3A_335 = arith.constant 8 : i32
        %mul3A_336 = arith.muli %mul3A_335, %scan3A_97 : i32
        %add3A_337 = arith.constant 5 : i32
        %add3A_338 = arith.addi %mul3A_336, %add3A_337 : i32
        %add3A_339 = arith.constant 6 : i32
        %add3A_340 = arith.addi %add3A_338, %add3A_339 : i32
        %mul3A_341 = arith.constant 128 : i32
        %mul3A_342 = arith.muli %add3A_340, %mul3A_341 : i32
        %add3A_343 = arith.addi %mul3A_19, %mul3A_342 : i32
        %multiple_of3A_344 = tpu.assume_multiple %add3A_343, 8 : i32
        %dma_start3A_345 = tpu.memref_slice %arg2[%multiple_of3A_344] : memref<327680xi32, #tpu.memory_space<hbm>> -> memref<128xi32, #tpu.memory_space<hbm>>
        %dma_start3A_346 = tpu.memref_slice %arg2[%multiple_of3A_344] : memref<327680xi32, #tpu.memory_space<hbm>> -> memref<128xi32, #tpu.memory_space<hbm>>
        tpu.enqueue_dma source(%dma_start3A_346 : memref<128xi32, #tpu.memory_space<hbm>>) target(%arg9 : memref<128xi32, #tpu.memory_space<vmem>>) target_semaphore(%arg32 : memref<!tpu.dma_semaphore, #tpu.memory_space<semaphore_mem>>)
        %dma_start3A_347 = tpu.memref_slice %arg3[%multiple_of3A_344] : memref<327680xi32, #tpu.memory_space<hbm>> -> memref<128xi32, #tpu.memory_space<hbm>>
        %dma_start3A_348 = tpu.memref_slice %arg3[%multiple_of3A_344] : memref<327680xi32, #tpu.memory_space<hbm>> -> memref<128xi32, #tpu.memory_space<hbm>>
        tpu.enqueue_dma source(%dma_start3A_348 : memref<128xi32, #tpu.memory_space<hbm>>) target(%arg17 : memref<128xi32, #tpu.memory_space<vmem>>) target_semaphore(%arg32 : memref<!tpu.dma_semaphore, #tpu.memory_space<semaphore_mem>>)
      } else {
      }
      %dma_wait3A_262 = arith.constant 0 : i32
      %dma_wait3A_263 = tpu.memref_slice %arg2[%dma_wait3A_262] : memref<327680xi32, #tpu.memory_space<hbm>> -> memref<128xi32, #tpu.memory_space<hbm>>
      %dma_wait3A_264 = arith.constant 0 : i32
      %dma_wait3A_265 = tpu.memref_slice %arg2[%dma_wait3A_264] : memref<327680xi32, #tpu.memory_space<hbm>> -> memref<128xi32, #tpu.memory_space<hbm>>
      tpu.wait_dma2 semaphore(%arg34 : memref<!tpu.dma_semaphore, #tpu.memory_space<semaphore_mem>>) src(%dma_wait3A_265 : memref<128xi32, #tpu.memory_space<hbm>>) dst(%arg11 : memref<128xi32, #tpu.memory_space<vmem>>)
      %dma_wait3A_266 = arith.constant 0 : i32
      %dma_wait3A_267 = tpu.memref_slice %arg2[%dma_wait3A_266] : memref<327680xi32, #tpu.memory_space<hbm>> -> memref<128xi32, #tpu.memory_space<hbm>>
      %dma_wait3A_268 = arith.constant 0 : i32
      %dma_wait3A_269 = tpu.memref_slice %arg2[%dma_wait3A_268] : memref<327680xi32, #tpu.memory_space<hbm>> -> memref<128xi32, #tpu.memory_space<hbm>>
      tpu.wait_dma2 semaphore(%arg34 : memref<!tpu.dma_semaphore, #tpu.memory_space<semaphore_mem>>) src(%dma_wait3A_269 : memref<128xi32, #tpu.memory_space<hbm>>) dst(%arg19 : memref<128xi32, #tpu.memory_space<vmem>>)
      %dma_start3A_270 = arith.constant 0 : i32
      %dma_start3A_271 = arith.constant 0 : i32
      %dma_start3A_272 = tpu.memref_slice %arg4[%dma_start3A_270, %dma_start3A_271] : memref<10000x128xf32, #tpu.memory_space<hbm>> -> memref<10000x128xf32, #tpu.memory_space<hbm>>
      tpu.enqueue_indirect_dma source(%dma_start3A_272 : memref<10000x128xf32, #tpu.memory_space<hbm>>) target(%arg23 : memref<128x128xf32, #tpu.memory_space<vmem>>) offsets(%arg11 : memref<128xi32, #tpu.memory_space<vmem>>) semaphore(%arg26 : memref<!tpu.dma_semaphore, #tpu.memory_space<semaphore_mem>>)
      %dma_wait3A_273 = arith.constant 0 : i32
      %dma_wait3A_274 = arith.constant 0 : i32
      %dma_wait3A_275 = tpu.memref_slice %arg4[%dma_wait3A_273, %dma_wait3A_274] : memref<10000x128xf32, #tpu.memory_space<hbm>> -> memref<10000x128xf32, #tpu.memory_space<hbm>>
      tpu.wait_indirect_dma semaphore(%arg25 : memref<!tpu.dma_semaphore, #tpu.memory_space<semaphore_mem>>) src(%dma_wait3A_275 : memref<10000x128xf32, #tpu.memory_space<hbm>>) dst(%arg22 : memref<128x128xf32, #tpu.memory_space<vmem>>)
      %dma_start3A_276 = arith.constant 0 : i32
      %dma_start3A_277 = arith.constant 0 : i32
      %dma_start3A_278 = tpu.memref_slice %arg24[%dma_start3A_276, %dma_start3A_277] : memref<10128x128xf32, #tpu.memory_space<vmem_shared>> -> memref<10128x128xf32, #tpu.memory_space<vmem_shared>>
      tpu.enqueue_indirect_dma source(%arg22 : memref<128x128xf32, #tpu.memory_space<vmem>>) target(%dma_start3A_278 : memref<10128x128xf32, #tpu.memory_space<vmem_shared>>) offsets(%arg18 : memref<128xi32, #tpu.memory_space<vmem>>) semaphore(%arg27 : memref<!tpu.dma_semaphore, #tpu.memory_space<semaphore_mem>>) {add = true}
      %dma_wait3A_279 = arith.constant 0 : i32
      %dma_wait3A_280 = arith.constant 0 : i32
      %dma_wait3A_281 = tpu.memref_slice %arg4[%dma_wait3A_279, %dma_wait3A_280] : memref<10000x128xf32, #tpu.memory_space<hbm>> -> memref<128x128xf32, #tpu.memory_space<hbm>>
      %dma_wait3A_282 = arith.constant 0 : i32
      %dma_wait3A_283 = arith.constant 0 : i32
      %dma_wait3A_284 = tpu.memref_slice %arg4[%dma_wait3A_282, %dma_wait3A_283] : memref<10000x128xf32, #tpu.memory_space<hbm>> -> memref<128x128xf32, #tpu.memory_space<hbm>>
      tpu.wait_dma2 semaphore(%arg27 : memref<!tpu.dma_semaphore, #tpu.memory_space<semaphore_mem>>) src(%dma_wait3A_284 : memref<128x128xf32, #tpu.memory_space<hbm>>) dst(%arg22 : memref<128x128xf32, #tpu.memory_space<vmem>>)
      %lt3A_285 = arith.constant 9 : i32
      %lt3A_286 = arith.cmpi slt, %scan3A_97, %lt3A_285 : i32
      %convert_element_type3A_287 = arith.extui %lt3A_286 : i1 to i32
      %cond3A_288 = arith.constant 0 : i32
      %cond3A_289 = arith.cmpi ne, %convert_element_type3A_287, %cond3A_288 : i32
      scf.if %cond3A_289 {
        %mul3A_335 = arith.constant 8 : i32
        %mul3A_336 = arith.muli %mul3A_335, %scan3A_97 : i32
        %add3A_337 = arith.constant 6 : i32
        %add3A_338 = arith.addi %mul3A_336, %add3A_337 : i32
        %add3A_339 = arith.constant 6 : i32
        %add3A_340 = arith.addi %add3A_338, %add3A_339 : i32
        %mul3A_341 = arith.constant 128 : i32
        %mul3A_342 = arith.muli %add3A_340, %mul3A_341 : i32
        %add3A_343 = arith.addi %mul3A_19, %mul3A_342 : i32
        %multiple_of3A_344 = tpu.assume_multiple %add3A_343, 8 : i32
        %dma_start3A_345 = tpu.memref_slice %arg2[%multiple_of3A_344] : memref<327680xi32, #tpu.memory_space<hbm>> -> memref<128xi32, #tpu.memory_space<hbm>>
        %dma_start3A_346 = tpu.memref_slice %arg2[%multiple_of3A_344] : memref<327680xi32, #tpu.memory_space<hbm>> -> memref<128xi32, #tpu.memory_space<hbm>>
        tpu.enqueue_dma source(%dma_start3A_346 : memref<128xi32, #tpu.memory_space<hbm>>) target(%arg10 : memref<128xi32, #tpu.memory_space<vmem>>) target_semaphore(%arg33 : memref<!tpu.dma_semaphore, #tpu.memory_space<semaphore_mem>>)
        %dma_start3A_347 = tpu.memref_slice %arg3[%multiple_of3A_344] : memref<327680xi32, #tpu.memory_space<hbm>> -> memref<128xi32, #tpu.memory_space<hbm>>
        %dma_start3A_348 = tpu.memref_slice %arg3[%multiple_of3A_344] : memref<327680xi32, #tpu.memory_space<hbm>> -> memref<128xi32, #tpu.memory_space<hbm>>
        tpu.enqueue_dma source(%dma_start3A_348 : memref<128xi32, #tpu.memory_space<hbm>>) target(%arg18 : memref<128xi32, #tpu.memory_space<vmem>>) target_semaphore(%arg33 : memref<!tpu.dma_semaphore, #tpu.memory_space<semaphore_mem>>)
      } else {
      }
      %dma_wait3A_290 = arith.constant 0 : i32
      %dma_wait3A_291 = tpu.memref_slice %arg2[%dma_wait3A_290] : memref<327680xi32, #tpu.memory_space<hbm>> -> memref<128xi32, #tpu.memory_space<hbm>>
      %dma_wait3A_292 = arith.constant 0 : i32
      %dma_wait3A_293 = tpu.memref_slice %arg2[%dma_wait3A_292] : memref<327680xi32, #tpu.memory_space<hbm>> -> memref<128xi32, #tpu.memory_space<hbm>>
      tpu.wait_dma2 semaphore(%arg35 : memref<!tpu.dma_semaphore, #tpu.memory_space<semaphore_mem>>) src(%dma_wait3A_293 : memref<128xi32, #tpu.memory_space<hbm>>) dst(%arg12 : memref<128xi32, #tpu.memory_space<vmem>>)
      %dma_wait3A_294 = arith.constant 0 : i32
      %dma_wait3A_295 = tpu.memref_slice %arg2[%dma_wait3A_294] : memref<327680xi32, #tpu.memory_space<hbm>> -> memref<128xi32, #tpu.memory_space<hbm>>
      %dma_wait3A_296 = arith.constant 0 : i32
      %dma_wait3A_297 = tpu.memref_slice %arg2[%dma_wait3A_296] : memref<327680xi32, #tpu.memory_space<hbm>> -> memref<128xi32, #tpu.memory_space<hbm>>
      tpu.wait_dma2 semaphore(%arg35 : memref<!tpu.dma_semaphore, #tpu.memory_space<semaphore_mem>>) src(%dma_wait3A_297 : memref<128xi32, #tpu.memory_space<hbm>>) dst(%arg20 : memref<128xi32, #tpu.memory_space<vmem>>)
      %dma_start3A_298 = arith.constant 0 : i32
      %dma_start3A_299 = arith.constant 0 : i32
      %dma_start3A_300 = tpu.memref_slice %arg4[%dma_start3A_298, %dma_start3A_299] : memref<10000x128xf32, #tpu.memory_space<hbm>> -> memref<10000x128xf32, #tpu.memory_space<hbm>>
      tpu.enqueue_indirect_dma source(%dma_start3A_300 : memref<10000x128xf32, #tpu.memory_space<hbm>>) target(%arg22 : memref<128x128xf32, #tpu.memory_space<vmem>>) offsets(%arg12 : memref<128xi32, #tpu.memory_space<vmem>>) semaphore(%arg25 : memref<!tpu.dma_semaphore, #tpu.memory_space<semaphore_mem>>)
      %dma_wait3A_301 = arith.constant 0 : i32
      %dma_wait3A_302 = arith.constant 0 : i32
      %dma_wait3A_303 = tpu.memref_slice %arg4[%dma_wait3A_301, %dma_wait3A_302] : memref<10000x128xf32, #tpu.memory_space<hbm>> -> memref<10000x128xf32, #tpu.memory_space<hbm>>
      tpu.wait_indirect_dma semaphore(%arg26 : memref<!tpu.dma_semaphore, #tpu.memory_space<semaphore_mem>>) src(%dma_wait3A_303 : memref<10000x128xf32, #tpu.memory_space<hbm>>) dst(%arg23 : memref<128x128xf32, #tpu.memory_space<vmem>>)
      %dma_start3A_304 = arith.constant 0 : i32
      %dma_start3A_305 = arith.constant 0 : i32
      %dma_start3A_306 = tpu.memref_slice %arg24[%dma_start3A_304, %dma_start3A_305] : memref<10128x128xf32, #tpu.memory_space<vmem_shared>> -> memref<10128x128xf32, #tpu.memory_space<vmem_shared>>
      tpu.enqueue_indirect_dma source(%arg23 : memref<128x128xf32, #tpu.memory_space<vmem>>) target(%dma_start3A_306 : memref<10128x128xf32, #tpu.memory_space<vmem_shared>>) offsets(%arg19 : memref<128xi32, #tpu.memory_space<vmem>>) semaphore(%arg28 : memref<!tpu.dma_semaphore, #tpu.memory_space<semaphore_mem>>) {add = true}
      %dma_wait3A_307 = arith.constant 0 : i32
      %dma_wait3A_308 = arith.constant 0 : i32
      %dma_wait3A_309 = tpu.memref_slice %arg4[%dma_wait3A_307, %dma_wait3A_308] : memref<10000x128xf32, #tpu.memory_space<hbm>> -> memref<128x128xf32, #tpu.memory_space<hbm>>
      %dma_wait3A_310 = arith.constant 0 : i32
      %dma_wait3A_311 = arith.constant 0 : i32
      %dma_wait3A_312 = tpu.memref_slice %arg4[%dma_wait3A_310, %dma_wait3A_311] : memref<10000x128xf32, #tpu.memory_space<hbm>> -> memref<128x128xf32, #tpu.memory_space<hbm>>
      tpu.wait_dma2 semaphore(%arg28 : memref<!tpu.dma_semaphore, #tpu.memory_space<semaphore_mem>>) src(%dma_wait3A_312 : memref<128x128xf32, #tpu.memory_space<hbm>>) dst(%arg23 : memref<128x128xf32, #tpu.memory_space<vmem>>)
      %lt3A_313 = arith.constant 9 : i32
      %lt3A_314 = arith.cmpi slt, %scan3A_97, %lt3A_313 : i32
      %convert_element_type3A_315 = arith.extui %lt3A_314 : i1 to i32
      %cond3A_316 = arith.constant 0 : i32
      %cond3A_317 = arith.cmpi ne, %convert_element_type3A_315, %cond3A_316 : i32
      scf.if %cond3A_317 {
        %mul3A_335 = arith.constant 8 : i32
        %mul3A_336 = arith.muli %mul3A_335, %scan3A_97 : i32
        %add3A_337 = arith.constant 7 : i32
        %add3A_338 = arith.addi %mul3A_336, %add3A_337 : i32
        %add3A_339 = arith.constant 6 : i32
        %add3A_340 = arith.addi %add3A_338, %add3A_339 : i32
        %mul3A_341 = arith.constant 128 : i32
        %mul3A_342 = arith.muli %add3A_340, %mul3A_341 : i32
        %add3A_343 = arith.addi %mul3A_19, %mul3A_342 : i32
        %multiple_of3A_344 = tpu.assume_multiple %add3A_343, 8 : i32
        %dma_start3A_345 = tpu.memref_slice %arg2[%multiple_of3A_344] : memref<327680xi32, #tpu.memory_space<hbm>> -> memref<128xi32, #tpu.memory_space<hbm>>
        %dma_start3A_346 = tpu.memref_slice %arg2[%multiple_of3A_344] : memref<327680xi32, #tpu.memory_space<hbm>> -> memref<128xi32, #tpu.memory_space<hbm>>
        tpu.enqueue_dma source(%dma_start3A_346 : memref<128xi32, #tpu.memory_space<hbm>>) target(%arg11 : memref<128xi32, #tpu.memory_space<vmem>>) target_semaphore(%arg34 : memref<!tpu.dma_semaphore, #tpu.memory_space<semaphore_mem>>)
        %dma_start3A_347 = tpu.memref_slice %arg3[%multiple_of3A_344] : memref<327680xi32, #tpu.memory_space<hbm>> -> memref<128xi32, #tpu.memory_space<hbm>>
        %dma_start3A_348 = tpu.memref_slice %arg3[%multiple_of3A_344] : memref<327680xi32, #tpu.memory_space<hbm>> -> memref<128xi32, #tpu.memory_space<hbm>>
        tpu.enqueue_dma source(%dma_start3A_348 : memref<128xi32, #tpu.memory_space<hbm>>) target(%arg19 : memref<128xi32, #tpu.memory_space<vmem>>) target_semaphore(%arg34 : memref<!tpu.dma_semaphore, #tpu.memory_space<semaphore_mem>>)
      } else {
      }
      %dma_wait3A_318 = arith.constant 0 : i32
      %dma_wait3A_319 = tpu.memref_slice %arg2[%dma_wait3A_318] : memref<327680xi32, #tpu.memory_space<hbm>> -> memref<128xi32, #tpu.memory_space<hbm>>
      %dma_wait3A_320 = arith.constant 0 : i32
      %dma_wait3A_321 = tpu.memref_slice %arg2[%dma_wait3A_320] : memref<327680xi32, #tpu.memory_space<hbm>> -> memref<128xi32, #tpu.memory_space<hbm>>
      tpu.wait_dma2 semaphore(%arg36 : memref<!tpu.dma_semaphore, #tpu.memory_space<semaphore_mem>>) src(%dma_wait3A_321 : memref<128xi32, #tpu.memory_space<hbm>>) dst(%arg13 : memref<128xi32, #tpu.memory_space<vmem>>)
      %dma_wait3A_322 = arith.constant 0 : i32
      %dma_wait3A_323 = tpu.memref_slice %arg2[%dma_wait3A_322] : memref<327680xi32, #tpu.memory_space<hbm>> -> memref<128xi32, #tpu.memory_space<hbm>>
      %dma_wait3A_324 = arith.constant 0 : i32
      %dma_wait3A_325 = tpu.memref_slice %arg2[%dma_wait3A_324] : memref<327680xi32, #tpu.memory_space<hbm>> -> memref<128xi32, #tpu.memory_space<hbm>>
      tpu.wait_dma2 semaphore(%arg36 : memref<!tpu.dma_semaphore, #tpu.memory_space<semaphore_mem>>) src(%dma_wait3A_325 : memref<128xi32, #tpu.memory_space<hbm>>) dst(%arg21 : memref<128xi32, #tpu.memory_space<vmem>>)
      %dma_start3A_326 = arith.constant 0 : i32
      %dma_start3A_327 = arith.constant 0 : i32
      %dma_start3A_328 = tpu.memref_slice %arg4[%dma_start3A_326, %dma_start3A_327] : memref<10000x128xf32, #tpu.memory_space<hbm>> -> memref<10000x128xf32, #tpu.memory_space<hbm>>
      tpu.enqueue_indirect_dma source(%dma_start3A_328 : memref<10000x128xf32, #tpu.memory_space<hbm>>) target(%arg23 : memref<128x128xf32, #tpu.memory_space<vmem>>) offsets(%arg13 : memref<128xi32, #tpu.memory_space<vmem>>) semaphore(%arg26 : memref<!tpu.dma_semaphore, #tpu.memory_space<semaphore_mem>>)
      %dma_wait3A_329 = arith.constant 0 : i32
      %dma_wait3A_330 = arith.constant 0 : i32
      %dma_wait3A_331 = tpu.memref_slice %arg4[%dma_wait3A_329, %dma_wait3A_330] : memref<10000x128xf32, #tpu.memory_space<hbm>> -> memref<10000x128xf32, #tpu.memory_space<hbm>>
      tpu.wait_indirect_dma semaphore(%arg25 : memref<!tpu.dma_semaphore, #tpu.memory_space<semaphore_mem>>) src(%dma_wait3A_331 : memref<10000x128xf32, #tpu.memory_space<hbm>>) dst(%arg22 : memref<128x128xf32, #tpu.memory_space<vmem>>)
      %dma_start3A_332 = arith.constant 0 : i32
      %dma_start3A_333 = arith.constant 0 : i32
      %dma_start3A_334 = tpu.memref_slice %arg24[%dma_start3A_332, %dma_start3A_333] : memref<10128x128xf32, #tpu.memory_space<vmem_shared>> -> memref<10128x128xf32, #tpu.memory_space<vmem_shared>>
      tpu.enqueue_indirect_dma source(%arg22 : memref<128x128xf32, #tpu.memory_space<vmem>>) target(%dma_start3A_334 : memref<10128x128xf32, #tpu.memory_space<vmem_shared>>) offsets(%arg20 : memref<128xi32, #tpu.memory_space<vmem>>) semaphore(%arg27 : memref<!tpu.dma_semaphore, #tpu.memory_space<semaphore_mem>>) {add = true}
    }
    %scan3A_65 = arith.constant 10 : i32
    %dma_wait3A = arith.constant 0 : i32
    %dma_wait3A_66 = arith.constant 0 : i32
    %dma_wait3A_67 = tpu.memref_slice %arg4[%dma_wait3A, %dma_wait3A_66] : memref<10000x128xf32, #tpu.memory_space<hbm>> -> memref<128x128xf32, #tpu.memory_space<hbm>>
    %dma_wait3A_68 = arith.constant 0 : i32
    %dma_wait3A_69 = arith.constant 0 : i32
    %dma_wait3A_70 = tpu.memref_slice %arg4[%dma_wait3A_68, %dma_wait3A_69] : memref<10000x128xf32, #tpu.memory_space<hbm>> -> memref<128x128xf32, #tpu.memory_space<hbm>>
    tpu.wait_dma2 semaphore(%arg26 : memref<!tpu.dma_semaphore, #tpu.memory_space<semaphore_mem>>) src(%dma_wait3A_70 : memref<128x128xf32, #tpu.memory_space<hbm>>) dst(%arg23 : memref<128x128xf32, #tpu.memory_space<vmem>>)
    %dma_start3A_71 = arith.constant 0 : i32
    %dma_start3A_72 = arith.constant 0 : i32
    %dma_start3A_73 = tpu.memref_slice %arg24[%dma_start3A_71, %dma_start3A_72] : memref<10128x128xf32, #tpu.memory_space<vmem_shared>> -> memref<10128x128xf32, #tpu.memory_space<vmem_shared>>
    tpu.enqueue_indirect_dma source(%arg23 : memref<128x128xf32, #tpu.memory_space<vmem>>) target(%dma_start3A_73 : memref<10128x128xf32, #tpu.memory_space<vmem_shared>>) offsets(%arg21 : memref<128xi32, #tpu.memory_space<vmem>>) semaphore(%arg28 : memref<!tpu.dma_semaphore, #tpu.memory_space<semaphore_mem>>) {add = true}
    %dma_wait3A_74 = arith.constant 0 : i32
    %dma_wait3A_75 = arith.constant 0 : i32
    %dma_wait3A_76 = tpu.memref_slice %arg4[%dma_wait3A_74, %dma_wait3A_75] : memref<10000x128xf32, #tpu.memory_space<hbm>> -> memref<128x128xf32, #tpu.memory_space<hbm>>
    %dma_wait3A_77 = arith.constant 0 : i32
    %dma_wait3A_78 = arith.constant 0 : i32
    %dma_wait3A_79 = tpu.memref_slice %arg4[%dma_wait3A_77, %dma_wait3A_78] : memref<10000x128xf32, #tpu.memory_space<hbm>> -> memref<128x128xf32, #tpu.memory_space<hbm>>
    tpu.wait_dma2 semaphore(%arg27 : memref<!tpu.dma_semaphore, #tpu.memory_space<semaphore_mem>>) src(%dma_wait3A_79 : memref<128x128xf32, #tpu.memory_space<hbm>>) dst(%arg22 : memref<128x128xf32, #tpu.memory_space<vmem>>)
    %dma_wait3A_80 = arith.constant 0 : i32
    %dma_wait3A_81 = arith.constant 0 : i32
    %dma_wait3A_82 = tpu.memref_slice %arg4[%dma_wait3A_80, %dma_wait3A_81] : memref<10000x128xf32, #tpu.memory_space<hbm>> -> memref<128x128xf32, #tpu.memory_space<hbm>>
    %dma_wait3A_83 = arith.constant 0 : i32
    %dma_wait3A_84 = arith.constant 0 : i32
    %dma_wait3A_85 = tpu.memref_slice %arg4[%dma_wait3A_83, %dma_wait3A_84] : memref<10000x128xf32, #tpu.memory_space<hbm>> -> memref<128x128xf32, #tpu.memory_space<hbm>>
    tpu.wait_dma2 semaphore(%arg28 : memref<!tpu.dma_semaphore, #tpu.memory_space<semaphore_mem>>) src(%dma_wait3A_85 : memref<128x128xf32, #tpu.memory_space<hbm>>) dst(%arg23 : memref<128x128xf32, #tpu.memory_space<vmem>>)
    %barrier3A_86 = arith.constant 0 : index
    tpu.barrier barrier_id(%barrier3A_86)
    %ne3A_87 = arith.constant 15 : i32
    %ne3A_88 = arith.cmpi ne, %arg1, %ne3A_87 : i32
    %convert_element_type3A_89 = arith.extui %ne3A_88 : i1 to i32
    %cond3A_90 = arith.constant 0 : i32
    %cond3A_91 = arith.cmpi ne, %convert_element_type3A_89, %cond3A_90 : i32
    scf.if %cond3A_91 {
      %mul3A_97 = arith.constant 624 : i32
      %mul3A_98 = arith.muli %arg1, %mul3A_97 : i32
      %multiple_of3A_99 = tpu.assume_multiple %mul3A_98, 8 : i32
      %add3A_100 = arith.constant 0 : i32
      %add3A_101 = arith.addi %multiple_of3A_99, %add3A_100 : i32
      %add3A_102 = arith.constant 0 : i32
      %add3A_103 = arith.addi %multiple_of3A_99, %add3A_102 : i32
      "tpu.region"() ({
        %run_scoped3A = tpu.sem_alloc : memref<!tpu.dma_semaphore, #tpu.memory_space<semaphore_mem>>
        %dma_start3A_120 = arith.constant 0 : i32
        %dma_start3A_121 = tpu.memref_slice %arg5[%arg0, %add3A_103, %dma_start3A_120] : memref<2x10000x128xf32, #tpu.memory_space<hbm>> -> memref<1x128x128xf32, #tpu.memory_space<hbm>>
        %dma_start3A_122 = tpu.memref_squeeze %dma_start3A_121 : memref<1x128x128xf32, #tpu.memory_space<hbm>> -> memref<128x128xf32, #tpu.memory_space<hbm>>
        %dma_start3A_123 = arith.constant 0 : i32
        %dma_start3A_124 = tpu.memref_slice %arg24[%add3A_101, %dma_start3A_123] : memref<10128x128xf32, #tpu.memory_space<vmem_shared>> -> memref<128x128xf32, #tpu.memory_space<vmem_shared>>
        tpu.enqueue_dma source(%dma_start3A_124 : memref<128x128xf32, #tpu.memory_space<vmem_shared>>) target(%dma_start3A_122 : memref<128x128xf32, #tpu.memory_space<hbm>>) target_semaphore(%run_scoped3A : memref<!tpu.dma_semaphore, #tpu.memory_space<semaphore_mem>>)
        %dma_wait3A_125 = arith.constant 0 : i32
        %dma_wait3A_126 = tpu.memref_slice %arg5[%arg0, %add3A_103, %dma_wait3A_125] : memref<2x10000x128xf32, #tpu.memory_space<hbm>> -> memref<1x128x128xf32, #tpu.memory_space<hbm>>
        %dma_wait3A_127 = tpu.memref_squeeze %dma_wait3A_126 : memref<1x128x128xf32, #tpu.memory_space<hbm>> -> memref<128x128xf32, #tpu.memory_space<hbm>>
        %dma_wait3A_128 = arith.constant 0 : i32
        %dma_wait3A_129 = tpu.memref_slice %arg24[%add3A_101, %dma_wait3A_128] : memref<10128x128xf32, #tpu.memory_space<vmem_shared>> -> memref<128x128xf32, #tpu.memory_space<vmem_shared>>
        tpu.wait_dma2 semaphore(%run_scoped3A : memref<!tpu.dma_semaphore, #tpu.memory_space<semaphore_mem>>) src(%dma_wait3A_129 : memref<128x128xf32, #tpu.memory_space<vmem_shared>>) dst(%dma_wait3A_127 : memref<128x128xf32, #tpu.memory_space<hbm>>)
        tpu.yield
      }) : () -> ()
      %add3A_104 = arith.constant 128 : i32
      %add3A_105 = arith.addi %multiple_of3A_99, %add3A_104 : i32
      %add3A_106 = arith.constant 128 : i32
      %add3A_107 = arith.addi %multiple_of3A_99, %add3A_106 : i32
      "tpu.region"() ({
        %run_scoped3A = tpu.sem_alloc : memref<!tpu.dma_semaphore, #tpu.memory_space<semaphore_mem>>
        %dma_start3A_120 = arith.constant 0 : i32
        %dma_start3A_121 = tpu.memref_slice %arg5[%arg0, %add3A_107, %dma_start3A_120] : memref<2x10000x128xf32, #tpu.memory_space<hbm>> -> memref<1x128x128xf32, #tpu.memory_space<hbm>>
        %dma_start3A_122 = tpu.memref_squeeze %dma_start3A_121 : memref<1x128x128xf32, #tpu.memory_space<hbm>> -> memref<128x128xf32, #tpu.memory_space<hbm>>
        %dma_start3A_123 = arith.constant 0 : i32
        %dma_start3A_124 = tpu.memref_slice %arg24[%add3A_105, %dma_start3A_123] : memref<10128x128xf32, #tpu.memory_space<vmem_shared>> -> memref<128x128xf32, #tpu.memory_space<vmem_shared>>
        tpu.enqueue_dma source(%dma_start3A_124 : memref<128x128xf32, #tpu.memory_space<vmem_shared>>) target(%dma_start3A_122 : memref<128x128xf32, #tpu.memory_space<hbm>>) target_semaphore(%run_scoped3A : memref<!tpu.dma_semaphore, #tpu.memory_space<semaphore_mem>>)
        %dma_wait3A_125 = arith.constant 0 : i32
        %dma_wait3A_126 = tpu.memref_slice %arg5[%arg0, %add3A_107, %dma_wait3A_125] : memref<2x10000x128xf32, #tpu.memory_space<hbm>> -> memref<1x128x128xf32, #tpu.memory_space<hbm>>
        %dma_wait3A_127 = tpu.memref_squeeze %dma_wait3A_126 : memref<1x128x128xf32, #tpu.memory_space<hbm>> -> memref<128x128xf32, #tpu.memory_space<hbm>>
        %dma_wait3A_128 = arith.constant 0 : i32
        %dma_wait3A_129 = tpu.memref_slice %arg24[%add3A_105, %dma_wait3A_128] : memref<10128x128xf32, #tpu.memory_space<vmem_shared>> -> memref<128x128xf32, #tpu.memory_space<vmem_shared>>
        tpu.wait_dma2 semaphore(%run_scoped3A : memref<!tpu.dma_semaphore, #tpu.memory_space<semaphore_mem>>) src(%dma_wait3A_129 : memref<128x128xf32, #tpu.memory_space<vmem_shared>>) dst(%dma_wait3A_127 : memref<128x128xf32, #tpu.memory_space<hbm>>)
        tpu.yield
      }) : () -> ()
      %add3A_108 = arith.constant 256 : i32
      %add3A_109 = arith.addi %multiple_of3A_99, %add3A_108 : i32
      %add3A_110 = arith.constant 256 : i32
      %add3A_111 = arith.addi %multiple_of3A_99, %add3A_110 : i32
      "tpu.region"() ({
        %run_scoped3A = tpu.sem_alloc : memref<!tpu.dma_semaphore, #tpu.memory_space<semaphore_mem>>
        %dma_start3A_120 = arith.constant 0 : i32
        %dma_start3A_121 = tpu.memref_slice %arg5[%arg0, %add3A_111, %dma_start3A_120] : memref<2x10000x128xf32, #tpu.memory_space<hbm>> -> memref<1x128x128xf32, #tpu.memory_space<hbm>>
        %dma_start3A_122 = tpu.memref_squeeze %dma_start3A_121 : memref<1x128x128xf32, #tpu.memory_space<hbm>> -> memref<128x128xf32, #tpu.memory_space<hbm>>
        %dma_start3A_123 = arith.constant 0 : i32
        %dma_start3A_124 = tpu.memref_slice %arg24[%add3A_109, %dma_start3A_123] : memref<10128x128xf32, #tpu.memory_space<vmem_shared>> -> memref<128x128xf32, #tpu.memory_space<vmem_shared>>
        tpu.enqueue_dma source(%dma_start3A_124 : memref<128x128xf32, #tpu.memory_space<vmem_shared>>) target(%dma_start3A_122 : memref<128x128xf32, #tpu.memory_space<hbm>>) target_semaphore(%run_scoped3A : memref<!tpu.dma_semaphore, #tpu.memory_space<semaphore_mem>>)
        %dma_wait3A_125 = arith.constant 0 : i32
        %dma_wait3A_126 = tpu.memref_slice %arg5[%arg0, %add3A_111, %dma_wait3A_125] : memref<2x10000x128xf32, #tpu.memory_space<hbm>> -> memref<1x128x128xf32, #tpu.memory_space<hbm>>
        %dma_wait3A_127 = tpu.memref_squeeze %dma_wait3A_126 : memref<1x128x128xf32, #tpu.memory_space<hbm>> -> memref<128x128xf32, #tpu.memory_space<hbm>>
        %dma_wait3A_128 = arith.constant 0 : i32
        %dma_wait3A_129 = tpu.memref_slice %arg24[%add3A_109, %dma_wait3A_128] : memref<10128x128xf32, #tpu.memory_space<vmem_shared>> -> memref<128x128xf32, #tpu.memory_space<vmem_shared>>
        tpu.wait_dma2 semaphore(%run_scoped3A : memref<!tpu.dma_semaphore, #tpu.memory_space<semaphore_mem>>) src(%dma_wait3A_129 : memref<128x128xf32, #tpu.memory_space<vmem_shared>>) dst(%dma_wait3A_127 : memref<128x128xf32, #tpu.memory_space<hbm>>)
        tpu.yield
      }) : () -> ()
      %add3A_112 = arith.constant 384 : i32
      %add3A_113 = arith.addi %multiple_of3A_99, %add3A_112 : i32
      %add3A_114 = arith.constant 384 : i32
      %add3A_115 = arith.addi %multiple_of3A_99, %add3A_114 : i32
      "tpu.region"() ({
        %run_scoped3A = tpu.sem_alloc : memref<!tpu.dma_semaphore, #tpu.memory_space<semaphore_mem>>
        %dma_start3A_120 = arith.constant 0 : i32
        %dma_start3A_121 = tpu.memref_slice %arg5[%arg0, %add3A_115, %dma_start3A_120] : memref<2x10000x128xf32, #tpu.memory_space<hbm>> -> memref<1x128x128xf32, #tpu.memory_space<hbm>>
        %dma_start3A_122 = tpu.memref_squeeze %dma_start3A_121 : memref<1x128x128xf32, #tpu.memory_space<hbm>> -> memref<128x128xf32, #tpu.memory_space<hbm>>
        %dma_start3A_123 = arith.constant 0 : i32
        %dma_start3A_124 = tpu.memref_slice %arg24[%add3A_113, %dma_start3A_123] : memref<10128x128xf32, #tpu.memory_space<vmem_shared>> -> memref<128x128xf32, #tpu.memory_space<vmem_shared>>
        tpu.enqueue_dma source(%dma_start3A_124 : memref<128x128xf32, #tpu.memory_space<vmem_shared>>) target(%dma_start3A_122 : memref<128x128xf32, #tpu.memory_space<hbm>>) target_semaphore(%run_scoped3A : memref<!tpu.dma_semaphore, #tpu.memory_space<semaphore_mem>>)
        %dma_wait3A_125 = arith.constant 0 : i32
        %dma_wait3A_126 = tpu.memref_slice %arg5[%arg0, %add3A_115, %dma_wait3A_125] : memref<2x10000x128xf32, #tpu.memory_space<hbm>> -> memref<1x128x128xf32, #tpu.memory_space<hbm>>
        %dma_wait3A_127 = tpu.memref_squeeze %dma_wait3A_126 : memref<1x128x128xf32, #tpu.memory_space<hbm>> -> memref<128x128xf32, #tpu.memory_space<hbm>>
        %dma_wait3A_128 = arith.constant 0 : i32
        %dma_wait3A_129 = tpu.memref_slice %arg24[%add3A_113, %dma_wait3A_128] : memref<10128x128xf32, #tpu.memory_space<vmem_shared>> -> memref<128x128xf32, #tpu.memory_space<vmem_shared>>
        tpu.wait_dma2 semaphore(%run_scoped3A : memref<!tpu.dma_semaphore, #tpu.memory_space<semaphore_mem>>) src(%dma_wait3A_129 : memref<128x128xf32, #tpu.memory_space<vmem_shared>>) dst(%dma_wait3A_127 : memref<128x128xf32, #tpu.memory_space<hbm>>)
        tpu.yield
      }) : () -> ()
      %add3A_116 = arith.constant 512 : i32
      %add3A_117 = arith.addi %multiple_of3A_99, %add3A_116 : i32
      %add3A_118 = arith.constant 512 : i32
      %add3A_119 = arith.addi %multiple_of3A_99, %add3A_118 : i32
      "tpu.region"() ({
        %run_scoped3A = tpu.sem_alloc : memref<!tpu.dma_semaphore, #tpu.memory_space<semaphore_mem>>
        %dma_start3A_120 = arith.constant 0 : i32
        %dma_start3A_121 = tpu.memref_slice %arg5[%arg0, %add3A_119, %dma_start3A_120] : memref<2x10000x128xf32, #tpu.memory_space<hbm>> -> memref<1x112x128xf32, #tpu.memory_space<hbm>>
        %dma_start3A_122 = tpu.memref_squeeze %dma_start3A_121 : memref<1x112x128xf32, #tpu.memory_space<hbm>> -> memref<112x128xf32, #tpu.memory_space<hbm>>
        %dma_start3A_123 = arith.constant 0 : i32
        %dma_start3A_124 = tpu.memref_slice %arg24[%add3A_117, %dma_start3A_123] : memref<10128x128xf32, #tpu.memory_space<vmem_shared>> -> memref<112x128xf32, #tpu.memory_space<vmem_shared>>
        tpu.enqueue_dma source(%dma_start3A_124 : memref<112x128xf32, #tpu.memory_space<vmem_shared>>) target(%dma_start3A_122 : memref<112x128xf32, #tpu.memory_space<hbm>>) target_semaphore(%run_scoped3A : memref<!tpu.dma_semaphore, #tpu.memory_space<semaphore_mem>>)
        %dma_wait3A_125 = arith.constant 0 : i32
        %dma_wait3A_126 = tpu.memref_slice %arg5[%arg0, %add3A_119, %dma_wait3A_125] : memref<2x10000x128xf32, #tpu.memory_space<hbm>> -> memref<1x112x128xf32, #tpu.memory_space<hbm>>
        %dma_wait3A_127 = tpu.memref_squeeze %dma_wait3A_126 : memref<1x112x128xf32, #tpu.memory_space<hbm>> -> memref<112x128xf32, #tpu.memory_space<hbm>>
        %dma_wait3A_128 = arith.constant 0 : i32
        %dma_wait3A_129 = tpu.memref_slice %arg24[%add3A_117, %dma_wait3A_128] : memref<10128x128xf32, #tpu.memory_space<vmem_shared>> -> memref<112x128xf32, #tpu.memory_space<vmem_shared>>
        tpu.wait_dma2 semaphore(%run_scoped3A : memref<!tpu.dma_semaphore, #tpu.memory_space<semaphore_mem>>) src(%dma_wait3A_129 : memref<112x128xf32, #tpu.memory_space<vmem_shared>>) dst(%dma_wait3A_127 : memref<112x128xf32, #tpu.memory_space<hbm>>)
        tpu.yield
      }) : () -> ()
    } else {
    }
    %eq3A_92 = arith.constant 15 : i32
    %eq3A_93 = arith.cmpi eq, %arg1, %eq3A_92 : i32
    %convert_element_type3A_94 = arith.extui %eq3A_93 : i1 to i32
    %cond3A_95 = arith.constant 0 : i32
    %cond3A_96 = arith.cmpi ne, %convert_element_type3A_94, %cond3A_95 : i32
    scf.if %cond3A_96 {
      "tpu.region"() ({
        %run_scoped3A = tpu.sem_alloc : memref<!tpu.dma_semaphore, #tpu.memory_space<semaphore_mem>>
        %dma_start3A_97 = arith.constant 9360 : i32
        %dma_start3A_98 = arith.constant 0 : i32
        %dma_start3A_99 = tpu.memref_slice %arg5[%arg0, %dma_start3A_97, %dma_start3A_98] : memref<2x10000x128xf32, #tpu.memory_space<hbm>> -> memref<1x128x128xf32, #tpu.memory_space<hbm>>
        %dma_start3A_100 = tpu.memref_squeeze %dma_start3A_99 : memref<1x128x128xf32, #tpu.memory_space<hbm>> -> memref<128x128xf32, #tpu.memory_space<hbm>>
        %dma_start3A_101 = arith.constant 9360 : i32
        %dma_start3A_102 = arith.constant 0 : i32
        %dma_start3A_103 = tpu.memref_slice %arg24[%dma_start3A_101, %dma_start3A_102] : memref<10128x128xf32, #tpu.memory_space<vmem_shared>> -> memref<128x128xf32, #tpu.memory_space<vmem_shared>>
        tpu.enqueue_dma source(%dma_start3A_103 : memref<128x128xf32, #tpu.memory_space<vmem_shared>>) target(%dma_start3A_100 : memref<128x128xf32, #tpu.memory_space<hbm>>) target_semaphore(%run_scoped3A : memref<!tpu.dma_semaphore, #tpu.memory_space<semaphore_mem>>)
        %dma_wait3A_104 = arith.constant 9360 : i32
        %dma_wait3A_105 = arith.constant 0 : i32
        %dma_wait3A_106 = tpu.memref_slice %arg5[%arg0, %dma_wait3A_104, %dma_wait3A_105] : memref<2x10000x128xf32, #tpu.memory_space<hbm>> -> memref<1x128x128xf32, #tpu.memory_space<hbm>>
        %dma_wait3A_107 = tpu.memref_squeeze %dma_wait3A_106 : memref<1x128x128xf32, #tpu.memory_space<hbm>> -> memref<128x128xf32, #tpu.memory_space<hbm>>
        %dma_wait3A_108 = arith.constant 9360 : i32
        %dma_wait3A_109 = arith.constant 0 : i32
        %dma_wait3A_110 = tpu.memref_slice %arg24[%dma_wait3A_108, %dma_wait3A_109] : memref<10128x128xf32, #tpu.memory_space<vmem_shared>> -> memref<128x128xf32, #tpu.memory_space<vmem_shared>>
        tpu.wait_dma2 semaphore(%run_scoped3A : memref<!tpu.dma_semaphore, #tpu.memory_space<semaphore_mem>>) src(%dma_wait3A_110 : memref<128x128xf32, #tpu.memory_space<vmem_shared>>) dst(%dma_wait3A_107 : memref<128x128xf32, #tpu.memory_space<hbm>>)
        tpu.yield
      }) : () -> ()
      "tpu.region"() ({
        %run_scoped3A = tpu.sem_alloc : memref<!tpu.dma_semaphore, #tpu.memory_space<semaphore_mem>>
        %dma_start3A_97 = arith.constant 9488 : i32
        %dma_start3A_98 = arith.constant 0 : i32
        %dma_start3A_99 = tpu.memref_slice %arg5[%arg0, %dma_start3A_97, %dma_start3A_98] : memref<2x10000x128xf32, #tpu.memory_space<hbm>> -> memref<1x128x128xf32, #tpu.memory_space<hbm>>
        %dma_start3A_100 = tpu.memref_squeeze %dma_start3A_99 : memref<1x128x128xf32, #tpu.memory_space<hbm>> -> memref<128x128xf32, #tpu.memory_space<hbm>>
        %dma_start3A_101 = arith.constant 9488 : i32
        %dma_start3A_102 = arith.constant 0 : i32
        %dma_start3A_103 = tpu.memref_slice %arg24[%dma_start3A_101, %dma_start3A_102] : memref<10128x128xf32, #tpu.memory_space<vmem_shared>> -> memref<128x128xf32, #tpu.memory_space<vmem_shared>>
        tpu.enqueue_dma source(%dma_start3A_103 : memref<128x128xf32, #tpu.memory_space<vmem_shared>>) target(%dma_start3A_100 : memref<128x128xf32, #tpu.memory_space<hbm>>) target_semaphore(%run_scoped3A : memref<!tpu.dma_semaphore, #tpu.memory_space<semaphore_mem>>)
        %dma_wait3A_104 = arith.constant 9488 : i32
        %dma_wait3A_105 = arith.constant 0 : i32
        %dma_wait3A_106 = tpu.memref_slice %arg5[%arg0, %dma_wait3A_104, %dma_wait3A_105] : memref<2x10000x128xf32, #tpu.memory_space<hbm>> -> memref<1x128x128xf32, #tpu.memory_space<hbm>>
        %dma_wait3A_107 = tpu.memref_squeeze %dma_wait3A_106 : memref<1x128x128xf32, #tpu.memory_space<hbm>> -> memref<128x128xf32, #tpu.memory_space<hbm>>
        %dma_wait3A_108 = arith.constant 9488 : i32
        %dma_wait3A_109 = arith.constant 0 : i32
        %dma_wait3A_110 = tpu.memref_slice %arg24[%dma_wait3A_108, %dma_wait3A_109] : memref<10128x128xf32, #tpu.memory_space<vmem_shared>> -> memref<128x128xf32, #tpu.memory_space<vmem_shared>>
        tpu.wait_dma2 semaphore(%run_scoped3A : memref<!tpu.dma_semaphore, #tpu.memory_space<semaphore_mem>>) src(%dma_wait3A_110 : memref<128x128xf32, #tpu.memory_space<vmem_shared>>) dst(%dma_wait3A_107 : memref<128x128xf32, #tpu.memory_space<hbm>>)
        tpu.yield
      }) : () -> ()
      "tpu.region"() ({
        %run_scoped3A = tpu.sem_alloc : memref<!tpu.dma_semaphore, #tpu.memory_space<semaphore_mem>>
        %dma_start3A_97 = arith.constant 9616 : i32
        %dma_start3A_98 = arith.constant 0 : i32
        %dma_start3A_99 = tpu.memref_slice %arg5[%arg0, %dma_start3A_97, %dma_start3A_98] : memref<2x10000x128xf32, #tpu.memory_space<hbm>> -> memref<1x128x128xf32, #tpu.memory_space<hbm>>
        %dma_start3A_100 = tpu.memref_squeeze %dma_start3A_99 : memref<1x128x128xf32, #tpu.memory_space<hbm>> -> memref<128x128xf32, #tpu.memory_space<hbm>>
        %dma_start3A_101 = arith.constant 9616 : i32
        %dma_start3A_102 = arith.constant 0 : i32
        %dma_start3A_103 = tpu.memref_slice %arg24[%dma_start3A_101, %dma_start3A_102] : memref<10128x128xf32, #tpu.memory_space<vmem_shared>> -> memref<128x128xf32, #tpu.memory_space<vmem_shared>>
        tpu.enqueue_dma source(%dma_start3A_103 : memref<128x128xf32, #tpu.memory_space<vmem_shared>>) target(%dma_start3A_100 : memref<128x128xf32, #tpu.memory_space<hbm>>) target_semaphore(%run_scoped3A : memref<!tpu.dma_semaphore, #tpu.memory_space<semaphore_mem>>)
        %dma_wait3A_104 = arith.constant 9616 : i32
        %dma_wait3A_105 = arith.constant 0 : i32
        %dma_wait3A_106 = tpu.memref_slice %arg5[%arg0, %dma_wait3A_104, %dma_wait3A_105] : memref<2x10000x128xf32, #tpu.memory_space<hbm>> -> memref<1x128x128xf32, #tpu.memory_space<hbm>>
        %dma_wait3A_107 = tpu.memref_squeeze %dma_wait3A_106 : memref<1x128x128xf32, #tpu.memory_space<hbm>> -> memref<128x128xf32, #tpu.memory_space<hbm>>
        %dma_wait3A_108 = arith.constant 9616 : i32
        %dma_wait3A_109 = arith.constant 0 : i32
        %dma_wait3A_110 = tpu.memref_slice %arg24[%dma_wait3A_108, %dma_wait3A_109] : memref<10128x128xf32, #tpu.memory_space<vmem_shared>> -> memref<128x128xf32, #tpu.memory_space<vmem_shared>>
        tpu.wait_dma2 semaphore(%run_scoped3A : memref<!tpu.dma_semaphore, #tpu.memory_space<semaphore_mem>>) src(%dma_wait3A_110 : memref<128x128xf32, #tpu.memory_space<vmem_shared>>) dst(%dma_wait3A_107 : memref<128x128xf32, #tpu.memory_space<hbm>>)
        tpu.yield
      }) : () -> ()
      "tpu.region"() ({
        %run_scoped3A = tpu.sem_alloc : memref<!tpu.dma_semaphore, #tpu.memory_space<semaphore_mem>>
        %dma_start3A_97 = arith.constant 9744 : i32
        %dma_start3A_98 = arith.constant 0 : i32
        %dma_start3A_99 = tpu.memref_slice %arg5[%arg0, %dma_start3A_97, %dma_start3A_98] : memref<2x10000x128xf32, #tpu.memory_space<hbm>> -> memref<1x128x128xf32, #tpu.memory_space<hbm>>
        %dma_start3A_100 = tpu.memref_squeeze %dma_start3A_99 : memref<1x128x128xf32, #tpu.memory_space<hbm>> -> memref<128x128xf32, #tpu.memory_space<hbm>>
        %dma_start3A_101 = arith.constant 9744 : i32
        %dma_start3A_102 = arith.constant 0 : i32
        %dma_start3A_103 = tpu.memref_slice %arg24[%dma_start3A_101, %dma_start3A_102] : memref<10128x128xf32, #tpu.memory_space<vmem_shared>> -> memref<128x128xf32, #tpu.memory_space<vmem_shared>>
        tpu.enqueue_dma source(%dma_start3A_103 : memref<128x128xf32, #tpu.memory_space<vmem_shared>>) target(%dma_start3A_100 : memref<128x128xf32, #tpu.memory_space<hbm>>) target_semaphore(%run_scoped3A : memref<!tpu.dma_semaphore, #tpu.memory_space<semaphore_mem>>)
        %dma_wait3A_104 = arith.constant 9744 : i32
        %dma_wait3A_105 = arith.constant 0 : i32
        %dma_wait3A_106 = tpu.memref_slice %arg5[%arg0, %dma_wait3A_104, %dma_wait3A_105] : memref<2x10000x128xf32, #tpu.memory_space<hbm>> -> memref<1x128x128xf32, #tpu.memory_space<hbm>>
        %dma_wait3A_107 = tpu.memref_squeeze %dma_wait3A_106 : memref<1x128x128xf32, #tpu.memory_space<hbm>> -> memref<128x128xf32, #tpu.memory_space<hbm>>
        %dma_wait3A_108 = arith.constant 9744 : i32
        %dma_wait3A_109 = arith.constant 0 : i32
        %dma_wait3A_110 = tpu.memref_slice %arg24[%dma_wait3A_108, %dma_wait3A_109] : memref<10128x128xf32, #tpu.memory_space<vmem_shared>> -> memref<128x128xf32, #tpu.memory_space<vmem_shared>>
        tpu.wait_dma2 semaphore(%run_scoped3A : memref<!tpu.dma_semaphore, #tpu.memory_space<semaphore_mem>>) src(%dma_wait3A_110 : memref<128x128xf32, #tpu.memory_space<vmem_shared>>) dst(%dma_wait3A_107 : memref<128x128xf32, #tpu.memory_space<hbm>>)
        tpu.yield
      }) : () -> ()
      "tpu.region"() ({
        %run_scoped3A = tpu.sem_alloc : memref<!tpu.dma_semaphore, #tpu.memory_space<semaphore_mem>>
        %dma_start3A_97 = arith.constant 9872 : i32
        %dma_start3A_98 = arith.constant 0 : i32
        %dma_start3A_99 = tpu.memref_slice %arg5[%arg0, %dma_start3A_97, %dma_start3A_98] : memref<2x10000x128xf32, #tpu.memory_space<hbm>> -> memref<1x128x128xf32, #tpu.memory_space<hbm>>
        %dma_start3A_100 = tpu.memref_squeeze %dma_start3A_99 : memref<1x128x128xf32, #tpu.memory_space<hbm>> -> memref<128x128xf32, #tpu.memory_space<hbm>>
        %dma_start3A_101 = arith.constant 9872 : i32
        %dma_start3A_102 = arith.constant 0 : i32
        %dma_start3A_103 = tpu.memref_slice %arg24[%dma_start3A_101, %dma_start3A_102] : memref<10128x128xf32, #tpu.memory_space<vmem_shared>> -> memref<128x128xf32, #tpu.memory_space<vmem_shared>>
        tpu.enqueue_dma source(%dma_start3A_103 : memref<128x128xf32, #tpu.memory_space<vmem_shared>>) target(%dma_start3A_100 : memref<128x128xf32, #tpu.memory_space<hbm>>) target_semaphore(%run_scoped3A : memref<!tpu.dma_semaphore, #tpu.memory_space<semaphore_mem>>)
        %dma_wait3A_104 = arith.constant 9872 : i32
        %dma_wait3A_105 = arith.constant 0 : i32
        %dma_wait3A_106 = tpu.memref_slice %arg5[%arg0, %dma_wait3A_104, %dma_wait3A_105] : memref<2x10000x128xf32, #tpu.memory_space<hbm>> -> memref<1x128x128xf32, #tpu.memory_space<hbm>>
        %dma_wait3A_107 = tpu.memref_squeeze %dma_wait3A_106 : memref<1x128x128xf32, #tpu.memory_space<hbm>> -> memref<128x128xf32, #tpu.memory_space<hbm>>
        %dma_wait3A_108 = arith.constant 9872 : i32
        %dma_wait3A_109 = arith.constant 0 : i32
        %dma_wait3A_110 = tpu.memref_slice %arg24[%dma_wait3A_108, %dma_wait3A_109] : memref<10128x128xf32, #tpu.memory_space<vmem_shared>> -> memref<128x128xf32, #tpu.memory_space<vmem_shared>>
        tpu.wait_dma2 semaphore(%run_scoped3A : memref<!tpu.dma_semaphore, #tpu.memory_space<semaphore_mem>>) src(%dma_wait3A_110 : memref<128x128xf32, #tpu.memory_space<vmem_shared>>) dst(%dma_wait3A_107 : memref<128x128xf32, #tpu.memory_space<hbm>>)
        tpu.yield
      }) : () -> ()
    } else {
    }
    return
  }
}

#map = affine_map<(d0, d1) -> (0)>
#map1 = affine_map<(d0, d1) -> (0, 0)>
#map2 = affine_map<(d0, d1) -> (0, 0, 0)>
module attributes {stable_mosaic.version = 14 : i64} {
  func.func @k(%arg0: i32, %arg1: i32, %arg2: memref<327680xi32, #tpu.memory_space<hbm>>, %arg3: memref<327680xi32, #tpu.memory_space<hbm>>, %arg4: memref<10000x128xf32, #tpu.memory_space<hbm>>, %arg5: memref<2x10000x128xf32, #tpu.memory_space<hbm>>, %arg6: memref<128xi32, #tpu.memory_space<vmem>>, %arg7: memref<128xi32, #tpu.memory_space<vmem>>, %arg8: memref<128xi32, #tpu.memory_space<vmem>>, %arg9: memref<128xi32, #tpu.memory_space<vmem>>, %arg10: memref<128xi32, #tpu.memory_space<vmem>>, %arg11: memref<128xi32, #tpu.memory_space<vmem>>, %arg12: memref<128xi32, #tpu.memory_space<vmem>>, %arg13: memref<128xi32, #tpu.memory_space<vmem>>, %arg14: memref<128xi32, #tpu.memory_space<vmem>>, %arg15: memref<128xi32, #tpu.memory_space<vmem>>, %arg16: memref<128xi32, #tpu.memory_space<vmem>>, %arg17: memref<128xi32, #tpu.memory_space<vmem>>, %arg18: memref<128xi32, #tpu.memory_space<vmem>>, %arg19: memref<128xi32, #tpu.memory_space<vmem>>, %arg20: memref<128xi32, #tpu.memory_space<vmem>>, %arg21: memref<128xi32, #tpu.memory_space<vmem>>, %arg22: memref<128x128xf32, #tpu.memory_space<vmem>>, %arg23: memref<128x128xf32, #tpu.memory_space<vmem>>, %arg24: memref<10128x128xf32, #tpu.memory_space<vmem_shared>>, %arg25: memref<!tpu.dma_semaphore, #tpu.memory_space<semaphore_mem>>, %arg26: memref<!tpu.dma_semaphore, #tpu.memory_space<semaphore_mem>>, %arg27: memref<!tpu.dma_semaphore, #tpu.memory_space<semaphore_mem>>, %arg28: memref<!tpu.dma_semaphore, #tpu.memory_space<semaphore_mem>>, %arg29: memref<!tpu.dma_semaphore, #tpu.memory_space<semaphore_mem>>, %arg30: memref<!tpu.dma_semaphore, #tpu.memory_space<semaphore_mem>>, %arg31: memref<!tpu.dma_semaphore, #tpu.memory_space<semaphore_mem>>, %arg32: memref<!tpu.dma_semaphore, #tpu.memory_space<semaphore_mem>>, %arg33: memref<!tpu.dma_semaphore, #tpu.memory_space<semaphore_mem>>, %arg34: memref<!tpu.dma_semaphore, #tpu.memory_space<semaphore_mem>>, %arg35: memref<!tpu.dma_semaphore, #tpu.memory_space<semaphore_mem>>, %arg36: memref<!tpu.dma_semaphore, #tpu.memory_space<semaphore_mem>>) attributes {dimension_semantics = [#tpu.dimension_semantics<core_parallel>, #tpu.dimension_semantics<subcore_parallel>], iteration_bounds = array<i64: 2, 16>, scalar_prefetch = 0 : i64, scratch_operands = 31 : i64, tpu.core_type = #tpu.core_type<sc_vector_subcore>, window_params = [{transform_indices = #map}, {transform_indices = #map}, {transform_indices = #map1}, {transform_indices = #map2}]} {
    %mul3A = arith.constant 16 : i32
    %mul3A_0 = arith.muli %arg0, %mul3A : i32
    %add3A = arith.addi %mul3A_0, %arg1 : i32
    %broadcast_in_dim3A = arith.constant 0.000000e+00 : f32
    %broadcast_in_dim3A_1 = vector.broadcast %broadcast_in_dim3A : f32 to vector<16xf32>
    %scan3A = arith.constant 0 : i32
    %scan3A_2 = arith.constant 0 : i32
    %scan3A_3 = arith.constant 128 : i32
    %scan3A_4 = arith.addi %scan3A_2, %scan3A_3 : i32
    %scan3A_5 = arith.constant 1 : i32
    scf.for %scan3A_97 = %scan3A_2 to %scan3A_4 step %scan3A_5  : i32 {
      %swap3A = arith.index_cast %scan3A_97 : i32 to index
      %swap3A_98 = arith.constant 0 : index
      %swap3A_99 = tpu.vector_load %arg22[%swap3A, %swap3A_98] {strides = array<i32>} : memref<128x128xf32, #tpu.memory_space<vmem>>, vector<1x16xf32>,
      %swap3A_100 = vector.shape_cast %swap3A_99 : vector<1x16xf32> to vector<16xf32>
      %swap3A_101 = vector.shape_cast %broadcast_in_dim3A_1 : vector<16xf32> to vector<1x16xf32>
      tpu.vector_store %arg22[%swap3A, %swap3A_98], %swap3A_101 {strides = array<i32>} : memref<128x128xf32, #tpu.memory_space<vmem>>, vector<1x16xf32>,
      %swap3A_102 = arith.index_cast %scan3A_97 : i32 to index
      %swap3A_103 = arith.constant 16 : index
      %swap3A_104 = tpu.vector_load %arg22[%swap3A_102, %swap3A_103] {strides = array<i32>} : memref<128x128xf32, #tpu.memory_space<vmem>>, vector<1x16xf32>,
      %swap3A_105 = vector.shape_cast %swap3A_104 : vector<1x16xf32> to vector<16xf32>
      %swap3A_106 = vector.shape_cast %broadcast_in_dim3A_1 : vector<16xf32> to vector<1x16xf32>
      tpu.vector_store %arg22[%swap3A_102, %swap3A_103], %swap3A_106 {strides = array<i32>} : memref<128x128xf32, #tpu.memory_space<vmem>>, vector<1x16xf32>,
      %swap3A_107 = arith.index_cast %scan3A_97 : i32 to index
      %swap3A_108 = arith.constant 32 : index
      %swap3A_109 = tpu.vector_load %arg22[%swap3A_107, %swap3A_108] {strides = array<i32>} : memref<128x128xf32, #tpu.memory_space<vmem>>, vector<1x16xf32>,
      %swap3A_110 = vector.shape_cast %swap3A_109 : vector<1x16xf32> to vector<16xf32>
      %swap3A_111 = vector.shape_cast %broadcast_in_dim3A_1 : vector<16xf32> to vector<1x16xf32>
      tpu.vector_store %arg22[%swap3A_107, %swap3A_108], %swap3A_111 {strides = array<i32>} : memref<128x128xf32, #tpu.memory_space<vmem>>, vector<1x16xf32>,
      %swap3A_112 = arith.index_cast %scan3A_97 : i32 to index
      %swap3A_113 = arith.constant 48 : index
      %swap3A_114 = tpu.vector_load %arg22[%swap3A_112, %swap3A_113] {strides = array<i32>} : memref<128x128xf32, #tpu.memory_space<vmem>>, vector<1x16xf32>,
      %swap3A_115 = vector.shape_cast %swap3A_114 : vector<1x16xf32> to vector<16xf32>
      %swap3A_116 = vector.shape_cast %broadcast_in_dim3A_1 : vector<16xf32> to vector<1x16xf32>
      tpu.vector_store %arg22[%swap3A_112, %swap3A_113], %swap3A_116 {strides = array<i32>} : memref<128x128xf32, #tpu.memory_space<vmem>>, vector<1x16xf32>,
      %swap3A_117 = arith.index_cast %scan3A_97 : i32 to index
      %swap3A_118 = arith.constant 64 : index
      %swap3A_119 = tpu.vector_load %arg22[%swap3A_117, %swap3A_118] {strides = array<i32>} : memref<128x128xf32, #tpu.memory_space<vmem>>, vector<1x16xf32>,
      %swap3A_120 = vector.shape_cast %swap3A_119 : vector<1x16xf32> to vector<16xf32>
      %swap3A_121 = vector.shape_cast %broadcast_in_dim3A_1 : vector<16xf32> to vector<1x16xf32>
      tpu.vector_store %arg22[%swap3A_117, %swap3A_118], %swap3A_121 {strides = array<i32>} : memref<128x128xf32, #tpu.memory_space<vmem>>, vector<1x16xf32>,
      %swap3A_122 = arith.index_cast %scan3A_97 : i32 to index
      %swap3A_123 = arith.constant 80 : index
      %swap3A_124 = tpu.vector_load %arg22[%swap3A_122, %swap3A_123] {strides = array<i32>} : memref<128x128xf32, #tpu.memory_space<vmem>>, vector<1x16xf32>,
      %swap3A_125 = vector.shape_cast %swap3A_124 : vector<1x16xf32> to vector<16xf32>
      %swap3A_126 = vector.shape_cast %broadcast_in_dim3A_1 : vector<16xf32> to vector<1x16xf32>
      tpu.vector_store %arg22[%swap3A_122, %swap3A_123], %swap3A_126 {strides = array<i32>} : memref<128x128xf32, #tpu.memory_space<vmem>>, vector<1x16xf32>,
      %swap3A_127 = arith.index_cast %scan3A_97 : i32 to index
      %swap3A_128 = arith.constant 96 : index
      %swap3A_129 = tpu.vector_load %arg22[%swap3A_127, %swap3A_128] {strides = array<i32>} : memref<128x128xf32, #tpu.memory_space<vmem>>, vector<1x16xf32>,
      %swap3A_130 = vector.shape_cast %swap3A_129 : vector<1x16xf32> to vector<16xf32>
      %swap3A_131 = vector.shape_cast %broadcast_in_dim3A_1 : vector<16xf32> to vector<1x16xf32>
      tpu.vector_store %arg22[%swap3A_127, %swap3A_128], %swap3A_131 {strides = array<i32>} : memref<128x128xf32, #tpu.memory_space<vmem>>, vector<1x16xf32>,
      %swap3A_132 = arith.index_cast %scan3A_97 : i32 to index
      %swap3A_133 = arith.constant 112 : index
      %swap3A_134 = tpu.vector_load %arg22[%swap3A_132, %swap3A_133] {strides = array<i32>} : memref<128x128xf32, #tpu.memory_space<vmem>>, vector<1x16xf32>,
      %swap3A_135 = vector.shape_cast %swap3A_134 : vector<1x16xf32> to vector<16xf32>
      %swap3A_136 = vector.shape_cast %broadcast_in_dim3A_1 : vector<16xf32> to vector<1x16xf32>
      tpu.vector_store %arg22[%swap3A_132, %swap3A_133], %swap3A_136 {strides = array<i32>} : memref<128x128xf32, #tpu.memory_space<vmem>>, vector<1x16xf32>,
    }
    %scan3A_6 = arith.constant 128 : i32
    %ne3A = arith.constant 15 : i32
    %ne3A_7 = arith.cmpi ne, %arg1, %ne3A : i32
    %convert_element_type3A = arith.extui %ne3A_7 : i1 to i32
    %cond3A = arith.constant 0 : i32
    %cond3A_8 = arith.cmpi ne, %convert_element_type3A, %cond3A : i32
    scf.if %cond3A_8 {
      %mul3A_97 = arith.constant 624 : i32
      %mul3A_98 = arith.muli %arg1, %mul3A_97 : i32
      %multiple_of3A_99 = tpu.assume_multiple %mul3A_98, 8 : i32
      %add3A_100 = arith.constant 0 : i32
      %add3A_101 = arith.addi %multiple_of3A_99, %add3A_100 : i32
      "tpu.region"() ({
        %run_scoped3A = tpu.sem_alloc : memref<!tpu.dma_semaphore, #tpu.memory_space<semaphore_mem>>
        %dma_start3A_110 = arith.constant 0 : i32
        %dma_start3A_111 = arith.constant 0 : i32
        %dma_start3A_112 = tpu.memref_slice %arg22[%dma_start3A_110, %dma_start3A_111] : memref<128x128xf32, #tpu.memory_space<vmem>> -> memref<128x128xf32, #tpu.memory_space<vmem>>
        %dma_start3A_113 = arith.constant 0 : i32
        %dma_start3A_114 = tpu.memref_slice %arg24[%add3A_101, %dma_start3A_113] : memref<10128x128xf32, #tpu.memory_space<vmem_shared>> -> memref<128x128xf32, #tpu.memory_space<vmem_shared>>
        %dma_start3A_115 = arith.constant 0 : i32
        %dma_start3A_116 = tpu.memref_slice %arg24[%add3A_101, %dma_start3A_115] : memref<10128x128xf32, #tpu.memory_space<vmem_shared>> -> memref<128x128xf32, #tpu.memory_space<vmem_shared>>
        %dma_start3A_117 = arith.constant 0 : i32
        %dma_start3A_118 = arith.constant 0 : i32
        %dma_start3A_119 = tpu.memref_slice %arg22[%dma_start3A_117, %dma_start3A_118] : memref<128x128xf32, #tpu.memory_space<vmem>> -> memref<128x128xf32, #tpu.memory_space<vmem>>
        tpu.enqueue_dma source(%dma_start3A_119 : memref<128x128xf32, #tpu.memory_space<vmem>>) target(%dma_start3A_116 : memref<128x128xf32, #tpu.memory_space<vmem_shared>>) target_semaphore(%run_scoped3A : memref<!tpu.dma_semaphore, #tpu.memory_space<semaphore_mem>>)
        %dma_wait3A_120 = arith.constant 0 : i32
        %dma_wait3A_121 = arith.constant 0 : i32
        %dma_wait3A_122 = tpu.memref_slice %arg22[%dma_wait3A_120, %dma_wait3A_121] : memref<128x128xf32, #tpu.memory_space<vmem>> -> memref<128x128xf32, #tpu.memory_space<vmem>>
        %dma_wait3A_123 = arith.constant 0 : i32
        %dma_wait3A_124 = tpu.memref_slice %arg24[%add3A_101, %dma_wait3A_123] : memref<10128x128xf32, #tpu.memory_space<vmem_shared>> -> memref<128x128xf32, #tpu.memory_space<vmem_shared>>
        %dma_wait3A_125 = arith.constant 0 : i32
        %dma_wait3A_126 = tpu.memref_slice %arg24[%add3A_101, %dma_wait3A_125] : memref<10128x128xf32, #tpu.memory_space<vmem_shared>> -> memref<128x128xf32, #tpu.memory_space<vmem_shared>>
        %dma_wait3A_127 = arith.constant 0 : i32
        %dma_wait3A_128 = arith.constant 0 : i32
        %dma_wait3A_129 = tpu.memref_slice %arg22[%dma_wait3A_127, %dma_wait3A_128] : memref<128x128xf32, #tpu.memory_space<vmem>> -> memref<128x128xf32, #tpu.memory_space<vmem>>
        tpu.wait_dma2 semaphore(%run_scoped3A : memref<!tpu.dma_semaphore, #tpu.memory_space<semaphore_mem>>) src(%dma_wait3A_129 : memref<128x128xf32, #tpu.memory_space<vmem>>) dst(%dma_wait3A_126 : memref<128x128xf32, #tpu.memory_space<vmem_shared>>)
        tpu.yield
      }) : () -> ()
      %add3A_102 = arith.constant 128 : i32
      %add3A_103 = arith.addi %multiple_of3A_99, %add3A_102 : i32
      "tpu.region"() ({
        %run_scoped3A = tpu.sem_alloc : memref<!tpu.dma_semaphore, #tpu.memory_space<semaphore_mem>>
        %dma_start3A_110 = arith.constant 0 : i32
        %dma_start3A_111 = arith.constant 0 : i32
        %dma_start3A_112 = tpu.memref_slice %arg22[%dma_start3A_110, %dma_start3A_111] : memref<128x128xf32, #tpu.memory_space<vmem>> -> memref<128x128xf32, #tpu.memory_space<vmem>>
        %dma_start3A_113 = arith.constant 0 : i32
        %dma_start3A_114 = tpu.memref_slice %arg24[%add3A_103, %dma_start3A_113] : memref<10128x128xf32, #tpu.memory_space<vmem_shared>> -> memref<128x128xf32, #tpu.memory_space<vmem_shared>>
        %dma_start3A_115 = arith.constant 0 : i32
        %dma_start3A_116 = tpu.memref_slice %arg24[%add3A_103, %dma_start3A_115] : memref<10128x128xf32, #tpu.memory_space<vmem_shared>> -> memref<128x128xf32, #tpu.memory_space<vmem_shared>>
        %dma_start3A_117 = arith.constant 0 : i32
        %dma_start3A_118 = arith.constant 0 : i32
        %dma_start3A_119 = tpu.memref_slice %arg22[%dma_start3A_117, %dma_start3A_118] : memref<128x128xf32, #tpu.memory_space<vmem>> -> memref<128x128xf32, #tpu.memory_space<vmem>>
        tpu.enqueue_dma source(%dma_start3A_119 : memref<128x128xf32, #tpu.memory_space<vmem>>) target(%dma_start3A_116 : memref<128x128xf32, #tpu.memory_space<vmem_shared>>) target_semaphore(%run_scoped3A : memref<!tpu.dma_semaphore, #tpu.memory_space<semaphore_mem>>)
        %dma_wait3A_120 = arith.constant 0 : i32
        %dma_wait3A_121 = arith.constant 0 : i32
        %dma_wait3A_122 = tpu.memref_slice %arg22[%dma_wait3A_120, %dma_wait3A_121] : memref<128x128xf32, #tpu.memory_space<vmem>> -> memref<128x128xf32, #tpu.memory_space<vmem>>
        %dma_wait3A_123 = arith.constant 0 : i32
        %dma_wait3A_124 = tpu.memref_slice %arg24[%add3A_103, %dma_wait3A_123] : memref<10128x128xf32, #tpu.memory_space<vmem_shared>> -> memref<128x128xf32, #tpu.memory_space<vmem_shared>>
        %dma_wait3A_125 = arith.constant 0 : i32
        %dma_wait3A_126 = tpu.memref_slice %arg24[%add3A_103, %dma_wait3A_125] : memref<10128x128xf32, #tpu.memory_space<vmem_shared>> -> memref<128x128xf32, #tpu.memory_space<vmem_shared>>
        %dma_wait3A_127 = arith.constant 0 : i32
        %dma_wait3A_128 = arith.constant 0 : i32
        %dma_wait3A_129 = tpu.memref_slice %arg22[%dma_wait3A_127, %dma_wait3A_128] : memref<128x128xf32, #tpu.memory_space<vmem>> -> memref<128x128xf32, #tpu.memory_space<vmem>>
        tpu.wait_dma2 semaphore(%run_scoped3A : memref<!tpu.dma_semaphore, #tpu.memory_space<semaphore_mem>>) src(%dma_wait3A_129 : memref<128x128xf32, #tpu.memory_space<vmem>>) dst(%dma_wait3A_126 : memref<128x128xf32, #tpu.memory_space<vmem_shared>>)
        tpu.yield
      }) : () -> ()
      %add3A_104 = arith.constant 256 : i32
      %add3A_105 = arith.addi %multiple_of3A_99, %add3A_104 : i32
      "tpu.region"() ({
        %run_scoped3A = tpu.sem_alloc : memref<!tpu.dma_semaphore, #tpu.memory_space<semaphore_mem>>
        %dma_start3A_110 = arith.constant 0 : i32
        %dma_start3A_111 = arith.constant 0 : i32
        %dma_start3A_112 = tpu.memref_slice %arg22[%dma_start3A_110, %dma_start3A_111] : memref<128x128xf32, #tpu.memory_space<vmem>> -> memref<128x128xf32, #tpu.memory_space<vmem>>
        %dma_start3A_113 = arith.constant 0 : i32
        %dma_start3A_114 = tpu.memref_slice %arg24[%add3A_105, %dma_start3A_113] : memref<10128x128xf32, #tpu.memory_space<vmem_shared>> -> memref<128x128xf32, #tpu.memory_space<vmem_shared>>
        %dma_start3A_115 = arith.constant 0 : i32
        %dma_start3A_116 = tpu.memref_slice %arg24[%add3A_105, %dma_start3A_115] : memref<10128x128xf32, #tpu.memory_space<vmem_shared>> -> memref<128x128xf32, #tpu.memory_space<vmem_shared>>
        %dma_start3A_117 = arith.constant 0 : i32
        %dma_start3A_118 = arith.constant 0 : i32
        %dma_start3A_119 = tpu.memref_slice %arg22[%dma_start3A_117, %dma_start3A_118] : memref<128x128xf32, #tpu.memory_space<vmem>> -> memref<128x128xf32, #tpu.memory_space<vmem>>
        tpu.enqueue_dma source(%dma_start3A_119 : memref<128x128xf32, #tpu.memory_space<vmem>>) target(%dma_start3A_116 : memref<128x128xf32, #tpu.memory_space<vmem_shared>>) target_semaphore(%run_scoped3A : memref<!tpu.dma_semaphore, #tpu.memory_space<semaphore_mem>>)
        %dma_wait3A_120 = arith.constant 0 : i32
        %dma_wait3A_121 = arith.constant 0 : i32
        %dma_wait3A_122 = tpu.memref_slice %arg22[%dma_wait3A_120, %dma_wait3A_121] : memref<128x128xf32, #tpu.memory_space<vmem>> -> memref<128x128xf32, #tpu.memory_space<vmem>>
        %dma_wait3A_123 = arith.constant 0 : i32
        %dma_wait3A_124 = tpu.memref_slice %arg24[%add3A_105, %dma_wait3A_123] : memref<10128x128xf32, #tpu.memory_space<vmem_shared>> -> memref<128x128xf32, #tpu.memory_space<vmem_shared>>
        %dma_wait3A_125 = arith.constant 0 : i32
        %dma_wait3A_126 = tpu.memref_slice %arg24[%add3A_105, %dma_wait3A_125] : memref<10128x128xf32, #tpu.memory_space<vmem_shared>> -> memref<128x128xf32, #tpu.memory_space<vmem_shared>>
        %dma_wait3A_127 = arith.constant 0 : i32
        %dma_wait3A_128 = arith.constant 0 : i32
        %dma_wait3A_129 = tpu.memref_slice %arg22[%dma_wait3A_127, %dma_wait3A_128] : memref<128x128xf32, #tpu.memory_space<vmem>> -> memref<128x128xf32, #tpu.memory_space<vmem>>
        tpu.wait_dma2 semaphore(%run_scoped3A : memref<!tpu.dma_semaphore, #tpu.memory_space<semaphore_mem>>) src(%dma_wait3A_129 : memref<128x128xf32, #tpu.memory_space<vmem>>) dst(%dma_wait3A_126 : memref<128x128xf32, #tpu.memory_space<vmem_shared>>)
        tpu.yield
      }) : () -> ()
      %add3A_106 = arith.constant 384 : i32
      %add3A_107 = arith.addi %multiple_of3A_99, %add3A_106 : i32
      "tpu.region"() ({
        %run_scoped3A = tpu.sem_alloc : memref<!tpu.dma_semaphore, #tpu.memory_space<semaphore_mem>>
        %dma_start3A_110 = arith.constant 0 : i32
        %dma_start3A_111 = arith.constant 0 : i32
        %dma_start3A_112 = tpu.memref_slice %arg22[%dma_start3A_110, %dma_start3A_111] : memref<128x128xf32, #tpu.memory_space<vmem>> -> memref<128x128xf32, #tpu.memory_space<vmem>>
        %dma_start3A_113 = arith.constant 0 : i32
        %dma_start3A_114 = tpu.memref_slice %arg24[%add3A_107, %dma_start3A_113] : memref<10128x128xf32, #tpu.memory_space<vmem_shared>> -> memref<128x128xf32, #tpu.memory_space<vmem_shared>>
        %dma_start3A_115 = arith.constant 0 : i32
        %dma_start3A_116 = tpu.memref_slice %arg24[%add3A_107, %dma_start3A_115] : memref<10128x128xf32, #tpu.memory_space<vmem_shared>> -> memref<128x128xf32, #tpu.memory_space<vmem_shared>>
        %dma_start3A_117 = arith.constant 0 : i32
        %dma_start3A_118 = arith.constant 0 : i32
        %dma_start3A_119 = tpu.memref_slice %arg22[%dma_start3A_117, %dma_start3A_118] : memref<128x128xf32, #tpu.memory_space<vmem>> -> memref<128x128xf32, #tpu.memory_space<vmem>>
        tpu.enqueue_dma source(%dma_start3A_119 : memref<128x128xf32, #tpu.memory_space<vmem>>) target(%dma_start3A_116 : memref<128x128xf32, #tpu.memory_space<vmem_shared>>) target_semaphore(%run_scoped3A : memref<!tpu.dma_semaphore, #tpu.memory_space<semaphore_mem>>)
        %dma_wait3A_120 = arith.constant 0 : i32
        %dma_wait3A_121 = arith.constant 0 : i32
        %dma_wait3A_122 = tpu.memref_slice %arg22[%dma_wait3A_120, %dma_wait3A_121] : memref<128x128xf32, #tpu.memory_space<vmem>> -> memref<128x128xf32, #tpu.memory_space<vmem>>
        %dma_wait3A_123 = arith.constant 0 : i32
        %dma_wait3A_124 = tpu.memref_slice %arg24[%add3A_107, %dma_wait3A_123] : memref<10128x128xf32, #tpu.memory_space<vmem_shared>> -> memref<128x128xf32, #tpu.memory_space<vmem_shared>>
        %dma_wait3A_125 = arith.constant 0 : i32
        %dma_wait3A_126 = tpu.memref_slice %arg24[%add3A_107, %dma_wait3A_125] : memref<10128x128xf32, #tpu.memory_space<vmem_shared>> -> memref<128x128xf32, #tpu.memory_space<vmem_shared>>
        %dma_wait3A_127 = arith.constant 0 : i32
        %dma_wait3A_128 = arith.constant 0 : i32
        %dma_wait3A_129 = tpu.memref_slice %arg22[%dma_wait3A_127, %dma_wait3A_128] : memref<128x128xf32, #tpu.memory_space<vmem>> -> memref<128x128xf32, #tpu.memory_space<vmem>>
        tpu.wait_dma2 semaphore(%run_scoped3A : memref<!tpu.dma_semaphore, #tpu.memory_space<semaphore_mem>>) src(%dma_wait3A_129 : memref<128x128xf32, #tpu.memory_space<vmem>>) dst(%dma_wait3A_126 : memref<128x128xf32, #tpu.memory_space<vmem_shared>>)
        tpu.yield
      }) : () -> ()
      %add3A_108 = arith.constant 512 : i32
      %add3A_109 = arith.addi %multiple_of3A_99, %add3A_108 : i32
      "tpu.region"() ({
        %run_scoped3A = tpu.sem_alloc : memref<!tpu.dma_semaphore, #tpu.memory_space<semaphore_mem>>
        %dma_start3A_110 = arith.constant 0 : i32
        %dma_start3A_111 = arith.constant 0 : i32
        %dma_start3A_112 = tpu.memref_slice %arg22[%dma_start3A_110, %dma_start3A_111] : memref<128x128xf32, #tpu.memory_space<vmem>> -> memref<112x128xf32, #tpu.memory_space<vmem>>
        %dma_start3A_113 = arith.constant 0 : i32
        %dma_start3A_114 = tpu.memref_slice %arg24[%add3A_109, %dma_start3A_113] : memref<10128x128xf32, #tpu.memory_space<vmem_shared>> -> memref<112x128xf32, #tpu.memory_space<vmem_shared>>
        %dma_start3A_115 = arith.constant 0 : i32
        %dma_start3A_116 = tpu.memref_slice %arg24[%add3A_109, %dma_start3A_115] : memref<10128x128xf32, #tpu.memory_space<vmem_shared>> -> memref<112x128xf32, #tpu.memory_space<vmem_shared>>
        %dma_start3A_117 = arith.constant 0 : i32
        %dma_start3A_118 = arith.constant 0 : i32
        %dma_start3A_119 = tpu.memref_slice %arg22[%dma_start3A_117, %dma_start3A_118] : memref<128x128xf32, #tpu.memory_space<vmem>> -> memref<112x128xf32, #tpu.memory_space<vmem>>
        tpu.enqueue_dma source(%dma_start3A_119 : memref<112x128xf32, #tpu.memory_space<vmem>>) target(%dma_start3A_116 : memref<112x128xf32, #tpu.memory_space<vmem_shared>>) target_semaphore(%run_scoped3A : memref<!tpu.dma_semaphore, #tpu.memory_space<semaphore_mem>>)
        %dma_wait3A_120 = arith.constant 0 : i32
        %dma_wait3A_121 = arith.constant 0 : i32
        %dma_wait3A_122 = tpu.memref_slice %arg22[%dma_wait3A_120, %dma_wait3A_121] : memref<128x128xf32, #tpu.memory_space<vmem>> -> memref<112x128xf32, #tpu.memory_space<vmem>>
        %dma_wait3A_123 = arith.constant 0 : i32
        %dma_wait3A_124 = tpu.memref_slice %arg24[%add3A_109, %dma_wait3A_123] : memref<10128x128xf32, #tpu.memory_space<vmem_shared>> -> memref<112x128xf32, #tpu.memory_space<vmem_shared>>
        %dma_wait3A_125 = arith.constant 0 : i32
        %dma_wait3A_126 = tpu.memref_slice %arg24[%add3A_109, %dma_wait3A_125] : memref<10128x128xf32, #tpu.memory_space<vmem_shared>> -> memref<112x128xf32, #tpu.memory_space<vmem_shared>>
        %dma_wait3A_127 = arith.constant 0 : i32
        %dma_wait3A_128 = arith.constant 0 : i32
        %dma_wait3A_129 = tpu.memref_slice %arg22[%dma_wait3A_127, %dma_wait3A_128] : memref<128x128xf32, #tpu.memory_space<vmem>> -> memref<112x128xf32, #tpu.memory_space<vmem>>
        tpu.wait_dma2 semaphore(%run_scoped3A : memref<!tpu.dma_semaphore, #tpu.memory_space<semaphore_mem>>) src(%dma_wait3A_129 : memref<112x128xf32, #tpu.memory_space<vmem>>) dst(%dma_wait3A_126 : memref<112x128xf32, #tpu.memory_space<vmem_shared>>)
        tpu.yield
      }) : () -> ()
    } else {
    }
    %eq3A = arith.constant 15 : i32
    %eq3A_9 = arith.cmpi eq, %arg1, %eq3A : i32
    %convert_element_type3A_10 = arith.extui %eq3A_9 : i1 to i32
    %cond3A_11 = arith.constant 0 : i32
    %cond3A_12 = arith.cmpi ne, %convert_element_type3A_10, %cond3A_11 : i32
    scf.if %cond3A_12 {
      "tpu.region"() ({
        %run_scoped3A = tpu.sem_alloc : memref<!tpu.dma_semaphore, #tpu.memory_space<semaphore_mem>>
        %dma_start3A_97 = arith.constant 0 : i32
        %dma_start3A_98 = arith.constant 0 : i32
        %dma_start3A_99 = tpu.memref_slice %arg22[%dma_start3A_97, %dma_start3A_98] : memref<128x128xf32, #tpu.memory_space<vmem>> -> memref<128x128xf32, #tpu.memory_space<vmem>>
        %dma_start3A_100 = arith.constant 9360 : i32
        %dma_start3A_101 = arith.constant 0 : i32
        %dma_start3A_102 = tpu.memref_slice %arg24[%dma_start3A_100, %dma_start3A_101] : memref<10128x128xf32, #tpu.memory_space<vmem_shared>> -> memref<128x128xf32, #tpu.memory_space<vmem_shared>>
        %dma_start3A_103 = arith.constant 9360 : i32
        %dma_start3A_104 = arith.constant 0 : i32
        %dma_start3A_105 = tpu.memref_slice %arg24[%dma_start3A_103, %dma_start3A_104] : memref<10128x128xf32, #tpu.memory_space<vmem_shared>> -> memref<128x128xf32, #tpu.memory_space<vmem_shared>>
        %dma_start3A_106 = arith.constant 0 : i32
        %dma_start3A_107 = arith.constant 0 : i32
        %dma_start3A_108 = tpu.memref_slice %arg22[%dma_start3A_106, %dma_start3A_107] : memref<128x128xf32, #tpu.memory_space<vmem>> -> memref<128x128xf32, #tpu.memory_space<vmem>>
        tpu.enqueue_dma source(%dma_start3A_108 : memref<128x128xf32, #tpu.memory_space<vmem>>) target(%dma_start3A_105 : memref<128x128xf32, #tpu.memory_space<vmem_shared>>) target_semaphore(%run_scoped3A : memref<!tpu.dma_semaphore, #tpu.memory_space<semaphore_mem>>)
        %dma_wait3A_109 = arith.constant 0 : i32
        %dma_wait3A_110 = arith.constant 0 : i32
        %dma_wait3A_111 = tpu.memref_slice %arg22[%dma_wait3A_109, %dma_wait3A_110] : memref<128x128xf32, #tpu.memory_space<vmem>> -> memref<128x128xf32, #tpu.memory_space<vmem>>
        %dma_wait3A_112 = arith.constant 9360 : i32
        %dma_wait3A_113 = arith.constant 0 : i32
        %dma_wait3A_114 = tpu.memref_slice %arg24[%dma_wait3A_112, %dma_wait3A_113] : memref<10128x128xf32, #tpu.memory_space<vmem_shared>> -> memref<128x128xf32, #tpu.memory_space<vmem_shared>>
        %dma_wait3A_115 = arith.constant 9360 : i32
        %dma_wait3A_116 = arith.constant 0 : i32
        %dma_wait3A_117 = tpu.memref_slice %arg24[%dma_wait3A_115, %dma_wait3A_116] : memref<10128x128xf32, #tpu.memory_space<vmem_shared>> -> memref<128x128xf32, #tpu.memory_space<vmem_shared>>
        %dma_wait3A_118 = arith.constant 0 : i32
        %dma_wait3A_119 = arith.constant 0 : i32
        %dma_wait3A_120 = tpu.memref_slice %arg22[%dma_wait3A_118, %dma_wait3A_119] : memref<128x128xf32, #tpu.memory_space<vmem>> -> memref<128x128xf32, #tpu.memory_space<vmem>>
        tpu.wait_dma2 semaphore(%run_scoped3A : memref<!tpu.dma_semaphore, #tpu.memory_space<semaphore_mem>>) src(%dma_wait3A_120 : memref<128x128xf32, #tpu.memory_space<vmem>>) dst(%dma_wait3A_117 : memref<128x128xf32, #tpu.memory_space<vmem_shared>>)
        tpu.yield
      }) : () -> ()
      "tpu.region"() ({
        %run_scoped3A = tpu.sem_alloc : memref<!tpu.dma_semaphore, #tpu.memory_space<semaphore_mem>>
        %dma_start3A_97 = arith.constant 0 : i32
        %dma_start3A_98 = arith.constant 0 : i32
        %dma_start3A_99 = tpu.memref_slice %arg22[%dma_start3A_97, %dma_start3A_98] : memref<128x128xf32, #tpu.memory_space<vmem>> -> memref<128x128xf32, #tpu.memory_space<vmem>>
        %dma_start3A_100 = arith.constant 9488 : i32
        %dma_start3A_101 = arith.constant 0 : i32
        %dma_start3A_102 = tpu.memref_slice %arg24[%dma_start3A_100, %dma_start3A_101] : memref<10128x128xf32, #tpu.memory_space<vmem_shared>> -> memref<128x128xf32, #tpu.memory_space<vmem_shared>>
        %dma_start3A_103 = arith.constant 9488 : i32
        %dma_start3A_104 = arith.constant 0 : i32
        %dma_start3A_105 = tpu.memref_slice %arg24[%dma_start3A_103, %dma_start3A_104] : memref<10128x128xf32, #tpu.memory_space<vmem_shared>> -> memref<128x128xf32, #tpu.memory_space<vmem_shared>>
        %dma_start3A_106 = arith.constant 0 : i32
        %dma_start3A_107 = arith.constant 0 : i32
        %dma_start3A_108 = tpu.memref_slice %arg22[%dma_start3A_106, %dma_start3A_107] : memref<128x128xf32, #tpu.memory_space<vmem>> -> memref<128x128xf32, #tpu.memory_space<vmem>>
        tpu.enqueue_dma source(%dma_start3A_108 : memref<128x128xf32, #tpu.memory_space<vmem>>) target(%dma_start3A_105 : memref<128x128xf32, #tpu.memory_space<vmem_shared>>) target_semaphore(%run_scoped3A : memref<!tpu.dma_semaphore, #tpu.memory_space<semaphore_mem>>)
        %dma_wait3A_109 = arith.constant 0 : i32
        %dma_wait3A_110 = arith.constant 0 : i32
        %dma_wait3A_111 = tpu.memref_slice %arg22[%dma_wait3A_109, %dma_wait3A_110] : memref<128x128xf32, #tpu.memory_space<vmem>> -> memref<128x128xf32, #tpu.memory_space<vmem>>
        %dma_wait3A_112 = arith.constant 9488 : i32
        %dma_wait3A_113 = arith.constant 0 : i32
        %dma_wait3A_114 = tpu.memref_slice %arg24[%dma_wait3A_112, %dma_wait3A_113] : memref<10128x128xf32, #tpu.memory_space<vmem_shared>> -> memref<128x128xf32, #tpu.memory_space<vmem_shared>>
        %dma_wait3A_115 = arith.constant 9488 : i32
        %dma_wait3A_116 = arith.constant 0 : i32
        %dma_wait3A_117 = tpu.memref_slice %arg24[%dma_wait3A_115, %dma_wait3A_116] : memref<10128x128xf32, #tpu.memory_space<vmem_shared>> -> memref<128x128xf32, #tpu.memory_space<vmem_shared>>
        %dma_wait3A_118 = arith.constant 0 : i32
        %dma_wait3A_119 = arith.constant 0 : i32
        %dma_wait3A_120 = tpu.memref_slice %arg22[%dma_wait3A_118, %dma_wait3A_119] : memref<128x128xf32, #tpu.memory_space<vmem>> -> memref<128x128xf32, #tpu.memory_space<vmem>>
        tpu.wait_dma2 semaphore(%run_scoped3A : memref<!tpu.dma_semaphore, #tpu.memory_space<semaphore_mem>>) src(%dma_wait3A_120 : memref<128x128xf32, #tpu.memory_space<vmem>>) dst(%dma_wait3A_117 : memref<128x128xf32, #tpu.memory_space<vmem_shared>>)
        tpu.yield
      }) : () -> ()
      "tpu.region"() ({
        %run_scoped3A = tpu.sem_alloc : memref<!tpu.dma_semaphore, #tpu.memory_space<semaphore_mem>>
        %dma_start3A_97 = arith.constant 0 : i32
        %dma_start3A_98 = arith.constant 0 : i32
        %dma_start3A_99 = tpu.memref_slice %arg22[%dma_start3A_97, %dma_start3A_98] : memref<128x128xf32, #tpu.memory_space<vmem>> -> memref<128x128xf32, #tpu.memory_space<vmem>>
        %dma_start3A_100 = arith.constant 9616 : i32
        %dma_start3A_101 = arith.constant 0 : i32
        %dma_start3A_102 = tpu.memref_slice %arg24[%dma_start3A_100, %dma_start3A_101] : memref<10128x128xf32, #tpu.memory_space<vmem_shared>> -> memref<128x128xf32, #tpu.memory_space<vmem_shared>>
        %dma_start3A_103 = arith.constant 9616 : i32
        %dma_start3A_104 = arith.constant 0 : i32
        %dma_start3A_105 = tpu.memref_slice %arg24[%dma_start3A_103, %dma_start3A_104] : memref<10128x128xf32, #tpu.memory_space<vmem_shared>> -> memref<128x128xf32, #tpu.memory_space<vmem_shared>>
        %dma_start3A_106 = arith.constant 0 : i32
        %dma_start3A_107 = arith.constant 0 : i32
        %dma_start3A_108 = tpu.memref_slice %arg22[%dma_start3A_106, %dma_start3A_107] : memref<128x128xf32, #tpu.memory_space<vmem>> -> memref<128x128xf32, #tpu.memory_space<vmem>>
        tpu.enqueue_dma source(%dma_start3A_108 : memref<128x128xf32, #tpu.memory_space<vmem>>) target(%dma_start3A_105 : memref<128x128xf32, #tpu.memory_space<vmem_shared>>) target_semaphore(%run_scoped3A : memref<!tpu.dma_semaphore, #tpu.memory_space<semaphore_mem>>)
        %dma_wait3A_109 = arith.constant 0 : i32
        %dma_wait3A_110 = arith.constant 0 : i32
        %dma_wait3A_111 = tpu.memref_slice %arg22[%dma_wait3A_109, %dma_wait3A_110] : memref<128x128xf32, #tpu.memory_space<vmem>> -> memref<128x128xf32, #tpu.memory_space<vmem>>
        %dma_wait3A_112 = arith.constant 9616 : i32
        %dma_wait3A_113 = arith.constant 0 : i32
        %dma_wait3A_114 = tpu.memref_slice %arg24[%dma_wait3A_112, %dma_wait3A_113] : memref<10128x128xf32, #tpu.memory_space<vmem_shared>> -> memref<128x128xf32, #tpu.memory_space<vmem_shared>>
        %dma_wait3A_115 = arith.constant 9616 : i32
        %dma_wait3A_116 = arith.constant 0 : i32
        %dma_wait3A_117 = tpu.memref_slice %arg24[%dma_wait3A_115, %dma_wait3A_116] : memref<10128x128xf32, #tpu.memory_space<vmem_shared>> -> memref<128x128xf32, #tpu.memory_space<vmem_shared>>
        %dma_wait3A_118 = arith.constant 0 : i32
        %dma_wait3A_119 = arith.constant 0 : i32
        %dma_wait3A_120 = tpu.memref_slice %arg22[%dma_wait3A_118, %dma_wait3A_119] : memref<128x128xf32, #tpu.memory_space<vmem>> -> memref<128x128xf32, #tpu.memory_space<vmem>>
        tpu.wait_dma2 semaphore(%run_scoped3A : memref<!tpu.dma_semaphore, #tpu.memory_space<semaphore_mem>>) src(%dma_wait3A_120 : memref<128x128xf32, #tpu.memory_space<vmem>>) dst(%dma_wait3A_117 : memref<128x128xf32, #tpu.memory_space<vmem_shared>>)
        tpu.yield
      }) : () -> ()
      "tpu.region"() ({
        %run_scoped3A = tpu.sem_alloc : memref<!tpu.dma_semaphore, #tpu.memory_space<semaphore_mem>>
        %dma_start3A_97 = arith.constant 0 : i32
        %dma_start3A_98 = arith.constant 0 : i32
        %dma_start3A_99 = tpu.memref_slice %arg22[%dma_start3A_97, %dma_start3A_98] : memref<128x128xf32, #tpu.memory_space<vmem>> -> memref<128x128xf32, #tpu.memory_space<vmem>>
        %dma_start3A_100 = arith.constant 9744 : i32
        %dma_start3A_101 = arith.constant 0 : i32
        %dma_start3A_102 = tpu.memref_slice %arg24[%dma_start3A_100, %dma_start3A_101] : memref<10128x128xf32, #tpu.memory_space<vmem_shared>> -> memref<128x128xf32, #tpu.memory_space<vmem_shared>>
        %dma_start3A_103 = arith.constant 9744 : i32
        %dma_start3A_104 = arith.constant 0 : i32
        %dma_start3A_105 = tpu.memref_slice %arg24[%dma_start3A_103, %dma_start3A_104] : memref<10128x128xf32, #tpu.memory_space<vmem_shared>> -> memref<128x128xf32, #tpu.memory_space<vmem_shared>>
        %dma_start3A_106 = arith.constant 0 : i32
        %dma_start3A_107 = arith.constant 0 : i32
        %dma_start3A_108 = tpu.memref_slice %arg22[%dma_start3A_106, %dma_start3A_107] : memref<128x128xf32, #tpu.memory_space<vmem>> -> memref<128x128xf32, #tpu.memory_space<vmem>>
        tpu.enqueue_dma source(%dma_start3A_108 : memref<128x128xf32, #tpu.memory_space<vmem>>) target(%dma_start3A_105 : memref<128x128xf32, #tpu.memory_space<vmem_shared>>) target_semaphore(%run_scoped3A : memref<!tpu.dma_semaphore, #tpu.memory_space<semaphore_mem>>)
        %dma_wait3A_109 = arith.constant 0 : i32
        %dma_wait3A_110 = arith.constant 0 : i32
        %dma_wait3A_111 = tpu.memref_slice %arg22[%dma_wait3A_109, %dma_wait3A_110] : memref<128x128xf32, #tpu.memory_space<vmem>> -> memref<128x128xf32, #tpu.memory_space<vmem>>
        %dma_wait3A_112 = arith.constant 9744 : i32
        %dma_wait3A_113 = arith.constant 0 : i32
        %dma_wait3A_114 = tpu.memref_slice %arg24[%dma_wait3A_112, %dma_wait3A_113] : memref<10128x128xf32, #tpu.memory_space<vmem_shared>> -> memref<128x128xf32, #tpu.memory_space<vmem_shared>>
        %dma_wait3A_115 = arith.constant 9744 : i32
        %dma_wait3A_116 = arith.constant 0 : i32
        %dma_wait3A_117 = tpu.memref_slice %arg24[%dma_wait3A_115, %dma_wait3A_116] : memref<10128x128xf32, #tpu.memory_space<vmem_shared>> -> memref<128x128xf32, #tpu.memory_space<vmem_shared>>
        %dma_wait3A_118 = arith.constant 0 : i32
        %dma_wait3A_119 = arith.constant 0 : i32
        %dma_wait3A_120 = tpu.memref_slice %arg22[%dma_wait3A_118, %dma_wait3A_119] : memref<128x128xf32, #tpu.memory_space<vmem>> -> memref<128x128xf32, #tpu.memory_space<vmem>>
        tpu.wait_dma2 semaphore(%run_scoped3A : memref<!tpu.dma_semaphore, #tpu.memory_space<semaphore_mem>>) src(%dma_wait3A_120 : memref<128x128xf32, #tpu.memory_space<vmem>>) dst(%dma_wait3A_117 : memref<128x128xf32, #tpu.memory_space<vmem_shared>>)
        tpu.yield
      }) : () -> ()
      "tpu.region"() ({
        %run_scoped3A = tpu.sem_alloc : memref<!tpu.dma_semaphore, #tpu.memory_space<semaphore_mem>>
        %dma_start3A_97 = arith.constant 0 : i32
        %dma_start3A_98 = arith.constant 0 : i32
        %dma_start3A_99 = tpu.memref_slice %arg22[%dma_start3A_97, %dma_start3A_98] : memref<128x128xf32, #tpu.memory_space<vmem>> -> memref<128x128xf32, #tpu.memory_space<vmem>>
        %dma_start3A_100 = arith.constant 9872 : i32
        %dma_start3A_101 = arith.constant 0 : i32
        %dma_start3A_102 = tpu.memref_slice %arg24[%dma_start3A_100, %dma_start3A_101] : memref<10128x128xf32, #tpu.memory_space<vmem_shared>> -> memref<128x128xf32, #tpu.memory_space<vmem_shared>>
        %dma_start3A_103 = arith.constant 9872 : i32
        %dma_start3A_104 = arith.constant 0 : i32
        %dma_start3A_105 = tpu.memref_slice %arg24[%dma_start3A_103, %dma_start3A_104] : memref<10128x128xf32, #tpu.memory_space<vmem_shared>> -> memref<128x128xf32, #tpu.memory_space<vmem_shared>>
        %dma_start3A_106 = arith.constant 0 : i32
        %dma_start3A_107 = arith.constant 0 : i32
        %dma_start3A_108 = tpu.memref_slice %arg22[%dma_start3A_106, %dma_start3A_107] : memref<128x128xf32, #tpu.memory_space<vmem>> -> memref<128x128xf32, #tpu.memory_space<vmem>>
        tpu.enqueue_dma source(%dma_start3A_108 : memref<128x128xf32, #tpu.memory_space<vmem>>) target(%dma_start3A_105 : memref<128x128xf32, #tpu.memory_space<vmem_shared>>) target_semaphore(%run_scoped3A : memref<!tpu.dma_semaphore, #tpu.memory_space<semaphore_mem>>)
        %dma_wait3A_109 = arith.constant 0 : i32
        %dma_wait3A_110 = arith.constant 0 : i32
        %dma_wait3A_111 = tpu.memref_slice %arg22[%dma_wait3A_109, %dma_wait3A_110] : memref<128x128xf32, #tpu.memory_space<vmem>> -> memref<128x128xf32, #tpu.memory_space<vmem>>
        %dma_wait3A_112 = arith.constant 9872 : i32
        %dma_wait3A_113 = arith.constant 0 : i32
        %dma_wait3A_114 = tpu.memref_slice %arg24[%dma_wait3A_112, %dma_wait3A_113] : memref<10128x128xf32, #tpu.memory_space<vmem_shared>> -> memref<128x128xf32, #tpu.memory_space<vmem_shared>>
        %dma_wait3A_115 = arith.constant 9872 : i32
        %dma_wait3A_116 = arith.constant 0 : i32
        %dma_wait3A_117 = tpu.memref_slice %arg24[%dma_wait3A_115, %dma_wait3A_116] : memref<10128x128xf32, #tpu.memory_space<vmem_shared>> -> memref<128x128xf32, #tpu.memory_space<vmem_shared>>
        %dma_wait3A_118 = arith.constant 0 : i32
        %dma_wait3A_119 = arith.constant 0 : i32
        %dma_wait3A_120 = tpu.memref_slice %arg22[%dma_wait3A_118, %dma_wait3A_119] : memref<128x128xf32, #tpu.memory_space<vmem>> -> memref<128x128xf32, #tpu.memory_space<vmem>>
        tpu.wait_dma2 semaphore(%run_scoped3A : memref<!tpu.dma_semaphore, #tpu.memory_space<semaphore_mem>>) src(%dma_wait3A_120 : memref<128x128xf32, #tpu.memory_space<vmem>>) dst(%dma_wait3A_117 : memref<128x128xf32, #tpu.memory_space<vmem_shared>>)
        tpu.yield
      }) : () -> ()
    } else {
    }
    %eq3A_13 = arith.constant 0 : i32
    %eq3A_14 = arith.cmpi eq, %arg1, %eq3A_13 : i32
    %convert_element_type3A_15 = arith.extui %eq3A_14 : i1 to i32
    %cond3A_16 = arith.constant 0 : i32
    %cond3A_17 = arith.cmpi ne, %convert_element_type3A_15, %cond3A_16 : i32
    scf.if %cond3A_17 {
      "tpu.region"() ({
        %run_scoped3A = tpu.sem_alloc : memref<!tpu.dma_semaphore, #tpu.memory_space<semaphore_mem>>
        %dma_start3A_97 = arith.constant 10000 : i32
        %dma_start3A_98 = arith.constant 0 : i32
        %dma_start3A_99 = tpu.memref_slice %arg24[%dma_start3A_97, %dma_start3A_98] : memref<10128x128xf32, #tpu.memory_space<vmem_shared>> -> memref<128x128xf32, #tpu.memory_space<vmem_shared>>
        %dma_start3A_100 = arith.constant 10000 : i32
        %dma_start3A_101 = arith.constant 0 : i32
        %dma_start3A_102 = tpu.memref_slice %arg24[%dma_start3A_100, %dma_start3A_101] : memref<10128x128xf32, #tpu.memory_space<vmem_shared>> -> memref<128x128xf32, #tpu.memory_space<vmem_shared>>
        tpu.enqueue_dma source(%arg22 : memref<128x128xf32, #tpu.memory_space<vmem>>) target(%dma_start3A_102 : memref<128x128xf32, #tpu.memory_space<vmem_shared>>) target_semaphore(%run_scoped3A : memref<!tpu.dma_semaphore, #tpu.memory_space<semaphore_mem>>)
        %dma_wait3A_103 = arith.constant 10000 : i32
        %dma_wait3A_104 = arith.constant 0 : i32
        %dma_wait3A_105 = tpu.memref_slice %arg24[%dma_wait3A_103, %dma_wait3A_104] : memref<10128x128xf32, #tpu.memory_space<vmem_shared>> -> memref<128x128xf32, #tpu.memory_space<vmem_shared>>
        %dma_wait3A_106 = arith.constant 10000 : i32
        %dma_wait3A_107 = arith.constant 0 : i32
        %dma_wait3A_108 = tpu.memref_slice %arg24[%dma_wait3A_106, %dma_wait3A_107] : memref<10128x128xf32, #tpu.memory_space<vmem_shared>> -> memref<128x128xf32, #tpu.memory_space<vmem_shared>>
        tpu.wait_dma2 semaphore(%run_scoped3A : memref<!tpu.dma_semaphore, #tpu.memory_space<semaphore_mem>>) src(%arg22 : memref<128x128xf32, #tpu.memory_space<vmem>>) dst(%dma_wait3A_108 : memref<128x128xf32, #tpu.memory_space<vmem_shared>>)
        tpu.yield
      }) : () -> ()
    } else {
    }
    %barrier3A = arith.constant 0 : index
    tpu.barrier barrier_id(%barrier3A)
    %mul3A_18 = arith.constant 10240 : i32
    %mul3A_19 = arith.muli %add3A, %mul3A_18 : i32
    %add3A_20 = arith.constant 0 : i32
    %add3A_21 = arith.addi %mul3A_19, %add3A_20 : i32
    %multiple_of3A = tpu.assume_multiple %add3A_21, 8 : i32
    %dma_start3A = tpu.memref_slice %arg2[%multiple_of3A] : memref<327680xi32, #tpu.memory_space<hbm>> -> memref<128xi32, #tpu.memory_space<hbm>>
    %dma_start3A_22 = tpu.memref_slice %arg2[%multiple_of3A] : memref<327680xi32, #tpu.memory_space<hbm>> -> memref<128xi32, #tpu.memory_space<hbm>>
    tpu.enqueue_dma source(%dma_start3A_22 : memref<128xi32, #tpu.memory_space<hbm>>) target(%arg6 : memref<128xi32, #tpu.memory_space<vmem>>) target_semaphore(%arg29 : memref<!tpu.dma_semaphore, #tpu.memory_space<semaphore_mem>>)
    %dma_start3A_23 = tpu.memref_slice %arg3[%multiple_of3A] : memref<327680xi32, #tpu.memory_space<hbm>> -> memref<128xi32, #tpu.memory_space<hbm>>
    %dma_start3A_24 = tpu.memref_slice %arg3[%multiple_of3A] : memref<327680xi32, #tpu.memory_space<hbm>> -> memref<128xi32, #tpu.memory_space<hbm>>
    tpu.enqueue_dma source(%dma_start3A_24 : memref<128xi32, #tpu.memory_space<hbm>>) target(%arg14 : memref<128xi32, #tpu.memory_space<vmem>>) target_semaphore(%arg29 : memref<!tpu.dma_semaphore, #tpu.memory_space<semaphore_mem>>)
    %add3A_25 = arith.constant 128 : i32
    %add3A_26 = arith.addi %mul3A_19, %add3A_25 : i32
    %multiple_of3A_27 = tpu.assume_multiple %add3A_26, 8 : i32
    %dma_start3A_28 = tpu.memref_slice %arg2[%multiple_of3A_27] : memref<327680xi32, #tpu.memory_space<hbm>> -> memref<128xi32, #tpu.memory_space<hbm>>
    %dma_start3A_29 = tpu.memref_slice %arg2[%multiple_of3A_27] : memref<327680xi32, #tpu.memory_space<hbm>> -> memref<128xi32, #tpu.memory_space<hbm>>
    tpu.enqueue_dma source(%dma_start3A_29 : memref<128xi32, #tpu.memory_space<hbm>>) target(%arg7 : memref<128xi32, #tpu.memory_space<vmem>>) target_semaphore(%arg30 : memref<!tpu.dma_semaphore, #tpu.memory_space<semaphore_mem>>)
    %dma_start3A_30 = tpu.memref_slice %arg3[%multiple_of3A_27] : memref<327680xi32, #tpu.memory_space<hbm>> -> memref<128xi32, #tpu.memory_space<hbm>>
    %dma_start3A_31 = tpu.memref_slice %arg3[%multiple_of3A_27] : memref<327680xi32, #tpu.memory_space<hbm>> -> memref<128xi32, #tpu.memory_space<hbm>>
    tpu.enqueue_dma source(%dma_start3A_31 : memref<128xi32, #tpu.memory_space<hbm>>) target(%arg15 : memref<128xi32, #tpu.memory_space<vmem>>) target_semaphore(%arg30 : memref<!tpu.dma_semaphore, #tpu.memory_space<semaphore_mem>>)
    %add3A_32 = arith.constant 256 : i32
    %add3A_33 = arith.addi %mul3A_19, %add3A_32 : i32
    %multiple_of3A_34 = tpu.assume_multiple %add3A_33, 8 : i32
    %dma_start3A_35 = tpu.memref_slice %arg2[%multiple_of3A_34] : memref<327680xi32, #tpu.memory_space<hbm>> -> memref<128xi32, #tpu.memory_space<hbm>>
    %dma_start3A_36 = tpu.memref_slice %arg2[%multiple_of3A_34] : memref<327680xi32, #tpu.memory_space<hbm>> -> memref<128xi32, #tpu.memory_space<hbm>>
    tpu.enqueue_dma source(%dma_start3A_36 : memref<128xi32, #tpu.memory_space<hbm>>) target(%arg8 : memref<128xi32, #tpu.memory_space<vmem>>) target_semaphore(%arg31 : memref<!tpu.dma_semaphore, #tpu.memory_space<semaphore_mem>>)
    %dma_start3A_37 = tpu.memref_slice %arg3[%multiple_of3A_34] : memref<327680xi32, #tpu.memory_space<hbm>> -> memref<128xi32, #tpu.memory_space<hbm>>
    %dma_start3A_38 = tpu.memref_slice %arg3[%multiple_of3A_34] : memref<327680xi32, #tpu.memory_space<hbm>> -> memref<128xi32, #tpu.memory_space<hbm>>
    tpu.enqueue_dma source(%dma_start3A_38 : memref<128xi32, #tpu.memory_space<hbm>>) target(%arg16 : memref<128xi32, #tpu.memory_space<vmem>>) target_semaphore(%arg31 : memref<!tpu.dma_semaphore, #tpu.memory_space<semaphore_mem>>)
    %add3A_39 = arith.constant 384 : i32
    %add3A_40 = arith.addi %mul3A_19, %add3A_39 : i32
    %multiple_of3A_41 = tpu.assume_multiple %add3A_40, 8 : i32
    %dma_start3A_42 = tpu.memref_slice %arg2[%multiple_of3A_41] : memref<327680xi32, #tpu.memory_space<hbm>> -> memref<128xi32, #tpu.memory_space<hbm>>
    %dma_start3A_43 = tpu.memref_slice %arg2[%multiple_of3A_41] : memref<327680xi32, #tpu.memory_space<hbm>> -> memref<128xi32, #tpu.memory_space<hbm>>
    tpu.enqueue_dma source(%dma_start3A_43 : memref<128xi32, #tpu.memory_space<hbm>>) target(%arg9 : memref<128xi32, #tpu.memory_space<vmem>>) target_semaphore(%arg32 : memref<!tpu.dma_semaphore, #tpu.memory_space<semaphore_mem>>)
    %dma_start3A_44 = tpu.memref_slice %arg3[%multiple_of3A_41] : memref<327680xi32, #tpu.memory_space<hbm>> -> memref<128xi32, #tpu.memory_space<hbm>>
    %dma_start3A_45 = tpu.memref_slice %arg3[%multiple_of3A_41] : memref<327680xi32, #tpu.memory_space<hbm>> -> memref<128xi32, #tpu.memory_space<hbm>>
    tpu.enqueue_dma source(%dma_start3A_45 : memref<128xi32, #tpu.memory_space<hbm>>) target(%arg17 : memref<128xi32, #tpu.memory_space<vmem>>) target_semaphore(%arg32 : memref<!tpu.dma_semaphore, #tpu.memory_space<semaphore_mem>>)
    %add3A_46 = arith.constant 512 : i32
    %add3A_47 = arith.addi %mul3A_19, %add3A_46 : i32
    %multiple_of3A_48 = tpu.assume_multiple %add3A_47, 8 : i32
    %dma_start3A_49 = tpu.memref_slice %arg2[%multiple_of3A_48] : memref<327680xi32, #tpu.memory_space<hbm>> -> memref<128xi32, #tpu.memory_space<hbm>>
    %dma_start3A_50 = tpu.memref_slice %arg2[%multiple_of3A_48] : memref<327680xi32, #tpu.memory_space<hbm>> -> memref<128xi32, #tpu.memory_space<hbm>>
    tpu.enqueue_dma source(%dma_start3A_50 : memref<128xi32, #tpu.memory_space<hbm>>) target(%arg10 : memref<128xi32, #tpu.memory_space<vmem>>) target_semaphore(%arg33 : memref<!tpu.dma_semaphore, #tpu.memory_space<semaphore_mem>>)
    %dma_start3A_51 = tpu.memref_slice %arg3[%multiple_of3A_48] : memref<327680xi32, #tpu.memory_space<hbm>> -> memref<128xi32, #tpu.memory_space<hbm>>
    %dma_start3A_52 = tpu.memref_slice %arg3[%multiple_of3A_48] : memref<327680xi32, #tpu.memory_space<hbm>> -> memref<128xi32, #tpu.memory_space<hbm>>
    tpu.enqueue_dma source(%dma_start3A_52 : memref<128xi32, #tpu.memory_space<hbm>>) target(%arg18 : memref<128xi32, #tpu.memory_space<vmem>>) target_semaphore(%arg33 : memref<!tpu.dma_semaphore, #tpu.memory_space<semaphore_mem>>)
    %add3A_53 = arith.constant 640 : i32
    %add3A_54 = arith.addi %mul3A_19, %add3A_53 : i32
    %multiple_of3A_55 = tpu.assume_multiple %add3A_54, 8 : i32
    %dma_start3A_56 = tpu.memref_slice %arg2[%multiple_of3A_55] : memref<327680xi32, #tpu.memory_space<hbm>> -> memref<128xi32, #tpu.memory_space<hbm>>
    %dma_start3A_57 = tpu.memref_slice %arg2[%multiple_of3A_55] : memref<327680xi32, #tpu.memory_space<hbm>> -> memref<128xi32, #tpu.memory_space<hbm>>
    tpu.enqueue_dma source(%dma_start3A_57 : memref<128xi32, #tpu.memory_space<hbm>>) target(%arg11 : memref<128xi32, #tpu.memory_space<vmem>>) target_semaphore(%arg34 : memref<!tpu.dma_semaphore, #tpu.memory_space<semaphore_mem>>)
    %dma_start3A_58 = tpu.memref_slice %arg3[%multiple_of3A_55] : memref<327680xi32, #tpu.memory_space<hbm>> -> memref<128xi32, #tpu.memory_space<hbm>>
    %dma_start3A_59 = tpu.memref_slice %arg3[%multiple_of3A_55] : memref<327680xi32, #tpu.memory_space<hbm>> -> memref<128xi32, #tpu.memory_space<hbm>>
    tpu.enqueue_dma source(%dma_start3A_59 : memref<128xi32, #tpu.memory_space<hbm>>) target(%arg19 : memref<128xi32, #tpu.memory_space<vmem>>) target_semaphore(%arg34 : memref<!tpu.dma_semaphore, #tpu.memory_space<semaphore_mem>>)
    %scan3A_60 = arith.constant 0 : i32
    %scan3A_61 = arith.constant 0 : i32
    %scan3A_62 = arith.constant 10 : i32
    %scan3A_63 = arith.addi %scan3A_61, %scan3A_62 : i32
    %scan3A_64 = arith.constant 1 : i32
    scf.for %scan3A_97 = %scan3A_61 to %scan3A_63 step %scan3A_64  : i32 {
      %gt3A = arith.constant 0 : i32
      %gt3A_98 = arith.cmpi sgt, %scan3A_97, %gt3A : i32
      %convert_element_type3A_99 = arith.extui %gt3A_98 : i1 to i32
      %cond3A_100 = arith.constant 0 : i32
      %cond3A_101 = arith.cmpi ne, %convert_element_type3A_99, %cond3A_100 : i32
      scf.if %cond3A_101 {
        %dma_wait3A_335 = arith.constant 0 : i32
        %dma_wait3A_336 = arith.constant 0 : i32
        %dma_wait3A_337 = tpu.memref_slice %arg4[%dma_wait3A_335, %dma_wait3A_336] : memref<10000x128xf32, #tpu.memory_space<hbm>> -> memref<128x128xf32, #tpu.memory_space<hbm>>
        %dma_wait3A_338 = arith.constant 0 : i32
        %dma_wait3A_339 = arith.constant 0 : i32
        %dma_wait3A_340 = tpu.memref_slice %arg4[%dma_wait3A_338, %dma_wait3A_339] : memref<10000x128xf32, #tpu.memory_space<hbm>> -> memref<128x128xf32, #tpu.memory_space<hbm>>
        tpu.wait_dma2 semaphore(%arg27 : memref<!tpu.dma_semaphore, #tpu.memory_space<semaphore_mem>>) src(%dma_wait3A_340 : memref<128x128xf32, #tpu.memory_space<hbm>>) dst(%arg22 : memref<128x128xf32, #tpu.memory_space<vmem>>)
      } else {
      }
      %mul3A_102 = arith.constant 8 : i32
      %mul3A_103 = arith.muli %mul3A_102, %scan3A_97 : i32
      %add3A_104 = arith.constant 0 : i32
      %add3A_105 = arith.addi %mul3A_103, %add3A_104 : i32
      %add3A_106 = arith.constant 6 : i32
      %add3A_107 = arith.addi %add3A_105, %add3A_106 : i32
      %mul3A_108 = arith.constant 128 : i32
      %mul3A_109 = arith.muli %add3A_107, %mul3A_108 : i32
      %add3A_110 = arith.addi %mul3A_19, %mul3A_109 : i32
      %multiple_of3A_111 = tpu.assume_multiple %add3A_110, 8 : i32
      %dma_start3A_112 = tpu.memref_slice %arg2[%multiple_of3A_111] : memref<327680xi32, #tpu.memory_space<hbm>> -> memref<128xi32, #tpu.memory_space<hbm>>
      %dma_start3A_113 = tpu.memref_slice %arg2[%multiple_of3A_111] : memref<327680xi32, #tpu.memory_space<hbm>> -> memref<128xi32, #tpu.memory_space<hbm>>
      tpu.enqueue_dma source(%dma_start3A_113 : memref<128xi32, #tpu.memory_space<hbm>>) target(%arg12 : memref<128xi32, #tpu.memory_space<vmem>>) target_semaphore(%arg35 : memref<!tpu.dma_semaphore, #tpu.memory_space<semaphore_mem>>)
      %dma_start3A_114 = tpu.memref_slice %arg3[%multiple_of3A_111] : memref<327680xi32, #tpu.memory_space<hbm>> -> memref<128xi32, #tpu.memory_space<hbm>>
      %dma_start3A_115 = tpu.memref_slice %arg3[%multiple_of3A_111] : memref<327680xi32, #tpu.memory_space<hbm>> -> memref<128xi32, #tpu.memory_space<hbm>>
      tpu.enqueue_dma source(%dma_start3A_115 : memref<128xi32, #tpu.memory_space<hbm>>) target(%arg20 : memref<128xi32, #tpu.memory_space<vmem>>) target_semaphore(%arg35 : memref<!tpu.dma_semaphore, #tpu.memory_space<semaphore_mem>>)
      %dma_wait3A_116 = arith.constant 0 : i32
      %dma_wait3A_117 = tpu.memref_slice %arg2[%dma_wait3A_116] : memref<327680xi32, #tpu.memory_space<hbm>> -> memref<128xi32, #tpu.memory_space<hbm>>
      %dma_wait3A_118 = arith.constant 0 : i32
      %dma_wait3A_119 = tpu.memref_slice %arg2[%dma_wait3A_118] : memref<327680xi32, #tpu.memory_space<hbm>> -> memref<128xi32, #tpu.memory_space<hbm>>
      tpu.wait_dma2 semaphore(%arg29 : memref<!tpu.dma_semaphore, #tpu.memory_space<semaphore_mem>>) src(%dma_wait3A_119 : memref<128xi32, #tpu.memory_space<hbm>>) dst(%arg6 : memref<128xi32, #tpu.memory_space<vmem>>)
      %dma_wait3A_120 = arith.constant 0 : i32
      %dma_wait3A_121 = tpu.memref_slice %arg2[%dma_wait3A_120] : memref<327680xi32, #tpu.memory_space<hbm>> -> memref<128xi32, #tpu.memory_space<hbm>>
      %dma_wait3A_122 = arith.constant 0 : i32
      %dma_wait3A_123 = tpu.memref_slice %arg2[%dma_wait3A_122] : memref<327680xi32, #tpu.memory_space<hbm>> -> memref<128xi32, #tpu.memory_space<hbm>>
      tpu.wait_dma2 semaphore(%arg29 : memref<!tpu.dma_semaphore, #tpu.memory_space<semaphore_mem>>) src(%dma_wait3A_123 : memref<128xi32, #tpu.memory_space<hbm>>) dst(%arg14 : memref<128xi32, #tpu.memory_space<vmem>>)
      %dma_start3A_124 = arith.constant 0 : i32
      %dma_start3A_125 = arith.constant 0 : i32
      %dma_start3A_126 = tpu.memref_slice %arg4[%dma_start3A_124, %dma_start3A_125] : memref<10000x128xf32, #tpu.memory_space<hbm>> -> memref<10000x128xf32, #tpu.memory_space<hbm>>
      tpu.enqueue_indirect_dma source(%dma_start3A_126 : memref<10000x128xf32, #tpu.memory_space<hbm>>) target(%arg22 : memref<128x128xf32, #tpu.memory_space<vmem>>) offsets(%arg6 : memref<128xi32, #tpu.memory_space<vmem>>) semaphore(%arg25 : memref<!tpu.dma_semaphore, #tpu.memory_space<semaphore_mem>>)
      %gt3A_127 = arith.constant 0 : i32
      %gt3A_128 = arith.cmpi sgt, %scan3A_97, %gt3A_127 : i32
      %convert_element_type3A_129 = arith.extui %gt3A_128 : i1 to i32
      %cond3A_130 = arith.constant 0 : i32
      %cond3A_131 = arith.cmpi ne, %convert_element_type3A_129, %cond3A_130 : i32
      scf.if %cond3A_131 {
        %dma_wait3A_335 = arith.constant 0 : i32
        %dma_wait3A_336 = arith.constant 0 : i32
        %dma_wait3A_337 = tpu.memref_slice %arg4[%dma_wait3A_335, %dma_wait3A_336] : memref<10000x128xf32, #tpu.memory_space<hbm>> -> memref<128x128xf32, #tpu.memory_space<hbm>>
        %dma_wait3A_338 = arith.constant 0 : i32
        %dma_wait3A_339 = arith.constant 0 : i32
        %dma_wait3A_340 = tpu.memref_slice %arg4[%dma_wait3A_338, %dma_wait3A_339] : memref<10000x128xf32, #tpu.memory_space<hbm>> -> memref<128x128xf32, #tpu.memory_space<hbm>>
        tpu.wait_dma2 semaphore(%arg26 : memref<!tpu.dma_semaphore, #tpu.memory_space<semaphore_mem>>) src(%dma_wait3A_340 : memref<128x128xf32, #tpu.memory_space<hbm>>) dst(%arg23 : memref<128x128xf32, #tpu.memory_space<vmem>>)
        %dma_start3A_341 = arith.constant 0 : i32
        %dma_start3A_342 = arith.constant 0 : i32
        %dma_start3A_343 = tpu.memref_slice %arg24[%dma_start3A_341, %dma_start3A_342] : memref<10128x128xf32, #tpu.memory_space<vmem_shared>> -> memref<10128x128xf32, #tpu.memory_space<vmem_shared>>
        tpu.enqueue_indirect_dma source(%arg23 : memref<128x128xf32, #tpu.memory_space<vmem>>) target(%dma_start3A_343 : memref<10128x128xf32, #tpu.memory_space<vmem_shared>>) offsets(%arg21 : memref<128xi32, #tpu.memory_space<vmem>>) semaphore(%arg28 : memref<!tpu.dma_semaphore, #tpu.memory_space<semaphore_mem>>) {add = true}
      } else {
      }
      %gt3A_132 = arith.constant 0 : i32
      %gt3A_133 = arith.cmpi sgt, %scan3A_97, %gt3A_132 : i32
      %convert_element_type3A_134 = arith.extui %gt3A_133 : i1 to i32
      %cond3A_135 = arith.constant 0 : i32
      %cond3A_136 = arith.cmpi ne, %convert_element_type3A_134, %cond3A_135 : i32
      scf.if %cond3A_136 {
        %dma_wait3A_335 = arith.constant 0 : i32
        %dma_wait3A_336 = arith.constant 0 : i32
        %dma_wait3A_337 = tpu.memref_slice %arg4[%dma_wait3A_335, %dma_wait3A_336] : memref<10000x128xf32, #tpu.memory_space<hbm>> -> memref<128x128xf32, #tpu.memory_space<hbm>>
        %dma_wait3A_338 = arith.constant 0 : i32
        %dma_wait3A_339 = arith.constant 0 : i32
        %dma_wait3A_340 = tpu.memref_slice %arg4[%dma_wait3A_338, %dma_wait3A_339] : memref<10000x128xf32, #tpu.memory_space<hbm>> -> memref<128x128xf32, #tpu.memory_space<hbm>>
        tpu.wait_dma2 semaphore(%arg28 : memref<!tpu.dma_semaphore, #tpu.memory_space<semaphore_mem>>) src(%dma_wait3A_340 : memref<128x128xf32, #tpu.memory_space<hbm>>) dst(%arg23 : memref<128x128xf32, #tpu.memory_space<vmem>>)
      } else {
      }
      %mul3A_137 = arith.constant 8 : i32
      %mul3A_138 = arith.muli %mul3A_137, %scan3A_97 : i32
      %add3A_139 = arith.constant 1 : i32
      %add3A_140 = arith.addi %mul3A_138, %add3A_139 : i32
      %add3A_141 = arith.constant 6 : i32
      %add3A_142 = arith.addi %add3A_140, %add3A_141 : i32
      %mul3A_143 = arith.constant 128 : i32
      %mul3A_144 = arith.muli %add3A_142, %mul3A_143 : i32
      %add3A_145 = arith.addi %mul3A_19, %mul3A_144 : i32
      %multiple_of3A_146 = tpu.assume_multiple %add3A_145, 8 : i32
      %dma_start3A_147 = tpu.memref_slice %arg2[%multiple_of3A_146] : memref<327680xi32, #tpu.memory_space<hbm>> -> memref<128xi32, #tpu.memory_space<hbm>>
      %dma_start3A_148 = tpu.memref_slice %arg2[%multiple_of3A_146] : memref<327680xi32, #tpu.memory_space<hbm>> -> memref<128xi32, #tpu.memory_space<hbm>>
      tpu.enqueue_dma source(%dma_start3A_148 : memref<128xi32, #tpu.memory_space<hbm>>) target(%arg13 : memref<128xi32, #tpu.memory_space<vmem>>) target_semaphore(%arg36 : memref<!tpu.dma_semaphore, #tpu.memory_space<semaphore_mem>>)
      %dma_start3A_149 = tpu.memref_slice %arg3[%multiple_of3A_146] : memref<327680xi32, #tpu.memory_space<hbm>> -> memref<128xi32, #tpu.memory_space<hbm>>
      %dma_start3A_150 = tpu.memref_slice %arg3[%multiple_of3A_146] : memref<327680xi32, #tpu.memory_space<hbm>> -> memref<128xi32, #tpu.memory_space<hbm>>
      tpu.enqueue_dma source(%dma_start3A_150 : memref<128xi32, #tpu.memory_space<hbm>>) target(%arg21 : memref<128xi32, #tpu.memory_space<vmem>>) target_semaphore(%arg36 : memref<!tpu.dma_semaphore, #tpu.memory_space<semaphore_mem>>)
      %dma_wait3A_151 = arith.constant 0 : i32
      %dma_wait3A_152 = tpu.memref_slice %arg2[%dma_wait3A_151] : memref<327680xi32, #tpu.memory_space<hbm>> -> memref<128xi32, #tpu.memory_space<hbm>>
      %dma_wait3A_153 = arith.constant 0 : i32
      %dma_wait3A_154 = tpu.memref_slice %arg2[%dma_wait3A_153] : memref<327680xi32, #tpu.memory_space<hbm>> -> memref<128xi32, #tpu.memory_space<hbm>>
      tpu.wait_dma2 semaphore(%arg30 : memref<!tpu.dma_semaphore, #tpu.memory_space<semaphore_mem>>) src(%dma_wait3A_154 : memref<128xi32, #tpu.memory_space<hbm>>) dst(%arg7 : memref<128xi32, #tpu.memory_space<vmem>>)
      %dma_wait3A_155 = arith.constant 0 : i32
      %dma_wait3A_156 = tpu.memref_slice %arg2[%dma_wait3A_155] : memref<327680xi32, #tpu.memory_space<hbm>> -> memref<128xi32, #tpu.memory_space<hbm>>
      %dma_wait3A_157 = arith.constant 0 : i32
      %dma_wait3A_158 = tpu.memref_slice %arg2[%dma_wait3A_157] : memref<327680xi32, #tpu.memory_space<hbm>> -> memref<128xi32, #tpu.memory_space<hbm>>
      tpu.wait_dma2 semaphore(%arg30 : memref<!tpu.dma_semaphore, #tpu.memory_space<semaphore_mem>>) src(%dma_wait3A_158 : memref<128xi32, #tpu.memory_space<hbm>>) dst(%arg15 : memref<128xi32, #tpu.memory_space<vmem>>)
      %dma_start3A_159 = arith.constant 0 : i32
      %dma_start3A_160 = arith.constant 0 : i32
      %dma_start3A_161 = tpu.memref_slice %arg4[%dma_start3A_159, %dma_start3A_160] : memref<10000x128xf32, #tpu.memory_space<hbm>> -> memref<10000x128xf32, #tpu.memory_space<hbm>>
      tpu.enqueue_indirect_dma source(%dma_start3A_161 : memref<10000x128xf32, #tpu.memory_space<hbm>>) target(%arg23 : memref<128x128xf32, #tpu.memory_space<vmem>>) offsets(%arg7 : memref<128xi32, #tpu.memory_space<vmem>>) semaphore(%arg26 : memref<!tpu.dma_semaphore, #tpu.memory_space<semaphore_mem>>)
      %dma_wait3A_162 = arith.constant 0 : i32
      %dma_wait3A_163 = arith.constant 0 : i32
      %dma_wait3A_164 = tpu.memref_slice %arg4[%dma_wait3A_162, %dma_wait3A_163] : memref<10000x128xf32, #tpu.memory_space<hbm>> -> memref<10000x128xf32, #tpu.memory_space<hbm>>
      tpu.wait_indirect_dma semaphore(%arg25 : memref<!tpu.dma_semaphore, #tpu.memory_space<semaphore_mem>>) src(%dma_wait3A_164 : memref<10000x128xf32, #tpu.memory_space<hbm>>) dst(%arg22 : memref<128x128xf32, #tpu.memory_space<vmem>>)
      %dma_start3A_165 = arith.constant 0 : i32
      %dma_start3A_166 = arith.constant 0 : i32
      %dma_start3A_167 = tpu.memref_slice %arg24[%dma_start3A_165, %dma_start3A_166] : memref<10128x128xf32, #tpu.memory_space<vmem_shared>> -> memref<10128x128xf32, #tpu.memory_space<vmem_shared>>
      tpu.enqueue_indirect_dma source(%arg22 : memref<128x128xf32, #tpu.memory_space<vmem>>) target(%dma_start3A_167 : memref<10128x128xf32, #tpu.memory_space<vmem_shared>>) offsets(%arg14 : memref<128xi32, #tpu.memory_space<vmem>>) semaphore(%arg27 : memref<!tpu.dma_semaphore, #tpu.memory_space<semaphore_mem>>) {add = true}
      %dma_wait3A_168 = arith.constant 0 : i32
      %dma_wait3A_169 = arith.constant 0 : i32
      %dma_wait3A_170 = tpu.memref_slice %arg4[%dma_wait3A_168, %dma_wait3A_169] : memref<10000x128xf32, #tpu.memory_space<hbm>> -> memref<128x128xf32, #tpu.memory_space<hbm>>
      %dma_wait3A_171 = arith.constant 0 : i32
      %dma_wait3A_172 = arith.constant 0 : i32
      %dma_wait3A_173 = tpu.memref_slice %arg4[%dma_wait3A_171, %dma_wait3A_172] : memref<10000x128xf32, #tpu.memory_space<hbm>> -> memref<128x128xf32, #tpu.memory_space<hbm>>
      tpu.wait_dma2 semaphore(%arg27 : memref<!tpu.dma_semaphore, #tpu.memory_space<semaphore_mem>>) src(%dma_wait3A_173 : memref<128x128xf32, #tpu.memory_space<hbm>>) dst(%arg22 : memref<128x128xf32, #tpu.memory_space<vmem>>)
      %lt3A = arith.constant 9 : i32
      %lt3A_174 = arith.cmpi slt, %scan3A_97, %lt3A : i32
      %convert_element_type3A_175 = arith.extui %lt3A_174 : i1 to i32
      %cond3A_176 = arith.constant 0 : i32
      %cond3A_177 = arith.cmpi ne, %convert_element_type3A_175, %cond3A_176 : i32
      scf.if %cond3A_177 {
        %mul3A_335 = arith.constant 8 : i32
        %mul3A_336 = arith.muli %mul3A_335, %scan3A_97 : i32
        %add3A_337 = arith.constant 2 : i32
        %add3A_338 = arith.addi %mul3A_336, %add3A_337 : i32
        %add3A_339 = arith.constant 6 : i32
        %add3A_340 = arith.addi %add3A_338, %add3A_339 : i32
        %mul3A_341 = arith.constant 128 : i32
        %mul3A_342 = arith.muli %add3A_340, %mul3A_341 : i32
        %add3A_343 = arith.addi %mul3A_19, %mul3A_342 : i32
        %multiple_of3A_344 = tpu.assume_multiple %add3A_343, 8 : i32
        %dma_start3A_345 = tpu.memref_slice %arg2[%multiple_of3A_344] : memref<327680xi32, #tpu.memory_space<hbm>> -> memref<128xi32, #tpu.memory_space<hbm>>
        %dma_start3A_346 = tpu.memref_slice %arg2[%multiple_of3A_344] : memref<327680xi32, #tpu.memory_space<hbm>> -> memref<128xi32, #tpu.memory_space<hbm>>
        tpu.enqueue_dma source(%dma_start3A_346 : memref<128xi32, #tpu.memory_space<hbm>>) target(%arg6 : memref<128xi32, #tpu.memory_space<vmem>>) target_semaphore(%arg29 : memref<!tpu.dma_semaphore, #tpu.memory_space<semaphore_mem>>)
        %dma_start3A_347 = tpu.memref_slice %arg3[%multiple_of3A_344] : memref<327680xi32, #tpu.memory_space<hbm>> -> memref<128xi32, #tpu.memory_space<hbm>>
        %dma_start3A_348 = tpu.memref_slice %arg3[%multiple_of3A_344] : memref<327680xi32, #tpu.memory_space<hbm>> -> memref<128xi32, #tpu.memory_space<hbm>>
        tpu.enqueue_dma source(%dma_start3A_348 : memref<128xi32, #tpu.memory_space<hbm>>) target(%arg14 : memref<128xi32, #tpu.memory_space<vmem>>) target_semaphore(%arg29 : memref<!tpu.dma_semaphore, #tpu.memory_space<semaphore_mem>>)
      } else {
      }
      %dma_wait3A_178 = arith.constant 0 : i32
      %dma_wait3A_179 = tpu.memref_slice %arg2[%dma_wait3A_178] : memref<327680xi32, #tpu.memory_space<hbm>> -> memref<128xi32, #tpu.memory_space<hbm>>
      %dma_wait3A_180 = arith.constant 0 : i32
      %dma_wait3A_181 = tpu.memref_slice %arg2[%dma_wait3A_180] : memref<327680xi32, #tpu.memory_space<hbm>> -> memref<128xi32, #tpu.memory_space<hbm>>
      tpu.wait_dma2 semaphore(%arg31 : memref<!tpu.dma_semaphore, #tpu.memory_space<semaphore_mem>>) src(%dma_wait3A_181 : memref<128xi32, #tpu.memory_space<hbm>>) dst(%arg8 : memref<128xi32, #tpu.memory_space<vmem>>)
      %dma_wait3A_182 = arith.constant 0 : i32
      %dma_wait3A_183 = tpu.memref_slice %arg2[%dma_wait3A_182] : memref<327680xi32, #tpu.memory_space<hbm>> -> memref<128xi32, #tpu.memory_space<hbm>>
      %dma_wait3A_184 = arith.constant 0 : i32
      %dma_wait3A_185 = tpu.memref_slice %arg2[%dma_wait3A_184] : memref<327680xi32, #tpu.memory_space<hbm>> -> memref<128xi32, #tpu.memory_space<hbm>>
      tpu.wait_dma2 semaphore(%arg31 : memref<!tpu.dma_semaphore, #tpu.memory_space<semaphore_mem>>) src(%dma_wait3A_185 : memref<128xi32, #tpu.memory_space<hbm>>) dst(%arg16 : memref<128xi32, #tpu.memory_space<vmem>>)
      %dma_start3A_186 = arith.constant 0 : i32
      %dma_start3A_187 = arith.constant 0 : i32
      %dma_start3A_188 = tpu.memref_slice %arg4[%dma_start3A_186, %dma_start3A_187] : memref<10000x128xf32, #tpu.memory_space<hbm>> -> memref<10000x128xf32, #tpu.memory_space<hbm>>
      tpu.enqueue_indirect_dma source(%dma_start3A_188 : memref<10000x128xf32, #tpu.memory_space<hbm>>) target(%arg22 : memref<128x128xf32, #tpu.memory_space<vmem>>) offsets(%arg8 : memref<128xi32, #tpu.memory_space<vmem>>) semaphore(%arg25 : memref<!tpu.dma_semaphore, #tpu.memory_space<semaphore_mem>>)
      %dma_wait3A_189 = arith.constant 0 : i32
      %dma_wait3A_190 = arith.constant 0 : i32
      %dma_wait3A_191 = tpu.memref_slice %arg4[%dma_wait3A_189, %dma_wait3A_190] : memref<10000x128xf32, #tpu.memory_space<hbm>> -> memref<10000x128xf32, #tpu.memory_space<hbm>>
      tpu.wait_indirect_dma semaphore(%arg26 : memref<!tpu.dma_semaphore, #tpu.memory_space<semaphore_mem>>) src(%dma_wait3A_191 : memref<10000x128xf32, #tpu.memory_space<hbm>>) dst(%arg23 : memref<128x128xf32, #tpu.memory_space<vmem>>)
      %dma_start3A_192 = arith.constant 0 : i32
      %dma_start3A_193 = arith.constant 0 : i32
      %dma_start3A_194 = tpu.memref_slice %arg24[%dma_start3A_192, %dma_start3A_193] : memref<10128x128xf32, #tpu.memory_space<vmem_shared>> -> memref<10128x128xf32, #tpu.memory_space<vmem_shared>>
      tpu.enqueue_indirect_dma source(%arg23 : memref<128x128xf32, #tpu.memory_space<vmem>>) target(%dma_start3A_194 : memref<10128x128xf32, #tpu.memory_space<vmem_shared>>) offsets(%arg15 : memref<128xi32, #tpu.memory_space<vmem>>) semaphore(%arg28 : memref<!tpu.dma_semaphore, #tpu.memory_space<semaphore_mem>>) {add = true}
      %dma_wait3A_195 = arith.constant 0 : i32
      %dma_wait3A_196 = arith.constant 0 : i32
      %dma_wait3A_197 = tpu.memref_slice %arg4[%dma_wait3A_195, %dma_wait3A_196] : memref<10000x128xf32, #tpu.memory_space<hbm>> -> memref<128x128xf32, #tpu.memory_space<hbm>>
      %dma_wait3A_198 = arith.constant 0 : i32
      %dma_wait3A_199 = arith.constant 0 : i32
      %dma_wait3A_200 = tpu.memref_slice %arg4[%dma_wait3A_198, %dma_wait3A_199] : memref<10000x128xf32, #tpu.memory_space<hbm>> -> memref<128x128xf32, #tpu.memory_space<hbm>>
      tpu.wait_dma2 semaphore(%arg28 : memref<!tpu.dma_semaphore, #tpu.memory_space<semaphore_mem>>) src(%dma_wait3A_200 : memref<128x128xf32, #tpu.memory_space<hbm>>) dst(%arg23 : memref<128x128xf32, #tpu.memory_space<vmem>>)
      %lt3A_201 = arith.constant 9 : i32
      %lt3A_202 = arith.cmpi slt, %scan3A_97, %lt3A_201 : i32
      %convert_element_type3A_203 = arith.extui %lt3A_202 : i1 to i32
      %cond3A_204 = arith.constant 0 : i32
      %cond3A_205 = arith.cmpi ne, %convert_element_type3A_203, %cond3A_204 : i32
      scf.if %cond3A_205 {
        %mul3A_335 = arith.constant 8 : i32
        %mul3A_336 = arith.muli %mul3A_335, %scan3A_97 : i32
        %add3A_337 = arith.constant 3 : i32
        %add3A_338 = arith.addi %mul3A_336, %add3A_337 : i32
        %add3A_339 = arith.constant 6 : i32
        %add3A_340 = arith.addi %add3A_338, %add3A_339 : i32
        %mul3A_341 = arith.constant 128 : i32
        %mul3A_342 = arith.muli %add3A_340, %mul3A_341 : i32
        %add3A_343 = arith.addi %mul3A_19, %mul3A_342 : i32
        %multiple_of3A_344 = tpu.assume_multiple %add3A_343, 8 : i32
        %dma_start3A_345 = tpu.memref_slice %arg2[%multiple_of3A_344] : memref<327680xi32, #tpu.memory_space<hbm>> -> memref<128xi32, #tpu.memory_space<hbm>>
        %dma_start3A_346 = tpu.memref_slice %arg2[%multiple_of3A_344] : memref<327680xi32, #tpu.memory_space<hbm>> -> memref<128xi32, #tpu.memory_space<hbm>>
        tpu.enqueue_dma source(%dma_start3A_346 : memref<128xi32, #tpu.memory_space<hbm>>) target(%arg7 : memref<128xi32, #tpu.memory_space<vmem>>) target_semaphore(%arg30 : memref<!tpu.dma_semaphore, #tpu.memory_space<semaphore_mem>>)
        %dma_start3A_347 = tpu.memref_slice %arg3[%multiple_of3A_344] : memref<327680xi32, #tpu.memory_space<hbm>> -> memref<128xi32, #tpu.memory_space<hbm>>
        %dma_start3A_348 = tpu.memref_slice %arg3[%multiple_of3A_344] : memref<327680xi32, #tpu.memory_space<hbm>> -> memref<128xi32, #tpu.memory_space<hbm>>
        tpu.enqueue_dma source(%dma_start3A_348 : memref<128xi32, #tpu.memory_space<hbm>>) target(%arg15 : memref<128xi32, #tpu.memory_space<vmem>>) target_semaphore(%arg30 : memref<!tpu.dma_semaphore, #tpu.memory_space<semaphore_mem>>)
      } else {
      }
      %dma_wait3A_206 = arith.constant 0 : i32
      %dma_wait3A_207 = tpu.memref_slice %arg2[%dma_wait3A_206] : memref<327680xi32, #tpu.memory_space<hbm>> -> memref<128xi32, #tpu.memory_space<hbm>>
      %dma_wait3A_208 = arith.constant 0 : i32
      %dma_wait3A_209 = tpu.memref_slice %arg2[%dma_wait3A_208] : memref<327680xi32, #tpu.memory_space<hbm>> -> memref<128xi32, #tpu.memory_space<hbm>>
      tpu.wait_dma2 semaphore(%arg32 : memref<!tpu.dma_semaphore, #tpu.memory_space<semaphore_mem>>) src(%dma_wait3A_209 : memref<128xi32, #tpu.memory_space<hbm>>) dst(%arg9 : memref<128xi32, #tpu.memory_space<vmem>>)
      %dma_wait3A_210 = arith.constant 0 : i32
      %dma_wait3A_211 = tpu.memref_slice %arg2[%dma_wait3A_210] : memref<327680xi32, #tpu.memory_space<hbm>> -> memref<128xi32, #tpu.memory_space<hbm>>
      %dma_wait3A_212 = arith.constant 0 : i32
      %dma_wait3A_213 = tpu.memref_slice %arg2[%dma_wait3A_212] : memref<327680xi32, #tpu.memory_space<hbm>> -> memref<128xi32, #tpu.memory_space<hbm>>
      tpu.wait_dma2 semaphore(%arg32 : memref<!tpu.dma_semaphore, #tpu.memory_space<semaphore_mem>>) src(%dma_wait3A_213 : memref<128xi32, #tpu.memory_space<hbm>>) dst(%arg17 : memref<128xi32, #tpu.memory_space<vmem>>)
      %dma_start3A_214 = arith.constant 0 : i32
      %dma_start3A_215 = arith.constant 0 : i32
      %dma_start3A_216 = tpu.memref_slice %arg4[%dma_start3A_214, %dma_start3A_215] : memref<10000x128xf32, #tpu.memory_space<hbm>> -> memref<10000x128xf32, #tpu.memory_space<hbm>>
      tpu.enqueue_indirect_dma source(%dma_start3A_216 : memref<10000x128xf32, #tpu.memory_space<hbm>>) target(%arg23 : memref<128x128xf32, #tpu.memory_space<vmem>>) offsets(%arg9 : memref<128xi32, #tpu.memory_space<vmem>>) semaphore(%arg26 : memref<!tpu.dma_semaphore, #tpu.memory_space<semaphore_mem>>)
      %dma_wait3A_217 = arith.constant 0 : i32
      %dma_wait3A_218 = arith.constant 0 : i32
      %dma_wait3A_219 = tpu.memref_slice %arg4[%dma_wait3A_217, %dma_wait3A_218] : memref<10000x128xf32, #tpu.memory_space<hbm>> -> memref<10000x128xf32, #tpu.memory_space<hbm>>
      tpu.wait_indirect_dma semaphore(%arg25 : memref<!tpu.dma_semaphore, #tpu.memory_space<semaphore_mem>>) src(%dma_wait3A_219 : memref<10000x128xf32, #tpu.memory_space<hbm>>) dst(%arg22 : memref<128x128xf32, #tpu.memory_space<vmem>>)
      %dma_start3A_220 = arith.constant 0 : i32
      %dma_start3A_221 = arith.constant 0 : i32
      %dma_start3A_222 = tpu.memref_slice %arg24[%dma_start3A_220, %dma_start3A_221] : memref<10128x128xf32, #tpu.memory_space<vmem_shared>> -> memref<10128x128xf32, #tpu.memory_space<vmem_shared>>
      tpu.enqueue_indirect_dma source(%arg22 : memref<128x128xf32, #tpu.memory_space<vmem>>) target(%dma_start3A_222 : memref<10128x128xf32, #tpu.memory_space<vmem_shared>>) offsets(%arg16 : memref<128xi32, #tpu.memory_space<vmem>>) semaphore(%arg27 : memref<!tpu.dma_semaphore, #tpu.memory_space<semaphore_mem>>) {add = true}
      %dma_wait3A_223 = arith.constant 0 : i32
      %dma_wait3A_224 = arith.constant 0 : i32
      %dma_wait3A_225 = tpu.memref_slice %arg4[%dma_wait3A_223, %dma_wait3A_224] : memref<10000x128xf32, #tpu.memory_space<hbm>> -> memref<128x128xf32, #tpu.memory_space<hbm>>
      %dma_wait3A_226 = arith.constant 0 : i32
      %dma_wait3A_227 = arith.constant 0 : i32
      %dma_wait3A_228 = tpu.memref_slice %arg4[%dma_wait3A_226, %dma_wait3A_227] : memref<10000x128xf32, #tpu.memory_space<hbm>> -> memref<128x128xf32, #tpu.memory_space<hbm>>
      tpu.wait_dma2 semaphore(%arg27 : memref<!tpu.dma_semaphore, #tpu.memory_space<semaphore_mem>>) src(%dma_wait3A_228 : memref<128x128xf32, #tpu.memory_space<hbm>>) dst(%arg22 : memref<128x128xf32, #tpu.memory_space<vmem>>)
      %lt3A_229 = arith.constant 9 : i32
      %lt3A_230 = arith.cmpi slt, %scan3A_97, %lt3A_229 : i32
      %convert_element_type3A_231 = arith.extui %lt3A_230 : i1 to i32
      %cond3A_232 = arith.constant 0 : i32
      %cond3A_233 = arith.cmpi ne, %convert_element_type3A_231, %cond3A_232 : i32
      scf.if %cond3A_233 {
        %mul3A_335 = arith.constant 8 : i32
        %mul3A_336 = arith.muli %mul3A_335, %scan3A_97 : i32
        %add3A_337 = arith.constant 4 : i32
        %add3A_338 = arith.addi %mul3A_336, %add3A_337 : i32
        %add3A_339 = arith.constant 6 : i32
        %add3A_340 = arith.addi %add3A_338, %add3A_339 : i32
        %mul3A_341 = arith.constant 128 : i32
        %mul3A_342 = arith.muli %add3A_340, %mul3A_341 : i32
        %add3A_343 = arith.addi %mul3A_19, %mul3A_342 : i32
        %multiple_of3A_344 = tpu.assume_multiple %add3A_343, 8 : i32
        %dma_start3A_345 = tpu.memref_slice %arg2[%multiple_of3A_344] : memref<327680xi32, #tpu.memory_space<hbm>> -> memref<128xi32, #tpu.memory_space<hbm>>
        %dma_start3A_346 = tpu.memref_slice %arg2[%multiple_of3A_344] : memref<327680xi32, #tpu.memory_space<hbm>> -> memref<128xi32, #tpu.memory_space<hbm>>
        tpu.enqueue_dma source(%dma_start3A_346 : memref<128xi32, #tpu.memory_space<hbm>>) target(%arg8 : memref<128xi32, #tpu.memory_space<vmem>>) target_semaphore(%arg31 : memref<!tpu.dma_semaphore, #tpu.memory_space<semaphore_mem>>)
        %dma_start3A_347 = tpu.memref_slice %arg3[%multiple_of3A_344] : memref<327680xi32, #tpu.memory_space<hbm>> -> memref<128xi32, #tpu.memory_space<hbm>>
        %dma_start3A_348 = tpu.memref_slice %arg3[%multiple_of3A_344] : memref<327680xi32, #tpu.memory_space<hbm>> -> memref<128xi32, #tpu.memory_space<hbm>>
        tpu.enqueue_dma source(%dma_start3A_348 : memref<128xi32, #tpu.memory_space<hbm>>) target(%arg16 : memref<128xi32, #tpu.memory_space<vmem>>) target_semaphore(%arg31 : memref<!tpu.dma_semaphore, #tpu.memory_space<semaphore_mem>>)
      } else {
      }
      %dma_wait3A_234 = arith.constant 0 : i32
      %dma_wait3A_235 = tpu.memref_slice %arg2[%dma_wait3A_234] : memref<327680xi32, #tpu.memory_space<hbm>> -> memref<128xi32, #tpu.memory_space<hbm>>
      %dma_wait3A_236 = arith.constant 0 : i32
      %dma_wait3A_237 = tpu.memref_slice %arg2[%dma_wait3A_236] : memref<327680xi32, #tpu.memory_space<hbm>> -> memref<128xi32, #tpu.memory_space<hbm>>
      tpu.wait_dma2 semaphore(%arg33 : memref<!tpu.dma_semaphore, #tpu.memory_space<semaphore_mem>>) src(%dma_wait3A_237 : memref<128xi32, #tpu.memory_space<hbm>>) dst(%arg10 : memref<128xi32, #tpu.memory_space<vmem>>)
      %dma_wait3A_238 = arith.constant 0 : i32
      %dma_wait3A_239 = tpu.memref_slice %arg2[%dma_wait3A_238] : memref<327680xi32, #tpu.memory_space<hbm>> -> memref<128xi32, #tpu.memory_space<hbm>>
      %dma_wait3A_240 = arith.constant 0 : i32
      %dma_wait3A_241 = tpu.memref_slice %arg2[%dma_wait3A_240] : memref<327680xi32, #tpu.memory_space<hbm>> -> memref<128xi32, #tpu.memory_space<hbm>>
      tpu.wait_dma2 semaphore(%arg33 : memref<!tpu.dma_semaphore, #tpu.memory_space<semaphore_mem>>) src(%dma_wait3A_241 : memref<128xi32, #tpu.memory_space<hbm>>) dst(%arg18 : memref<128xi32, #tpu.memory_space<vmem>>)
      %dma_start3A_242 = arith.constant 0 : i32
      %dma_start3A_243 = arith.constant 0 : i32
      %dma_start3A_244 = tpu.memref_slice %arg4[%dma_start3A_242, %dma_start3A_243] : memref<10000x128xf32, #tpu.memory_space<hbm>> -> memref<10000x128xf32, #tpu.memory_space<hbm>>
      tpu.enqueue_indirect_dma source(%dma_start3A_244 : memref<10000x128xf32, #tpu.memory_space<hbm>>) target(%arg22 : memref<128x128xf32, #tpu.memory_space<vmem>>) offsets(%arg10 : memref<128xi32, #tpu.memory_space<vmem>>) semaphore(%arg25 : memref<!tpu.dma_semaphore, #tpu.memory_space<semaphore_mem>>)
      %dma_wait3A_245 = arith.constant 0 : i32
      %dma_wait3A_246 = arith.constant 0 : i32
      %dma_wait3A_247 = tpu.memref_slice %arg4[%dma_wait3A_245, %dma_wait3A_246] : memref<10000x128xf32, #tpu.memory_space<hbm>> -> memref<10000x128xf32, #tpu.memory_space<hbm>>
      tpu.wait_indirect_dma semaphore(%arg26 : memref<!tpu.dma_semaphore, #tpu.memory_space<semaphore_mem>>) src(%dma_wait3A_247 : memref<10000x128xf32, #tpu.memory_space<hbm>>) dst(%arg23 : memref<128x128xf32, #tpu.memory_space<vmem>>)
      %dma_start3A_248 = arith.constant 0 : i32
      %dma_start3A_249 = arith.constant 0 : i32
      %dma_start3A_250 = tpu.memref_slice %arg24[%dma_start3A_248, %dma_start3A_249] : memref<10128x128xf32, #tpu.memory_space<vmem_shared>> -> memref<10128x128xf32, #tpu.memory_space<vmem_shared>>
      tpu.enqueue_indirect_dma source(%arg23 : memref<128x128xf32, #tpu.memory_space<vmem>>) target(%dma_start3A_250 : memref<10128x128xf32, #tpu.memory_space<vmem_shared>>) offsets(%arg17 : memref<128xi32, #tpu.memory_space<vmem>>) semaphore(%arg28 : memref<!tpu.dma_semaphore, #tpu.memory_space<semaphore_mem>>) {add = true}
      %dma_wait3A_251 = arith.constant 0 : i32
      %dma_wait3A_252 = arith.constant 0 : i32
      %dma_wait3A_253 = tpu.memref_slice %arg4[%dma_wait3A_251, %dma_wait3A_252] : memref<10000x128xf32, #tpu.memory_space<hbm>> -> memref<128x128xf32, #tpu.memory_space<hbm>>
      %dma_wait3A_254 = arith.constant 0 : i32
      %dma_wait3A_255 = arith.constant 0 : i32
      %dma_wait3A_256 = tpu.memref_slice %arg4[%dma_wait3A_254, %dma_wait3A_255] : memref<10000x128xf32, #tpu.memory_space<hbm>> -> memref<128x128xf32, #tpu.memory_space<hbm>>
      tpu.wait_dma2 semaphore(%arg28 : memref<!tpu.dma_semaphore, #tpu.memory_space<semaphore_mem>>) src(%dma_wait3A_256 : memref<128x128xf32, #tpu.memory_space<hbm>>) dst(%arg23 : memref<128x128xf32, #tpu.memory_space<vmem>>)
      %lt3A_257 = arith.constant 9 : i32
      %lt3A_258 = arith.cmpi slt, %scan3A_97, %lt3A_257 : i32
      %convert_element_type3A_259 = arith.extui %lt3A_258 : i1 to i32
      %cond3A_260 = arith.constant 0 : i32
      %cond3A_261 = arith.cmpi ne, %convert_element_type3A_259, %cond3A_260 : i32
      scf.if %cond3A_261 {
        %mul3A_335 = arith.constant 8 : i32
        %mul3A_336 = arith.muli %mul3A_335, %scan3A_97 : i32
        %add3A_337 = arith.constant 5 : i32
        %add3A_338 = arith.addi %mul3A_336, %add3A_337 : i32
        %add3A_339 = arith.constant 6 : i32
        %add3A_340 = arith.addi %add3A_338, %add3A_339 : i32
        %mul3A_341 = arith.constant 128 : i32
        %mul3A_342 = arith.muli %add3A_340, %mul3A_341 : i32
        %add3A_343 = arith.addi %mul3A_19, %mul3A_342 : i32
        %multiple_of3A_344 = tpu.assume_multiple %add3A_343, 8 : i32
        %dma_start3A_345 = tpu.memref_slice %arg2[%multiple_of3A_344] : memref<327680xi32, #tpu.memory_space<hbm>> -> memref<128xi32, #tpu.memory_space<hbm>>
        %dma_start3A_346 = tpu.memref_slice %arg2[%multiple_of3A_344] : memref<327680xi32, #tpu.memory_space<hbm>> -> memref<128xi32, #tpu.memory_space<hbm>>
        tpu.enqueue_dma source(%dma_start3A_346 : memref<128xi32, #tpu.memory_space<hbm>>) target(%arg9 : memref<128xi32, #tpu.memory_space<vmem>>) target_semaphore(%arg32 : memref<!tpu.dma_semaphore, #tpu.memory_space<semaphore_mem>>)
        %dma_start3A_347 = tpu.memref_slice %arg3[%multiple_of3A_344] : memref<327680xi32, #tpu.memory_space<hbm>> -> memref<128xi32, #tpu.memory_space<hbm>>
        %dma_start3A_348 = tpu.memref_slice %arg3[%multiple_of3A_344] : memref<327680xi32, #tpu.memory_space<hbm>> -> memref<128xi32, #tpu.memory_space<hbm>>
        tpu.enqueue_dma source(%dma_start3A_348 : memref<128xi32, #tpu.memory_space<hbm>>) target(%arg17 : memref<128xi32, #tpu.memory_space<vmem>>) target_semaphore(%arg32 : memref<!tpu.dma_semaphore, #tpu.memory_space<semaphore_mem>>)
      } else {
      }
      %dma_wait3A_262 = arith.constant 0 : i32
      %dma_wait3A_263 = tpu.memref_slice %arg2[%dma_wait3A_262] : memref<327680xi32, #tpu.memory_space<hbm>> -> memref<128xi32, #tpu.memory_space<hbm>>
      %dma_wait3A_264 = arith.constant 0 : i32
      %dma_wait3A_265 = tpu.memref_slice %arg2[%dma_wait3A_264] : memref<327680xi32, #tpu.memory_space<hbm>> -> memref<128xi32, #tpu.memory_space<hbm>>
      tpu.wait_dma2 semaphore(%arg34 : memref<!tpu.dma_semaphore, #tpu.memory_space<semaphore_mem>>) src(%dma_wait3A_265 : memref<128xi32, #tpu.memory_space<hbm>>) dst(%arg11 : memref<128xi32, #tpu.memory_space<vmem>>)
      %dma_wait3A_266 = arith.constant 0 : i32
      %dma_wait3A_267 = tpu.memref_slice %arg2[%dma_wait3A_266] : memref<327680xi32, #tpu.memory_space<hbm>> -> memref<128xi32, #tpu.memory_space<hbm>>
      %dma_wait3A_268 = arith.constant 0 : i32
      %dma_wait3A_269 = tpu.memref_slice %arg2[%dma_wait3A_268] : memref<327680xi32, #tpu.memory_space<hbm>> -> memref<128xi32, #tpu.memory_space<hbm>>
      tpu.wait_dma2 semaphore(%arg34 : memref<!tpu.dma_semaphore, #tpu.memory_space<semaphore_mem>>) src(%dma_wait3A_269 : memref<128xi32, #tpu.memory_space<hbm>>) dst(%arg19 : memref<128xi32, #tpu.memory_space<vmem>>)
      %dma_start3A_270 = arith.constant 0 : i32
      %dma_start3A_271 = arith.constant 0 : i32
      %dma_start3A_272 = tpu.memref_slice %arg4[%dma_start3A_270, %dma_start3A_271] : memref<10000x128xf32, #tpu.memory_space<hbm>> -> memref<10000x128xf32, #tpu.memory_space<hbm>>
      tpu.enqueue_indirect_dma source(%dma_start3A_272 : memref<10000x128xf32, #tpu.memory_space<hbm>>) target(%arg23 : memref<128x128xf32, #tpu.memory_space<vmem>>) offsets(%arg11 : memref<128xi32, #tpu.memory_space<vmem>>) semaphore(%arg26 : memref<!tpu.dma_semaphore, #tpu.memory_space<semaphore_mem>>)
      %dma_wait3A_273 = arith.constant 0 : i32
      %dma_wait3A_274 = arith.constant 0 : i32
      %dma_wait3A_275 = tpu.memref_slice %arg4[%dma_wait3A_273, %dma_wait3A_274] : memref<10000x128xf32, #tpu.memory_space<hbm>> -> memref<10000x128xf32, #tpu.memory_space<hbm>>
      tpu.wait_indirect_dma semaphore(%arg25 : memref<!tpu.dma_semaphore, #tpu.memory_space<semaphore_mem>>) src(%dma_wait3A_275 : memref<10000x128xf32, #tpu.memory_space<hbm>>) dst(%arg22 : memref<128x128xf32, #tpu.memory_space<vmem>>)
      %dma_start3A_276 = arith.constant 0 : i32
      %dma_start3A_277 = arith.constant 0 : i32
      %dma_start3A_278 = tpu.memref_slice %arg24[%dma_start3A_276, %dma_start3A_277] : memref<10128x128xf32, #tpu.memory_space<vmem_shared>> -> memref<10128x128xf32, #tpu.memory_space<vmem_shared>>
      tpu.enqueue_indirect_dma source(%arg22 : memref<128x128xf32, #tpu.memory_space<vmem>>) target(%dma_start3A_278 : memref<10128x128xf32, #tpu.memory_space<vmem_shared>>) offsets(%arg18 : memref<128xi32, #tpu.memory_space<vmem>>) semaphore(%arg27 : memref<!tpu.dma_semaphore, #tpu.memory_space<semaphore_mem>>) {add = true}
      %dma_wait3A_279 = arith.constant 0 : i32
      %dma_wait3A_280 = arith.constant 0 : i32
      %dma_wait3A_281 = tpu.memref_slice %arg4[%dma_wait3A_279, %dma_wait3A_280] : memref<10000x128xf32, #tpu.memory_space<hbm>> -> memref<128x128xf32, #tpu.memory_space<hbm>>
      %dma_wait3A_282 = arith.constant 0 : i32
      %dma_wait3A_283 = arith.constant 0 : i32
      %dma_wait3A_284 = tpu.memref_slice %arg4[%dma_wait3A_282, %dma_wait3A_283] : memref<10000x128xf32, #tpu.memory_space<hbm>> -> memref<128x128xf32, #tpu.memory_space<hbm>>
      tpu.wait_dma2 semaphore(%arg27 : memref<!tpu.dma_semaphore, #tpu.memory_space<semaphore_mem>>) src(%dma_wait3A_284 : memref<128x128xf32, #tpu.memory_space<hbm>>) dst(%arg22 : memref<128x128xf32, #tpu.memory_space<vmem>>)
      %lt3A_285 = arith.constant 9 : i32
      %lt3A_286 = arith.cmpi slt, %scan3A_97, %lt3A_285 : i32
      %convert_element_type3A_287 = arith.extui %lt3A_286 : i1 to i32
      %cond3A_288 = arith.constant 0 : i32
      %cond3A_289 = arith.cmpi ne, %convert_element_type3A_287, %cond3A_288 : i32
      scf.if %cond3A_289 {
        %mul3A_335 = arith.constant 8 : i32
        %mul3A_336 = arith.muli %mul3A_335, %scan3A_97 : i32
        %add3A_337 = arith.constant 6 : i32
        %add3A_338 = arith.addi %mul3A_336, %add3A_337 : i32
        %add3A_339 = arith.constant 6 : i32
        %add3A_340 = arith.addi %add3A_338, %add3A_339 : i32
        %mul3A_341 = arith.constant 128 : i32
        %mul3A_342 = arith.muli %add3A_340, %mul3A_341 : i32
        %add3A_343 = arith.addi %mul3A_19, %mul3A_342 : i32
        %multiple_of3A_344 = tpu.assume_multiple %add3A_343, 8 : i32
        %dma_start3A_345 = tpu.memref_slice %arg2[%multiple_of3A_344] : memref<327680xi32, #tpu.memory_space<hbm>> -> memref<128xi32, #tpu.memory_space<hbm>>
        %dma_start3A_346 = tpu.memref_slice %arg2[%multiple_of3A_344] : memref<327680xi32, #tpu.memory_space<hbm>> -> memref<128xi32, #tpu.memory_space<hbm>>
        tpu.enqueue_dma source(%dma_start3A_346 : memref<128xi32, #tpu.memory_space<hbm>>) target(%arg10 : memref<128xi32, #tpu.memory_space<vmem>>) target_semaphore(%arg33 : memref<!tpu.dma_semaphore, #tpu.memory_space<semaphore_mem>>)
        %dma_start3A_347 = tpu.memref_slice %arg3[%multiple_of3A_344] : memref<327680xi32, #tpu.memory_space<hbm>> -> memref<128xi32, #tpu.memory_space<hbm>>
        %dma_start3A_348 = tpu.memref_slice %arg3[%multiple_of3A_344] : memref<327680xi32, #tpu.memory_space<hbm>> -> memref<128xi32, #tpu.memory_space<hbm>>
        tpu.enqueue_dma source(%dma_start3A_348 : memref<128xi32, #tpu.memory_space<hbm>>) target(%arg18 : memref<128xi32, #tpu.memory_space<vmem>>) target_semaphore(%arg33 : memref<!tpu.dma_semaphore, #tpu.memory_space<semaphore_mem>>)
      } else {
      }
      %dma_wait3A_290 = arith.constant 0 : i32
      %dma_wait3A_291 = tpu.memref_slice %arg2[%dma_wait3A_290] : memref<327680xi32, #tpu.memory_space<hbm>> -> memref<128xi32, #tpu.memory_space<hbm>>
      %dma_wait3A_292 = arith.constant 0 : i32
      %dma_wait3A_293 = tpu.memref_slice %arg2[%dma_wait3A_292] : memref<327680xi32, #tpu.memory_space<hbm>> -> memref<128xi32, #tpu.memory_space<hbm>>
      tpu.wait_dma2 semaphore(%arg35 : memref<!tpu.dma_semaphore, #tpu.memory_space<semaphore_mem>>) src(%dma_wait3A_293 : memref<128xi32, #tpu.memory_space<hbm>>) dst(%arg12 : memref<128xi32, #tpu.memory_space<vmem>>)
      %dma_wait3A_294 = arith.constant 0 : i32
      %dma_wait3A_295 = tpu.memref_slice %arg2[%dma_wait3A_294] : memref<327680xi32, #tpu.memory_space<hbm>> -> memref<128xi32, #tpu.memory_space<hbm>>
      %dma_wait3A_296 = arith.constant 0 : i32
      %dma_wait3A_297 = tpu.memref_slice %arg2[%dma_wait3A_296] : memref<327680xi32, #tpu.memory_space<hbm>> -> memref<128xi32, #tpu.memory_space<hbm>>
      tpu.wait_dma2 semaphore(%arg35 : memref<!tpu.dma_semaphore, #tpu.memory_space<semaphore_mem>>) src(%dma_wait3A_297 : memref<128xi32, #tpu.memory_space<hbm>>) dst(%arg20 : memref<128xi32, #tpu.memory_space<vmem>>)
      %dma_start3A_298 = arith.constant 0 : i32
      %dma_start3A_299 = arith.constant 0 : i32
      %dma_start3A_300 = tpu.memref_slice %arg4[%dma_start3A_298, %dma_start3A_299] : memref<10000x128xf32, #tpu.memory_space<hbm>> -> memref<10000x128xf32, #tpu.memory_space<hbm>>
      tpu.enqueue_indirect_dma source(%dma_start3A_300 : memref<10000x128xf32, #tpu.memory_space<hbm>>) target(%arg22 : memref<128x128xf32, #tpu.memory_space<vmem>>) offsets(%arg12 : memref<128xi32, #tpu.memory_space<vmem>>) semaphore(%arg25 : memref<!tpu.dma_semaphore, #tpu.memory_space<semaphore_mem>>)
      %dma_wait3A_301 = arith.constant 0 : i32
      %dma_wait3A_302 = arith.constant 0 : i32
      %dma_wait3A_303 = tpu.memref_slice %arg4[%dma_wait3A_301, %dma_wait3A_302] : memref<10000x128xf32, #tpu.memory_space<hbm>> -> memref<10000x128xf32, #tpu.memory_space<hbm>>
      tpu.wait_indirect_dma semaphore(%arg26 : memref<!tpu.dma_semaphore, #tpu.memory_space<semaphore_mem>>) src(%dma_wait3A_303 : memref<10000x128xf32, #tpu.memory_space<hbm>>) dst(%arg23 : memref<128x128xf32, #tpu.memory_space<vmem>>)
      %dma_start3A_304 = arith.constant 0 : i32
      %dma_start3A_305 = arith.constant 0 : i32
      %dma_start3A_306 = tpu.memref_slice %arg24[%dma_start3A_304, %dma_start3A_305] : memref<10128x128xf32, #tpu.memory_space<vmem_shared>> -> memref<10128x128xf32, #tpu.memory_space<vmem_shared>>
      tpu.enqueue_indirect_dma source(%arg23 : memref<128x128xf32, #tpu.memory_space<vmem>>) target(%dma_start3A_306 : memref<10128x128xf32, #tpu.memory_space<vmem_shared>>) offsets(%arg19 : memref<128xi32, #tpu.memory_space<vmem>>) semaphore(%arg28 : memref<!tpu.dma_semaphore, #tpu.memory_space<semaphore_mem>>) {add = true}
      %dma_wait3A_307 = arith.constant 0 : i32
      %dma_wait3A_308 = arith.constant 0 : i32
      %dma_wait3A_309 = tpu.memref_slice %arg4[%dma_wait3A_307, %dma_wait3A_308] : memref<10000x128xf32, #tpu.memory_space<hbm>> -> memref<128x128xf32, #tpu.memory_space<hbm>>
      %dma_wait3A_310 = arith.constant 0 : i32
      %dma_wait3A_311 = arith.constant 0 : i32
      %dma_wait3A_312 = tpu.memref_slice %arg4[%dma_wait3A_310, %dma_wait3A_311] : memref<10000x128xf32, #tpu.memory_space<hbm>> -> memref<128x128xf32, #tpu.memory_space<hbm>>
      tpu.wait_dma2 semaphore(%arg28 : memref<!tpu.dma_semaphore, #tpu.memory_space<semaphore_mem>>) src(%dma_wait3A_312 : memref<128x128xf32, #tpu.memory_space<hbm>>) dst(%arg23 : memref<128x128xf32, #tpu.memory_space<vmem>>)
      %lt3A_313 = arith.constant 9 : i32
      %lt3A_314 = arith.cmpi slt, %scan3A_97, %lt3A_313 : i32
      %convert_element_type3A_315 = arith.extui %lt3A_314 : i1 to i32
      %cond3A_316 = arith.constant 0 : i32
      %cond3A_317 = arith.cmpi ne, %convert_element_type3A_315, %cond3A_316 : i32
      scf.if %cond3A_317 {
        %mul3A_335 = arith.constant 8 : i32
        %mul3A_336 = arith.muli %mul3A_335, %scan3A_97 : i32
        %add3A_337 = arith.constant 7 : i32
        %add3A_338 = arith.addi %mul3A_336, %add3A_337 : i32
        %add3A_339 = arith.constant 6 : i32
        %add3A_340 = arith.addi %add3A_338, %add3A_339 : i32
        %mul3A_341 = arith.constant 128 : i32
        %mul3A_342 = arith.muli %add3A_340, %mul3A_341 : i32
        %add3A_343 = arith.addi %mul3A_19, %mul3A_342 : i32
        %multiple_of3A_344 = tpu.assume_multiple %add3A_343, 8 : i32
        %dma_start3A_345 = tpu.memref_slice %arg2[%multiple_of3A_344] : memref<327680xi32, #tpu.memory_space<hbm>> -> memref<128xi32, #tpu.memory_space<hbm>>
        %dma_start3A_346 = tpu.memref_slice %arg2[%multiple_of3A_344] : memref<327680xi32, #tpu.memory_space<hbm>> -> memref<128xi32, #tpu.memory_space<hbm>>
        tpu.enqueue_dma source(%dma_start3A_346 : memref<128xi32, #tpu.memory_space<hbm>>) target(%arg11 : memref<128xi32, #tpu.memory_space<vmem>>) target_semaphore(%arg34 : memref<!tpu.dma_semaphore, #tpu.memory_space<semaphore_mem>>)
        %dma_start3A_347 = tpu.memref_slice %arg3[%multiple_of3A_344] : memref<327680xi32, #tpu.memory_space<hbm>> -> memref<128xi32, #tpu.memory_space<hbm>>
        %dma_start3A_348 = tpu.memref_slice %arg3[%multiple_of3A_344] : memref<327680xi32, #tpu.memory_space<hbm>> -> memref<128xi32, #tpu.memory_space<hbm>>
        tpu.enqueue_dma source(%dma_start3A_348 : memref<128xi32, #tpu.memory_space<hbm>>) target(%arg19 : memref<128xi32, #tpu.memory_space<vmem>>) target_semaphore(%arg34 : memref<!tpu.dma_semaphore, #tpu.memory_space<semaphore_mem>>)
      } else {
      }
      %dma_wait3A_318 = arith.constant 0 : i32
      %dma_wait3A_319 = tpu.memref_slice %arg2[%dma_wait3A_318] : memref<327680xi32, #tpu.memory_space<hbm>> -> memref<128xi32, #tpu.memory_space<hbm>>
      %dma_wait3A_320 = arith.constant 0 : i32
      %dma_wait3A_321 = tpu.memref_slice %arg2[%dma_wait3A_320] : memref<327680xi32, #tpu.memory_space<hbm>> -> memref<128xi32, #tpu.memory_space<hbm>>
      tpu.wait_dma2 semaphore(%arg36 : memref<!tpu.dma_semaphore, #tpu.memory_space<semaphore_mem>>) src(%dma_wait3A_321 : memref<128xi32, #tpu.memory_space<hbm>>) dst(%arg13 : memref<128xi32, #tpu.memory_space<vmem>>)
      %dma_wait3A_322 = arith.constant 0 : i32
      %dma_wait3A_323 = tpu.memref_slice %arg2[%dma_wait3A_322] : memref<327680xi32, #tpu.memory_space<hbm>> -> memref<128xi32, #tpu.memory_space<hbm>>
      %dma_wait3A_324 = arith.constant 0 : i32
      %dma_wait3A_325 = tpu.memref_slice %arg2[%dma_wait3A_324] : memref<327680xi32, #tpu.memory_space<hbm>> -> memref<128xi32, #tpu.memory_space<hbm>>
      tpu.wait_dma2 semaphore(%arg36 : memref<!tpu.dma_semaphore, #tpu.memory_space<semaphore_mem>>) src(%dma_wait3A_325 : memref<128xi32, #tpu.memory_space<hbm>>) dst(%arg21 : memref<128xi32, #tpu.memory_space<vmem>>)
      %dma_start3A_326 = arith.constant 0 : i32
      %dma_start3A_327 = arith.constant 0 : i32
      %dma_start3A_328 = tpu.memref_slice %arg4[%dma_start3A_326, %dma_start3A_327] : memref<10000x128xf32, #tpu.memory_space<hbm>> -> memref<10000x128xf32, #tpu.memory_space<hbm>>
      tpu.enqueue_indirect_dma source(%dma_start3A_328 : memref<10000x128xf32, #tpu.memory_space<hbm>>) target(%arg23 : memref<128x128xf32, #tpu.memory_space<vmem>>) offsets(%arg13 : memref<128xi32, #tpu.memory_space<vmem>>) semaphore(%arg26 : memref<!tpu.dma_semaphore, #tpu.memory_space<semaphore_mem>>)
      %dma_wait3A_329 = arith.constant 0 : i32
      %dma_wait3A_330 = arith.constant 0 : i32
      %dma_wait3A_331 = tpu.memref_slice %arg4[%dma_wait3A_329, %dma_wait3A_330] : memref<10000x128xf32, #tpu.memory_space<hbm>> -> memref<10000x128xf32, #tpu.memory_space<hbm>>
      tpu.wait_indirect_dma semaphore(%arg25 : memref<!tpu.dma_semaphore, #tpu.memory_space<semaphore_mem>>) src(%dma_wait3A_331 : memref<10000x128xf32, #tpu.memory_space<hbm>>) dst(%arg22 : memref<128x128xf32, #tpu.memory_space<vmem>>)
      %dma_start3A_332 = arith.constant 0 : i32
      %dma_start3A_333 = arith.constant 0 : i32
      %dma_start3A_334 = tpu.memref_slice %arg24[%dma_start3A_332, %dma_start3A_333] : memref<10128x128xf32, #tpu.memory_space<vmem_shared>> -> memref<10128x128xf32, #tpu.memory_space<vmem_shared>>
      tpu.enqueue_indirect_dma source(%arg22 : memref<128x128xf32, #tpu.memory_space<vmem>>) target(%dma_start3A_334 : memref<10128x128xf32, #tpu.memory_space<vmem_shared>>) offsets(%arg20 : memref<128xi32, #tpu.memory_space<vmem>>) semaphore(%arg27 : memref<!tpu.dma_semaphore, #tpu.memory_space<semaphore_mem>>) {add = true}
    }
    %scan3A_65 = arith.constant 10 : i32
    %dma_wait3A = arith.constant 0 : i32
    %dma_wait3A_66 = arith.constant 0 : i32
    %dma_wait3A_67 = tpu.memref_slice %arg4[%dma_wait3A, %dma_wait3A_66] : memref<10000x128xf32, #tpu.memory_space<hbm>> -> memref<128x128xf32, #tpu.memory_space<hbm>>
    %dma_wait3A_68 = arith.constant 0 : i32
    %dma_wait3A_69 = arith.constant 0 : i32
    %dma_wait3A_70 = tpu.memref_slice %arg4[%dma_wait3A_68, %dma_wait3A_69] : memref<10000x128xf32, #tpu.memory_space<hbm>> -> memref<128x128xf32, #tpu.memory_space<hbm>>
    tpu.wait_dma2 semaphore(%arg26 : memref<!tpu.dma_semaphore, #tpu.memory_space<semaphore_mem>>) src(%dma_wait3A_70 : memref<128x128xf32, #tpu.memory_space<hbm>>) dst(%arg23 : memref<128x128xf32, #tpu.memory_space<vmem>>)
    %dma_start3A_71 = arith.constant 0 : i32
    %dma_start3A_72 = arith.constant 0 : i32
    %dma_start3A_73 = tpu.memref_slice %arg24[%dma_start3A_71, %dma_start3A_72] : memref<10128x128xf32, #tpu.memory_space<vmem_shared>> -> memref<10128x128xf32, #tpu.memory_space<vmem_shared>>
    tpu.enqueue_indirect_dma source(%arg23 : memref<128x128xf32, #tpu.memory_space<vmem>>) target(%dma_start3A_73 : memref<10128x128xf32, #tpu.memory_space<vmem_shared>>) offsets(%arg21 : memref<128xi32, #tpu.memory_space<vmem>>) semaphore(%arg28 : memref<!tpu.dma_semaphore, #tpu.memory_space<semaphore_mem>>) {add = true}
    %dma_wait3A_74 = arith.constant 0 : i32
    %dma_wait3A_75 = arith.constant 0 : i32
    %dma_wait3A_76 = tpu.memref_slice %arg4[%dma_wait3A_74, %dma_wait3A_75] : memref<10000x128xf32, #tpu.memory_space<hbm>> -> memref<128x128xf32, #tpu.memory_space<hbm>>
    %dma_wait3A_77 = arith.constant 0 : i32
    %dma_wait3A_78 = arith.constant 0 : i32
    %dma_wait3A_79 = tpu.memref_slice %arg4[%dma_wait3A_77, %dma_wait3A_78] : memref<10000x128xf32, #tpu.memory_space<hbm>> -> memref<128x128xf32, #tpu.memory_space<hbm>>
    tpu.wait_dma2 semaphore(%arg27 : memref<!tpu.dma_semaphore, #tpu.memory_space<semaphore_mem>>) src(%dma_wait3A_79 : memref<128x128xf32, #tpu.memory_space<hbm>>) dst(%arg22 : memref<128x128xf32, #tpu.memory_space<vmem>>)
    %dma_wait3A_80 = arith.constant 0 : i32
    %dma_wait3A_81 = arith.constant 0 : i32
    %dma_wait3A_82 = tpu.memref_slice %arg4[%dma_wait3A_80, %dma_wait3A_81] : memref<10000x128xf32, #tpu.memory_space<hbm>> -> memref<128x128xf32, #tpu.memory_space<hbm>>
    %dma_wait3A_83 = arith.constant 0 : i32
    %dma_wait3A_84 = arith.constant 0 : i32
    %dma_wait3A_85 = tpu.memref_slice %arg4[%dma_wait3A_83, %dma_wait3A_84] : memref<10000x128xf32, #tpu.memory_space<hbm>> -> memref<128x128xf32, #tpu.memory_space<hbm>>
    tpu.wait_dma2 semaphore(%arg28 : memref<!tpu.dma_semaphore, #tpu.memory_space<semaphore_mem>>) src(%dma_wait3A_85 : memref<128x128xf32, #tpu.memory_space<hbm>>) dst(%arg23 : memref<128x128xf32, #tpu.memory_space<vmem>>)
    %barrier3A_86 = arith.constant 0 : index
    tpu.barrier barrier_id(%barrier3A_86)
    %ne3A_87 = arith.constant 15 : i32
    %ne3A_88 = arith.cmpi ne, %arg1, %ne3A_87 : i32
    %convert_element_type3A_89 = arith.extui %ne3A_88 : i1 to i32
    %cond3A_90 = arith.constant 0 : i32
    %cond3A_91 = arith.cmpi ne, %convert_element_type3A_89, %cond3A_90 : i32
    scf.if %cond3A_91 {
      %mul3A_97 = arith.constant 624 : i32
      %mul3A_98 = arith.muli %arg1, %mul3A_97 : i32
      %multiple_of3A_99 = tpu.assume_multiple %mul3A_98, 8 : i32
      %add3A_100 = arith.constant 0 : i32
      %add3A_101 = arith.addi %multiple_of3A_99, %add3A_100 : i32
      %add3A_102 = arith.constant 0 : i32
      %add3A_103 = arith.addi %multiple_of3A_99, %add3A_102 : i32
      "tpu.region"() ({
        %run_scoped3A = tpu.sem_alloc : memref<!tpu.dma_semaphore, #tpu.memory_space<semaphore_mem>>
        %dma_start3A_120 = arith.constant 0 : i32
        %dma_start3A_121 = tpu.memref_slice %arg5[%arg0, %add3A_103, %dma_start3A_120] : memref<2x10000x128xf32, #tpu.memory_space<hbm>> -> memref<1x128x128xf32, #tpu.memory_space<hbm>>
        %dma_start3A_122 = tpu.memref_squeeze %dma_start3A_121 : memref<1x128x128xf32, #tpu.memory_space<hbm>> -> memref<128x128xf32, #tpu.memory_space<hbm>>
        %dma_start3A_123 = arith.constant 0 : i32
        %dma_start3A_124 = tpu.memref_slice %arg24[%add3A_101, %dma_start3A_123] : memref<10128x128xf32, #tpu.memory_space<vmem_shared>> -> memref<128x128xf32, #tpu.memory_space<vmem_shared>>
        tpu.enqueue_dma source(%dma_start3A_124 : memref<128x128xf32, #tpu.memory_space<vmem_shared>>) target(%dma_start3A_122 : memref<128x128xf32, #tpu.memory_space<hbm>>) target_semaphore(%run_scoped3A : memref<!tpu.dma_semaphore, #tpu.memory_space<semaphore_mem>>)
        %dma_wait3A_125 = arith.constant 0 : i32
        %dma_wait3A_126 = tpu.memref_slice %arg5[%arg0, %add3A_103, %dma_wait3A_125] : memref<2x10000x128xf32, #tpu.memory_space<hbm>> -> memref<1x128x128xf32, #tpu.memory_space<hbm>>
        %dma_wait3A_127 = tpu.memref_squeeze %dma_wait3A_126 : memref<1x128x128xf32, #tpu.memory_space<hbm>> -> memref<128x128xf32, #tpu.memory_space<hbm>>
        %dma_wait3A_128 = arith.constant 0 : i32
        %dma_wait3A_129 = tpu.memref_slice %arg24[%add3A_101, %dma_wait3A_128] : memref<10128x128xf32, #tpu.memory_space<vmem_shared>> -> memref<128x128xf32, #tpu.memory_space<vmem_shared>>
        tpu.wait_dma2 semaphore(%run_scoped3A : memref<!tpu.dma_semaphore, #tpu.memory_space<semaphore_mem>>) src(%dma_wait3A_129 : memref<128x128xf32, #tpu.memory_space<vmem_shared>>) dst(%dma_wait3A_127 : memref<128x128xf32, #tpu.memory_space<hbm>>)
        tpu.yield
      }) : () -> ()
      %add3A_104 = arith.constant 128 : i32
      %add3A_105 = arith.addi %multiple_of3A_99, %add3A_104 : i32
      %add3A_106 = arith.constant 128 : i32
      %add3A_107 = arith.addi %multiple_of3A_99, %add3A_106 : i32
      "tpu.region"() ({
        %run_scoped3A = tpu.sem_alloc : memref<!tpu.dma_semaphore, #tpu.memory_space<semaphore_mem>>
        %dma_start3A_120 = arith.constant 0 : i32
        %dma_start3A_121 = tpu.memref_slice %arg5[%arg0, %add3A_107, %dma_start3A_120] : memref<2x10000x128xf32, #tpu.memory_space<hbm>> -> memref<1x128x128xf32, #tpu.memory_space<hbm>>
        %dma_start3A_122 = tpu.memref_squeeze %dma_start3A_121 : memref<1x128x128xf32, #tpu.memory_space<hbm>> -> memref<128x128xf32, #tpu.memory_space<hbm>>
        %dma_start3A_123 = arith.constant 0 : i32
        %dma_start3A_124 = tpu.memref_slice %arg24[%add3A_105, %dma_start3A_123] : memref<10128x128xf32, #tpu.memory_space<vmem_shared>> -> memref<128x128xf32, #tpu.memory_space<vmem_shared>>
        tpu.enqueue_dma source(%dma_start3A_124 : memref<128x128xf32, #tpu.memory_space<vmem_shared>>) target(%dma_start3A_122 : memref<128x128xf32, #tpu.memory_space<hbm>>) target_semaphore(%run_scoped3A : memref<!tpu.dma_semaphore, #tpu.memory_space<semaphore_mem>>)
        %dma_wait3A_125 = arith.constant 0 : i32
        %dma_wait3A_126 = tpu.memref_slice %arg5[%arg0, %add3A_107, %dma_wait3A_125] : memref<2x10000x128xf32, #tpu.memory_space<hbm>> -> memref<1x128x128xf32, #tpu.memory_space<hbm>>
        %dma_wait3A_127 = tpu.memref_squeeze %dma_wait3A_126 : memref<1x128x128xf32, #tpu.memory_space<hbm>> -> memref<128x128xf32, #tpu.memory_space<hbm>>
        %dma_wait3A_128 = arith.constant 0 : i32
        %dma_wait3A_129 = tpu.memref_slice %arg24[%add3A_105, %dma_wait3A_128] : memref<10128x128xf32, #tpu.memory_space<vmem_shared>> -> memref<128x128xf32, #tpu.memory_space<vmem_shared>>
        tpu.wait_dma2 semaphore(%run_scoped3A : memref<!tpu.dma_semaphore, #tpu.memory_space<semaphore_mem>>) src(%dma_wait3A_129 : memref<128x128xf32, #tpu.memory_space<vmem_shared>>) dst(%dma_wait3A_127 : memref<128x128xf32, #tpu.memory_space<hbm>>)
        tpu.yield
      }) : () -> ()
      %add3A_108 = arith.constant 256 : i32
      %add3A_109 = arith.addi %multiple_of3A_99, %add3A_108 : i32
      %add3A_110 = arith.constant 256 : i32
      %add3A_111 = arith.addi %multiple_of3A_99, %add3A_110 : i32
      "tpu.region"() ({
        %run_scoped3A = tpu.sem_alloc : memref<!tpu.dma_semaphore, #tpu.memory_space<semaphore_mem>>
        %dma_start3A_120 = arith.constant 0 : i32
        %dma_start3A_121 = tpu.memref_slice %arg5[%arg0, %add3A_111, %dma_start3A_120] : memref<2x10000x128xf32, #tpu.memory_space<hbm>> -> memref<1x128x128xf32, #tpu.memory_space<hbm>>
        %dma_start3A_122 = tpu.memref_squeeze %dma_start3A_121 : memref<1x128x128xf32, #tpu.memory_space<hbm>> -> memref<128x128xf32, #tpu.memory_space<hbm>>
        %dma_start3A_123 = arith.constant 0 : i32
        %dma_start3A_124 = tpu.memref_slice %arg24[%add3A_109, %dma_start3A_123] : memref<10128x128xf32, #tpu.memory_space<vmem_shared>> -> memref<128x128xf32, #tpu.memory_space<vmem_shared>>
        tpu.enqueue_dma source(%dma_start3A_124 : memref<128x128xf32, #tpu.memory_space<vmem_shared>>) target(%dma_start3A_122 : memref<128x128xf32, #tpu.memory_space<hbm>>) target_semaphore(%run_scoped3A : memref<!tpu.dma_semaphore, #tpu.memory_space<semaphore_mem>>)
        %dma_wait3A_125 = arith.constant 0 : i32
        %dma_wait3A_126 = tpu.memref_slice %arg5[%arg0, %add3A_111, %dma_wait3A_125] : memref<2x10000x128xf32, #tpu.memory_space<hbm>> -> memref<1x128x128xf32, #tpu.memory_space<hbm>>
        %dma_wait3A_127 = tpu.memref_squeeze %dma_wait3A_126 : memref<1x128x128xf32, #tpu.memory_space<hbm>> -> memref<128x128xf32, #tpu.memory_space<hbm>>
        %dma_wait3A_128 = arith.constant 0 : i32
        %dma_wait3A_129 = tpu.memref_slice %arg24[%add3A_109, %dma_wait3A_128] : memref<10128x128xf32, #tpu.memory_space<vmem_shared>> -> memref<128x128xf32, #tpu.memory_space<vmem_shared>>
        tpu.wait_dma2 semaphore(%run_scoped3A : memref<!tpu.dma_semaphore, #tpu.memory_space<semaphore_mem>>) src(%dma_wait3A_129 : memref<128x128xf32, #tpu.memory_space<vmem_shared>>) dst(%dma_wait3A_127 : memref<128x128xf32, #tpu.memory_space<hbm>>)
        tpu.yield
      }) : () -> ()
      %add3A_112 = arith.constant 384 : i32
      %add3A_113 = arith.addi %multiple_of3A_99, %add3A_112 : i32
      %add3A_114 = arith.constant 384 : i32
      %add3A_115 = arith.addi %multiple_of3A_99, %add3A_114 : i32
      "tpu.region"() ({
        %run_scoped3A = tpu.sem_alloc : memref<!tpu.dma_semaphore, #tpu.memory_space<semaphore_mem>>
        %dma_start3A_120 = arith.constant 0 : i32
        %dma_start3A_121 = tpu.memref_slice %arg5[%arg0, %add3A_115, %dma_start3A_120] : memref<2x10000x128xf32, #tpu.memory_space<hbm>> -> memref<1x128x128xf32, #tpu.memory_space<hbm>>
        %dma_start3A_122 = tpu.memref_squeeze %dma_start3A_121 : memref<1x128x128xf32, #tpu.memory_space<hbm>> -> memref<128x128xf32, #tpu.memory_space<hbm>>
        %dma_start3A_123 = arith.constant 0 : i32
        %dma_start3A_124 = tpu.memref_slice %arg24[%add3A_113, %dma_start3A_123] : memref<10128x128xf32, #tpu.memory_space<vmem_shared>> -> memref<128x128xf32, #tpu.memory_space<vmem_shared>>
        tpu.enqueue_dma source(%dma_start3A_124 : memref<128x128xf32, #tpu.memory_space<vmem_shared>>) target(%dma_start3A_122 : memref<128x128xf32, #tpu.memory_space<hbm>>) target_semaphore(%run_scoped3A : memref<!tpu.dma_semaphore, #tpu.memory_space<semaphore_mem>>)
        %dma_wait3A_125 = arith.constant 0 : i32
        %dma_wait3A_126 = tpu.memref_slice %arg5[%arg0, %add3A_115, %dma_wait3A_125] : memref<2x10000x128xf32, #tpu.memory_space<hbm>> -> memref<1x128x128xf32, #tpu.memory_space<hbm>>
        %dma_wait3A_127 = tpu.memref_squeeze %dma_wait3A_126 : memref<1x128x128xf32, #tpu.memory_space<hbm>> -> memref<128x128xf32, #tpu.memory_space<hbm>>
        %dma_wait3A_128 = arith.constant 0 : i32
        %dma_wait3A_129 = tpu.memref_slice %arg24[%add3A_113, %dma_wait3A_128] : memref<10128x128xf32, #tpu.memory_space<vmem_shared>> -> memref<128x128xf32, #tpu.memory_space<vmem_shared>>
        tpu.wait_dma2 semaphore(%run_scoped3A : memref<!tpu.dma_semaphore, #tpu.memory_space<semaphore_mem>>) src(%dma_wait3A_129 : memref<128x128xf32, #tpu.memory_space<vmem_shared>>) dst(%dma_wait3A_127 : memref<128x128xf32, #tpu.memory_space<hbm>>)
        tpu.yield
      }) : () -> ()
      %add3A_116 = arith.constant 512 : i32
      %add3A_117 = arith.addi %multiple_of3A_99, %add3A_116 : i32
      %add3A_118 = arith.constant 512 : i32
      %add3A_119 = arith.addi %multiple_of3A_99, %add3A_118 : i32
      "tpu.region"() ({
        %run_scoped3A = tpu.sem_alloc : memref<!tpu.dma_semaphore, #tpu.memory_space<semaphore_mem>>
        %dma_start3A_120 = arith.constant 0 : i32
        %dma_start3A_121 = tpu.memref_slice %arg5[%arg0, %add3A_119, %dma_start3A_120] : memref<2x10000x128xf32, #tpu.memory_space<hbm>> -> memref<1x112x128xf32, #tpu.memory_space<hbm>>
        %dma_start3A_122 = tpu.memref_squeeze %dma_start3A_121 : memref<1x112x128xf32, #tpu.memory_space<hbm>> -> memref<112x128xf32, #tpu.memory_space<hbm>>
        %dma_start3A_123 = arith.constant 0 : i32
        %dma_start3A_124 = tpu.memref_slice %arg24[%add3A_117, %dma_start3A_123] : memref<10128x128xf32, #tpu.memory_space<vmem_shared>> -> memref<112x128xf32, #tpu.memory_space<vmem_shared>>
        tpu.enqueue_dma source(%dma_start3A_124 : memref<112x128xf32, #tpu.memory_space<vmem_shared>>) target(%dma_start3A_122 : memref<112x128xf32, #tpu.memory_space<hbm>>) target_semaphore(%run_scoped3A : memref<!tpu.dma_semaphore, #tpu.memory_space<semaphore_mem>>)
        %dma_wait3A_125 = arith.constant 0 : i32
        %dma_wait3A_126 = tpu.memref_slice %arg5[%arg0, %add3A_119, %dma_wait3A_125] : memref<2x10000x128xf32, #tpu.memory_space<hbm>> -> memref<1x112x128xf32, #tpu.memory_space<hbm>>
        %dma_wait3A_127 = tpu.memref_squeeze %dma_wait3A_126 : memref<1x112x128xf32, #tpu.memory_space<hbm>> -> memref<112x128xf32, #tpu.memory_space<hbm>>
        %dma_wait3A_128 = arith.constant 0 : i32
        %dma_wait3A_129 = tpu.memref_slice %arg24[%add3A_117, %dma_wait3A_128] : memref<10128x128xf32, #tpu.memory_space<vmem_shared>> -> memref<112x128xf32, #tpu.memory_space<vmem_shared>>
        tpu.wait_dma2 semaphore(%run_scoped3A : memref<!tpu.dma_semaphore, #tpu.memory_space<semaphore_mem>>) src(%dma_wait3A_129 : memref<112x128xf32, #tpu.memory_space<vmem_shared>>) dst(%dma_wait3A_127 : memref<112x128xf32, #tpu.memory_space<hbm>>)
        tpu.yield
      }) : () -> ()
    } else {
    }
    %eq3A_92 = arith.constant 15 : i32
    %eq3A_93 = arith.cmpi eq, %arg1, %eq3A_92 : i32
    %convert_element_type3A_94 = arith.extui %eq3A_93 : i1 to i32
    %cond3A_95 = arith.constant 0 : i32
    %cond3A_96 = arith.cmpi ne, %convert_element_type3A_94, %cond3A_95 : i32
    scf.if %cond3A_96 {
      "tpu.region"() ({
        %run_scoped3A = tpu.sem_alloc : memref<!tpu.dma_semaphore, #tpu.memory_space<semaphore_mem>>
        %dma_start3A_97 = arith.constant 9360 : i32
        %dma_start3A_98 = arith.constant 0 : i32
        %dma_start3A_99 = tpu.memref_slice %arg5[%arg0, %dma_start3A_97, %dma_start3A_98] : memref<2x10000x128xf32, #tpu.memory_space<hbm>> -> memref<1x128x128xf32, #tpu.memory_space<hbm>>
        %dma_start3A_100 = tpu.memref_squeeze %dma_start3A_99 : memref<1x128x128xf32, #tpu.memory_space<hbm>> -> memref<128x128xf32, #tpu.memory_space<hbm>>
        %dma_start3A_101 = arith.constant 9360 : i32
        %dma_start3A_102 = arith.constant 0 : i32
        %dma_start3A_103 = tpu.memref_slice %arg24[%dma_start3A_101, %dma_start3A_102] : memref<10128x128xf32, #tpu.memory_space<vmem_shared>> -> memref<128x128xf32, #tpu.memory_space<vmem_shared>>
        tpu.enqueue_dma source(%dma_start3A_103 : memref<128x128xf32, #tpu.memory_space<vmem_shared>>) target(%dma_start3A_100 : memref<128x128xf32, #tpu.memory_space<hbm>>) target_semaphore(%run_scoped3A : memref<!tpu.dma_semaphore, #tpu.memory_space<semaphore_mem>>)
        %dma_wait3A_104 = arith.constant 9360 : i32
        %dma_wait3A_105 = arith.constant 0 : i32
        %dma_wait3A_106 = tpu.memref_slice %arg5[%arg0, %dma_wait3A_104, %dma_wait3A_105] : memref<2x10000x128xf32, #tpu.memory_space<hbm>> -> memref<1x128x128xf32, #tpu.memory_space<hbm>>
        %dma_wait3A_107 = tpu.memref_squeeze %dma_wait3A_106 : memref<1x128x128xf32, #tpu.memory_space<hbm>> -> memref<128x128xf32, #tpu.memory_space<hbm>>
        %dma_wait3A_108 = arith.constant 9360 : i32
        %dma_wait3A_109 = arith.constant 0 : i32
        %dma_wait3A_110 = tpu.memref_slice %arg24[%dma_wait3A_108, %dma_wait3A_109] : memref<10128x128xf32, #tpu.memory_space<vmem_shared>> -> memref<128x128xf32, #tpu.memory_space<vmem_shared>>
        tpu.wait_dma2 semaphore(%run_scoped3A : memref<!tpu.dma_semaphore, #tpu.memory_space<semaphore_mem>>) src(%dma_wait3A_110 : memref<128x128xf32, #tpu.memory_space<vmem_shared>>) dst(%dma_wait3A_107 : memref<128x128xf32, #tpu.memory_space<hbm>>)
        tpu.yield
      }) : () -> ()
      "tpu.region"() ({
        %run_scoped3A = tpu.sem_alloc : memref<!tpu.dma_semaphore, #tpu.memory_space<semaphore_mem>>
        %dma_start3A_97 = arith.constant 9488 : i32
        %dma_start3A_98 = arith.constant 0 : i32
        %dma_start3A_99 = tpu.memref_slice %arg5[%arg0, %dma_start3A_97, %dma_start3A_98] : memref<2x10000x128xf32, #tpu.memory_space<hbm>> -> memref<1x128x128xf32, #tpu.memory_space<hbm>>
        %dma_start3A_100 = tpu.memref_squeeze %dma_start3A_99 : memref<1x128x128xf32, #tpu.memory_space<hbm>> -> memref<128x128xf32, #tpu.memory_space<hbm>>
        %dma_start3A_101 = arith.constant 9488 : i32
        %dma_start3A_102 = arith.constant 0 : i32
        %dma_start3A_103 = tpu.memref_slice %arg24[%dma_start3A_101, %dma_start3A_102] : memref<10128x128xf32, #tpu.memory_space<vmem_shared>> -> memref<128x128xf32, #tpu.memory_space<vmem_shared>>
        tpu.enqueue_dma source(%dma_start3A_103 : memref<128x128xf32, #tpu.memory_space<vmem_shared>>) target(%dma_start3A_100 : memref<128x128xf32, #tpu.memory_space<hbm>>) target_semaphore(%run_scoped3A : memref<!tpu.dma_semaphore, #tpu.memory_space<semaphore_mem>>)
        %dma_wait3A_104 = arith.constant 9488 : i32
        %dma_wait3A_105 = arith.constant 0 : i32
        %dma_wait3A_106 = tpu.memref_slice %arg5[%arg0, %dma_wait3A_104, %dma_wait3A_105] : memref<2x10000x128xf32, #tpu.memory_space<hbm>> -> memref<1x128x128xf32, #tpu.memory_space<hbm>>
        %dma_wait3A_107 = tpu.memref_squeeze %dma_wait3A_106 : memref<1x128x128xf32, #tpu.memory_space<hbm>> -> memref<128x128xf32, #tpu.memory_space<hbm>>
        %dma_wait3A_108 = arith.constant 9488 : i32
        %dma_wait3A_109 = arith.constant 0 : i32
        %dma_wait3A_110 = tpu.memref_slice %arg24[%dma_wait3A_108, %dma_wait3A_109] : memref<10128x128xf32, #tpu.memory_space<vmem_shared>> -> memref<128x128xf32, #tpu.memory_space<vmem_shared>>
        tpu.wait_dma2 semaphore(%run_scoped3A : memref<!tpu.dma_semaphore, #tpu.memory_space<semaphore_mem>>) src(%dma_wait3A_110 : memref<128x128xf32, #tpu.memory_space<vmem_shared>>) dst(%dma_wait3A_107 : memref<128x128xf32, #tpu.memory_space<hbm>>)
        tpu.yield
      }) : () -> ()
      "tpu.region"() ({
        %run_scoped3A = tpu.sem_alloc : memref<!tpu.dma_semaphore, #tpu.memory_space<semaphore_mem>>
        %dma_start3A_97 = arith.constant 9616 : i32
        %dma_start3A_98 = arith.constant 0 : i32
        %dma_start3A_99 = tpu.memref_slice %arg5[%arg0, %dma_start3A_97, %dma_start3A_98] : memref<2x10000x128xf32, #tpu.memory_space<hbm>> -> memref<1x128x128xf32, #tpu.memory_space<hbm>>
        %dma_start3A_100 = tpu.memref_squeeze %dma_start3A_99 : memref<1x128x128xf32, #tpu.memory_space<hbm>> -> memref<128x128xf32, #tpu.memory_space<hbm>>
        %dma_start3A_101 = arith.constant 9616 : i32
        %dma_start3A_102 = arith.constant 0 : i32
        %dma_start3A_103 = tpu.memref_slice %arg24[%dma_start3A_101, %dma_start3A_102] : memref<10128x128xf32, #tpu.memory_space<vmem_shared>> -> memref<128x128xf32, #tpu.memory_space<vmem_shared>>
        tpu.enqueue_dma source(%dma_start3A_103 : memref<128x128xf32, #tpu.memory_space<vmem_shared>>) target(%dma_start3A_100 : memref<128x128xf32, #tpu.memory_space<hbm>>) target_semaphore(%run_scoped3A : memref<!tpu.dma_semaphore, #tpu.memory_space<semaphore_mem>>)
        %dma_wait3A_104 = arith.constant 9616 : i32
        %dma_wait3A_105 = arith.constant 0 : i32
        %dma_wait3A_106 = tpu.memref_slice %arg5[%arg0, %dma_wait3A_104, %dma_wait3A_105] : memref<2x10000x128xf32, #tpu.memory_space<hbm>> -> memref<1x128x128xf32, #tpu.memory_space<hbm>>
        %dma_wait3A_107 = tpu.memref_squeeze %dma_wait3A_106 : memref<1x128x128xf32, #tpu.memory_space<hbm>> -> memref<128x128xf32, #tpu.memory_space<hbm>>
        %dma_wait3A_108 = arith.constant 9616 : i32
        %dma_wait3A_109 = arith.constant 0 : i32
        %dma_wait3A_110 = tpu.memref_slice %arg24[%dma_wait3A_108, %dma_wait3A_109] : memref<10128x128xf32, #tpu.memory_space<vmem_shared>> -> memref<128x128xf32, #tpu.memory_space<vmem_shared>>
        tpu.wait_dma2 semaphore(%run_scoped3A : memref<!tpu.dma_semaphore, #tpu.memory_space<semaphore_mem>>) src(%dma_wait3A_110 : memref<128x128xf32, #tpu.memory_space<vmem_shared>>) dst(%dma_wait3A_107 : memref<128x128xf32, #tpu.memory_space<hbm>>)
        tpu.yield
      }) : () -> ()
      "tpu.region"() ({
        %run_scoped3A = tpu.sem_alloc : memref<!tpu.dma_semaphore, #tpu.memory_space<semaphore_mem>>
        %dma_start3A_97 = arith.constant 9744 : i32
        %dma_start3A_98 = arith.constant 0 : i32
        %dma_start3A_99 = tpu.memref_slice %arg5[%arg0, %dma_start3A_97, %dma_start3A_98] : memref<2x10000x128xf32, #tpu.memory_space<hbm>> -> memref<1x128x128xf32, #tpu.memory_space<hbm>>
        %dma_start3A_100 = tpu.memref_squeeze %dma_start3A_99 : memref<1x128x128xf32, #tpu.memory_space<hbm>> -> memref<128x128xf32, #tpu.memory_space<hbm>>
        %dma_start3A_101 = arith.constant 9744 : i32
        %dma_start3A_102 = arith.constant 0 : i32
        %dma_start3A_103 = tpu.memref_slice %arg24[%dma_start3A_101, %dma_start3A_102] : memref<10128x128xf32, #tpu.memory_space<vmem_shared>> -> memref<128x128xf32, #tpu.memory_space<vmem_shared>>
        tpu.enqueue_dma source(%dma_start3A_103 : memref<128x128xf32, #tpu.memory_space<vmem_shared>>) target(%dma_start3A_100 : memref<128x128xf32, #tpu.memory_space<hbm>>) target_semaphore(%run_scoped3A : memref<!tpu.dma_semaphore, #tpu.memory_space<semaphore_mem>>)
        %dma_wait3A_104 = arith.constant 9744 : i32
        %dma_wait3A_105 = arith.constant 0 : i32
        %dma_wait3A_106 = tpu.memref_slice %arg5[%arg0, %dma_wait3A_104, %dma_wait3A_105] : memref<2x10000x128xf32, #tpu.memory_space<hbm>> -> memref<1x128x128xf32, #tpu.memory_space<hbm>>
        %dma_wait3A_107 = tpu.memref_squeeze %dma_wait3A_106 : memref<1x128x128xf32, #tpu.memory_space<hbm>> -> memref<128x128xf32, #tpu.memory_space<hbm>>
        %dma_wait3A_108 = arith.constant 9744 : i32
        %dma_wait3A_109 = arith.constant 0 : i32
        %dma_wait3A_110 = tpu.memref_slice %arg24[%dma_wait3A_108, %dma_wait3A_109] : memref<10128x128xf32, #tpu.memory_space<vmem_shared>> -> memref<128x128xf32, #tpu.memory_space<vmem_shared>>
        tpu.wait_dma2 semaphore(%run_scoped3A : memref<!tpu.dma_semaphore, #tpu.memory_space<semaphore_mem>>) src(%dma_wait3A_110 : memref<128x128xf32, #tpu.memory_space<vmem_shared>>) dst(%dma_wait3A_107 : memref<128x128xf32, #tpu.memory_space<hbm>>)
        tpu.yield
      }) : () -> ()
      "tpu.region"() ({
        %run_scoped3A = tpu.sem_alloc : memref<!tpu.dma_semaphore, #tpu.memory_space<semaphore_mem>>
        %dma_start3A_97 = arith.constant 9872 : i32
        %dma_start3A_98 = arith.constant 0 : i32
        %dma_start3A_99 = tpu.memref_slice %arg5[%arg0, %dma_start3A_97, %dma_start3A_98] : memref<2x10000x128xf32, #tpu.memory_space<hbm>> -> memref<1x128x128xf32, #tpu.memory_space<hbm>>
        %dma_start3A_100 = tpu.memref_squeeze %dma_start3A_99 : memref<1x128x128xf32, #tpu.memory_space<hbm>> -> memref<128x128xf32, #tpu.memory_space<hbm>>
        %dma_start3A_101 = arith.constant 9872 : i32
        %dma_start3A_102 = arith.constant 0 : i32
        %dma_start3A_103 = tpu.memref_slice %arg24[%dma_start3A_101, %dma_start3A_102] : memref<10128x128xf32, #tpu.memory_space<vmem_shared>> -> memref<128x128xf32, #tpu.memory_space<vmem_shared>>
        tpu.enqueue_dma source(%dma_start3A_103 : memref<128x128xf32, #tpu.memory_space<vmem_shared>>) target(%dma_start3A_100 : memref<128x128xf32, #tpu.memory_space<hbm>>) target_semaphore(%run_scoped3A : memref<!tpu.dma_semaphore, #tpu.memory_space<semaphore_mem>>)
        %dma_wait3A_104 = arith.constant 9872 : i32
        %dma_wait3A_105 = arith.constant 0 : i32
        %dma_wait3A_106 = tpu.memref_slice %arg5[%arg0, %dma_wait3A_104, %dma_wait3A_105] : memref<2x10000x128xf32, #tpu.memory_space<hbm>> -> memref<1x128x128xf32, #tpu.memory_space<hbm>>
        %dma_wait3A_107 = tpu.memref_squeeze %dma_wait3A_106 : memref<1x128x128xf32, #tpu.memory_space<hbm>> -> memref<128x128xf32, #tpu.memory_space<hbm>>
        %dma_wait3A_108 = arith.constant 9872 : i32
        %dma_wait3A_109 = arith.constant 0 : i32
        %dma_wait3A_110 = tpu.memref_slice %arg24[%dma_wait3A_108, %dma_wait3A_109] : memref<10128x128xf32, #tpu.memory_space<vmem_shared>> -> memref<128x128xf32, #tpu.memory_space<vmem_shared>>
        tpu.wait_dma2 semaphore(%run_scoped3A : memref<!tpu.dma_semaphore, #tpu.memory_space<semaphore_mem>>) src(%dma_wait3A_110 : memref<128x128xf32, #tpu.memory_space<vmem_shared>>) dst(%dma_wait3A_107 : memref<128x128xf32, #tpu.memory_space<hbm>>)
        tpu.yield
      }) : () -> ()
    } else {
    }
    return
  }
}

module attributes {stable_mosaic.version = 14 : i64} {
  func.func @body(%arg0: memref<1000x128xf32, #tpu.memory_space<vmem>>, %arg1: memref<128x128xf32, #tpu.memory_space<vmem>>, %arg2: memref<1000x128xf32, #tpu.memory_space<vmem>>) attributes {dimension_semantics = [], scalar_prefetch = 0 : i64, scratch_operands = 0 : i64, tpu.core_type = #tpu.core_type<tc>} {
    %get3A = arith.constant 0 : index
    %get3A_0 = arith.constant 0 : index
    %get3A_1 = vector.load %arg0[%get3A, %get3A_0] : memref<1000x128xf32, #tpu.memory_space<vmem>>, vector<1000x128xf32>
    %get3A_2 = arith.constant 0 : index
    %get3A_3 = arith.constant 0 : index
    %get3A_4 = vector.load %arg1[%get3A_2, %get3A_3] : memref<128x128xf32, #tpu.memory_space<vmem>>, vector<128x128xf32>
    %dot_general3A = arith.constant dense<0.000000e+00> : vector<1000x128xf32>
    %dot_general3A_5 = tpu.matmul %get3A_1, %get3A_4, %dot_general3A {dimension_numbers = #tpu.dot_dimension_numbers<[1], [0], [0], [1], [0, 0, 1, 1], [], []>, transpose_lhs_hint = false} : vector<1000x128xf32>, vector<128x128xf32>, vector<1000x128xf32> -> vector<1000x128xf32>
    %swap3A = arith.constant 0 : index
    %swap3A_6 = arith.constant 0 : index
    %swap3A_7 = vector.load %arg2[%swap3A, %swap3A_6] : memref<1000x128xf32, #tpu.memory_space<vmem>>, vector<1000x128xf32>
    tpu.vector_store %arg2[%swap3A, %swap3A_6], %dot_general3A_5 {strides = array<i32>} : memref<1000x128xf32, #tpu.memory_space<vmem>>, vector<1000x128xf32>,
    return
  }
}

module attributes {stable_mosaic.version = 14 : i64} {
  func.func @body(%arg0: memref<32x10000xf32, #tpu.memory_space<vmem>>, %arg1: memref<10000x128xf32, #tpu.memory_space<vmem>>, %arg2: memref<10000x1xf32, #tpu.memory_space<vmem>>, %arg3: memref<10000x128xf32, #tpu.memory_space<vmem>>) attributes {dimension_semantics = [], scalar_prefetch = 0 : i64, scratch_operands = 0 : i64, tpu.core_type = #tpu.core_type<tc>} {
    %broadcast_in_dim3A = arith.constant 1.000000e+00 : f32
    %broadcast_in_dim3A_0 = vector.broadcast %broadcast_in_dim3A : f32 to vector<32x1xf32>
    %get3A = arith.constant 0 : index
    %get3A_1 = arith.constant 0 : index
    %get3A_2 = vector.load %arg0[%get3A, %get3A_1] : memref<32x10000xf32, #tpu.memory_space<vmem>>, vector<32x10000xf32>
    %dot_general3A = arith.constant dense<0.000000e+00> : vector<10000x1xf32>
    %dot_general3A_3 = tpu.matmul %get3A_2, %broadcast_in_dim3A_0, %dot_general3A {dimension_numbers = #tpu.dot_dimension_numbers<[0], [0], [1], [1], [0, 1, 1, 1], [], []>, precision = #tpu.contract_precision<fp32>, transpose_lhs_hint = false} : vector<32x10000xf32>, vector<32x1xf32>, vector<10000x1xf32> -> vector<10000x1xf32>
    %add3A = arith.constant 1.000000e+00 : f32
    %add3A_4 = vector.broadcast %add3A : f32 to vector<10000x1xf32>
    %add3A_5 = arith.addf %dot_general3A_3, %add3A_4 : vector<10000x1xf32>
    %rsqrt3A = math.rsqrt %add3A_5 : vector<10000x1xf32>
    %swap3A = arith.constant 0 : index
    %swap3A_6 = arith.constant 0 : index
    %swap3A_7 = vector.load %arg2[%swap3A, %swap3A_6] : memref<10000x1xf32, #tpu.memory_space<vmem>>, vector<10000x1xf32>
    tpu.vector_store %arg2[%swap3A, %swap3A_6], %rsqrt3A {strides = array<i32>} : memref<10000x1xf32, #tpu.memory_space<vmem>>, vector<10000x1xf32>,
    %get3A_8 = arith.constant 0 : index
    %get3A_9 = arith.constant 0 : index
    %get3A_10 = vector.load %arg1[%get3A_8, %get3A_9] : memref<10000x128xf32, #tpu.memory_space<vmem>>, vector<10000x128xf32>
    %mul3A = vector.broadcast %rsqrt3A : vector<10000x1xf32> to vector<10000x128xf32>
    %mul3A_11 = arith.mulf %get3A_10, %mul3A : vector<10000x128xf32>
    %swap3A_12 = arith.constant 0 : index
    %swap3A_13 = arith.constant 0 : index
    %swap3A_14 = vector.load %arg3[%swap3A_12, %swap3A_13] : memref<10000x128xf32, #tpu.memory_space<vmem>>, vector<10000x128xf32>
    tpu.vector_store %arg3[%swap3A_12, %swap3A_13], %mul3A_11 {strides = array<i32>} : memref<10000x128xf32, #tpu.memory_space<vmem>>, vector<10000x128xf32>,
    return
  }
}

module attributes {stable_mosaic.version = 14 : i64} {
  func.func @body(%arg0: i32, %arg1: memref<2x1000x128xf32, #tpu.memory_space<vmem>>, %arg2: memref<1000x128xf32, #tpu.memory_space<vmem>>, %arg3: memref<1000x1xf32, #tpu.memory_space<vmem>>, %arg4: memref<1x128xf32, #tpu.memory_space<vmem>>, %arg5: memref<128x128xf32, #tpu.memory_space<vmem>>, %arg6: memref<1000x128xf32, #tpu.memory_space<vmem>>) attributes {dimension_semantics = [#tpu.dimension_semantics<arbitrary>], iteration_bounds = array<i64: 10>, scalar_prefetch = 0 : i64, scratch_operands = 0 : i64, tpu.core_type = #tpu.core_type<tc>, window_params = [{transform_indices = @transform_0, window_bounds = array<i64: 2, 1000, 128>}, {transform_indices = @transform_1, window_bounds = array<i64: 1000, 128>}, {transform_indices = @transform_2, window_bounds = array<i64: 1000, 1>}, {pipeline_mode = #tpu.pipeline_mode<synchronous>, transform_indices = @transform_3, window_bounds = array<i64: 1, 128>}, {pipeline_mode = #tpu.pipeline_mode<synchronous>, transform_indices = @transform_4, window_bounds = array<i64: 128, 128>}, {transform_indices = @transform_5, window_bounds = array<i64: 1000, 128>}]} {
    %get3A = arith.constant 0 : index
    %get3A_0 = arith.constant 0 : index
    %get3A_1 = arith.constant 0 : index
    %get3A_2 = vector.load %arg1[%get3A, %get3A_0, %get3A_1] : memref<2x1000x128xf32, #tpu.memory_space<vmem>>, vector<1x1000x128xf32>
    %get3A_3 = vector.shape_cast %get3A_2 : vector<1x1000x128xf32> to vector<1000x128xf32>
    %get3A_4 = arith.constant 1 : index
    %get3A_5 = arith.constant 0 : index
    %get3A_6 = arith.constant 0 : index
    %get3A_7 = vector.load %arg1[%get3A_4, %get3A_5, %get3A_6] : memref<2x1000x128xf32, #tpu.memory_space<vmem>>, vector<1x1000x128xf32>
    %get3A_8 = vector.shape_cast %get3A_7 : vector<1x1000x128xf32> to vector<1000x128xf32>
    %add3A = arith.addf %get3A_3, %get3A_8 : vector<1000x128xf32>
    %get3A_9 = arith.constant 0 : index
    %get3A_10 = arith.constant 0 : index
    %get3A_11 = vector.load %arg2[%get3A_9, %get3A_10] : memref<1000x128xf32, #tpu.memory_space<vmem>>, vector<1000x128xf32>
    %add3A_12 = arith.addf %add3A, %get3A_11 : vector<1000x128xf32>
    %get3A_13 = arith.constant 0 : index
    %get3A_14 = arith.constant 0 : index
    %get3A_15 = vector.load %arg3[%get3A_13, %get3A_14] : memref<1000x1xf32, #tpu.memory_space<vmem>>, vector<1000x1xf32>
    %mul3A = vector.broadcast %get3A_15 : vector<1000x1xf32> to vector<1000x128xf32>
    %mul3A_16 = arith.mulf %add3A_12, %mul3A : vector<1000x128xf32>
    %get3A_17 = arith.constant 0 : index
    %get3A_18 = arith.constant 0 : index
    %get3A_19 = vector.load %arg4[%get3A_17, %get3A_18] : memref<1x128xf32, #tpu.memory_space<vmem>>, vector<1x128xf32>
    %add3A_20 = vector.broadcast %get3A_19 : vector<1x128xf32> to vector<1000x128xf32>
    %add3A_21 = arith.addf %mul3A_16, %add3A_20 : vector<1000x128xf32>
    %max3A = arith.constant 0.000000e+00 : f32
    %max3A_22 = vector.broadcast %max3A : f32 to vector<1000x128xf32>
    %max3A_23 = arith.maximumf %add3A_21, %max3A_22 : vector<1000x128xf32>
    %get3A_24 = arith.constant 0 : index
    %get3A_25 = arith.constant 0 : index
    %get3A_26 = vector.load %arg5[%get3A_24, %get3A_25] : memref<128x128xf32, #tpu.memory_space<vmem>>, vector<128x128xf32>
    %dot_general3A = arith.constant dense<0.000000e+00> : vector<1000x128xf32>
    %dot_general3A_27 = tpu.matmul %max3A_23, %get3A_26, %dot_general3A {dimension_numbers = #tpu.dot_dimension_numbers<[1], [0], [0], [1], [0, 0, 1, 1], [], []>, transpose_lhs_hint = false} : vector<1000x128xf32>, vector<128x128xf32>, vector<1000x128xf32> -> vector<1000x128xf32>
    %get3A_28 = arith.constant 0 : index
    %get3A_29 = arith.constant 0 : index
    %get3A_30 = vector.load %arg3[%get3A_28, %get3A_29] : memref<1000x1xf32, #tpu.memory_space<vmem>>, vector<1000x1xf32>
    %mul3A_31 = vector.broadcast %get3A_30 : vector<1000x1xf32> to vector<1000x128xf32>
    %mul3A_32 = arith.mulf %dot_general3A_27, %mul3A_31 : vector<1000x128xf32>
    %swap3A = arith.constant 0 : index
    %swap3A_33 = arith.constant 0 : index
    %swap3A_34 = vector.load %arg6[%swap3A, %swap3A_33] : memref<1000x128xf32, #tpu.memory_space<vmem>>, vector<1000x128xf32>
    tpu.vector_store %arg6[%swap3A, %swap3A_33], %mul3A_32 {strides = array<i32>} : memref<1000x128xf32, #tpu.memory_space<vmem>>, vector<1000x128xf32>,
    return
  }
  func.func @transform_0(%arg0: i32) -> (i32, i32, i32) {
    %c0_i32 = arith.constant 0 : i32
    %c0_i32_0 = arith.constant 0 : i32
    %c0_i32_1 = arith.constant 0 : i32
    return %c0_i32, %arg0, %c0_i32_0 : i32, i32, i32
  }
  func.func @transform_1(%arg0: i32) -> (i32, i32) {
    %c0_i32 = arith.constant 0 : i32
    %c0_i32_0 = arith.constant 0 : i32
    return %arg0, %c0_i32 : i32, i32
  }
  func.func @transform_2(%arg0: i32) -> (i32, i32) {
    %c0_i32 = arith.constant 0 : i32
    %c0_i32_0 = arith.constant 0 : i32
    return %arg0, %c0_i32 : i32, i32
  }
  func.func @transform_3(%arg0: i32) -> (i32, i32) {
    %c0_i32 = arith.constant 0 : i32
    %c0_i32_0 = arith.constant 0 : i32
    %c0_i32_1 = arith.constant 0 : i32
    return %c0_i32, %c0_i32_0 : i32, i32
  }
  func.func @transform_4(%arg0: i32) -> (i32, i32) {
    %c0_i32 = arith.constant 0 : i32
    %c0_i32_0 = arith.constant 0 : i32
    %c0_i32_1 = arith.constant 0 : i32
    return %c0_i32, %c0_i32_0 : i32, i32
  }
  func.func @transform_5(%arg0: i32) -> (i32, i32) {
    %c0_i32 = arith.constant 0 : i32
    %c0_i32_0 = arith.constant 0 : i32
    return %arg0, %c0_i32 : i32, i32
  }
}

module attributes {stable_mosaic.version = 14 : i64} {
  func.func @body(%arg0: i32, %arg1: memref<2x1000x128xf32, #tpu.memory_space<vmem>>, %arg2: memref<1000x128xf32, #tpu.memory_space<vmem>>, %arg3: memref<1000x1xf32, #tpu.memory_space<vmem>>, %arg4: memref<1x128xf32, #tpu.memory_space<vmem>>, %arg5: memref<128x64xf32, #tpu.memory_space<vmem>>, %arg6: memref<1x64xf32, #tpu.memory_space<vmem>>, %arg7: memref<128x64xf32, #tpu.memory_space<vmem>>, %arg8: memref<1x64xf32, #tpu.memory_space<vmem>>, %arg9: memref<64x128xf32, #tpu.memory_space<vmem>>, %arg10: memref<1x128xf32, #tpu.memory_space<vmem>>, %arg11: memref<128x1000xf32, #tpu.memory_space<vmem>>, %arg12: memref<1x1000xf32, #tpu.memory_space<vmem>>, %arg13: memref<64x1xf32, #tpu.memory_space<vmem>>, %arg14: memref<1x1xf32, #tpu.memory_space<vmem>>, %arg15: memref<1000x64xf32, #tpu.memory_space<vmem>>, %arg16: memref<1000x1000xf32, #tpu.memory_space<vmem>>, %arg17: memref<1000x1xf32, #tpu.memory_space<vmem>>, %arg18: memref<1000x64xf32, #tpu.memory_space<vmem>>, %arg19: memref<1000x64xf32, #tpu.memory_space<vmem>>) attributes {dimension_semantics = [#tpu.dimension_semantics<arbitrary>], iteration_bounds = array<i64: 10>, scalar_prefetch = 0 : i64, scratch_operands = 0 : i64, tpu.core_type = #tpu.core_type<tc>, window_params = [{transform_indices = @transform_0, window_bounds = array<i64: 2, 1000, 128>}, {transform_indices = @transform_1, window_bounds = array<i64: 1000, 128>}, {transform_indices = @transform_2, window_bounds = array<i64: 1000, 1>}, {pipeline_mode = #tpu.pipeline_mode<synchronous>, transform_indices = @transform_3, window_bounds = array<i64: 1, 128>}, {pipeline_mode = #tpu.pipeline_mode<synchronous>, transform_indices = @transform_4, window_bounds = array<i64: 128, 64>}, {pipeline_mode = #tpu.pipeline_mode<synchronous>, transform_indices = @transform_5, window_bounds = array<i64: 1, 64>}, {pipeline_mode = #tpu.pipeline_mode<synchronous>, transform_indices = @transform_6, window_bounds = array<i64: 128, 64>}, {pipeline_mode = #tpu.pipeline_mode<synchronous>, transform_indices = @transform_7, window_bounds = array<i64: 1, 64>}, {pipeline_mode = #tpu.pipeline_mode<synchronous>, transform_indices = @transform_8, window_bounds = array<i64: 64, 128>}, {pipeline_mode = #tpu.pipeline_mode<synchronous>, transform_indices = @transform_9, window_bounds = array<i64: 1, 128>}, {pipeline_mode = #tpu.pipeline_mode<synchronous>, transform_indices = @transform_10, window_bounds = array<i64: 128, 1000>}, {pipeline_mode = #tpu.pipeline_mode<synchronous>, transform_indices = @transform_11, window_bounds = array<i64: 1, 1000>}, {pipeline_mode = #tpu.pipeline_mode<synchronous>, transform_indices = @transform_12, window_bounds = array<i64: 64, 1>}, {pipeline_mode = #tpu.pipeline_mode<synchronous>, transform_indices = @transform_13, window_bounds = array<i64: 1, 1>}, {transform_indices = @transform_14, window_bounds = array<i64: 1000, 64>}, {transform_indices = @transform_15, window_bounds = array<i64: 1000, 1000>}, {transform_indices = @transform_16, window_bounds = array<i64: 1000, 1>}, {transform_indices = @transform_17, window_bounds = array<i64: 1000, 64>}, {transform_indices = @transform_18, window_bounds = array<i64: 1000, 64>}]} {
    %get3A = arith.constant 0 : index
    %get3A_0 = arith.constant 0 : index
    %get3A_1 = arith.constant 0 : index
    %get3A_2 = vector.load %arg1[%get3A, %get3A_0, %get3A_1] : memref<2x1000x128xf32, #tpu.memory_space<vmem>>, vector<1x1000x128xf32>
    %get3A_3 = vector.shape_cast %get3A_2 : vector<1x1000x128xf32> to vector<1000x128xf32>
    %get3A_4 = arith.constant 1 : index
    %get3A_5 = arith.constant 0 : index
    %get3A_6 = arith.constant 0 : index
    %get3A_7 = vector.load %arg1[%get3A_4, %get3A_5, %get3A_6] : memref<2x1000x128xf32, #tpu.memory_space<vmem>>, vector<1x1000x128xf32>
    %get3A_8 = vector.shape_cast %get3A_7 : vector<1x1000x128xf32> to vector<1000x128xf32>
    %add3A = arith.addf %get3A_3, %get3A_8 : vector<1000x128xf32>
    %get3A_9 = arith.constant 0 : index
    %get3A_10 = arith.constant 0 : index
    %get3A_11 = vector.load %arg2[%get3A_9, %get3A_10] : memref<1000x128xf32, #tpu.memory_space<vmem>>, vector<1000x128xf32>
    %add3A_12 = arith.addf %add3A, %get3A_11 : vector<1000x128xf32>
    %get3A_13 = arith.constant 0 : index
    %get3A_14 = arith.constant 0 : index
    %get3A_15 = vector.load %arg3[%get3A_13, %get3A_14] : memref<1000x1xf32, #tpu.memory_space<vmem>>, vector<1000x1xf32>
    %mul3A = vector.broadcast %get3A_15 : vector<1000x1xf32> to vector<1000x128xf32>
    %mul3A_16 = arith.mulf %add3A_12, %mul3A : vector<1000x128xf32>
    %get3A_17 = arith.constant 0 : index
    %get3A_18 = arith.constant 0 : index
    %get3A_19 = vector.load %arg4[%get3A_17, %get3A_18] : memref<1x128xf32, #tpu.memory_space<vmem>>, vector<1x128xf32>
    %add3A_20 = vector.broadcast %get3A_19 : vector<1x128xf32> to vector<1000x128xf32>
    %add3A_21 = arith.addf %mul3A_16, %add3A_20 : vector<1000x128xf32>
    %max3A = arith.constant 0.000000e+00 : f32
    %max3A_22 = vector.broadcast %max3A : f32 to vector<1000x128xf32>
    %max3A_23 = arith.maximumf %add3A_21, %max3A_22 : vector<1000x128xf32>
    %get3A_24 = arith.constant 0 : index
    %get3A_25 = arith.constant 0 : index
    %get3A_26 = vector.load %arg5[%get3A_24, %get3A_25] : memref<128x64xf32, #tpu.memory_space<vmem>>, vector<128x64xf32>
    %dot_general3A = arith.constant dense<0.000000e+00> : vector<1000x64xf32>
    %dot_general3A_27 = tpu.matmul %max3A_23, %get3A_26, %dot_general3A {dimension_numbers = #tpu.dot_dimension_numbers<[1], [0], [0], [1], [0, 0, 1, 1], [], []>, transpose_lhs_hint = false} : vector<1000x128xf32>, vector<128x64xf32>, vector<1000x64xf32> -> vector<1000x64xf32>
    %get3A_28 = arith.constant 0 : index
    %get3A_29 = arith.constant 0 : index
    %get3A_30 = vector.load %arg6[%get3A_28, %get3A_29] : memref<1x64xf32, #tpu.memory_space<vmem>>, vector<1x64xf32>
    %add3A_31 = vector.broadcast %get3A_30 : vector<1x64xf32> to vector<1000x64xf32>
    %add3A_32 = arith.addf %dot_general3A_27, %add3A_31 : vector<1000x64xf32>
    %get3A_33 = arith.constant 0 : index
    %get3A_34 = arith.constant 0 : index
    %get3A_35 = vector.load %arg7[%get3A_33, %get3A_34] : memref<128x64xf32, #tpu.memory_space<vmem>>, vector<128x64xf32>
    %dot_general3A_36 = arith.constant dense<0.000000e+00> : vector<1000x64xf32>
    %dot_general3A_37 = tpu.matmul %max3A_23, %get3A_35, %dot_general3A_36 {dimension_numbers = #tpu.dot_dimension_numbers<[1], [0], [0], [1], [0, 0, 1, 1], [], []>, transpose_lhs_hint = false} : vector<1000x128xf32>, vector<128x64xf32>, vector<1000x64xf32> -> vector<1000x64xf32>
    %get3A_38 = arith.constant 0 : index
    %get3A_39 = arith.constant 0 : index
    %get3A_40 = vector.load %arg8[%get3A_38, %get3A_39] : memref<1x64xf32, #tpu.memory_space<vmem>>, vector<1x64xf32>
    %add3A_41 = vector.broadcast %get3A_40 : vector<1x64xf32> to vector<1000x64xf32>
    %add3A_42 = arith.addf %dot_general3A_37, %add3A_41 : vector<1000x64xf32>
    %swap3A = arith.constant 0 : index
    %swap3A_43 = arith.constant 0 : index
    %swap3A_44 = vector.load %arg18[%swap3A, %swap3A_43] : memref<1000x64xf32, #tpu.memory_space<vmem>>, vector<1000x64xf32>
    tpu.vector_store %arg18[%swap3A, %swap3A_43], %add3A_32 {strides = array<i32>} : memref<1000x64xf32, #tpu.memory_space<vmem>>, vector<1000x64xf32>,
    %swap3A_45 = arith.constant 0 : index
    %swap3A_46 = arith.constant 0 : index
    %swap3A_47 = vector.load %arg19[%swap3A_45, %swap3A_46] : memref<1000x64xf32, #tpu.memory_space<vmem>>, vector<1000x64xf32>
    tpu.vector_store %arg19[%swap3A_45, %swap3A_46], %add3A_42 {strides = array<i32>} : memref<1000x64xf32, #tpu.memory_space<vmem>>, vector<1000x64xf32>,
    %get3A_48 = arith.constant 0 : index
    %get3A_49 = arith.constant 0 : index
    %get3A_50 = vector.load %arg15[%get3A_48, %get3A_49] : memref<1000x64xf32, #tpu.memory_space<vmem>>, vector<1000x64xf32>
    %mul3A_51 = arith.constant 5.000000e-01 : f32
    %mul3A_52 = vector.broadcast %mul3A_51 : f32 to vector<1000x64xf32>
    %mul3A_53 = arith.mulf %mul3A_52, %add3A_42 : vector<1000x64xf32>
    %exp3A = math.exp %mul3A_53 : vector<1000x64xf32>
    %mul3A_54 = arith.mulf %get3A_50, %exp3A : vector<1000x64xf32>
    %add3A_55 = arith.addf %add3A_32, %mul3A_54 : vector<1000x64xf32>
    %get3A_56 = arith.constant 0 : index
    %get3A_57 = arith.constant 0 : index
    %get3A_58 = vector.load %arg9[%get3A_56, %get3A_57] : memref<64x128xf32, #tpu.memory_space<vmem>>, vector<64x128xf32>
    %dot_general3A_59 = arith.constant dense<0.000000e+00> : vector<1000x128xf32>
    %dot_general3A_60 = tpu.matmul %add3A_55, %get3A_58, %dot_general3A_59 {dimension_numbers = #tpu.dot_dimension_numbers<[1], [0], [0], [1], [0, 0, 1, 1], [], []>, transpose_lhs_hint = false} : vector<1000x64xf32>, vector<64x128xf32>, vector<1000x128xf32> -> vector<1000x128xf32>
    %get3A_61 = arith.constant 0 : index
    %get3A_62 = arith.constant 0 : index
    %get3A_63 = vector.load %arg10[%get3A_61, %get3A_62] : memref<1x128xf32, #tpu.memory_space<vmem>>, vector<1x128xf32>
    %add3A_64 = vector.broadcast %get3A_63 : vector<1x128xf32> to vector<1000x128xf32>
    %add3A_65 = arith.addf %dot_general3A_60, %add3A_64 : vector<1000x128xf32>
    %max3A_66 = arith.constant 0.000000e+00 : f32
    %max3A_67 = vector.broadcast %max3A_66 : f32 to vector<1000x128xf32>
    %max3A_68 = arith.maximumf %add3A_65, %max3A_67 : vector<1000x128xf32>
    %get3A_69 = arith.constant 0 : index
    %get3A_70 = arith.constant 0 : index
    %get3A_71 = vector.load %arg11[%get3A_69, %get3A_70] : memref<128x1000xf32, #tpu.memory_space<vmem>>, vector<128x1000xf32>
    %dot_general3A_72 = arith.constant dense<0.000000e+00> : vector<1000x1000xf32>
    %dot_general3A_73 = tpu.matmul %max3A_68, %get3A_71, %dot_general3A_72 {dimension_numbers = #tpu.dot_dimension_numbers<[1], [0], [0], [1], [0, 0, 1, 1], [], []>, transpose_lhs_hint = false} : vector<1000x128xf32>, vector<128x1000xf32>, vector<1000x1000xf32> -> vector<1000x1000xf32>
    %get3A_74 = arith.constant 0 : index
    %get3A_75 = arith.constant 0 : index
    %get3A_76 = vector.load %arg12[%get3A_74, %get3A_75] : memref<1x1000xf32, #tpu.memory_space<vmem>>, vector<1x1000xf32>
    %add3A_77 = vector.broadcast %get3A_76 : vector<1x1000xf32> to vector<1000x1000xf32>
    %add3A_78 = arith.addf %dot_general3A_73, %add3A_77 : vector<1000x1000xf32>
    %swap3A_79 = arith.constant 0 : index
    %swap3A_80 = arith.constant 0 : index
    %swap3A_81 = vector.load %arg16[%swap3A_79, %swap3A_80] : memref<1000x1000xf32, #tpu.memory_space<vmem>>, vector<1000x1000xf32>
    tpu.vector_store %arg16[%swap3A_79, %swap3A_80], %add3A_78 {strides = array<i32>} : memref<1000x1000xf32, #tpu.memory_space<vmem>>, vector<1000x1000xf32>,
    %get3A_82 = arith.constant 0 : index
    %get3A_83 = arith.constant 0 : index
    %get3A_84 = vector.load %arg13[%get3A_82, %get3A_83] : memref<64x1xf32, #tpu.memory_space<vmem>>, vector<64x1xf32>
    %dot_general3A_85 = arith.constant dense<0.000000e+00> : vector<1000x1xf32>
    %dot_general3A_86 = tpu.matmul %add3A_55, %get3A_84, %dot_general3A_85 {dimension_numbers = #tpu.dot_dimension_numbers<[1], [0], [0], [1], [0, 0, 1, 1], [], []>, transpose_lhs_hint = false} : vector<1000x64xf32>, vector<64x1xf32>, vector<1000x1xf32> -> vector<1000x1xf32>
    %get3A_87 = arith.constant 0 : index
    %get3A_88 = arith.constant 0 : index
    %get3A_89 = vector.load %arg14[%get3A_87, %get3A_88] : memref<1x1xf32, #tpu.memory_space<vmem>>, vector<1x1xf32>
    %add3A_90 = vector.broadcast %get3A_89 : vector<1x1xf32> to vector<1000x1xf32>
    %add3A_91 = arith.addf %dot_general3A_86, %add3A_90 : vector<1000x1xf32>
    %logistic3A = arith.negf %add3A_91 : vector<1000x1xf32>
    %logistic3A_92 = math.exp %logistic3A : vector<1000x1xf32>
    %logistic3A_93 = arith.constant 1.000000e+00 : f32
    %logistic3A_94 = vector.broadcast %logistic3A_93 : f32 to vector<1000x1xf32>
    %logistic3A_95 = arith.addf %logistic3A_94, %logistic3A_92 : vector<1000x1xf32>
    %logistic3A_96 = arith.divf %logistic3A_94, %logistic3A_95 : vector<1000x1xf32>
    %swap3A_97 = arith.constant 0 : index
    %swap3A_98 = arith.constant 0 : index
    %swap3A_99 = vector.load %arg17[%swap3A_97, %swap3A_98] : memref<1000x1xf32, #tpu.memory_space<vmem>>, vector<1000x1xf32>
    tpu.vector_store %arg17[%swap3A_97, %swap3A_98], %logistic3A_96 {strides = array<i32>} : memref<1000x1xf32, #tpu.memory_space<vmem>>, vector<1000x1xf32>,
    return
  }
  func.func @transform_0(%arg0: i32) -> (i32, i32, i32) {
    %c0_i32 = arith.constant 0 : i32
    %c0_i32_0 = arith.constant 0 : i32
    %c0_i32_1 = arith.constant 0 : i32
    return %c0_i32, %arg0, %c0_i32_0 : i32, i32, i32
  }
  func.func @transform_1(%arg0: i32) -> (i32, i32) {
    %c0_i32 = arith.constant 0 : i32
    %c0_i32_0 = arith.constant 0 : i32
    return %arg0, %c0_i32 : i32, i32
  }
  func.func @transform_2(%arg0: i32) -> (i32, i32) {
    %c0_i32 = arith.constant 0 : i32
    %c0_i32_0 = arith.constant 0 : i32
    return %arg0, %c0_i32 : i32, i32
  }
  func.func @transform_3(%arg0: i32) -> (i32, i32) {
    %c0_i32 = arith.constant 0 : i32
    %c0_i32_0 = arith.constant 0 : i32
    %c0_i32_1 = arith.constant 0 : i32
    return %c0_i32, %c0_i32_0 : i32, i32
  }
  func.func @transform_4(%arg0: i32) -> (i32, i32) {
    %c0_i32 = arith.constant 0 : i32
    %c0_i32_0 = arith.constant 0 : i32
    %c0_i32_1 = arith.constant 0 : i32
    return %c0_i32, %c0_i32_0 : i32, i32
  }
  func.func @transform_5(%arg0: i32) -> (i32, i32) {
    %c0_i32 = arith.constant 0 : i32
    %c0_i32_0 = arith.constant 0 : i32
    %c0_i32_1 = arith.constant 0 : i32
    return %c0_i32, %c0_i32_0 : i32, i32
  }
  func.func @transform_6(%arg0: i32) -> (i32, i32) {
    %c0_i32 = arith.constant 0 : i32
    %c0_i32_0 = arith.constant 0 : i32
    %c0_i32_1 = arith.constant 0 : i32
    return %c0_i32, %c0_i32_0 : i32, i32
  }
  func.func @transform_7(%arg0: i32) -> (i32, i32) {
    %c0_i32 = arith.constant 0 : i32
    %c0_i32_0 = arith.constant 0 : i32
    %c0_i32_1 = arith.constant 0 : i32
    return %c0_i32, %c0_i32_0 : i32, i32
  }
  func.func @transform_8(%arg0: i32) -> (i32, i32) {
    %c0_i32 = arith.constant 0 : i32
    %c0_i32_0 = arith.constant 0 : i32
    %c0_i32_1 = arith.constant 0 : i32
    return %c0_i32, %c0_i32_0 : i32, i32
  }
  func.func @transform_9(%arg0: i32) -> (i32, i32) {
    %c0_i32 = arith.constant 0 : i32
    %c0_i32_0 = arith.constant 0 : i32
    %c0_i32_1 = arith.constant 0 : i32
    return %c0_i32, %c0_i32_0 : i32, i32
  }
  func.func @transform_10(%arg0: i32) -> (i32, i32) {
    %c0_i32 = arith.constant 0 : i32
    %c0_i32_0 = arith.constant 0 : i32
    %c0_i32_1 = arith.constant 0 : i32
    return %c0_i32, %c0_i32_0 : i32, i32
  }
  func.func @transform_11(%arg0: i32) -> (i32, i32) {
    %c0_i32 = arith.constant 0 : i32
    %c0_i32_0 = arith.constant 0 : i32
    %c0_i32_1 = arith.constant 0 : i32
    return %c0_i32, %c0_i32_0 : i32, i32
  }
  func.func @transform_12(%arg0: i32) -> (i32, i32) {
    %c0_i32 = arith.constant 0 : i32
    %c0_i32_0 = arith.constant 0 : i32
    %c0_i32_1 = arith.constant 0 : i32
    return %c0_i32, %c0_i32_0 : i32, i32
  }
  func.func @transform_13(%arg0: i32) -> (i32, i32) {
    %c0_i32 = arith.constant 0 : i32
    %c0_i32_0 = arith.constant 0 : i32
    %c0_i32_1 = arith.constant 0 : i32
    return %c0_i32, %c0_i32_0 : i32, i32
  }
  func.func @transform_14(%arg0: i32) -> (i32, i32) {
    %c0_i32 = arith.constant 0 : i32
    %c0_i32_0 = arith.constant 0 : i32
    return %arg0, %c0_i32 : i32, i32
  }
  func.func @transform_15(%arg0: i32) -> (i32, i32) {
    %c0_i32 = arith.constant 0 : i32
    %c0_i32_0 = arith.constant 0 : i32
    return %arg0, %c0_i32 : i32, i32
  }
  func.func @transform_16(%arg0: i32) -> (i32, i32) {
    %c0_i32 = arith.constant 0 : i32
    %c0_i32_0 = arith.constant 0 : i32
    return %arg0, %c0_i32 : i32, i32
  }
  func.func @transform_17(%arg0: i32) -> (i32, i32) {
    %c0_i32 = arith.constant 0 : i32
    %c0_i32_0 = arith.constant 0 : i32
    return %arg0, %c0_i32 : i32, i32
  }
  func.func @transform_18(%arg0: i32) -> (i32, i32) {
    %c0_i32 = arith.constant 0 : i32
    %c0_i32_0 = arith.constant 0 : i32
    return %arg0, %c0_i32 : i32, i32
  }
}

</mosaic_0001>

<sc_bundles>
// kernel: kernel.12.cloned.1.call-start
scs
__scs_entry_jumppad:
0x0: {  	(pc) =	sbr.rel $0x88, $3  }
0x1: {  	(tag) =	ssettag $0x0;
	lr =	simm.s32 $0x1  }
0x2: {  	[smem:$0x3F90] =	sst lr;
	_ =	strace $0xD0000000  }
0x3: {  	_ = 	snop  }
0x4: {  	_ = 	snop  }
0x5: {  	_ = 	snop  }
0x6: {  	_ = 	snop  }
0x7: {  	_ = 	snop  }
__scs_overlays_trampoline_lowered:
0x8: {  	[smem:$0x3F9F] =	sst s0  }
0x9: {  	[smem:$0x3FA0] =	sst s1  }
0xa: {  	[smem:$0x3FA1] =	sst s2  }
0xb: {  	[smem:$0x3FA2] =	sst s3  }
0xc: {  	[smem:$0x3FA3] =	sst s4  }
0xd: {  	[smem:$0x3FA4] =	sst s5  }
0xe: {  	[smem:$0x3FA5] =	sst s6  }
0xf: {  	[smem:$0x3FA6] =	sst s7  }
0x10: {  	[smem:$0x3FA7] =	sst s8  }
0x11: {  	[smem:$0x3FA8] =	sst s9;
	s0 =	simm.s32 @!p0 $0x0  }
0x12: {  	s1 =	sld [smem:$0x3F8E];
	s0 =	simm.s32 @p0 $0x1  }
0x13: {  	[smem:$0x3FA9] =	sst s0;
	s0 =	simm.s32 @!p1 $0x0  }
0x14: {  	s2 =	sld [smem:$0x3F8D];
	s0 =	simm.s32 @p1 $0x1  }
0x15: {  	[smem:$0x3FAA] =	sst s0;
	s0 =	simm.s32 @!p2 $0x0  }
0x16: {  	s3 =	sld [smem:$0x3FDB];
	s0 =	simm.s32 @p2 $0x1  }
0x17: {  	s4 =	simm.s32 $0x1BF5;
	[smem:$0x3FAC] =	sst s0  }
0x18: {  	s0 =	sld [smem:$0x3F8F];
	_ =	swait.ge [sflag:s4], $0x0  }
0x19: {  	s7 =	sld [smem:$0x3F90]  }
0x1a: {  	s8 =	sadd.s32 $0xFFFFE003, lr  }
0x1b: {  	s9 =	sadd.s32 $0xFFFFFEF7, lr;
	s5 =	simm.s32 $0xFFFFFFFF;
	p2 =	slt.u32 s8, $0xFFFFF086  }
0x1c: {  	p1 =	slt.u32 s9, $0xF7A;
	s5 =	simm.s32 @!p2 $0x0  }
0x1d: {  	s5 =	simm.s32 @p1 $0x1;
	p0 =	seq.s32 s7, s2  }
0x1e: {  	s7 =	smul.u32 @!p0 $0xF7A, s2;
	p2 =	seq.s32 @!p0 s5, $0x0  }
0x1f: {  	s9 =	smul.u32 $0xF7A, s1;
	s8 =	simm.s32 @!p0 $0x1BF5;
	p2 =	por !p2, p0  }
0x20: {  	[sflag:s8] =	ssyncset.s32 @!p0 $0xFFFFF086;
	s6 =	sadd.s32 @!p0 s3, s7;
	s7 =	simm.s32 @!p0 $0x108  }
0x21: {  	s3 =	sadd.s32 s3, s9;
	s6 =	sadd.s32 @!p0 $0x88, s6;
	s7 =	simm.s32 @p2 $0x1082  }
0x22: {  	[simem:s7], [sflag:s8] =	dma.local @!p0 [hbm:s6], $0xF7A  }
0x23: {  	s9 =	sor.u32 $0xD0000000, s2;
	s6 =	simm.s32 $0x108;
	_ =	swait.ge @!p0 [sflag:s8], $0x0  }
0x24: {  	s3 =	sadd.s32 $0x88, s3;
	s6 =	simm.s32 @!p1 $0x1082;
	[sflag:s4] =	ssyncset.s32 $0xFFFFF086  }
0x25: {  	[simem:s6], [sflag:s4] =	dma.local [hbm:s3], $0xF7A  }
0x26: {  	[smem:$0x3F90] =	sst s1;
	(tag) =	ssettag s2;
	_ =	strace s9  }
0x27: {  	s1 =	sld [smem:$0x3FA0]  }
0x28: {  	s2 =	sld [smem:$0x3FA1]  }
0x29: {  	s4 =	sld [smem:$0x3FA3]  }
0x2a: {  	p0 =	seq.s32 s5, $0x0;
	s5 =	sld [smem:$0x3FA4]  }
0x2b: {  	s6 =	sld [smem:$0x3FA5]  }
0x2c: {  	s7 =	sld [smem:$0x3FA6]  }
0x2d: {  	s3 =	simm.s32 $0x108;
	s8 =	sld [smem:$0x3FA7]  }
0x2e: {  	s3 =	simm.s32 @!p0 $0x1082;
	s9 =	sld [smem:$0x3FA8]  }
0x2f: {  	lr =	sadd.s32 s0, s3;
	s0 =	sld [smem:$0x3F9F]  }
0x30: {  	s3 =	sld [smem:$0x3FA2]  }
0x31: {  	[smem:$0x3FAB] =	sst s10  }
0x32: {  	s10 =	sld [smem:$0x3FA9];
	_ =	sdelay $0x3  }
0x33: {  	p0 =	seq.s32 s10, $0x1;
	s10 =	sld [smem:$0x3FAB];
	_ =	sdelay $0x3  }
0x34: {  	[smem:$0x3FAB] =	sst s10  }
0x35: {  	s10 =	sld [smem:$0x3FAA];
	_ =	sdelay $0x3  }
0x36: {  	p1 =	seq.s32 s10, $0x1;
	s10 =	sld [smem:$0x3FAB];
	_ =	sdelay $0x3  }
0x37: {  	[smem:$0x3FAB] =	sst s10  }
0x38: {  	s10 =	sld [smem:$0x3FAC]  }
0x39: {  	_ = 	snop;
	(pc) =	sbr.ind lr, $3  }
0x3a: {  	_ = 	snop  }
0x3b: {  	_ = 	snop  }
0x3c: {  	p2 =	seq.s32 s10, $0x1;
	s10 =	sld [smem:$0x3FAB]  }
0x3d: {  	_ =	shalt  }
0x3e: {  	_ =	shalt  }
0x3f: {  	_ =	shalt  }
0x40: {  	_ =	shalt  }
0x41: {  	_ =	shalt  }
0x42: {  	_ =	shalt  }
0x43: {  	_ =	shalt  }
0x44: {  	_ =	shalt  }
0x45: {  	_ =	shalt  }
0x46: {  	_ =	shalt  }
0x47: {  	_ =	shalt  }
0x48: {  	_ =	shalt  }
0x49: {  	_ =	shalt  }
0x4a: {  	_ =	shalt  }
0x4b: {  	_ =	shalt  }
0x4c: {  	_ =	shalt  }
0x4d: {  	_ =	shalt  }
0x4e: {  	_ =	shalt  }
0x4f: {  	_ =	shalt  }
0x50: {  	_ =	shalt  }
0x51: {  	_ =	shalt  }
0x52: {  	_ =	shalt  }
0x53: {  	_ =	shalt  }
0x54: {  	_ =	shalt  }
0x55: {  	_ =	shalt  }
0x56: {  	_ =	shalt  }
0x57: {  	_ =	shalt  }
0x58: {  	_ =	shalt  }
0x59: {  	_ =	shalt  }
0x5a: {  	_ =	shalt  }
0x5b: {  	_ =	shalt  }
0x5c: {  	_ =	shalt  }
0x5d: {  	_ =	shalt  }
0x5e: {  	_ =	shalt  }
0x5f: {  	_ =	shalt  }
0x60: {  	_ =	shalt  }
0x61: {  	_ =	shalt  }
0x62: {  	_ =	shalt  }
0x63: {  	_ =	shalt  }
0x64: {  	_ =	shalt  }
0x65: {  	_ =	shalt  }
0x66: {  	_ =	shalt  }
0x67: {  	_ =	shalt  }
0x68: {  	_ =	shalt  }
0x69: {  	_ =	shalt  }
0x6a: {  	_ =	shalt  }
0x6b: {  	_ =	shalt  }
0x6c: {  	_ =	shalt  }
0x6d: {  	_ =	shalt  }
0x6e: {  	_ =	shalt  }
0x6f: {  	_ =	shalt  }
0x70: {  	_ =	shalt  }
0x71: {  	_ =	shalt  }
0x72: {  	_ =	shalt  }
0x73: {  	_ =	shalt  }
0x74: {  	_ =	shalt  }
0x75: {  	_ =	shalt  }
0x76: {  	_ =	shalt  }
0x77: {  	_ =	shalt  }
0x78: {  	_ =	shalt  }
0x79: {  	_ =	shalt  }
0x7a: {  	_ =	shalt  }
0x7b: {  	_ =	shalt  }
0x7c: {  	_ =	shalt  }
0x7d: {  	_ =	shalt  }
0x7e: {  	_ =	shalt  }
0x7f: {  	_ =	shalt  }
0x80: {  	_ =	shalt  }
0x81: {  	_ =	shalt  }
0x82: {  	_ =	shalt  }
0x83: {  	_ =	shalt  }
0x84: {  	_ =	shalt  }
0x85: {  	_ =	shalt  }
0x86: {  	_ =	shalt  }
0x87: {  	_ =	shalt  }
.Lfunc_end0:
.L_simem_size_0:
called_computation.1_lowered:
.L_overlay_start_0:
0x88: {  	s2 =	sld [smem:$0x3FD9]  }
0x89: {  	s3 =	sld [smem:$0x3FFE];
	_ =	sdelay $0x1  }
0x8a: {  	s1 =	srdreg.scid  }
0x8b: {  	s0 =	sand.u32 $0x1, s1  }
0x8c: {  	s14 =	sshll.u32 s0, $0xA;
	s2 =	sadd.s32 s3, s2  }
0x8d: {  	s2 =	sadd.s32 s2, s14  }
0x8e: {  	[smem:$0x3FB7] =	sst s2  }
0x8f: {  	_ = 	snop  }
0x90: {  	s2 =	sld [smem:$0x3FD0];
	_ =	sdelay $0x2  }
0x91: {  	s15 =	simm.s32 $0xA;
	s4 =	simm.s32 $0x10  }
0x92: {  	[smem:s4], [sflag:s15] =	dma.local [hbm:s2], $0x1  }
0x93: {  	_ =	swait.eq [sflag:s15], $0x1  }
0x94: {  	s16 =	sld [smem:$0x10];
	[sflag:s15] =	ssyncset.done $0x0  }
0x95: {  	s17 =	sld [smem:$0x12];
	[sflag:s15] =	ssyncadd.s32 $0xFFFFFFFF  }
0x96: {  	s18 =	sld [smem:$0x13];
	(tm) =	ssettm $0x1  }
0x97: {  	s5 =	sld [smem:$0x3FFB];
	_ =	sdelay $0x3  }
0x98: {  	_ =	strace s5  }
0x99: {  	s5 =	sld [smem:$0x3FFC];
	_ =	sdelay $0x3  }
0x9a: {  	_ =	strace s5  }
0x9b: {  	s5 =	sld [smem:$0x3FFD];
	_ =	sdelay $0x3  }
0x9c: {  	_ =	strace s5  }
0x9d: {  	_ =	strace $0x8FFFFFFF  }
0x9e: {  	s19 =	sld [smem:$0x3FDB];
	_ =	sdelay $0x1  }
0x9f: {  	s6 =	simm.s32 $_scs_section_size  }
0xa0: {  	s7 =	simm.s32 $_size__tile_overlayer_lowered;
	s8 =	simm.s32 $_tile_overlayer_lowered  }
0xa1: {  	s22 =	simm.s32 $0x1BFF;
	s21 =	sshll.u32 s8, $0x1;
	s5 =	sadd.s32 s6, s19  }
0xa2: {  	s9 =	simm.s32 $0x0;
	s20 =	sshll.u32 s7, $0x1;
	s7 =	sadd.s32 s21, s5  }
0xa3: {  	[timem:s9], [sflag:s22] =	dma.local [hbm:s7], s20  }
0xa4: {  	_ =	swait.ge [sflag:s22], s20  }
0xa5: {  	s6 =	ssub.s32 $0x0, s20;
	[sflag:s22] =	ssyncset.done $0x0  }
0xa6: {  	[sflag:s22] =	ssyncadd.s32 s6;
	_ =	sdelay $0x1  }
0xa7: {  	s23 =	simm.s32 $0x1B8B  }
0xa8: {  	_ =	swait.ge [sflag:s23], $0x1  }
0xa9: {  	[sflag:s23] =	ssyncset.done $0x0  }
0xaa: {  	s25 =	simm.s32 $0x1B8E;
	s24 =	sld [smem:$0x3FFE];
	[sflag:s23] =	ssyncadd.s32 $0xFFFFFFFF  }
0xab: {  	s26 =	simm.s32 $execute0_lowered;
	[smem:$0x3FD2] =	sst s25  }
0xac: {  	s7 =	sshll.u32 s26, $0x1;
	_ =	strace $0x80000049;
	[dreg:$0x1] =	wrdreg $0xFFFFFFFF  }
0xad: {  	s28 =	simm.s32 $_size_execute0_lowered;
	s5 =	sadd.s32 s5, s7;
	[dreg:$0x0] =	wrdreg $0x0  }
0xae: {  	s7 =	sshll.u32 s28, $0x1;
	[dreg:$0x2] =	wrdreg s5  }
0xaf: {  	[dreg:$0x3] =	wrdreg s7  }
0xb0: {  	[dreg:$0x4] =	wrdreg $0xC0  }
0xb1: {  	_ =	task [dreg:s9], $0x5FFFF  }
0xb2: {  	[dreg:$0x1] =	wrdreg $0xFFFFFFFF  }
0xb3: {  	[dreg:$0x0] =	wrdreg $0x60  }
0xb4: {  	[dreg:$0x2] =	wrdreg s18  }
0xb5: {  	[dreg:$0x3] =	wrdreg s17  }
0xb6: {  	[dreg:$0x4] =	wrdreg s24  }
0xb7: {  	[dreg:$0x5] =	wrdreg s16  }
0xb8: {  	[dreg:$0x6] =	wrdreg $0x88000  }
0xb9: {  	[dreg:$0x7] =	wrdreg $0x9  }
0xba: {  	_ =	task.clear_ibuf [dreg:s9], $0x8FFFF;
	_ =	strace $0x90000049  }
0xbb: {  	s29 =	simm.s32 $0x9;
	_ =	strace $0x8000004B  }
0xbc: {  	_ =	swait.ge [sflag:s29], $0x1  }
0xbd: {  	[sflag:s29] =	ssyncadd.s32 $0xFFFFFFFF  }
0xbe: {  	_ =	strace $0x9000004B  }
0xbf: {  	_ =	sfence  }
0xc0: {  	s30 =	sld [smem:$0x0];
	_ =	sdelay $0x2  }
0xc1: {  	s31 =	sshll.u32 s1, $0xD;
	s1 =	sshrl.u32 s1, $0x2  }
0xc2: {  	s3 =	sand.u32 $0x4000, s31;
	s1 =	sadd.s32 s1, s30  }
0xc3: {  	s0 =	sor.u32 s3, s0;
	s1 =	sshll.u32 s1, $0x11  }
0xc4: {  	s0 =	sor.u32 s1, s0  }
0xc5: {  	s0 =	sadd.s32 $0x8F2B, s0  }
0xc6: {  	[sflag:s0] =	ssyncadd.remote.s32 $0x1  }
0xc7: {  	_ =	sfence.sel $0xFFFF  }
0xc8: {  	[dreg:$0x0] =	wrdreg $0xFFFFFFFF;
	(pc) =	sbr.abs _section_cstart, $3  }
0xc9: {  	[dreg:$0x1] =	wrdreg $0xFFFFFFFF  }
0xca: {  	_ =	task.clear_ibuf [dreg:s9], $0x2FFFF;
	_ =	strace $0x9FFFFFFF  }
0xcb: {  	(tm) =	ssettm $0x7FFFFFFF  }
tec
execute0_lowered:
.L_overlay_start_1:
0x0: {  	(tag) =	ssettag $0x1  }
0x1: {  	s5 =	rddreg [dreg:$0x0]  }
0x2: {  	s6 =	rddreg [dreg:$0x1]  }
0x3: {  	s0 =	rddreg [dreg:$0x2];
	s1 =	srdreg.scid  }
0x4: {  	s4 =	rddreg [dreg:$0x3];
	s14 =	stileid.u32  }
0x5: {  	s3 =	simm.s32 $0x0;
	s29 =	simm.s32 $0x200;
	s28 =	simm.s32 $0x380  }
0x6: {  	s30 =	simm.s32 $0x6;
	s7 =	sand.u32 $0x1, s1;
	s1 =	rddreg [dreg:$0x4]  }
0x7: {  	s31 =	simm.s32 $0x4800;
	[smem:$0x7FF] =	sst s3;
	s2 =	sshll.u32 s7, $0x4  }
0x8: {  	s12 =	smul.u32 $0x2800, s14;
	s8 =	ssub.s32 $0x2, s7;
	s2 =	sor.u32 s14, s2  }
0x9: {  	p0 =	seq.s32 s14, $0xF;
	s17 =	sshrl.u32 s8, $0x1;
	s9 =	smul.u32 $0x2800, s2  }
0xa: {  	p1 =	sne.s32 s14, $0xF;
	_ =	strace $0x8000004A;
	s2 =	ssub.s32 s8, s17  }
0xb: {  	s21 =	smul.u32 $0x28000, s7;
	s2 =	smax.u32 s2, $0x1;
	s18 =	sshrl.u32 s9, $0x3  }
0xc: {  	s7 =	smul.u32 $0x138800, s7;
	[smem:$0x7EE] =	sst s2;
	s9 =	sadd.s32 s5, s18  }
0xd: {  	s19 =	sadd.s32 s6, s18;
	s20 =	sor.u32 $0x10, s18;
	[dreg:$0x16] =	wrdreg s9  }
0xe: {  	s22 =	sor.u32 $0x20, s18;
	[dreg:$0x17] =	wrdreg s19;
	s10 =	sadd.s32 s5, s20  }
0xf: {  	s11 =	sor.u32 $0x30, s18;
	s9 =	sadd.s32 s6, s20;
	[dreg:$0x18] =	wrdreg s10  }
0x10: {  	s25 =	sor.u32 $0x40, s18;
	s13 =	sadd.s32 s5, s22;
	[dreg:$0x19] =	wrdreg s9  }
0x11: {  	s8 =	sor.u32 $0x50, s18;
	s23 =	sadd.s32 s5, s11;
	[dreg:$0x1a] =	wrdreg s13  }
0x12: {  	s24 =	sadd.s32 s6, s11;
	s26 =	sadd.s32 s5, s25;
	[dreg:$0x1c] =	wrdreg s23  }
0x13: {  	s10 =	sadd.s32 s6, s22;
	[dreg:$0x1d] =	wrdreg s24;
	s9 =	sadd.s32 s12, s21  }
0x14: {  	[dreg:$0x1e] =	wrdreg s26;
	s13 =	sadd.s32 s5, s8;
	s8 =	sadd.s32 s6, s8  }
0x15: {  	[dreg:$0x1b] =	wrdreg s10;
	s12 =	sor.u32 $0x680, s9;
	s10 =	sadd.s32 s6, s25  }
0x16: {  	[smem:$0x7E2] =	sst s13;
	s18 =	sor.u32 $0x580, s9;
	s22 =	sor.u32 $0x500, s9  }
0x17: {  	s26 =	sor.u32 $0x480, s9;
	[smem:$0x7E3] =	sst s8;
	s15 =	sshrl.u32 s12, $0x3  }
0x18: {  	[dreg:$0x1f] =	wrdreg s10;
	s12 =	sor.u32 $0x600, s9;
	s11 =	sadd.s32 s15, s6  }
0x19: {  	s20 =	sshrl.u32 s18, $0x3;
	s10 =	sadd.s32 s15, s5;
	[dreg:$0x6] =	wrdreg s11  }
0x1a: {  	s24 =	sshrl.u32 s22, $0x3;
	s21 =	sadd.s32 s20, s6;
	[dreg:$0x7] =	wrdreg s10  }
0x1b: {  	s13 =	sshrl.u32 s26, $0x3;
	s23 =	sadd.s32 s20, s5;
	[dreg:$0xa] =	wrdreg s21  }
0x1c: {  	s16 =	sshrl.u32 s12, $0x3;
	s25 =	sadd.s32 s24, s6;
	[dreg:$0xb] =	wrdreg s23  }
0x1d: {  	s15 =	sadd.s32 s13, s6;
	s20 =	sor.u32 $0x380, s9;
	[dreg:$0xc] =	wrdreg s25  }
0x1e: {  	s17 =	sadd.s32 s16, s6;
	s19 =	sadd.s32 s16, s5;
	[dreg:$0xe] =	wrdreg s15  }
0x1f: {  	s11 =	sadd.s32 s24, s5;
	s16 =	sor.u32 $0x400, s9;
	[dreg:$0x8] =	wrdreg s17  }
0x20: {  	s22 =	sshrl.u32 s20, $0x3;
	s23 =	smul.u32 $0x13800, s14;
	[dreg:$0x9] =	wrdreg s19  }
0x21: {  	s25 =	sor.u32 $0x300, s9;
	[dreg:$0xd] =	wrdreg s11;
	s17 =	sadd.s32 s13, s5  }
0x22: {  	s18 =	sshrl.u32 s16, $0x3;
	s24 =	sadd.s32 s22, s6;
	s13 =	sadd.s32 s22, s5  }
0x23: {  	s8 =	sshrl.u32 s25, $0x3;
	s22 =	smul.u32 $0x4E000, s14;
	[dreg:$0xf] =	wrdreg s17  }
0x24: {  	s19 =	sadd.s32 s18, s6;
	s21 =	sadd.s32 s18, s5;
	[dreg:$0x12] =	wrdreg s24  }
0x25: {  	s26 =	sadd.s32 s23, s7;
	[dreg:$0x13] =	wrdreg s13;
	s15 =	sadd.s32 $0x4000, s23  }
0x26: {  	s6 =	sadd.s32 s8, s6;
	s5 =	sadd.s32 s8, s5;
	[dreg:$0x10] =	wrdreg s19  }
0x27: {  	s17 =	sadd.s32 $0x8000, s23;
	s20 =	sadd.s32 $0x10000, s23;
	[dreg:$0x11] =	wrdreg s21  }
0x28: {  	s24 =	sshrl.u32 s7, $0x3;
	s9 =	sshrl.u32 s26, $0x3;
	[dreg:$0x14] =	wrdreg s6  }
0x29: {  	s16 =	sadd.s32 s7, s15;
	s18 =	sadd.s32 s7, s17;
	s19 =	sadd.s32 $0xC000, s23  }
0x2a: {  	[dreg:$0x15] =	wrdreg s5;
	s25 =	sshrl.u32 s22, $0x2;
	s22 =	sadd.s32 $0x124800, s1  }
0x2b: {  	s12 =	sadd.s32 s7, s20;
	s9 =	sadd.s32 s4, s9;
	[smem:$0x7F9] =	sst s22  }
0x2c: {  	s21 =	sadd.s32 s7, s19;
	s26 =	sadd.s32 s25, s1;
	[smem:$0x7E4] =	sst s9  }
0x2d: {  	s7 =	sadd.s32 s20, s1;
	s20 =	sadd.s32 $0x138800, s1;
	[smem:$0x7F5] =	sst s26  }
0x2e: {  	s6 =	sshrl.u32 s16, $0x3;
	s25 =	sadd.s32 $0x130800, s1;
	[smem:$0x7F8] =	sst s20  }
0x2f: {  	s12 =	sshrl.u32 s12, $0x3;
	s6 =	sadd.s32 s4, s6;
	[smem:$0x7FC] =	sst s25  }
0x30: {  	p2 =	sne.s32 s14, $0x0;
	s23 =	sadd.s32 s4, s12;
	[smem:$0x7E5] =	sst s6  }
0x31: {  	s2 =	simm.s32 $0x3;
	s16 =	sadd.s32 $0x4000, s26;
	[smem:$0x7E8] =	sst s23  }
0x32: {  	s5 =	sadd.s32 s17, s1;
	s17 =	sadd.s32 $0x8000, s26;
	[smem:$0x7F2] =	sst s16  }
0x33: {  	s6 =	sshrl.u32 s18, $0x3;
	[smem:$0x7F3] =	sst s17;
	s18 =	sadd.s32 $0xC000, s26  }
0x34: {  	s8 =	simm.s32 $0x9;
	s23 =	sadd.s32 $0x128800, s1;
	[smem:$0x7F4] =	sst s18  }
0x35: {  	s22 =	simm.s32 $0xA;
	s6 =	sadd.s32 s4, s6;
	[smem:$0x7FA] =	sst s23  }
0x36: {  	s9 =	simm.s32 $0x800;
	[smem:$0x7E6] =	sst s6;
	s6 =	sshrl.u32 s21, $0x3  }
0x37: {  	s21 =	sadd.s32 $0x3C00, s0;
	s0 =	sadd.s32 s15, s1;
	s6 =	sadd.s32 s4, s6  }
0x38: {  	s12 =	simm.s32 $0x80;
	s0 =	sshrl.u32 @!p0 s0, $0x3;
	[smem:$0x7E7] =	sst s6  }
0x39: {  	s4 =	sadd.s32 s4, s24;
	s24 =	sadd.s32 $0x12C800, s1;
	[smem:$0x7EF] =	sst s0  }
0x3a: {  	s20 =	simm.s32 $0x500;
	s10 =	sadd.s32 $0x24900, s4;
	[smem:$0x7FB] =	sst s24  }
0x3b: {  	s25 =	simm.s32 $0x700;
	s11 =	sadd.s32 $0x25100, s4;
	[smem:$0x7E9] =	sst s10  }
0x3c: {  	s17 =	simm.s32 $0x400;
	s13 =	sadd.s32 $0x25900, s4;
	[smem:$0x7EA] =	sst s11  }
0x3d: {  	s16 =	simm.s32 $0x0;
	s15 =	sadd.s32 $0x26100, s4;
	[smem:$0x7EB] =	sst s13  }
0x3e: {  	s18 =	simm.s32 $0x480;
	s4 =	sadd.s32 $0x26900, s4;
	[smem:$0x7EC] =	sst s15  }
0x3f: {  	s23 =	simm.s32 $0x180;
	s0 =	sshrl.u32 @!p0 s5, $0x3;
	[smem:$0x7ED] =	sst s4  }
0x40: {  	s6 =	sadd.s32 s19, s1;
	s19 =	sadd.s32 $0x10000, s26;
	[smem:$0x7F0] =	sst s0  }
0x41: {  	s26 =	sadd.s32 $0x134800, s1;
	s24 =	simm.s32 $0x580;
	[smem:$0x7F6] =	sst s19  }
0x42: {  	s5 =	simm.s32 $0x2;
	s0 =	sshrl.u32 @!p0 s6, $0x3;
	[smem:$0x7FD] =	sst s26  }
0x43: {  	s15 =	simm.s32 $0xD;
	s19 =	simm.s32 $0x100;
	s26 =	simm.s32 $0x5  }
0x44: {  	s4 =	simm.s32 $0x7;
	s6 =	simm.s32 $0x4;
	s10 =	simm.s32 $0xB  }
0x45: {  	s11 =	simm.s32 $0xC;
	[smem:$0x7F1] =	sst s0;
	s0 =	sshrl.u32 @!p0 s7, $0x3  }
0x46: {  	v0 =	vimm.f32 $0.0e+00;
	s7 =	simm.s32 $0x8;
	[smem:$0x7F7] =	sst s0;
	s0 =	simm.s32 $0x1  }
.LBB2_1:
0x47: {  	[smem:$0x7E1] =	sst s16;
	s13 =	simm.s32 $0x0;
	s14 =	simm.s32 $0x200  }
.LBB2_2:
0x48: {  	p3 =	sne.s32 s14, $0xFE00;
	[tilespmem:s13+$0x870] =	vst v0  }
0x49: {  	[tilespmem:s13+$0x800] =	vst v0  }
0x4a: {  	[tilespmem:s13+$0x810] =	vst v0  }
.Ltmp0:
0x4b: {  	[tilespmem:s13+$0x820] =	vst v0;
	(pc) =	sbr.rel @p3 .LBB2_2-.Ltmp0, $4  }
0x4c: {  	[tilespmem:s13+$0x830] =	vst v0  }
0x4d: {  	[tilespmem:s13+$0x840] =	vst v0  }
0x4e: {  	[tilespmem:s13+$0x850] =	vst v0  }
0x4f: {  	[tilespmem:s13+$0x860] =	vst v0;
	s13 =	sshra.s32 s14, $0x2;
	s14 =	sadd.s32 $0x200, s14  }
0x50: {  	[tilespmem:s13+$0x870] =	vst v0  }
0x51: {  	[tilespmem:s13+$0x800] =	vst v0  }
0x52: {  	[tilespmem:s13+$0x810] =	vst v0  }
.Ltmp1:
0x53: {  	[tilespmem:s13+$0x820] =	vst v0;
	(pc) =	sbr.rel @p1 .LBB2_5-.Ltmp1, $4  }
0x54: {  	[tilespmem:s13+$0x830] =	vst v0  }
0x55: {  	[tilespmem:s13+$0x840] =	vst v0  }
0x56: {  	[tilespmem:s13+$0x850] =	vst v0  }
0x57: {  	[tilespmem:s13+$0x860] =	vst v0;
	s16 =	simm.s32 $0x600  }
0x58: {  	s13 =	sld [smem:$0x7F9];
	_ =	sdelay $0x2  }
0x59: {  	[spmem:s13] =	stream.linear.scatter [tilespmem:s9], [sflag:$0xD], $0x4000, $0x38;
	[tilespmem:$0x1C480] =	vst v63  }
0x5a: {  	_ =	swait.ge [sflag:s15], $0x4000  }
0x5b: {  	s14 =	sld [smem:$0x7FA]  }
0x5c: {  	[sflag:s15] =	ssyncset.done $0x0  }
0x5d: {  	[sflag:s15] =	ssyncadd.s32 $0xFFFFC000  }
0x5e: {  	[spmem:s14] =	stream.linear.scatter [tilespmem:s9], [sflag:$0xD], $0x4000, $0x38;
	[tilespmem:$0x1C480] =	vst v63  }
0x5f: {  	_ =	swait.ge [sflag:s15], $0x4000  }
0x60: {  	s14 =	sld [smem:$0x7FB]  }
0x61: {  	[sflag:s15] =	ssyncset.done $0x0  }
0x62: {  	[sflag:s15] =	ssyncadd.s32 $0xFFFFC000  }
0x63: {  	[spmem:s14] =	stream.linear.scatter [tilespmem:s9], [sflag:$0xD], $0x4000, $0x38;
	[tilespmem:$0x1C480] =	vst v63  }
0x64: {  	_ =	swait.ge [sflag:s15], $0x4000  }
0x65: {  	s14 =	sld [smem:$0x7FC]  }
0x66: {  	[sflag:s15] =	ssyncset.done $0x0  }
.Ltmp2:
0x67: {  	[sflag:s15] =	ssyncadd.s32 $0xFFFFC000;
	(pc) =	sbr.rel .LBB2_6-.Ltmp2, $4  }
0x68: {  	[spmem:s14] =	stream.linear.scatter [tilespmem:s9], [sflag:$0xD], $0x4000, $0x38;
	[tilespmem:$0x1C480] =	vst v63  }
0x69: {  	_ =	swait.ge [sflag:s15], $0x4000  }
0x6a: {  	[sflag:s15] =	ssyncset.done $0x0  }
0x6b: {  	s13 =	sld [smem:$0x7FD];
	[sflag:s15] =	ssyncadd.s32 $0xFFFFC000  }
.LBB2_5:
0x6c: {  	s13 =	sld [smem:$0x7F5];
	_ =	sdelay $0x2  }
0x6d: {  	[spmem:s13] =	stream.linear.scatter [tilespmem:s9], [sflag:$0xD], $0x4000, $0x38;
	[tilespmem:$0x1C480] =	vst v63  }
0x6e: {  	_ =	swait.ge [sflag:s15], $0x4000  }
0x6f: {  	s14 =	sld [smem:$0x7F2]  }
0x70: {  	[sflag:s15] =	ssyncset.done $0x0  }
0x71: {  	[sflag:s15] =	ssyncadd.s32 $0xFFFFC000  }
0x72: {  	[spmem:s14] =	stream.linear.scatter [tilespmem:s9], [sflag:$0xD], $0x4000, $0x38;
	[tilespmem:$0x1C480] =	vst v63  }
0x73: {  	_ =	swait.ge [sflag:s15], $0x4000  }
0x74: {  	s14 =	sld [smem:$0x7F3]  }
0x75: {  	[sflag:s15] =	ssyncset.done $0x0  }
0x76: {  	[sflag:s15] =	ssyncadd.s32 $0xFFFFC000  }
0x77: {  	[spmem:s14] =	stream.linear.scatter [tilespmem:s9], [sflag:$0xD], $0x4000, $0x38;
	[tilespmem:$0x1C480] =	vst v63  }
0x78: {  	_ =	swait.ge [sflag:s15], $0x4000  }
0x79: {  	s14 =	sld [smem:$0x7F4]  }
0x7a: {  	[sflag:s15] =	ssyncset.done $0x0  }
0x7b: {  	[sflag:s15] =	ssyncadd.s32 $0xFFFFC000  }
0x7c: {  	[spmem:s14] =	stream.linear.scatter [tilespmem:s9], [sflag:$0xD], $0x4000, $0x38;
	[tilespmem:$0x1C480] =	vst v63  }
0x7d: {  	_ =	swait.ge [sflag:s15], $0x4000  }
0x7e: {  	s14 =	sld [smem:$0x7F6]  }
0x7f: {  	[sflag:s15] =	ssyncset.done $0x0  }
.Ltmp3:
0x80: {  	[sflag:s15] =	ssyncadd.s32 $0xFFFFC000;
	(pc) =	sbr.rel @p2 .LBB2_7-.Ltmp3, $4  }
0x81: {  	[spmem:s14] =	stream.linear.scatter [tilespmem:s9], [sflag:$0xD], $0x3800, $0x38;
	[tilespmem:$0x1C480] =	vst v63  }
0x82: {  	_ =	swait.ge [sflag:s15], $0x3800  }
0x83: {  	[sflag:s15] =	ssyncset.done $0x0  }
0x84: {  	s13 =	sld [smem:$0x7F8];
	[sflag:s15] =	ssyncadd.s32 $0xFFFFC800  }
.LBB2_6:
0x85: {  	_ =	sdelay $0x1  }
0x86: {  	[spmem:s13] =	stream.linear.scatter [tilespmem:s9], [sflag:$0xD], $0x4000, $0x38;
	[tilespmem:$0x1C480] =	vst v63  }
0x87: {  	_ =	swait.ge [sflag:s15], $0x4000  }
0x88: {  	[sflag:s15] =	ssyncset.done $0x0  }
0x89: {  	[sflag:s15] =	ssyncadd.s32 $0xFFFFC000  }
.LBB2_7:
0x8a: {  	[bflag:$0x0] =	sbarrier.arrive $0xFFFF  }
0x8b: {  	s13 =	simm.s32 $0x0;
	s14 =	rddreg [dreg:$0x16]  }
0x8c: {  	[tilespmem:s13], [sflag:$0x5] =	stream.linear.gather [hbm4b:s14+s13], $0x80, $0x38;
	[tilespmem:$0x1C480] =	vst v63  }
0x8d: {  	s15 =	rddreg [dreg:$0x17]  }
0x8e: {  	[tilespmem:s17], [sflag:$0x5] =	stream.linear.gather [hbm4b:s15+s13], $0x80, $0x38;
	[tilespmem:$0x1C480] =	vst v63  }
0x8f: {  	s15 =	rddreg [dreg:$0x18]  }
0x90: {  	[tilespmem:s12], [sflag:$0x6] =	stream.linear.gather [hbm4b:s15+s13], $0x80, $0x38;
	[tilespmem:$0x1C480] =	vst v63  }
0x91: {  	s15 =	rddreg [dreg:$0x19]  }
0x92: {  	[tilespmem:s18], [sflag:$0x6] =	stream.linear.gather [hbm4b:s15+s13], $0x80, $0x38;
	[tilespmem:$0x1C480] =	vst v63  }
0x93: {  	s15 =	rddreg [dreg:$0x1a]  }
0x94: {  	[tilespmem:s19], [sflag:$0x7] =	stream.linear.gather [hbm4b:s15+s13], $0x80, $0x38;
	[tilespmem:$0x1C480] =	vst v63  }
0x95: {  	s15 =	rddreg [dreg:$0x1b]  }
0x96: {  	[tilespmem:s20], [sflag:$0x7] =	stream.linear.gather [hbm4b:s15+s13], $0x80, $0x38;
	[tilespmem:$0x1C480] =	vst v63  }
0x97: {  	s15 =	rddreg [dreg:$0x1c]  }
0x98: {  	[tilespmem:s23], [sflag:$0x8] =	stream.linear.gather [hbm4b:s15+s13], $0x80, $0x38;
	[tilespmem:$0x1C480] =	vst v63  }
0x99: {  	s15 =	rddreg [dreg:$0x1d]  }
0x9a: {  	[tilespmem:s24], [sflag:$0x8] =	stream.linear.gather [hbm4b:s15+s13], $0x80, $0x38;
	[tilespmem:$0x1C480] =	vst v63  }
0x9b: {  	s15 =	rddreg [dreg:$0x1e]  }
0x9c: {  	[tilespmem:s29], [sflag:$0x9] =	stream.linear.gather [hbm4b:s15+s13], $0x80, $0x38;
	[tilespmem:$0x1C480] =	vst v63  }
0x9d: {  	s15 =	rddreg [dreg:$0x1f]  }
0x9e: {  	[tilespmem:s16], [sflag:$0x9] =	stream.linear.gather [hbm4b:s15+s13], $0x80, $0x38;
	[tilespmem:$0x1C480] =	vst v63  }
0x9f: {  	s16 =	sld [smem:$0x7E2];
	_ =	sdelay $0x1  }
0xa0: {  	s15 =	simm.s32 $0x280  }
0xa1: {  	[tilespmem:s15], [sflag:$0xA] =	stream.linear.gather [hbm4b:s16+s13], $0x80, $0x38;
	[tilespmem:$0x1C480] =	vst v63  }
0xa2: {  	s15 =	sld [smem:$0x7E3];
	_ =	sdelay $0x1  }
0xa3: {  	p3 =	por $0x1, $0x1;
	s16 =	simm.s32 $0x680  }
0xa4: {  	[tilespmem:s16], [sflag:$0xA] =	stream.linear.gather [hbm4b:s15+s13], $0x80, $0x38;
	[tilespmem:$0x1C480] =	vst v63  }
0xa5: {  	s13 =	simm.s32 @!p3 $0x3  }
0xa6: {  	_ =	swait.ge @!p3 [sflag:s13], $0x4000  }
0xa7: {  	s16 =	rddreg [dreg:$0x15]  }
0xa8: {  	[sflag:s13] =	ssyncset.done @!p3 $0x0;
	s15 =	rddreg [dreg:$0x14]  }
0xa9: {  	[sflag:s13] =	ssyncadd.s32 @!p3 $0xFFFFC000;
	s14 =	sadd.s32 $0x0, s16;
	s16 =	simm.s32 $0x300  }
0xaa: {  	[tilespmem:s16], [sflag:$0xB] =	stream.linear.gather [hbm4b:s14+s3], $0x80, $0x38;
	[tilespmem:$0x1C480] =	vst v63  }
0xab: {  	s16 =	sadd.s32 $0x0, s15  }
0xac: {  	[tilespmem:s25], [sflag:$0xB] =	stream.linear.gather [hbm4b:s16+s3], $0x80, $0x38;
	[tilespmem:$0x1C480] =	vst v63  }
0xad: {  	_ =	swait.ge [sflag:s26], $0x80  }
0xae: {  	[sflag:s26] =	ssyncset.done $0x0  }
0xaf: {  	[sflag:s26] =	ssyncadd.s32 $0xFFFFFF80  }
0xb0: {  	_ =	swait.ge [sflag:s26], $0x80  }
0xb1: {  	[sflag:s26] =	ssyncset.done $0x0  }
0xb2: {  	s13 =	simm.s32 @!p3 $0x2;
	[sflag:s26] =	ssyncadd.s32 $0xFFFFFF80  }
0xb3: {  	[tilespmem:s9], [sflag:$0x1] =	stream.indirect.gather [hbm4b:s21+s12], $0x80, s3, s12, $0xb8;
	[tilespmem:$0x1C480] =	vst v63  }
0xb4: {  	_ =	swait.ge @!p3 [sflag:s13], $0x4000  }
0xb5: {  	s14 =	simm.s32 @!p3 $0x4800;
	s15 =	simm.s32 @!p3 $0x4;
	[sflag:s13] =	ssyncset.done @!p3 $0x0  }
0xb6: {  	s16 =	simm.s32 @!p3 $0x780;
	[sflag:s13] =	ssyncadd.s32 @!p3 $0xFFFFC000;
	s13 =	simm.s32 @!p3 $0x80  }
0xb7: {  	[spmem:s1] =	stream.indirect.scatter.add.f32 @!p3 [tilespmem:s14], [sflag:$0x4], $0x80, s16, s13, $0xb8;
	[tilespmem:$0x1C480] =	vst v63  }
0xb8: {  	_ =	swait.ge @!p3 [sflag:s15], $0x4000  }
0xb9: {  	s14 =	rddreg [dreg:$0x13];
	[sflag:s15] =	ssyncset.done @!p3 $0x0  }
0xba: {  	s16 =	rddreg [dreg:$0x12];
	[sflag:s15] =	ssyncadd.s32 @!p3 $0xFFFFC000;
	s13 =	sadd.s32 $0x0, s14  }
0xbb: {  	[tilespmem:s28], [sflag:$0xC] =	stream.linear.gather [hbm4b:s13+s3], $0x80, $0x38;
	[tilespmem:$0x1C480] =	vst v63  }
0xbc: {  	s15 =	sadd.s32 $0x0, s16;
	s16 =	simm.s32 $0x780  }
0xbd: {  	[tilespmem:s16], [sflag:$0xC] =	stream.linear.gather [hbm4b:s15+s3], $0x80, $0x38;
	[tilespmem:$0x1C480] =	vst v63  }
0xbe: {  	_ =	swait.ge [sflag:s30], $0x80  }
0xbf: {  	[sflag:s30] =	ssyncset.done $0x0  }
0xc0: {  	[sflag:s30] =	ssyncadd.s32 $0xFFFFFF80  }
0xc1: {  	_ =	swait.ge [sflag:s30], $0x80  }
0xc2: {  	[sflag:s30] =	ssyncset.done $0x0  }
0xc3: {  	[sflag:s30] =	ssyncadd.s32 $0xFFFFFF80  }
0xc4: {  	[tilespmem:s31], [sflag:$0x2] =	stream.indirect.gather [hbm4b:s21+s12], $0x80, s12, s12, $0xb8;
	[tilespmem:$0x1C480] =	vst v63  }
0xc5: {  	_ =	swait.ge [sflag:s0], $0x4000  }
0xc6: {  	[sflag:s0] =	ssyncset.done $0x0  }
0xc7: {  	[sflag:s0] =	ssyncadd.s32 $0xFFFFC000  }
0xc8: {  	[spmem:s1] =	stream.indirect.scatter.add.f32 [tilespmem:s9], [sflag:$0x3], $0x80, s17, s12, $0xb8;
	[tilespmem:$0x1C480] =	vst v63  }
0xc9: {  	_ =	swait.ge [sflag:s2], $0x4000  }
0xca: {  	s13 =	rddreg [dreg:$0x11]  }
0xcb: {  	p3 =	por $0x0, $0x0;
	[sflag:s2] =	ssyncset.done $0x0;
	s14 =	rddreg [dreg:$0x10]  }
0xcc: {  	[sflag:s2] =	ssyncadd.s32 $0xFFFFC000;
	s15 =	sadd.s32 @!p3 $0x0, s13;
	s13 =	simm.s32 @!p3 $0x0  }
0xcd: {  	[tilespmem:s13], [sflag:$0x5] =	stream.linear.gather @!p3 [hbm4b:s15+s13], $0x80, $0x38;
	[tilespmem:$0x1C480] =	vst v63  }
0xce: {  	s14 =	sadd.s32 @!p3 $0x0, s14;
	s15 =	simm.s32 @!p3 $0x400  }
0xcf: {  	[tilespmem:s15], [sflag:$0x5] =	stream.linear.gather @!p3 [hbm4b:s14+s13], $0x80, $0x38;
	[tilespmem:$0x1C480] =	vst v63  }
0xd0: {  	_ =	swait.ge [sflag:s4], $0x80  }
0xd1: {  	[sflag:s4] =	ssyncset.done $0x0  }
0xd2: {  	[sflag:s4] =	ssyncadd.s32 $0xFFFFFF80  }
0xd3: {  	_ =	swait.ge [sflag:s4], $0x80  }
0xd4: {  	[sflag:s4] =	ssyncset.done $0x0  }
0xd5: {  	[sflag:s4] =	ssyncadd.s32 $0xFFFFFF80  }
0xd6: {  	[tilespmem:s9], [sflag:$0x1] =	stream.indirect.gather [hbm4b:s21+s12], $0x80, s19, s12, $0xb8;
	[tilespmem:$0x1C480] =	vst v63  }
0xd7: {  	_ =	swait.ge [sflag:s5], $0x4000  }
0xd8: {  	[sflag:s5] =	ssyncset.done $0x0  }
0xd9: {  	[sflag:s5] =	ssyncadd.s32 $0xFFFFC000  }
0xda: {  	[spmem:s1] =	stream.indirect.scatter.add.f32 [tilespmem:s31], [sflag:$0x4], $0x80, s18, s12, $0xb8;
	[tilespmem:$0x1C480] =	vst v63  }
0xdb: {  	_ =	swait.ge [sflag:s6], $0x4000  }
0xdc: {  	s16 =	simm.s32 @!p3 $0x80;
	s14 =	rddreg [dreg:$0xf];
	[sflag:s6] =	ssyncset.done $0x0  }
0xdd: {  	s15 =	rddreg [dreg:$0xe];
	[sflag:s6] =	ssyncadd.s32 $0xFFFFC000;
	s14 =	sadd.s32 @!p3 $0x0, s14  }
0xde: {  	[tilespmem:s16], [sflag:$0x6] =	stream.linear.gather @!p3 [hbm4b:s14+s13], $0x80, $0x38;
	[tilespmem:$0x1C480] =	vst v63  }
0xdf: {  	s14 =	sadd.s32 @!p3 $0x0, s15;
	s15 =	simm.s32 @!p3 $0x480  }
0xe0: {  	[tilespmem:s15], [sflag:$0x6] =	stream.linear.gather @!p3 [hbm4b:s14+s13], $0x80, $0x38;
	[tilespmem:$0x1C480] =	vst v63  }
0xe1: {  	_ =	swait.ge [sflag:s7], $0x80  }
0xe2: {  	[sflag:s7] =	ssyncset.done $0x0  }
0xe3: {  	[sflag:s7] =	ssyncadd.s32 $0xFFFFFF80  }
0xe4: {  	_ =	swait.ge [sflag:s7], $0x80  }
0xe5: {  	[sflag:s7] =	ssyncset.done $0x0  }
0xe6: {  	[sflag:s7] =	ssyncadd.s32 $0xFFFFFF80  }
0xe7: {  	[tilespmem:s31], [sflag:$0x2] =	stream.indirect.gather [hbm4b:s21+s12], $0x80, s23, s12, $0xb8;
	[tilespmem:$0x1C480] =	vst v63  }
0xe8: {  	_ =	swait.ge [sflag:s0], $0x4000  }
0xe9: {  	[sflag:s0] =	ssyncset.done $0x0  }
0xea: {  	[sflag:s0] =	ssyncadd.s32 $0xFFFFC000  }
0xeb: {  	[spmem:s1] =	stream.indirect.scatter.add.f32 [tilespmem:s9], [sflag:$0x3], $0x80, s20, s12, $0xb8;
	[tilespmem:$0x1C480] =	vst v63  }
0xec: {  	_ =	swait.ge [sflag:s2], $0x4000  }
0xed: {  	s16 =	simm.s32 @!p3 $0x100;
	s14 =	rddreg [dreg:$0xd];
	[sflag:s2] =	ssyncset.done $0x0  }
0xee: {  	s15 =	rddreg [dreg:$0xc];
	[sflag:s2] =	ssyncadd.s32 $0xFFFFC000;
	s14 =	sadd.s32 @!p3 $0x0, s14  }
0xef: {  	[tilespmem:s16], [sflag:$0x7] =	stream.linear.gather @!p3 [hbm4b:s14+s13], $0x80, $0x38;
	[tilespmem:$0x1C480] =	vst v63  }
0xf0: {  	s14 =	sadd.s32 @!p3 $0x0, s15;
	s15 =	simm.s32 @!p3 $0x500  }
0xf1: {  	[tilespmem:s15], [sflag:$0x7] =	stream.linear.gather @!p3 [hbm4b:s14+s13], $0x80, $0x38;
	[tilespmem:$0x1C480] =	vst v63  }
0xf2: {  	_ =	swait.ge [sflag:s8], $0x80  }
0xf3: {  	[sflag:s8] =	ssyncset.done $0x0  }
0xf4: {  	[sflag:s8] =	ssyncadd.s32 $0xFFFFFF80  }
0xf5: {  	_ =	swait.ge [sflag:s8], $0x80  }
0xf6: {  	[sflag:s8] =	ssyncset.done $0x0  }
0xf7: {  	[sflag:s8] =	ssyncadd.s32 $0xFFFFFF80  }
0xf8: {  	[tilespmem:s9], [sflag:$0x1] =	stream.indirect.gather [hbm4b:s21+s12], $0x80, s29, s12, $0xb8;
	[tilespmem:$0x1C480] =	vst v63  }
0xf9: {  	_ =	swait.ge [sflag:s5], $0x4000  }
0xfa: {  	[sflag:s5] =	ssyncset.done $0x0  }
0xfb: {  	[sflag:s5] =	ssyncadd.s32 $0xFFFFC000  }
0xfc: {  	[spmem:s1] =	stream.indirect.scatter.add.f32 [tilespmem:s31], [sflag:$0x4], $0x80, s24, s12, $0xb8;
	[tilespmem:$0x1C480] =	vst v63  }
0xfd: {  	_ =	swait.ge [sflag:s6], $0x4000  }
0xfe: {  	s16 =	simm.s32 @!p3 $0x180;
	s14 =	rddreg [dreg:$0xb];
	[sflag:s6] =	ssyncset.done $0x0  }
0xff: {  	s15 =	rddreg [dreg:$0xa];
	[sflag:s6] =	ssyncadd.s32 $0xFFFFC000;
	s14 =	sadd.s32 @!p3 $0x0, s14  }
0x100: {  	[tilespmem:s16], [sflag:$0x8] =	stream.linear.gather @!p3 [hbm4b:s14+s13], $0x80, $0x38;
	[tilespmem:$0x1C480] =	vst v63  }
0x101: {  	s14 =	sadd.s32 @!p3 $0x0, s15;
	s15 =	simm.s32 @!p3 $0x580  }
0x102: {  	[tilespmem:s15], [sflag:$0x8] =	stream.linear.gather @!p3 [hbm4b:s14+s13], $0x80, $0x38;
	[tilespmem:$0x1C480] =	vst v63  }
0x103: {  	_ =	swait.ge [sflag:s22], $0x80  }
0x104: {  	[sflag:s22] =	ssyncset.done $0x0  }
0x105: {  	[sflag:s22] =	ssyncadd.s32 $0xFFFFFF80  }
0x106: {  	_ =	swait.ge [sflag:s22], $0x80  }
0x107: {  	[sflag:s22] =	ssyncset.done $0x0  }
0x108: {  	s20 =	simm.s32 $0x280;
	[sflag:s22] =	ssyncadd.s32 $0xFFFFFF80  }
0x109: {  	[tilespmem:s31], [sflag:$0x2] =	stream.indirect.gather [hbm4b:s21+s12], $0x80, s20, s12, $0xb8;
	[tilespmem:$0x1C480] =	vst v63  }
0x10a: {  	_ =	swait.ge [sflag:s0], $0x4000  }
0x10b: {  	[sflag:s0] =	ssyncset.done $0x0  }
0x10c: {  	s23 =	simm.s32 $0x600;
	[sflag:s0] =	ssyncadd.s32 $0xFFFFC000  }
0x10d: {  	[spmem:s1] =	stream.indirect.scatter.add.f32 [tilespmem:s9], [sflag:$0x3], $0x80, s23, s12, $0xb8;
	[tilespmem:$0x1C480] =	vst v63  }
0x10e: {  	_ =	swait.ge [sflag:s2], $0x4000  }
0x10f: {  	s16 =	simm.s32 @!p3 $0x200;
	s14 =	rddreg [dreg:$0x9];
	[sflag:s2] =	ssyncset.done $0x0  }
0x110: {  	s15 =	rddreg [dreg:$0x8];
	[sflag:s2] =	ssyncadd.s32 $0xFFFFC000;
	s14 =	sadd.s32 @!p3 $0x0, s14  }
0x111: {  	[tilespmem:s16], [sflag:$0x9] =	stream.linear.gather @!p3 [hbm4b:s14+s13], $0x80, $0x38;
	[tilespmem:$0x1C480] =	vst v63  }
0x112: {  	s14 =	sadd.s32 @!p3 $0x0, s15;
	s15 =	simm.s32 @!p3 $0x600  }
0x113: {  	[tilespmem:s15], [sflag:$0x9] =	stream.linear.gather @!p3 [hbm4b:s14+s13], $0x80, $0x38;
	[tilespmem:$0x1C480] =	vst v63  }
0x114: {  	_ =	swait.ge [sflag:s10], $0x80  }
0x115: {  	[sflag:s10] =	ssyncset.done $0x0  }
0x116: {  	[sflag:s10] =	ssyncadd.s32 $0xFFFFFF80  }
0x117: {  	_ =	swait.ge [sflag:s10], $0x80  }
0x118: {  	[sflag:s10] =	ssyncset.done $0x0  }
0x119: {  	s18 =	simm.s32 $0x300;
	[sflag:s10] =	ssyncadd.s32 $0xFFFFFF80  }
0x11a: {  	[tilespmem:s9], [sflag:$0x1] =	stream.indirect.gather [hbm4b:s21+s12], $0x80, s18, s12, $0xb8;
	[tilespmem:$0x1C480] =	vst v63  }
0x11b: {  	_ =	swait.ge [sflag:s5], $0x4000  }
0x11c: {  	[sflag:s5] =	ssyncset.done $0x0  }
0x11d: {  	s24 =	simm.s32 $0x680;
	[sflag:s5] =	ssyncadd.s32 $0xFFFFC000  }
0x11e: {  	[spmem:s1] =	stream.indirect.scatter.add.f32 [tilespmem:s31], [sflag:$0x4], $0x80, s24, s12, $0xb8;
	[tilespmem:$0x1C480] =	vst v63  }
0x11f: {  	_ =	swait.ge [sflag:s6], $0x4000  }
0x120: {  	s16 =	simm.s32 @!p3 $0x280;
	s14 =	rddreg [dreg:$0x7];
	[sflag:s6] =	ssyncset.done $0x0  }
0x121: {  	s15 =	rddreg [dreg:$0x6];
	[sflag:s6] =	ssyncadd.s32 $0xFFFFC000;
	s14 =	sadd.s32 @!p3 $0x0, s14  }
0x122: {  	[tilespmem:s16], [sflag:$0xA] =	stream.linear.gather @!p3 [hbm4b:s14+s13], $0x80, $0x38;
	[tilespmem:$0x1C480] =	vst v63  }
0x123: {  	s14 =	sadd.s32 @!p3 $0x0, s15;
	s15 =	simm.s32 @!p3 $0x680  }
0x124: {  	[tilespmem:s15], [sflag:$0xA] =	stream.linear.gather @!p3 [hbm4b:s14+s13], $0x80, $0x38;
	[tilespmem:$0x1C480] =	vst v63  }
0x125: {  	_ =	swait.ge [sflag:s11], $0x80  }
0x126: {  	[sflag:s11] =	ssyncset.done $0x0  }
0x127: {  	[sflag:s11] =	ssyncadd.s32 $0xFFFFFF80  }
0x128: {  	_ =	swait.ge [sflag:s11], $0x80  }
0x129: {  	p4 =	por $0x0, $0x0;
	[sflag:s11] =	ssyncset.done $0x0  }
0x12a: {  	s29 =	simm.s32 $0x100;
	s20 =	simm.s32 $0x400;
	[sflag:s11] =	ssyncadd.s32 $0xFFFFFF80  }
0x12b: {  	[tilespmem:s31], [sflag:$0x2] =	stream.indirect.gather [hbm4b:s21+s12], $0x80, s28, s12, $0xb8;
	[tilespmem:$0x1C480] =	vst v63  }
0x12c: {  	s23 =	simm.s32 $0x480;
	s24 =	simm.s32 $0x180;
	_ =	swait.ge [sflag:s0], $0x4000  }
0x12d: {  	s13 =	simm.s32 $0x80;
	s14 =	simm.s32 $0x100;
	[sflag:s0] =	ssyncset.done $0x0  }
.LBB2_8:
0x12e: {  	s16 =	simm.s32 @!p4 $0x3;
	[sflag:s0] =	ssyncadd.s32 $0xFFFFC000  }
0x12f: {  	[spmem:s1] =	stream.indirect.scatter.add.f32 [tilespmem:s9], [sflag:$0x3], $0x80, s25, s12, $0xb8;
	[tilespmem:$0x1C480] =	vst v63  }
0x130: {  	_ =	swait.ge @!p4 [sflag:s16], $0x4000  }
0x131: {  	[sflag:s16] =	ssyncset.done @!p4 $0x0;
	s17 =	rddreg [dreg:$0x15]  }
0x132: {  	s19 =	rddreg [dreg:$0x14];
	[sflag:s16] =	ssyncadd.s32 @!p4 $0xFFFFC000;
	s17 =	sadd.s32 s13, s17  }
0x133: {  	[tilespmem:s18], [sflag:$0xB] =	stream.linear.gather [hbm4b:s17+s3], $0x80, $0x38;
	[tilespmem:$0x1C480] =	vst v63  }
0x134: {  	s16 =	sadd.s32 s13, s19  }
0x135: {  	[tilespmem:s25], [sflag:$0xB] =	stream.linear.gather [hbm4b:s16+s3], $0x80, $0x38;
	[tilespmem:$0x1C480] =	vst v63  }
0x136: {  	_ =	swait.ge [sflag:s26], $0x80  }
0x137: {  	[sflag:s26] =	ssyncset.done $0x0  }
0x138: {  	[sflag:s26] =	ssyncadd.s32 $0xFFFFFF80  }
0x139: {  	_ =	swait.ge [sflag:s26], $0x80  }
0x13a: {  	[sflag:s26] =	ssyncset.done $0x0  }
0x13b: {  	s16 =	simm.s32 @!p4 $0x2;
	[sflag:s26] =	ssyncadd.s32 $0xFFFFFF80  }
0x13c: {  	[tilespmem:s9], [sflag:$0x1] =	stream.indirect.gather [hbm4b:s21+s12], $0x80, s3, s12, $0xb8;
	[tilespmem:$0x1C480] =	vst v63  }
0x13d: {  	_ =	swait.ge @!p4 [sflag:s16], $0x4000  }
0x13e: {  	s19 =	simm.s32 @!p4 $0x780;
	s17 =	simm.s32 @!p4 $0x4800;
	[sflag:s16] =	ssyncset.done @!p4 $0x0  }
0x13f: {  	s18 =	simm.s32 @!p4 $0x4;
	[sflag:s16] =	ssyncadd.s32 @!p4 $0xFFFFC000;
	s16 =	simm.s32 @!p4 $0x80  }
0x140: {  	[spmem:s1] =	stream.indirect.scatter.add.f32 @!p4 [tilespmem:s17], [sflag:$0x4], $0x80, s19, s16, $0xb8;
	[tilespmem:$0x1C480] =	vst v63  }
0x141: {  	_ =	swait.ge @!p4 [sflag:s18], $0x4000  }
0x142: {  	s17 =	rddreg [dreg:$0x13];
	[sflag:s18] =	ssyncset.done @!p4 $0x0  }
0x143: {  	s19 =	rddreg [dreg:$0x12];
	[sflag:s18] =	ssyncadd.s32 @!p4 $0xFFFFC000;
	s16 =	sadd.s32 s13, s17  }
0x144: {  	[tilespmem:s28], [sflag:$0xC] =	stream.linear.gather [hbm4b:s16+s3], $0x80, $0x38;
	[tilespmem:$0x1C480] =	vst v63  }
0x145: {  	s18 =	sadd.s32 s13, s19;
	s19 =	simm.s32 $0x780  }
0x146: {  	[tilespmem:s19], [sflag:$0xC] =	stream.linear.gather [hbm4b:s18+s3], $0x80, $0x38;
	[tilespmem:$0x1C480] =	vst v63  }
0x147: {  	_ =	swait.ge [sflag:s30], $0x80  }
0x148: {  	[sflag:s30] =	ssyncset.done $0x0  }
0x149: {  	[sflag:s30] =	ssyncadd.s32 $0xFFFFFF80  }
0x14a: {  	_ =	swait.ge [sflag:s30], $0x80  }
0x14b: {  	[sflag:s30] =	ssyncset.done $0x0  }
0x14c: {  	[sflag:s30] =	ssyncadd.s32 $0xFFFFFF80  }
0x14d: {  	[tilespmem:s31], [sflag:$0x2] =	stream.indirect.gather [hbm4b:s21+s12], $0x80, s12, s12, $0xb8;
	[tilespmem:$0x1C480] =	vst v63  }
0x14e: {  	_ =	swait.ge [sflag:s0], $0x4000  }
0x14f: {  	[sflag:s0] =	ssyncset.done $0x0  }
0x150: {  	[sflag:s0] =	ssyncadd.s32 $0xFFFFC000  }
0x151: {  	[spmem:s1] =	stream.indirect.scatter.add.f32 [tilespmem:s9], [sflag:$0x3], $0x80, s20, s12, $0xb8;
	[tilespmem:$0x1C480] =	vst v63  }
0x152: {  	_ =	swait.ge [sflag:s2], $0x4000  }
0x153: {  	s16 =	rddreg [dreg:$0x11]  }
0x154: {  	p4 =	seq.s32 s13, $0x480;
	[sflag:s2] =	ssyncset.done $0x0;
	s17 =	rddreg [dreg:$0x10]  }
0x155: {  	[sflag:s2] =	ssyncadd.s32 $0xFFFFC000;
	s18 =	sadd.s32 @!p4 s13, s16;
	s16 =	simm.s32 @!p4 $0x0  }
0x156: {  	[tilespmem:s16], [sflag:$0x5] =	stream.linear.gather @!p4 [hbm4b:s18+s16], $0x80, $0x38;
	[tilespmem:$0x1C480] =	vst v63  }
0x157: {  	s17 =	sadd.s32 @!p4 s13, s17;
	s18 =	simm.s32 @!p4 $0x400  }
0x158: {  	[tilespmem:s18], [sflag:$0x5] =	stream.linear.gather @!p4 [hbm4b:s17+s16], $0x80, $0x38;
	[tilespmem:$0x1C480] =	vst v63  }
0x159: {  	_ =	swait.ge [sflag:s4], $0x80  }
0x15a: {  	[sflag:s4] =	ssyncset.done $0x0  }
0x15b: {  	[sflag:s4] =	ssyncadd.s32 $0xFFFFFF80  }
0x15c: {  	_ =	swait.ge [sflag:s4], $0x80  }
0x15d: {  	[sflag:s4] =	ssyncset.done $0x0  }
0x15e: {  	[sflag:s4] =	ssyncadd.s32 $0xFFFFFF80  }
0x15f: {  	[tilespmem:s9], [sflag:$0x1] =	stream.indirect.gather [hbm4b:s21+s12], $0x80, s29, s12, $0xb8;
	[tilespmem:$0x1C480] =	vst v63  }
0x160: {  	_ =	swait.ge [sflag:s5], $0x4000  }
0x161: {  	[sflag:s5] =	ssyncset.done $0x0  }
0x162: {  	[sflag:s5] =	ssyncadd.s32 $0xFFFFC000  }
0x163: {  	[spmem:s1] =	stream.indirect.scatter.add.f32 [tilespmem:s31], [sflag:$0x4], $0x80, s23, s12, $0xb8;
	[tilespmem:$0x1C480] =	vst v63  }
0x164: {  	_ =	swait.ge [sflag:s6], $0x4000  }
0x165: {  	s19 =	simm.s32 @!p4 $0x80;
	s17 =	rddreg [dreg:$0xf];
	[sflag:s6] =	ssyncset.done $0x0  }
0x166: {  	s18 =	rddreg [dreg:$0xe];
	[sflag:s6] =	ssyncadd.s32 $0xFFFFC000;
	s17 =	sadd.s32 @!p4 s13, s17  }
0x167: {  	[tilespmem:s19], [sflag:$0x6] =	stream.linear.gather @!p4 [hbm4b:s17+s16], $0x80, $0x38;
	[tilespmem:$0x1C480] =	vst v63  }
0x168: {  	s17 =	sadd.s32 @!p4 s13, s18;
	s18 =	simm.s32 @!p4 $0x480  }
0x169: {  	[tilespmem:s18], [sflag:$0x6] =	stream.linear.gather @!p4 [hbm4b:s17+s16], $0x80, $0x38;
	[tilespmem:$0x1C480] =	vst v63  }
0x16a: {  	_ =	swait.ge [sflag:s7], $0x80  }
0x16b: {  	[sflag:s7] =	ssyncset.done $0x0  }
0x16c: {  	[sflag:s7] =	ssyncadd.s32 $0xFFFFFF80  }
0x16d: {  	_ =	swait.ge [sflag:s7], $0x80  }
0x16e: {  	[sflag:s7] =	ssyncset.done $0x0  }
0x16f: {  	[sflag:s7] =	ssyncadd.s32 $0xFFFFFF80  }
0x170: {  	[tilespmem:s31], [sflag:$0x2] =	stream.indirect.gather [hbm4b:s21+s12], $0x80, s24, s12, $0xb8;
	[tilespmem:$0x1C480] =	vst v63  }
0x171: {  	_ =	swait.ge [sflag:s0], $0x4000  }
0x172: {  	[sflag:s0] =	ssyncset.done $0x0  }
0x173: {  	s18 =	simm.s32 $0x500;
	[sflag:s0] =	ssyncadd.s32 $0xFFFFC000  }
0x174: {  	[spmem:s1] =	stream.indirect.scatter.add.f32 [tilespmem:s9], [sflag:$0x3], $0x80, s18, s12, $0xb8;
	[tilespmem:$0x1C480] =	vst v63  }
0x175: {  	_ =	swait.ge [sflag:s2], $0x4000  }
0x176: {  	s19 =	simm.s32 @!p4 $0x100;
	s17 =	rddreg [dreg:$0xd];
	[sflag:s2] =	ssyncset.done $0x0  }
0x177: {  	s18 =	rddreg [dreg:$0xc];
	[sflag:s2] =	ssyncadd.s32 $0xFFFFC000;
	s17 =	sadd.s32 @!p4 s13, s17  }
0x178: {  	[tilespmem:s19], [sflag:$0x7] =	stream.linear.gather @!p4 [hbm4b:s17+s16], $0x80, $0x38;
	[tilespmem:$0x1C480] =	vst v63  }
0x179: {  	s17 =	sadd.s32 @!p4 s13, s18;
	s18 =	simm.s32 @!p4 $0x500  }
0x17a: {  	[tilespmem:s18], [sflag:$0x7] =	stream.linear.gather @!p4 [hbm4b:s17+s16], $0x80, $0x38;
	[tilespmem:$0x1C480] =	vst v63  }
0x17b: {  	_ =	swait.ge [sflag:s8], $0x80  }
0x17c: {  	[sflag:s8] =	ssyncset.done $0x0  }
0x17d: {  	[sflag:s8] =	ssyncadd.s32 $0xFFFFFF80  }
0x17e: {  	_ =	swait.ge [sflag:s8], $0x80  }
0x17f: {  	[sflag:s8] =	ssyncset.done $0x0  }
0x180: {  	s19 =	simm.s32 $0x200;
	[sflag:s8] =	ssyncadd.s32 $0xFFFFFF80  }
0x181: {  	[tilespmem:s9], [sflag:$0x1] =	stream.indirect.gather [hbm4b:s21+s12], $0x80, s19, s12, $0xb8;
	[tilespmem:$0x1C480] =	vst v63  }
0x182: {  	_ =	swait.ge [sflag:s5], $0x4000  }
0x183: {  	[sflag:s5] =	ssyncset.done $0x0  }
0x184: {  	s18 =	simm.s32 $0x580;
	[sflag:s5] =	ssyncadd.s32 $0xFFFFC000  }
0x185: {  	[spmem:s1] =	stream.indirect.scatter.add.f32 [tilespmem:s31], [sflag:$0x4], $0x80, s18, s12, $0xb8;
	[tilespmem:$0x1C480] =	vst v63  }
0x186: {  	_ =	swait.ge [sflag:s6], $0x4000  }
0x187: {  	s19 =	simm.s32 @!p4 $0x180;
	s17 =	rddreg [dreg:$0xb];
	[sflag:s6] =	ssyncset.done $0x0  }
0x188: {  	s18 =	rddreg [dreg:$0xa];
	[sflag:s6] =	ssyncadd.s32 $0xFFFFC000;
	s17 =	sadd.s32 @!p4 s13, s17  }
0x189: {  	[tilespmem:s19], [sflag:$0x8] =	stream.linear.gather @!p4 [hbm4b:s17+s16], $0x80, $0x38;
	[tilespmem:$0x1C480] =	vst v63  }
0x18a: {  	s17 =	sadd.s32 @!p4 s13, s18;
	s18 =	simm.s32 @!p4 $0x580  }
0x18b: {  	[tilespmem:s18], [sflag:$0x8] =	stream.linear.gather @!p4 [hbm4b:s17+s16], $0x80, $0x38;
	[tilespmem:$0x1C480] =	vst v63  }
0x18c: {  	_ =	swait.ge [sflag:s22], $0x80  }
0x18d: {  	[sflag:s22] =	ssyncset.done $0x0  }
0x18e: {  	[sflag:s22] =	ssyncadd.s32 $0xFFFFFF80  }
0x18f: {  	_ =	swait.ge [sflag:s22], $0x80  }
0x190: {  	[sflag:s22] =	ssyncset.done $0x0  }
0x191: {  	s19 =	simm.s32 $0x280;
	[sflag:s22] =	ssyncadd.s32 $0xFFFFFF80  }
0x192: {  	[tilespmem:s31], [sflag:$0x2] =	stream.indirect.gather [hbm4b:s21+s12], $0x80, s19, s12, $0xb8;
	[tilespmem:$0x1C480] =	vst v63  }
0x193: {  	_ =	swait.ge [sflag:s0], $0x4000  }
0x194: {  	[sflag:s0] =	ssyncset.done $0x0  }
0x195: {  	s18 =	simm.s32 $0x600;
	[sflag:s0] =	ssyncadd.s32 $0xFFFFC000  }
0x196: {  	[spmem:s1] =	stream.indirect.scatter.add.f32 [tilespmem:s9], [sflag:$0x3], $0x80, s18, s12, $0xb8;
	[tilespmem:$0x1C480] =	vst v63  }
0x197: {  	_ =	swait.ge [sflag:s2], $0x4000  }
0x198: {  	s19 =	simm.s32 @!p4 $0x200;
	s17 =	rddreg [dreg:$0x9];
	[sflag:s2] =	ssyncset.done $0x0  }
0x199: {  	s18 =	rddreg [dreg:$0x8];
	[sflag:s2] =	ssyncadd.s32 $0xFFFFC000;
	s17 =	sadd.s32 @!p4 s13, s17  }
0x19a: {  	[tilespmem:s19], [sflag:$0x9] =	stream.linear.gather @!p4 [hbm4b:s17+s16], $0x80, $0x38;
	[tilespmem:$0x1C480] =	vst v63  }
0x19b: {  	s17 =	sadd.s32 @!p4 s13, s18;
	s18 =	simm.s32 @!p4 $0x600  }
0x19c: {  	[tilespmem:s18], [sflag:$0x9] =	stream.linear.gather @!p4 [hbm4b:s17+s16], $0x80, $0x38;
	[tilespmem:$0x1C480] =	vst v63  }
0x19d: {  	_ =	swait.ge [sflag:s10], $0x80  }
0x19e: {  	[sflag:s10] =	ssyncset.done $0x0  }
0x19f: {  	[sflag:s10] =	ssyncadd.s32 $0xFFFFFF80  }
0x1a0: {  	_ =	swait.ge [sflag:s10], $0x80  }
0x1a1: {  	[sflag:s10] =	ssyncset.done $0x0  }
0x1a2: {  	s25 =	simm.s32 $0x300;
	[sflag:s10] =	ssyncadd.s32 $0xFFFFFF80  }
0x1a3: {  	[tilespmem:s9], [sflag:$0x1] =	stream.indirect.gather [hbm4b:s21+s12], $0x80, s25, s12, $0xb8;
	[tilespmem:$0x1C480] =	vst v63  }
0x1a4: {  	_ =	swait.ge [sflag:s5], $0x4000  }
0x1a5: {  	[sflag:s5] =	ssyncset.done $0x0  }
0x1a6: {  	s19 =	simm.s32 $0x680;
	[sflag:s5] =	ssyncadd.s32 $0xFFFFC000  }
0x1a7: {  	[spmem:s1] =	stream.indirect.scatter.add.f32 [tilespmem:s31], [sflag:$0x4], $0x80, s19, s12, $0xb8;
	[tilespmem:$0x1C480] =	vst v63  }
0x1a8: {  	_ =	swait.ge [sflag:s6], $0x4000  }
0x1a9: {  	s19 =	simm.s32 @!p4 $0x280;
	s17 =	rddreg [dreg:$0x7];
	[sflag:s6] =	ssyncset.done $0x0  }
0x1aa: {  	s18 =	rddreg [dreg:$0x6];
	[sflag:s6] =	ssyncadd.s32 $0xFFFFC000;
	s17 =	sadd.s32 @!p4 s13, s17  }
0x1ab: {  	[tilespmem:s19], [sflag:$0xA] =	stream.linear.gather @!p4 [hbm4b:s17+s16], $0x80, $0x38;
	[tilespmem:$0x1C480] =	vst v63  }
0x1ac: {  	s17 =	sadd.s32 @!p4 s13, s18;
	s18 =	simm.s32 @!p4 $0x680  }
0x1ad: {  	[tilespmem:s18], [sflag:$0xA] =	stream.linear.gather @!p4 [hbm4b:s17+s16], $0x80, $0x38;
	[tilespmem:$0x1C480] =	vst v63  }
0x1ae: {  	_ =	swait.ge [sflag:s11], $0x80  }
0x1af: {  	[sflag:s11] =	ssyncset.done $0x0  }
0x1b0: {  	s15 =	smov.u32 s14;
	s14 =	sadd.s32 $0x80, s14;
	[sflag:s11] =	ssyncadd.s32 $0xFFFFFF80  }
0x1b1: {  	p3 =	sne.s32 s14, $0x500;
	_ =	swait.ge [sflag:s11], $0x80  }
.Ltmp4:
0x1b2: {  	[sflag:s11] =	ssyncset.done $0x0;
	(pc) =	sbr.rel @p3 .LBB2_8-.Ltmp4, $4  }
0x1b3: {  	[sflag:s11] =	ssyncadd.s32 $0xFFFFFF80  }
0x1b4: {  	[tilespmem:s31], [sflag:$0x2] =	stream.indirect.gather [hbm4b:s21+s12], $0x80, s28, s12, $0xb8;
	[tilespmem:$0x1C480] =	vst v63  }
0x1b5: {  	s25 =	simm.s32 $0x700;
	s13 =	smov.u32 s15;
	_ =	swait.ge [sflag:s0], $0x4000  }
0x1b6: {  	s18 =	simm.s32 $0x300;
	p4 =	seq.s32 s13, $0x0;
	[sflag:s0] =	ssyncset.done $0x0  }
0x1b7: {  	s14 =	simm.s32 @!p4 $0x3;
	[sflag:s0] =	ssyncadd.s32 $0xFFFFC000  }
0x1b8: {  	[spmem:s1] =	stream.indirect.scatter.add.f32 [tilespmem:s9], [sflag:$0x3], $0x80, s25, s12, $0xb8;
	[tilespmem:$0x1C480] =	vst v63  }
0x1b9: {  	_ =	swait.ge @!p4 [sflag:s14], $0x4000  }
0x1ba: {  	s15 =	rddreg [dreg:$0x15];
	[sflag:s14] =	ssyncset.done @!p4 $0x0  }
0x1bb: {  	s16 =	rddreg [dreg:$0x14];
	[sflag:s14] =	ssyncadd.s32 @!p4 $0xFFFFC000;
	s15 =	sadd.s32 s13, s15  }
0x1bc: {  	[tilespmem:s18], [sflag:$0xB] =	stream.linear.gather [hbm4b:s15+s3], $0x80, $0x38;
	[tilespmem:$0x1C480] =	vst v63  }
0x1bd: {  	s16 =	sadd.s32 s13, s16  }
0x1be: {  	[tilespmem:s25], [sflag:$0xB] =	stream.linear.gather [hbm4b:s16+s3], $0x80, $0x38;
	[tilespmem:$0x1C480] =	vst v63  }
0x1bf: {  	_ =	swait.ge [sflag:s26], $0x80  }
0x1c0: {  	[sflag:s26] =	ssyncset.done $0x0  }
0x1c1: {  	[sflag:s26] =	ssyncadd.s32 $0xFFFFFF80  }
0x1c2: {  	_ =	swait.ge [sflag:s26], $0x80  }
0x1c3: {  	[sflag:s26] =	ssyncset.done $0x0  }
0x1c4: {  	s14 =	simm.s32 @!p4 $0x2;
	[sflag:s26] =	ssyncadd.s32 $0xFFFFFF80  }
0x1c5: {  	[tilespmem:s9], [sflag:$0x1] =	stream.indirect.gather [hbm4b:s21+s12], $0x80, s3, s12, $0xb8;
	[tilespmem:$0x1C480] =	vst v63  }
0x1c6: {  	_ =	swait.ge @!p4 [sflag:s14], $0x4000  }
0x1c7: {  	s17 =	simm.s32 @!p4 $0x780;
	s15 =	simm.s32 @!p4 $0x4800;
	[sflag:s14] =	ssyncset.done @!p4 $0x0  }
0x1c8: {  	s16 =	simm.s32 @!p4 $0x4;
	[sflag:s14] =	ssyncadd.s32 @!p4 $0xFFFFC000;
	s14 =	simm.s32 @!p4 $0x80  }
0x1c9: {  	[spmem:s1] =	stream.indirect.scatter.add.f32 @!p4 [tilespmem:s15], [sflag:$0x4], $0x80, s17, s14, $0xb8;
	[tilespmem:$0x1C480] =	vst v63  }
0x1ca: {  	_ =	swait.ge @!p4 [sflag:s16], $0x4000  }
0x1cb: {  	s17 =	rddreg [dreg:$0x13];
	[sflag:s16] =	ssyncset.done @!p4 $0x0  }
0x1cc: {  	s19 =	rddreg [dreg:$0x12];
	[sflag:s16] =	ssyncadd.s32 @!p4 $0xFFFFC000;
	s14 =	sadd.s32 s13, s17  }
0x1cd: {  	[tilespmem:s28], [sflag:$0xC] =	stream.linear.gather [hbm4b:s14+s3], $0x80, $0x38;
	[tilespmem:$0x1C480] =	vst v63  }
0x1ce: {  	s17 =	sadd.s32 s13, s19;
	s19 =	simm.s32 $0x780  }
0x1cf: {  	[tilespmem:s19], [sflag:$0xC] =	stream.linear.gather [hbm4b:s17+s3], $0x80, $0x38;
	[tilespmem:$0x1C480] =	vst v63  }
0x1d0: {  	_ =	swait.ge [sflag:s30], $0x80  }
0x1d1: {  	[sflag:s30] =	ssyncset.done $0x0  }
0x1d2: {  	[sflag:s30] =	ssyncadd.s32 $0xFFFFFF80  }
0x1d3: {  	_ =	swait.ge [sflag:s30], $0x80  }
0x1d4: {  	[sflag:s30] =	ssyncset.done $0x0  }
0x1d5: {  	[sflag:s30] =	ssyncadd.s32 $0xFFFFFF80  }
0x1d6: {  	[tilespmem:s31], [sflag:$0x2] =	stream.indirect.gather [hbm4b:s21+s12], $0x80, s12, s12, $0xb8;
	[tilespmem:$0x1C480] =	vst v63  }
0x1d7: {  	_ =	swait.ge [sflag:s0], $0x4000  }
0x1d8: {  	[sflag:s0] =	ssyncset.done $0x0  }
0x1d9: {  	[sflag:s0] =	ssyncadd.s32 $0xFFFFC000  }
0x1da: {  	[spmem:s1] =	stream.indirect.scatter.add.f32 [tilespmem:s9], [sflag:$0x3], $0x80, s20, s12, $0xb8;
	[tilespmem:$0x1C480] =	vst v63  }
0x1db: {  	_ =	swait.ge [sflag:s2], $0x4000  }
0x1dc: {  	s14 =	rddreg [dreg:$0x11]  }
0x1dd: {  	p3 =	seq.s32 s13, $0x480;
	[sflag:s2] =	ssyncset.done $0x0;
	s15 =	rddreg [dreg:$0x10]  }
0x1de: {  	[sflag:s2] =	ssyncadd.s32 $0xFFFFC000;
	s16 =	sadd.s32 @!p3 s13, s14;
	s14 =	simm.s32 @!p3 $0x0  }
0x1df: {  	[tilespmem:s14], [sflag:$0x5] =	stream.linear.gather @!p3 [hbm4b:s16+s14], $0x80, $0x38;
	[tilespmem:$0x1C480] =	vst v63  }
0x1e0: {  	s15 =	sadd.s32 @!p3 s13, s15;
	s16 =	simm.s32 @!p3 $0x400  }
0x1e1: {  	[tilespmem:s16], [sflag:$0x5] =	stream.linear.gather @!p3 [hbm4b:s15+s14], $0x80, $0x38;
	[tilespmem:$0x1C480] =	vst v63  }
0x1e2: {  	_ =	swait.ge [sflag:s4], $0x80  }
0x1e3: {  	[sflag:s4] =	ssyncset.done $0x0  }
0x1e4: {  	[sflag:s4] =	ssyncadd.s32 $0xFFFFFF80  }
0x1e5: {  	_ =	swait.ge [sflag:s4], $0x80  }
0x1e6: {  	[sflag:s4] =	ssyncset.done $0x0  }
0x1e7: {  	[sflag:s4] =	ssyncadd.s32 $0xFFFFFF80  }
0x1e8: {  	[tilespmem:s9], [sflag:$0x1] =	stream.indirect.gather [hbm4b:s21+s12], $0x80, s29, s12, $0xb8;
	[tilespmem:$0x1C480] =	vst v63  }
0x1e9: {  	_ =	swait.ge [sflag:s5], $0x4000  }
0x1ea: {  	[sflag:s5] =	ssyncset.done $0x0  }
0x1eb: {  	[sflag:s5] =	ssyncadd.s32 $0xFFFFC000  }
0x1ec: {  	[spmem:s1] =	stream.indirect.scatter.add.f32 [tilespmem:s31], [sflag:$0x4], $0x80, s23, s12, $0xb8;
	[tilespmem:$0x1C480] =	vst v63  }
0x1ed: {  	_ =	swait.ge [sflag:s6], $0x4000  }
0x1ee: {  	s17 =	simm.s32 @!p3 $0x80;
	s15 =	rddreg [dreg:$0xf];
	[sflag:s6] =	ssyncset.done $0x0  }
0x1ef: {  	s16 =	rddreg [dreg:$0xe];
	[sflag:s6] =	ssyncadd.s32 $0xFFFFC000;
	s15 =	sadd.s32 @!p3 s13, s15  }
0x1f0: {  	[tilespmem:s17], [sflag:$0x6] =	stream.linear.gather @!p3 [hbm4b:s15+s14], $0x80, $0x38;
	[tilespmem:$0x1C480] =	vst v63  }
0x1f1: {  	s15 =	sadd.s32 @!p3 s13, s16;
	s16 =	simm.s32 @!p3 $0x480  }
0x1f2: {  	[tilespmem:s16], [sflag:$0x6] =	stream.linear.gather @!p3 [hbm4b:s15+s14], $0x80, $0x38;
	[tilespmem:$0x1C480] =	vst v63  }
0x1f3: {  	_ =	swait.ge [sflag:s7], $0x80  }
0x1f4: {  	[sflag:s7] =	ssyncset.done $0x0  }
0x1f5: {  	[sflag:s7] =	ssyncadd.s32 $0xFFFFFF80  }
0x1f6: {  	_ =	swait.ge [sflag:s7], $0x80  }
0x1f7: {  	[sflag:s7] =	ssyncset.done $0x0  }
0x1f8: {  	[sflag:s7] =	ssyncadd.s32 $0xFFFFFF80  }
0x1f9: {  	[tilespmem:s31], [sflag:$0x2] =	stream.indirect.gather [hbm4b:s21+s12], $0x80, s24, s12, $0xb8;
	[tilespmem:$0x1C480] =	vst v63  }
0x1fa: {  	_ =	swait.ge [sflag:s0], $0x4000  }
0x1fb: {  	[sflag:s0] =	ssyncset.done $0x0  }
0x1fc: {  	s20 =	simm.s32 $0x500;
	[sflag:s0] =	ssyncadd.s32 $0xFFFFC000  }
0x1fd: {  	[spmem:s1] =	stream.indirect.scatter.add.f32 [tilespmem:s9], [sflag:$0x3], $0x80, s20, s12, $0xb8;
	[tilespmem:$0x1C480] =	vst v63  }
0x1fe: {  	_ =	swait.ge [sflag:s2], $0x4000  }
0x1ff: {  	s17 =	simm.s32 @!p3 $0x100;
	s15 =	rddreg [dreg:$0xd];
	[sflag:s2] =	ssyncset.done $0x0  }
0x200: {  	s16 =	rddreg [dreg:$0xc];
	[sflag:s2] =	ssyncadd.s32 $0xFFFFC000;
	s15 =	sadd.s32 @!p3 s13, s15  }
0x201: {  	[tilespmem:s17], [sflag:$0x7] =	stream.linear.gather @!p3 [hbm4b:s15+s14], $0x80, $0x38;
	[tilespmem:$0x1C480] =	vst v63  }
0x202: {  	s15 =	sadd.s32 @!p3 s13, s16;
	s16 =	simm.s32 @!p3 $0x500  }
0x203: {  	[tilespmem:s16], [sflag:$0x7] =	stream.linear.gather @!p3 [hbm4b:s15+s14], $0x80, $0x38;
	[tilespmem:$0x1C480] =	vst v63  }
0x204: {  	_ =	swait.ge [sflag:s8], $0x80  }
0x205: {  	[sflag:s8] =	ssyncset.done $0x0  }
0x206: {  	[sflag:s8] =	ssyncadd.s32 $0xFFFFFF80  }
0x207: {  	_ =	swait.ge [sflag:s8], $0x80  }
0x208: {  	[sflag:s8] =	ssyncset.done $0x0  }
0x209: {  	s23 =	simm.s32 $0x200;
	[sflag:s8] =	ssyncadd.s32 $0xFFFFFF80  }
0x20a: {  	[tilespmem:s9], [sflag:$0x1] =	stream.indirect.gather [hbm4b:s21+s12], $0x80, s23, s12, $0xb8;
	[tilespmem:$0x1C480] =	vst v63  }
0x20b: {  	_ =	swait.ge [sflag:s5], $0x4000  }
0x20c: {  	[sflag:s5] =	ssyncset.done $0x0  }
0x20d: {  	s24 =	simm.s32 $0x580;
	[sflag:s5] =	ssyncadd.s32 $0xFFFFC000  }
0x20e: {  	[spmem:s1] =	stream.indirect.scatter.add.f32 [tilespmem:s31], [sflag:$0x4], $0x80, s24, s12, $0xb8;
	[tilespmem:$0x1C480] =	vst v63  }
0x20f: {  	_ =	swait.ge [sflag:s6], $0x4000  }
0x210: {  	s17 =	simm.s32 @!p3 $0x180;
	s15 =	rddreg [dreg:$0xb];
	[sflag:s6] =	ssyncset.done $0x0  }
0x211: {  	s16 =	rddreg [dreg:$0xa];
	[sflag:s6] =	ssyncadd.s32 $0xFFFFC000;
	s15 =	sadd.s32 @!p3 s13, s15  }
0x212: {  	[tilespmem:s17], [sflag:$0x8] =	stream.linear.gather @!p3 [hbm4b:s15+s14], $0x80, $0x38;
	[tilespmem:$0x1C480] =	vst v63  }
0x213: {  	s15 =	sadd.s32 @!p3 s13, s16;
	s16 =	simm.s32 @!p3 $0x580  }
0x214: {  	[tilespmem:s16], [sflag:$0x8] =	stream.linear.gather @!p3 [hbm4b:s15+s14], $0x80, $0x38;
	[tilespmem:$0x1C480] =	vst v63  }
0x215: {  	_ =	swait.ge [sflag:s22], $0x80  }
0x216: {  	[sflag:s22] =	ssyncset.done $0x0  }
0x217: {  	[sflag:s22] =	ssyncadd.s32 $0xFFFFFF80  }
0x218: {  	_ =	swait.ge [sflag:s22], $0x80  }
0x219: {  	[sflag:s22] =	ssyncset.done $0x0  }
0x21a: {  	s16 =	simm.s32 $0x280;
	[sflag:s22] =	ssyncadd.s32 $0xFFFFFF80  }
0x21b: {  	[tilespmem:s31], [sflag:$0x2] =	stream.indirect.gather [hbm4b:s21+s12], $0x80, s16, s12, $0xb8;
	[tilespmem:$0x1C480] =	vst v63  }
0x21c: {  	_ =	swait.ge [sflag:s0], $0x4000  }
0x21d: {  	[sflag:s0] =	ssyncset.done $0x0  }
0x21e: {  	s17 =	simm.s32 $0x600;
	[sflag:s0] =	ssyncadd.s32 $0xFFFFC000  }
0x21f: {  	[spmem:s1] =	stream.indirect.scatter.add.f32 [tilespmem:s9], [sflag:$0x3], $0x80, s17, s12, $0xb8;
	[tilespmem:$0x1C480] =	vst v63  }
0x220: {  	_ =	swait.ge [sflag:s2], $0x4000  }
0x221: {  	s17 =	simm.s32 @!p3 $0x200;
	s15 =	rddreg [dreg:$0x9];
	[sflag:s2] =	ssyncset.done $0x0  }
0x222: {  	s16 =	rddreg [dreg:$0x8];
	[sflag:s2] =	ssyncadd.s32 $0xFFFFC000;
	s15 =	sadd.s32 @!p3 s13, s15  }
0x223: {  	[tilespmem:s17], [sflag:$0x9] =	stream.linear.gather @!p3 [hbm4b:s15+s14], $0x80, $0x38;
	[tilespmem:$0x1C480] =	vst v63  }
0x224: {  	s15 =	sadd.s32 @!p3 s13, s16;
	s16 =	simm.s32 @!p3 $0x600  }
0x225: {  	[tilespmem:s16], [sflag:$0x9] =	stream.linear.gather @!p3 [hbm4b:s15+s14], $0x80, $0x38;
	[tilespmem:$0x1C480] =	vst v63  }
0x226: {  	_ =	swait.ge [sflag:s10], $0x80  }
0x227: {  	[sflag:s10] =	ssyncset.done $0x0  }
0x228: {  	[sflag:s10] =	ssyncadd.s32 $0xFFFFFF80  }
0x229: {  	_ =	swait.ge [sflag:s10], $0x80  }
0x22a: {  	[sflag:s10] =	ssyncset.done $0x0  }
0x22b: {  	[sflag:s10] =	ssyncadd.s32 $0xFFFFFF80  }
0x22c: {  	[tilespmem:s9], [sflag:$0x1] =	stream.indirect.gather [hbm4b:s21+s12], $0x80, s18, s12, $0xb8;
	[tilespmem:$0x1C480] =	vst v63  }
0x22d: {  	_ =	swait.ge [sflag:s5], $0x4000  }
0x22e: {  	[sflag:s5] =	ssyncset.done $0x0  }
0x22f: {  	s20 =	simm.s32 $0x680;
	[sflag:s5] =	ssyncadd.s32 $0xFFFFC000  }
0x230: {  	[spmem:s1] =	stream.indirect.scatter.add.f32 [tilespmem:s31], [sflag:$0x4], $0x80, s20, s12, $0xb8;
	[tilespmem:$0x1C480] =	vst v63  }
0x231: {  	_ =	swait.ge [sflag:s6], $0x4000  }
0x232: {  	s17 =	simm.s32 @!p3 $0x280;
	s15 =	rddreg [dreg:$0x7];
	[sflag:s6] =	ssyncset.done $0x0  }
0x233: {  	s16 =	rddreg [dreg:$0x6];
	[sflag:s6] =	ssyncadd.s32 $0xFFFFC000;
	s15 =	sadd.s32 @!p3 s13, s15  }
0x234: {  	[tilespmem:s17], [sflag:$0xA] =	stream.linear.gather @!p3 [hbm4b:s15+s14], $0x80, $0x38;
	[tilespmem:$0x1C480] =	vst v63  }
0x235: {  	s13 =	sadd.s32 @!p3 s13, s16;
	s15 =	simm.s32 @!p3 $0x680  }
0x236: {  	[tilespmem:s15], [sflag:$0xA] =	stream.linear.gather @!p3 [hbm4b:s13+s14], $0x80, $0x38;
	[tilespmem:$0x1C480] =	vst v63  }
0x237: {  	_ =	swait.ge [sflag:s11], $0x80  }
0x238: {  	[sflag:s11] =	ssyncset.done $0x0  }
0x239: {  	[sflag:s11] =	ssyncadd.s32 $0xFFFFFF80  }
0x23a: {  	_ =	swait.ge [sflag:s11], $0x80  }
0x23b: {  	[sflag:s11] =	ssyncset.done $0x0  }
0x23c: {  	[sflag:s11] =	ssyncadd.s32 $0xFFFFFF80  }
0x23d: {  	[tilespmem:s31], [sflag:$0x2] =	stream.indirect.gather [hbm4b:s21+s12], $0x80, s28, s12, $0xb8;
	[tilespmem:$0x1C480] =	vst v63  }
0x23e: {  	_ =	swait.ge [sflag:s0], $0x4000  }
0x23f: {  	[sflag:s0] =	ssyncset.done $0x0  }
0x240: {  	[sflag:s0] =	ssyncadd.s32 $0xFFFFC000  }
0x241: {  	[spmem:s1] =	stream.indirect.scatter.add.f32 [tilespmem:s9], [sflag:$0x3], $0x80, s25, s12, $0xb8;
	[tilespmem:$0x1C480] =	vst v63  }
0x242: {  	_ =	swait.ge [sflag:s5], $0x4000  }
0x243: {  	[sflag:s5] =	ssyncset.done $0x0  }
0x244: {  	[sflag:s5] =	ssyncadd.s32 $0xFFFFC000  }
0x245: {  	[spmem:s1] =	stream.indirect.scatter.add.f32 [tilespmem:s31], [sflag:$0x4], $0x80, s19, s12, $0xb8;
	[tilespmem:$0x1C480] =	vst v63  }
0x246: {  	_ =	swait.ge [sflag:s2], $0x4000  }
0x247: {  	[sflag:s2] =	ssyncset.done $0x0  }
0x248: {  	[sflag:s2] =	ssyncadd.s32 $0xFFFFC000  }
0x249: {  	_ =	swait.ge [sflag:s6], $0x4000  }
0x24a: {  	[sflag:s6] =	ssyncset.done $0x0  }
0x24b: {  	[sflag:s6] =	ssyncadd.s32 $0xFFFFC000  }
0x24c: {  	[bflag:$0x0] =	sbarrier.arrive $0xFFFF  }
0x24d: {  	s13 =	sld [smem:$0x7F9]  }
0x24e: {  	s15 =	sld [smem:$0x7E9];
	_ =	sdelay $0x1  }
0x24f: {  	s14 =	simm.s32 @p0 $0x1FCD;
	s13 =	sshrl.u32 @p0 s13, $0x3  }
0x250: {  	[hbm:s15], [sflag:s14] =	dma.local @p0 [spmem:s13], $0x800  }
0x251: {  	s13 =	simm.s32 @p0 $0xD  }
0x252: {  	_ =	swait.ge @p0 [sflag:s13], $0x800  }
0x253: {  	s15 =	sld [smem:$0x7FA]  }
0x254: {  	s16 =	sld [smem:$0x7EA]  }
0x255: {  	[sflag:s13] =	ssyncset.done @p0 $0x0  }
0x256: {  	[sflag:s13] =	ssyncadd.s32 @p0 $0xFFFFF800;
	s15 =	sshrl.u32 @p0 s15, $0x3  }
0x257: {  	[hbm:s16], [sflag:s14] =	dma.local @p0 [spmem:s15], $0x800  }
0x258: {  	_ =	swait.ge @p0 [sflag:s13], $0x800  }
0x259: {  	s15 =	sld [smem:$0x7FB]  }
0x25a: {  	s16 =	sld [smem:$0x7EB]  }
0x25b: {  	[sflag:s13] =	ssyncset.done @p0 $0x0  }
0x25c: {  	[sflag:s13] =	ssyncadd.s32 @p0 $0xFFFFF800;
	s15 =	sshrl.u32 @p0 s15, $0x3  }
0x25d: {  	[hbm:s16], [sflag:s14] =	dma.local @p0 [spmem:s15], $0x800  }
0x25e: {  	_ =	swait.ge @p0 [sflag:s13], $0x800  }
0x25f: {  	s15 =	sld [smem:$0x7FC]  }
0x260: {  	s16 =	sld [smem:$0x7EC]  }
0x261: {  	[sflag:s13] =	ssyncset.done @p0 $0x0  }
0x262: {  	[sflag:s13] =	ssyncadd.s32 @p0 $0xFFFFF800;
	s15 =	sshrl.u32 @p0 s15, $0x3  }
0x263: {  	[hbm:s16], [sflag:s14] =	dma.local @p0 [spmem:s15], $0x800  }
0x264: {  	_ =	swait.ge @p0 [sflag:s13], $0x800  }
0x265: {  	s15 =	sld [smem:$0x7FD]  }
0x266: {  	s16 =	sld [smem:$0x7ED]  }
0x267: {  	[sflag:s13] =	ssyncset.done @p0 $0x0  }
0x268: {  	[sflag:s13] =	ssyncadd.s32 @p0 $0xFFFFF800;
	s15 =	sshrl.u32 @p0 s15, $0x3  }
0x269: {  	[hbm:s16], [sflag:s14] =	dma.local @p0 [spmem:s15], $0x800  }
0x26a: {  	s14 =	stileid.u32;
	_ =	swait.ge @p0 [sflag:s13], $0x800  }
0x26b: {  	s14 =	sshll.u32 @!p0 s14, $0x6;
	[sflag:s13] =	ssyncset.done @p0 $0x0  }
0x26c: {  	[sflag:s13] =	ssyncadd.s32 @p0 $0xFFFFF800;
	s13 =	sor.u32 @!p0 $0x1C0D, s14;
	s14 =	sld [smem:$0x7F5]  }
0x26d: {  	s15 =	sld [smem:$0x7E4];
	_ =	sdelay $0x1  }
0x26e: {  	s14 =	sshrl.u32 @!p0 s14, $0x3  }
0x26f: {  	[hbm:s15], [sflag:s13] =	dma.local @!p0 [spmem:s14], $0x800  }
0x270: {  	s14 =	simm.s32 @!p0 $0xD  }
0x271: {  	_ =	swait.ge @!p0 [sflag:s14], $0x800  }
0x272: {  	s15 =	sld [smem:$0x7E5]  }
0x273: {  	s16 =	sld [smem:$0x7EF]  }
0x274: {  	[sflag:s14] =	ssyncset.done @!p0 $0x0  }
0x275: {  	[sflag:s14] =	ssyncadd.s32 @!p0 $0xFFFFF800  }
0x276: {  	[hbm:s15], [sflag:s13] =	dma.local @!p0 [spmem:s16], $0x800  }
0x277: {  	_ =	swait.ge @!p0 [sflag:s14], $0x800  }
0x278: {  	s15 =	sld [smem:$0x7E6]  }
0x279: {  	s16 =	sld [smem:$0x7F0]  }
0x27a: {  	[sflag:s14] =	ssyncset.done @!p0 $0x0  }
0x27b: {  	[sflag:s14] =	ssyncadd.s32 @!p0 $0xFFFFF800  }
0x27c: {  	[hbm:s15], [sflag:s13] =	dma.local @!p0 [spmem:s16], $0x800  }
0x27d: {  	_ =	swait.ge @!p0 [sflag:s14], $0x800  }
0x27e: {  	s15 =	sld [smem:$0x7E7]  }
0x27f: {  	s16 =	sld [smem:$0x7F1]  }
0x280: {  	[sflag:s14] =	ssyncset.done @!p0 $0x0  }
0x281: {  	[sflag:s14] =	ssyncadd.s32 @!p0 $0xFFFFF800  }
0x282: {  	[hbm:s15], [sflag:s13] =	dma.local @!p0 [spmem:s16], $0x800  }
0x283: {  	_ =	swait.ge @!p0 [sflag:s14], $0x800  }
0x284: {  	s15 =	sld [smem:$0x7E8]  }
0x285: {  	s16 =	sld [smem:$0x7F7]  }
0x286: {  	[sflag:s14] =	ssyncset.done @!p0 $0x0  }
0x287: {  	[sflag:s14] =	ssyncadd.s32 @!p0 $0xFFFFF800  }
0x288: {  	[hbm:s15], [sflag:s13] =	dma.local @!p0 [spmem:s16], $0x700  }
0x289: {  	_ =	swait.ge @!p0 [sflag:s14], $0x700  }
0x28a: {  	s23 =	sld [smem:$0x7E1]  }
0x28b: {  	s24 =	sld [smem:$0x7EE];
	_ =	sdelay $0x1  }
0x28c: {  	s16 =	sadd.s32 $0x1, s23  }
0x28d: {  	p3 =	sne.s32 s16, s24  }
.Ltmp5:
0x28e: {  	_ = 	snop;
	(pc) =	sbr.rel @p3 .LBB2_1-.Ltmp5, $4  }
0x28f: {  	s29 =	simm.s32 $0x200  }
0x290: {  	s18 =	simm.s32 $0x480;
	s20 =	simm.s32 $0x500;
	s17 =	simm.s32 $0x400  }
0x291: {  	s19 =	simm.s32 $0x100;
	s15 =	simm.s32 $0xD;
	[sflag:s14] =	ssyncset.done @!p0 $0x0  }
0x292: {  	[sflag:s14] =	ssyncadd.s32 @!p0 $0xFFFFF900;
	s23 =	simm.s32 $0x180;
	s24 =	simm.s32 $0x580  }
0x293: {  	_ =	sfence.sel $0x180000  }
0x294: {  	[bflag:$0x0] =	sbarrier.arrive $0xFFFF  }
0x295: {  	_ =	strace $0x9000004A  }
0x296: {  	[bflag:$0x2] =	sbarrier.arrive $0xFFFF  }
0x297: {  	s0 =	rddreg [dreg:$0x5]  }
0x298: {  	s0 =	sadd.s32 @!p2 $0x100000, s0  }
0x299: {  	[sflag:s0] =	ssyncadd.tile.s32 @!p2 $0x1;
	_ =	shalt  }
.Lfunc_end2:
_tile_overlayer_lowered:
.L_overlay_start_2:
0x29a: {  	(tag) =	ssettag $0x2  }
0x29b: {  	s0 =	rddreg [dreg:$0x0];
	s2 =	stileid.u32  }
0x29c: {  	s1 =	rddreg [dreg:$0x1];
	p0 =	sne.s32 s2, $0x0  }
0x29d: {  	s3 =	rddreg [dreg:$0x2];
	[bflag:$0x3] =	sbarrier.arrive $0xFFFF;
	s2 =	simm.s32 @!p0 $0x1C0D  }
0x29e: {  	[timem:s3], [sflag:s2] =	dma.local @!p0 [hbm:s0], s1  }
0x29f: {  	s0 =	simm.s32 @!p0 $0xD  }
0x2a0: {  	_ =	swait.ge @!p0 [sflag:s0], s1  }
0x2a1: {  	s1 =	ssub.s32 @!p0 $0x0, s1;
	[sflag:s0] =	ssyncset.done @!p0 $0x0  }
0x2a2: {  	[sflag:s0] =	ssyncadd.s32 @!p0 s1  }
0x2a3: {  	[bflag:$0x3] =	sbarrier.arrive $0xFFFF  }
0x2a4: {  	_ =	shalt  }

// kernel: kernel.15.cloned.1.call-start
scs
__scs_entry_jumppad:
0x0: {  	(pc) =	sbr.rel $0x88, $3  }
0x1: {  	(tag) =	ssettag $0x0;
	lr =	simm.s32 $0x1  }
0x2: {  	[smem:$0x3F90] =	sst lr;
	_ =	strace $0xD0000000  }
0x3: {  	_ = 	snop  }
0x4: {  	_ = 	snop  }
0x5: {  	_ = 	snop  }
0x6: {  	_ = 	snop  }
0x7: {  	_ = 	snop  }
__scs_overlays_trampoline_lowered:
0x8: {  	[smem:$0x3F9F] =	sst s0  }
0x9: {  	[smem:$0x3FA0] =	sst s1  }
0xa: {  	[smem:$0x3FA1] =	sst s2  }
0xb: {  	[smem:$0x3FA2] =	sst s3  }
0xc: {  	[smem:$0x3FA3] =	sst s4  }
0xd: {  	[smem:$0x3FA4] =	sst s5  }
0xe: {  	[smem:$0x3FA5] =	sst s6  }
0xf: {  	[smem:$0x3FA6] =	sst s7  }
0x10: {  	[smem:$0x3FA7] =	sst s8  }
0x11: {  	[smem:$0x3FA8] =	sst s9;
	s0 =	simm.s32 @!p0 $0x0  }
0x12: {  	s1 =	sld [smem:$0x3F8E];
	s0 =	simm.s32 @p0 $0x1  }
0x13: {  	[smem:$0x3FA9] =	sst s0;
	s0 =	simm.s32 @!p1 $0x0  }
0x14: {  	s2 =	sld [smem:$0x3F8D];
	s0 =	simm.s32 @p1 $0x1  }
0x15: {  	[smem:$0x3FAA] =	sst s0;
	s0 =	simm.s32 @!p2 $0x0  }
0x16: {  	s3 =	sld [smem:$0x3FDB];
	s0 =	simm.s32 @p2 $0x1  }
0x17: {  	s4 =	simm.s32 $0x1BF5;
	[smem:$0x3FAC] =	sst s0  }
0x18: {  	s0 =	sld [smem:$0x3F8F];
	_ =	swait.ge [sflag:s4], $0x0  }
0x19: {  	s7 =	sld [smem:$0x3F90]  }
0x1a: {  	s8 =	sadd.s32 $0xFFFFE003, lr  }
0x1b: {  	s9 =	sadd.s32 $0xFFFFFEF7, lr;
	s5 =	simm.s32 $0xFFFFFFFF;
	p2 =	slt.u32 s8, $0xFFFFF086  }
0x1c: {  	p1 =	slt.u32 s9, $0xF7A;
	s5 =	simm.s32 @!p2 $0x0  }
0x1d: {  	s5 =	simm.s32 @p1 $0x1;
	p0 =	seq.s32 s7, s2  }
0x1e: {  	s7 =	smul.u32 @!p0 $0xF7A, s2;
	p2 =	seq.s32 @!p0 s5, $0x0  }
0x1f: {  	s9 =	smul.u32 $0xF7A, s1;
	s8 =	simm.s32 @!p0 $0x1BF5;
	p2 =	por !p2, p0  }
0x20: {  	[sflag:s8] =	ssyncset.s32 @!p0 $0xFFFFF086;
	s6 =	sadd.s32 @!p0 s3, s7;
	s7 =	simm.s32 @!p0 $0x108  }
0x21: {  	s3 =	sadd.s32 s3, s9;
	s6 =	sadd.s32 @!p0 $0x88, s6;
	s7 =	simm.s32 @p2 $0x1082  }
0x22: {  	[simem:s7], [sflag:s8] =	dma.local @!p0 [hbm:s6], $0xF7A  }
0x23: {  	s9 =	sor.u32 $0xD0000000, s2;
	s6 =	simm.s32 $0x108;
	_ =	swait.ge @!p0 [sflag:s8], $0x0  }
0x24: {  	s3 =	sadd.s32 $0x88, s3;
	s6 =	simm.s32 @!p1 $0x1082;
	[sflag:s4] =	ssyncset.s32 $0xFFFFF086  }
0x25: {  	[simem:s6], [sflag:s4] =	dma.local [hbm:s3], $0xF7A  }
0x26: {  	[smem:$0x3F90] =	sst s1;
	(tag) =	ssettag s2;
	_ =	strace s9  }
0x27: {  	s1 =	sld [smem:$0x3FA0]  }
0x28: {  	s2 =	sld [smem:$0x3FA1]  }
0x29: {  	s4 =	sld [smem:$0x3FA3]  }
0x2a: {  	p0 =	seq.s32 s5, $0x0;
	s5 =	sld [smem:$0x3FA4]  }
0x2b: {  	s6 =	sld [smem:$0x3FA5]  }
0x2c: {  	s7 =	sld [smem:$0x3FA6]  }
0x2d: {  	s3 =	simm.s32 $0x108;
	s8 =	sld [smem:$0x3FA7]  }
0x2e: {  	s3 =	simm.s32 @!p0 $0x1082;
	s9 =	sld [smem:$0x3FA8]  }
0x2f: {  	lr =	sadd.s32 s0, s3;
	s0 =	sld [smem:$0x3F9F]  }
0x30: {  	s3 =	sld [smem:$0x3FA2]  }
0x31: {  	[smem:$0x3FAB] =	sst s10  }
0x32: {  	s10 =	sld [smem:$0x3FA9];
	_ =	sdelay $0x3  }
0x33: {  	p0 =	seq.s32 s10, $0x1;
	s10 =	sld [smem:$0x3FAB];
	_ =	sdelay $0x3  }
0x34: {  	[smem:$0x3FAB] =	sst s10  }
0x35: {  	s10 =	sld [smem:$0x3FAA];
	_ =	sdelay $0x3  }
0x36: {  	p1 =	seq.s32 s10, $0x1;
	s10 =	sld [smem:$0x3FAB];
	_ =	sdelay $0x3  }
0x37: {  	[smem:$0x3FAB] =	sst s10  }
0x38: {  	s10 =	sld [smem:$0x3FAC]  }
0x39: {  	_ = 	snop;
	(pc) =	sbr.ind lr, $3  }
0x3a: {  	_ = 	snop  }
0x3b: {  	_ = 	snop  }
0x3c: {  	p2 =	seq.s32 s10, $0x1;
	s10 =	sld [smem:$0x3FAB]  }
0x3d: {  	_ =	shalt  }
0x3e: {  	_ =	shalt  }
0x3f: {  	_ =	shalt  }
0x40: {  	_ =	shalt  }
0x41: {  	_ =	shalt  }
0x42: {  	_ =	shalt  }
0x43: {  	_ =	shalt  }
0x44: {  	_ =	shalt  }
0x45: {  	_ =	shalt  }
0x46: {  	_ =	shalt  }
0x47: {  	_ =	shalt  }
0x48: {  	_ =	shalt  }
0x49: {  	_ =	shalt  }
0x4a: {  	_ =	shalt  }
0x4b: {  	_ =	shalt  }
0x4c: {  	_ =	shalt  }
0x4d: {  	_ =	shalt  }
0x4e: {  	_ =	shalt  }
0x4f: {  	_ =	shalt  }
0x50: {  	_ =	shalt  }
0x51: {  	_ =	shalt  }
0x52: {  	_ =	shalt  }
0x53: {  	_ =	shalt  }
0x54: {  	_ =	shalt  }
0x55: {  	_ =	shalt  }
0x56: {  	_ =	shalt  }
0x57: {  	_ =	shalt  }
0x58: {  	_ =	shalt  }
0x59: {  	_ =	shalt  }
0x5a: {  	_ =	shalt  }
0x5b: {  	_ =	shalt  }
0x5c: {  	_ =	shalt  }
0x5d: {  	_ =	shalt  }
0x5e: {  	_ =	shalt  }
0x5f: {  	_ =	shalt  }
0x60: {  	_ =	shalt  }
0x61: {  	_ =	shalt  }
0x62: {  	_ =	shalt  }
0x63: {  	_ =	shalt  }
0x64: {  	_ =	shalt  }
0x65: {  	_ =	shalt  }
0x66: {  	_ =	shalt  }
0x67: {  	_ =	shalt  }
0x68: {  	_ =	shalt  }
0x69: {  	_ =	shalt  }
0x6a: {  	_ =	shalt  }
0x6b: {  	_ =	shalt  }
0x6c: {  	_ =	shalt  }
0x6d: {  	_ =	shalt  }
0x6e: {  	_ =	shalt  }
0x6f: {  	_ =	shalt  }
0x70: {  	_ =	shalt  }
0x71: {  	_ =	shalt  }
0x72: {  	_ =	shalt  }
0x73: {  	_ =	shalt  }
0x74: {  	_ =	shalt  }
0x75: {  	_ =	shalt  }
0x76: {  	_ =	shalt  }
0x77: {  	_ =	shalt  }
0x78: {  	_ =	shalt  }
0x79: {  	_ =	shalt  }
0x7a: {  	_ =	shalt  }
0x7b: {  	_ =	shalt  }
0x7c: {  	_ =	shalt  }
0x7d: {  	_ =	shalt  }
0x7e: {  	_ =	shalt  }
0x7f: {  	_ =	shalt  }
0x80: {  	_ =	shalt  }
0x81: {  	_ =	shalt  }
0x82: {  	_ =	shalt  }
0x83: {  	_ =	shalt  }
0x84: {  	_ =	shalt  }
0x85: {  	_ =	shalt  }
0x86: {  	_ =	shalt  }
0x87: {  	_ =	shalt  }
.Lfunc_end0:
.L_simem_size_0:
called_computation.2_lowered:
.L_overlay_start_0:
0x88: {  	s2 =	sld [smem:$0x3FD9]  }
0x89: {  	s3 =	sld [smem:$0x3FFE];
	_ =	sdelay $0x1  }
0x8a: {  	s1 =	srdreg.scid  }
0x8b: {  	s0 =	sand.u32 $0x1, s1  }
0x8c: {  	s14 =	sshll.u32 s0, $0xA;
	s2 =	sadd.s32 s3, s2  }
0x8d: {  	s2 =	sadd.s32 s2, s14  }
0x8e: {  	[smem:$0x3FB7] =	sst s2  }
0x8f: {  	_ = 	snop  }
0x90: {  	s2 =	sld [smem:$0x3FD0];
	_ =	sdelay $0x2  }
0x91: {  	s15 =	simm.s32 $0xA;
	s4 =	simm.s32 $0x10  }
0x92: {  	[smem:s4], [sflag:s15] =	dma.local [hbm:s2], $0x1  }
0x93: {  	_ =	swait.eq [sflag:s15], $0x1  }
0x94: {  	s16 =	sld [smem:$0x10];
	[sflag:s15] =	ssyncset.done $0x0  }
0x95: {  	s17 =	sld [smem:$0x12];
	[sflag:s15] =	ssyncadd.s32 $0xFFFFFFFF  }
0x96: {  	s18 =	sld [smem:$0x13];
	(tm) =	ssettm $0x1  }
0x97: {  	s5 =	sld [smem:$0x3FFB];
	_ =	sdelay $0x3  }
0x98: {  	_ =	strace s5  }
0x99: {  	s5 =	sld [smem:$0x3FFC];
	_ =	sdelay $0x3  }
0x9a: {  	_ =	strace s5  }
0x9b: {  	s5 =	sld [smem:$0x3FFD];
	_ =	sdelay $0x3  }
0x9c: {  	_ =	strace s5  }
0x9d: {  	_ =	strace $0x8FFFFFFF  }
0x9e: {  	s19 =	sld [smem:$0x3FDB];
	_ =	sdelay $0x1  }
0x9f: {  	s6 =	simm.s32 $_scs_section_size  }
0xa0: {  	s7 =	simm.s32 $_size__tile_overlayer_lowered;
	s8 =	simm.s32 $_tile_overlayer_lowered  }
0xa1: {  	s22 =	simm.s32 $0x1BFF;
	s21 =	sshll.u32 s8, $0x1;
	s5 =	sadd.s32 s6, s19  }
0xa2: {  	s9 =	simm.s32 $0x0;
	s20 =	sshll.u32 s7, $0x1;
	s7 =	sadd.s32 s21, s5  }
0xa3: {  	[timem:s9], [sflag:s22] =	dma.local [hbm:s7], s20  }
0xa4: {  	_ =	swait.ge [sflag:s22], s20  }
0xa5: {  	s6 =	ssub.s32 $0x0, s20;
	[sflag:s22] =	ssyncset.done $0x0  }
0xa6: {  	[sflag:s22] =	ssyncadd.s32 s6;
	_ =	sdelay $0x1  }
0xa7: {  	s23 =	simm.s32 $0x1B8B  }
0xa8: {  	_ =	swait.ge [sflag:s23], $0x1  }
0xa9: {  	[sflag:s23] =	ssyncset.done $0x0  }
0xaa: {  	s25 =	simm.s32 $0x1B8E;
	s24 =	sld [smem:$0x3FFE];
	[sflag:s23] =	ssyncadd.s32 $0xFFFFFFFF  }
0xab: {  	s26 =	simm.s32 $execute0_lowered;
	[smem:$0x3FD2] =	sst s25  }
0xac: {  	s7 =	sshll.u32 s26, $0x1;
	_ =	strace $0x8000004C;
	[dreg:$0x1] =	wrdreg $0xFFFFFFFF  }
0xad: {  	s28 =	simm.s32 $_size_execute0_lowered;
	s5 =	sadd.s32 s5, s7;
	[dreg:$0x0] =	wrdreg $0x0  }
0xae: {  	s7 =	sshll.u32 s28, $0x1;
	[dreg:$0x2] =	wrdreg s5  }
0xaf: {  	[dreg:$0x3] =	wrdreg s7  }
0xb0: {  	[dreg:$0x4] =	wrdreg $0xC0  }
0xb1: {  	_ =	task [dreg:s9], $0x5FFFF  }
0xb2: {  	[dreg:$0x1] =	wrdreg $0xFFFFFFFF  }
0xb3: {  	[dreg:$0x0] =	wrdreg $0x60  }
0xb4: {  	[dreg:$0x2] =	wrdreg s18  }
0xb5: {  	[dreg:$0x3] =	wrdreg s17  }
0xb6: {  	[dreg:$0x4] =	wrdreg s24  }
0xb7: {  	[dreg:$0x5] =	wrdreg s16  }
0xb8: {  	[dreg:$0x6] =	wrdreg $0x88000  }
0xb9: {  	[dreg:$0x7] =	wrdreg $0x9  }
0xba: {  	_ =	task.clear_ibuf [dreg:s9], $0x8FFFF;
	_ =	strace $0x9000004C  }
0xbb: {  	s29 =	simm.s32 $0x9;
	_ =	strace $0x8000004E  }
0xbc: {  	_ =	swait.ge [sflag:s29], $0x1  }
0xbd: {  	[sflag:s29] =	ssyncadd.s32 $0xFFFFFFFF  }
0xbe: {  	_ =	strace $0x9000004E  }
0xbf: {  	_ =	sfence  }
0xc0: {  	s30 =	sld [smem:$0x0];
	_ =	sdelay $0x2  }
0xc1: {  	s31 =	sshll.u32 s1, $0xD;
	s1 =	sshrl.u32 s1, $0x2  }
0xc2: {  	s3 =	sand.u32 $0x4000, s31;
	s1 =	sadd.s32 s1, s30  }
0xc3: {  	s0 =	sor.u32 s3, s0;
	s1 =	sshll.u32 s1, $0x11  }
0xc4: {  	s0 =	sor.u32 s1, s0  }
0xc5: {  	s0 =	sadd.s32 $0x8F2B, s0  }
0xc6: {  	[sflag:s0] =	ssyncadd.remote.s32 $0x1  }
0xc7: {  	_ =	sfence.sel $0xFFFF  }
0xc8: {  	[dreg:$0x0] =	wrdreg $0xFFFFFFFF;
	(pc) =	sbr.abs _section_cstart, $3  }
0xc9: {  	[dreg:$0x1] =	wrdreg $0xFFFFFFFF  }
0xca: {  	_ =	task.clear_ibuf [dreg:s9], $0x2FFFF;
	_ =	strace $0x9FFFFFFF  }
0xcb: {  	(tm) =	ssettm $0x7FFFFFFF  }
tec
execute0_lowered:
.L_overlay_start_1:
0x0: {  	(tag) =	ssettag $0x1  }
0x1: {  	s5 =	rddreg [dreg:$0x0]  }
0x2: {  	s6 =	rddreg [dreg:$0x1]  }
0x3: {  	s0 =	rddreg [dreg:$0x2];
	s1 =	srdreg.scid  }
0x4: {  	s4 =	rddreg [dreg:$0x3];
	s14 =	stileid.u32  }
0x5: {  	s3 =	simm.s32 $0x0;
	s29 =	simm.s32 $0x200;
	s28 =	simm.s32 $0x380  }
0x6: {  	s30 =	simm.s32 $0x6;
	s7 =	sand.u32 $0x1, s1;
	s1 =	rddreg [dreg:$0x4]  }
0x7: {  	s31 =	simm.s32 $0x4800;
	[smem:$0x7FF] =	sst s3;
	s2 =	sshll.u32 s7, $0x4  }
0x8: {  	s12 =	smul.u32 $0x2800, s14;
	s8 =	ssub.s32 $0x2, s7;
	s2 =	sor.u32 s14, s2  }
0x9: {  	p0 =	seq.s32 s14, $0xF;
	s17 =	sshrl.u32 s8, $0x1;
	s9 =	smul.u32 $0x2800, s2  }
0xa: {  	p1 =	sne.s32 s14, $0xF;
	_ =	strace $0x8000004D;
	s2 =	ssub.s32 s8, s17  }
0xb: {  	s21 =	smul.u32 $0x28000, s7;
	s2 =	smax.u32 s2, $0x1;
	s18 =	sshrl.u32 s9, $0x3  }
0xc: {  	s7 =	smul.u32 $0x138800, s7;
	[smem:$0x7EE] =	sst s2;
	s9 =	sadd.s32 s5, s18  }
0xd: {  	s19 =	sadd.s32 s6, s18;
	s20 =	sor.u32 $0x10, s18;
	[dreg:$0x16] =	wrdreg s9  }
0xe: {  	s22 =	sor.u32 $0x20, s18;
	[dreg:$0x17] =	wrdreg s19;
	s10 =	sadd.s32 s5, s20  }
0xf: {  	s11 =	sor.u32 $0x30, s18;
	s9 =	sadd.s32 s6, s20;
	[dreg:$0x18] =	wrdreg s10  }
0x10: {  	s25 =	sor.u32 $0x40, s18;
	s13 =	sadd.s32 s5, s22;
	[dreg:$0x19] =	wrdreg s9  }
0x11: {  	s8 =	sor.u32 $0x50, s18;
	s23 =	sadd.s32 s5, s11;
	[dreg:$0x1a] =	wrdreg s13  }
0x12: {  	s24 =	sadd.s32 s6, s11;
	s26 =	sadd.s32 s5, s25;
	[dreg:$0x1c] =	wrdreg s23  }
0x13: {  	s10 =	sadd.s32 s6, s22;
	[dreg:$0x1d] =	wrdreg s24;
	s9 =	sadd.s32 s12, s21  }
0x14: {  	[dreg:$0x1e] =	wrdreg s26;
	s13 =	sadd.s32 s5, s8;
	s8 =	sadd.s32 s6, s8  }
0x15: {  	[dreg:$0x1b] =	wrdreg s10;
	s12 =	sor.u32 $0x680, s9;
	s10 =	sadd.s32 s6, s25  }
0x16: {  	[smem:$0x7E2] =	sst s13;
	s18 =	sor.u32 $0x580, s9;
	s22 =	sor.u32 $0x500, s9  }
0x17: {  	s26 =	sor.u32 $0x480, s9;
	[smem:$0x7E3] =	sst s8;
	s15 =	sshrl.u32 s12, $0x3  }
0x18: {  	[dreg:$0x1f] =	wrdreg s10;
	s12 =	sor.u32 $0x600, s9;
	s11 =	sadd.s32 s15, s6  }
0x19: {  	s20 =	sshrl.u32 s18, $0x3;
	s10 =	sadd.s32 s15, s5;
	[dreg:$0x6] =	wrdreg s11  }
0x1a: {  	s24 =	sshrl.u32 s22, $0x3;
	s21 =	sadd.s32 s20, s6;
	[dreg:$0x7] =	wrdreg s10  }
0x1b: {  	s13 =	sshrl.u32 s26, $0x3;
	s23 =	sadd.s32 s20, s5;
	[dreg:$0xa] =	wrdreg s21  }
0x1c: {  	s16 =	sshrl.u32 s12, $0x3;
	s25 =	sadd.s32 s24, s6;
	[dreg:$0xb] =	wrdreg s23  }
0x1d: {  	s15 =	sadd.s32 s13, s6;
	s20 =	sor.u32 $0x380, s9;
	[dreg:$0xc] =	wrdreg s25  }
0x1e: {  	s17 =	sadd.s32 s16, s6;
	s19 =	sadd.s32 s16, s5;
	[dreg:$0xe] =	wrdreg s15  }
0x1f: {  	s11 =	sadd.s32 s24, s5;
	s16 =	sor.u32 $0x400, s9;
	[dreg:$0x8] =	wrdreg s17  }
0x20: {  	s22 =	sshrl.u32 s20, $0x3;
	s23 =	smul.u32 $0x13800, s14;
	[dreg:$0x9] =	wrdreg s19  }
0x21: {  	s25 =	sor.u32 $0x300, s9;
	[dreg:$0xd] =	wrdreg s11;
	s17 =	sadd.s32 s13, s5  }
0x22: {  	s18 =	sshrl.u32 s16, $0x3;
	s24 =	sadd.s32 s22, s6;
	s13 =	sadd.s32 s22, s5  }
0x23: {  	s8 =	sshrl.u32 s25, $0x3;
	s22 =	smul.u32 $0x4E000, s14;
	[dreg:$0xf] =	wrdreg s17  }
0x24: {  	s19 =	sadd.s32 s18, s6;
	s21 =	sadd.s32 s18, s5;
	[dreg:$0x12] =	wrdreg s24  }
0x25: {  	s26 =	sadd.s32 s23, s7;
	[dreg:$0x13] =	wrdreg s13;
	s15 =	sadd.s32 $0x4000, s23  }
0x26: {  	s6 =	sadd.s32 s8, s6;
	s5 =	sadd.s32 s8, s5;
	[dreg:$0x10] =	wrdreg s19  }
0x27: {  	s17 =	sadd.s32 $0x8000, s23;
	s20 =	sadd.s32 $0x10000, s23;
	[dreg:$0x11] =	wrdreg s21  }
0x28: {  	s24 =	sshrl.u32 s7, $0x3;
	s9 =	sshrl.u32 s26, $0x3;
	[dreg:$0x14] =	wrdreg s6  }
0x29: {  	s16 =	sadd.s32 s7, s15;
	s18 =	sadd.s32 s7, s17;
	s19 =	sadd.s32 $0xC000, s23  }
0x2a: {  	[dreg:$0x15] =	wrdreg s5;
	s25 =	sshrl.u32 s22, $0x2;
	s22 =	sadd.s32 $0x124800, s1  }
0x2b: {  	s12 =	sadd.s32 s7, s20;
	s9 =	sadd.s32 s4, s9;
	[smem:$0x7F9] =	sst s22  }
0x2c: {  	s21 =	sadd.s32 s7, s19;
	s26 =	sadd.s32 s25, s1;
	[smem:$0x7E4] =	sst s9  }
0x2d: {  	s7 =	sadd.s32 s20, s1;
	s20 =	sadd.s32 $0x138800, s1;
	[smem:$0x7F5] =	sst s26  }
0x2e: {  	s6 =	sshrl.u32 s16, $0x3;
	s25 =	sadd.s32 $0x130800, s1;
	[smem:$0x7F8] =	sst s20  }
0x2f: {  	s12 =	sshrl.u32 s12, $0x3;
	s6 =	sadd.s32 s4, s6;
	[smem:$0x7FC] =	sst s25  }
0x30: {  	p2 =	sne.s32 s14, $0x0;
	s23 =	sadd.s32 s4, s12;
	[smem:$0x7E5] =	sst s6  }
0x31: {  	s2 =	simm.s32 $0x3;
	s16 =	sadd.s32 $0x4000, s26;
	[smem:$0x7E8] =	sst s23  }
0x32: {  	s5 =	sadd.s32 s17, s1;
	s17 =	sadd.s32 $0x8000, s26;
	[smem:$0x7F2] =	sst s16  }
0x33: {  	s6 =	sshrl.u32 s18, $0x3;
	[smem:$0x7F3] =	sst s17;
	s18 =	sadd.s32 $0xC000, s26  }
0x34: {  	s8 =	simm.s32 $0x9;
	s23 =	sadd.s32 $0x128800, s1;
	[smem:$0x7F4] =	sst s18  }
0x35: {  	s22 =	simm.s32 $0xA;
	s6 =	sadd.s32 s4, s6;
	[smem:$0x7FA] =	sst s23  }
0x36: {  	s9 =	simm.s32 $0x800;
	[smem:$0x7E6] =	sst s6;
	s6 =	sshrl.u32 s21, $0x3  }
0x37: {  	s21 =	sadd.s32 $0x3C00, s0;
	s0 =	sadd.s32 s15, s1;
	s6 =	sadd.s32 s4, s6  }
0x38: {  	s12 =	simm.s32 $0x80;
	s0 =	sshrl.u32 @!p0 s0, $0x3;
	[smem:$0x7E7] =	sst s6  }
0x39: {  	s4 =	sadd.s32 s4, s24;
	s24 =	sadd.s32 $0x12C800, s1;
	[smem:$0x7EF] =	sst s0  }
0x3a: {  	s20 =	simm.s32 $0x500;
	s10 =	sadd.s32 $0x24900, s4;
	[smem:$0x7FB] =	sst s24  }
0x3b: {  	s25 =	simm.s32 $0x700;
	s11 =	sadd.s32 $0x25100, s4;
	[smem:$0x7E9] =	sst s10  }
0x3c: {  	s17 =	simm.s32 $0x400;
	s13 =	sadd.s32 $0x25900, s4;
	[smem:$0x7EA] =	sst s11  }
0x3d: {  	s16 =	simm.s32 $0x0;
	s15 =	sadd.s32 $0x26100, s4;
	[smem:$0x7EB] =	sst s13  }
0x3e: {  	s18 =	simm.s32 $0x480;
	s4 =	sadd.s32 $0x26900, s4;
	[smem:$0x7EC] =	sst s15  }
0x3f: {  	s23 =	simm.s32 $0x180;
	s0 =	sshrl.u32 @!p0 s5, $0x3;
	[smem:$0x7ED] =	sst s4  }
0x40: {  	s6 =	sadd.s32 s19, s1;
	s19 =	sadd.s32 $0x10000, s26;
	[smem:$0x7F0] =	sst s0  }
0x41: {  	s26 =	sadd.s32 $0x134800, s1;
	s24 =	simm.s32 $0x580;
	[smem:$0x7F6] =	sst s19  }
0x42: {  	s5 =	simm.s32 $0x2;
	s0 =	sshrl.u32 @!p0 s6, $0x3;
	[smem:$0x7FD] =	sst s26  }
0x43: {  	s15 =	simm.s32 $0xD;
	s19 =	simm.s32 $0x100;
	s26 =	simm.s32 $0x5  }
0x44: {  	s4 =	simm.s32 $0x7;
	s6 =	simm.s32 $0x4;
	s10 =	simm.s32 $0xB  }
0x45: {  	s11 =	simm.s32 $0xC;
	[smem:$0x7F1] =	sst s0;
	s0 =	sshrl.u32 @!p0 s7, $0x3  }
0x46: {  	v0 =	vimm.f32 $0.0e+00;
	s7 =	simm.s32 $0x8;
	[smem:$0x7F7] =	sst s0;
	s0 =	simm.s32 $0x1  }
.LBB2_1:
0x47: {  	[smem:$0x7E1] =	sst s16;
	s13 =	simm.s32 $0x0;
	s14 =	simm.s32 $0x200  }
.LBB2_2:
0x48: {  	p3 =	sne.s32 s14, $0xFE00;
	[tilespmem:s13+$0x870] =	vst v0  }
0x49: {  	[tilespmem:s13+$0x800] =	vst v0  }
0x4a: {  	[tilespmem:s13+$0x810] =	vst v0  }
.Ltmp0:
0x4b: {  	[tilespmem:s13+$0x820] =	vst v0;
	(pc) =	sbr.rel @p3 .LBB2_2-.Ltmp0, $4  }
0x4c: {  	[tilespmem:s13+$0x830] =	vst v0  }
0x4d: {  	[tilespmem:s13+$0x840] =	vst v0  }
0x4e: {  	[tilespmem:s13+$0x850] =	vst v0  }
0x4f: {  	[tilespmem:s13+$0x860] =	vst v0;
	s13 =	sshra.s32 s14, $0x2;
	s14 =	sadd.s32 $0x200, s14  }
0x50: {  	[tilespmem:s13+$0x870] =	vst v0  }
0x51: {  	[tilespmem:s13+$0x800] =	vst v0  }
0x52: {  	[tilespmem:s13+$0x810] =	vst v0  }
.Ltmp1:
0x53: {  	[tilespmem:s13+$0x820] =	vst v0;
	(pc) =	sbr.rel @p1 .LBB2_5-.Ltmp1, $4  }
0x54: {  	[tilespmem:s13+$0x830] =	vst v0  }
0x55: {  	[tilespmem:s13+$0x840] =	vst v0  }
0x56: {  	[tilespmem:s13+$0x850] =	vst v0  }
0x57: {  	[tilespmem:s13+$0x860] =	vst v0;
	s16 =	simm.s32 $0x600  }
0x58: {  	s13 =	sld [smem:$0x7F9];
	_ =	sdelay $0x2  }
0x59: {  	[spmem:s13] =	stream.linear.scatter [tilespmem:s9], [sflag:$0xD], $0x4000, $0x38;
	[tilespmem:$0x1C480] =	vst v63  }
0x5a: {  	_ =	swait.ge [sflag:s15], $0x4000  }
0x5b: {  	s14 =	sld [smem:$0x7FA]  }
0x5c: {  	[sflag:s15] =	ssyncset.done $0x0  }
0x5d: {  	[sflag:s15] =	ssyncadd.s32 $0xFFFFC000  }
0x5e: {  	[spmem:s14] =	stream.linear.scatter [tilespmem:s9], [sflag:$0xD], $0x4000, $0x38;
	[tilespmem:$0x1C480] =	vst v63  }
0x5f: {  	_ =	swait.ge [sflag:s15], $0x4000  }
0x60: {  	s14 =	sld [smem:$0x7FB]  }
0x61: {  	[sflag:s15] =	ssyncset.done $0x0  }
0x62: {  	[sflag:s15] =	ssyncadd.s32 $0xFFFFC000  }
0x63: {  	[spmem:s14] =	stream.linear.scatter [tilespmem:s9], [sflag:$0xD], $0x4000, $0x38;
	[tilespmem:$0x1C480] =	vst v63  }
0x64: {  	_ =	swait.ge [sflag:s15], $0x4000  }
0x65: {  	s14 =	sld [smem:$0x7FC]  }
0x66: {  	[sflag:s15] =	ssyncset.done $0x0  }
.Ltmp2:
0x67: {  	[sflag:s15] =	ssyncadd.s32 $0xFFFFC000;
	(pc) =	sbr.rel .LBB2_6-.Ltmp2, $4  }
0x68: {  	[spmem:s14] =	stream.linear.scatter [tilespmem:s9], [sflag:$0xD], $0x4000, $0x38;
	[tilespmem:$0x1C480] =	vst v63  }
0x69: {  	_ =	swait.ge [sflag:s15], $0x4000  }
0x6a: {  	[sflag:s15] =	ssyncset.done $0x0  }
0x6b: {  	s13 =	sld [smem:$0x7FD];
	[sflag:s15] =	ssyncadd.s32 $0xFFFFC000  }
.LBB2_5:
0x6c: {  	s13 =	sld [smem:$0x7F5];
	_ =	sdelay $0x2  }
0x6d: {  	[spmem:s13] =	stream.linear.scatter [tilespmem:s9], [sflag:$0xD], $0x4000, $0x38;
	[tilespmem:$0x1C480] =	vst v63  }
0x6e: {  	_ =	swait.ge [sflag:s15], $0x4000  }
0x6f: {  	s14 =	sld [smem:$0x7F2]  }
0x70: {  	[sflag:s15] =	ssyncset.done $0x0  }
0x71: {  	[sflag:s15] =	ssyncadd.s32 $0xFFFFC000  }
0x72: {  	[spmem:s14] =	stream.linear.scatter [tilespmem:s9], [sflag:$0xD], $0x4000, $0x38;
	[tilespmem:$0x1C480] =	vst v63  }
0x73: {  	_ =	swait.ge [sflag:s15], $0x4000  }
0x74: {  	s14 =	sld [smem:$0x7F3]  }
0x75: {  	[sflag:s15] =	ssyncset.done $0x0  }
0x76: {  	[sflag:s15] =	ssyncadd.s32 $0xFFFFC000  }
0x77: {  	[spmem:s14] =	stream.linear.scatter [tilespmem:s9], [sflag:$0xD], $0x4000, $0x38;
	[tilespmem:$0x1C480] =	vst v63  }
0x78: {  	_ =	swait.ge [sflag:s15], $0x4000  }
0x79: {  	s14 =	sld [smem:$0x7F4]  }
0x7a: {  	[sflag:s15] =	ssyncset.done $0x0  }
0x7b: {  	[sflag:s15] =	ssyncadd.s32 $0xFFFFC000  }
0x7c: {  	[spmem:s14] =	stream.linear.scatter [tilespmem:s9], [sflag:$0xD], $0x4000, $0x38;
	[tilespmem:$0x1C480] =	vst v63  }
0x7d: {  	_ =	swait.ge [sflag:s15], $0x4000  }
0x7e: {  	s14 =	sld [smem:$0x7F6]  }
0x7f: {  	[sflag:s15] =	ssyncset.done $0x0  }
.Ltmp3:
0x80: {  	[sflag:s15] =	ssyncadd.s32 $0xFFFFC000;
	(pc) =	sbr.rel @p2 .LBB2_7-.Ltmp3, $4  }
0x81: {  	[spmem:s14] =	stream.linear.scatter [tilespmem:s9], [sflag:$0xD], $0x3800, $0x38;
	[tilespmem:$0x1C480] =	vst v63  }
0x82: {  	_ =	swait.ge [sflag:s15], $0x3800  }
0x83: {  	[sflag:s15] =	ssyncset.done $0x0  }
0x84: {  	s13 =	sld [smem:$0x7F8];
	[sflag:s15] =	ssyncadd.s32 $0xFFFFC800  }
.LBB2_6:
0x85: {  	_ =	sdelay $0x1  }
0x86: {  	[spmem:s13] =	stream.linear.scatter [tilespmem:s9], [sflag:$0xD], $0x4000, $0x38;
	[tilespmem:$0x1C480] =	vst v63  }
0x87: {  	_ =	swait.ge [sflag:s15], $0x4000  }
0x88: {  	[sflag:s15] =	ssyncset.done $0x0  }
0x89: {  	[sflag:s15] =	ssyncadd.s32 $0xFFFFC000  }
.LBB2_7:
0x8a: {  	[bflag:$0x0] =	sbarrier.arrive $0xFFFF  }
0x8b: {  	s13 =	simm.s32 $0x0;
	s14 =	rddreg [dreg:$0x16]  }
0x8c: {  	[tilespmem:s13], [sflag:$0x5] =	stream.linear.gather [hbm4b:s14+s13], $0x80, $0x38;
	[tilespmem:$0x1C480] =	vst v63  }
0x8d: {  	s15 =	rddreg [dreg:$0x17]  }
0x8e: {  	[tilespmem:s17], [sflag:$0x5] =	stream.linear.gather [hbm4b:s15+s13], $0x80, $0x38;
	[tilespmem:$0x1C480] =	vst v63  }
0x8f: {  	s15 =	rddreg [dreg:$0x18]  }
0x90: {  	[tilespmem:s12], [sflag:$0x6] =	stream.linear.gather [hbm4b:s15+s13], $0x80, $0x38;
	[tilespmem:$0x1C480] =	vst v63  }
0x91: {  	s15 =	rddreg [dreg:$0x19]  }
0x92: {  	[tilespmem:s18], [sflag:$0x6] =	stream.linear.gather [hbm4b:s15+s13], $0x80, $0x38;
	[tilespmem:$0x1C480] =	vst v63  }
0x93: {  	s15 =	rddreg [dreg:$0x1a]  }
0x94: {  	[tilespmem:s19], [sflag:$0x7] =	stream.linear.gather [hbm4b:s15+s13], $0x80, $0x38;
	[tilespmem:$0x1C480] =	vst v63  }
0x95: {  	s15 =	rddreg [dreg:$0x1b]  }
0x96: {  	[tilespmem:s20], [sflag:$0x7] =	stream.linear.gather [hbm4b:s15+s13], $0x80, $0x38;
	[tilespmem:$0x1C480] =	vst v63  }
0x97: {  	s15 =	rddreg [dreg:$0x1c]  }
0x98: {  	[tilespmem:s23], [sflag:$0x8] =	stream.linear.gather [hbm4b:s15+s13], $0x80, $0x38;
	[tilespmem:$0x1C480] =	vst v63  }
0x99: {  	s15 =	rddreg [dreg:$0x1d]  }
0x9a: {  	[tilespmem:s24], [sflag:$0x8] =	stream.linear.gather [hbm4b:s15+s13], $0x80, $0x38;
	[tilespmem:$0x1C480] =	vst v63  }
0x9b: {  	s15 =	rddreg [dreg:$0x1e]  }
0x9c: {  	[tilespmem:s29], [sflag:$0x9] =	stream.linear.gather [hbm4b:s15+s13], $0x80, $0x38;
	[tilespmem:$0x1C480] =	vst v63  }
0x9d: {  	s15 =	rddreg [dreg:$0x1f]  }
0x9e: {  	[tilespmem:s16], [sflag:$0x9] =	stream.linear.gather [hbm4b:s15+s13], $0x80, $0x38;
	[tilespmem:$0x1C480] =	vst v63  }
0x9f: {  	s16 =	sld [smem:$0x7E2];
	_ =	sdelay $0x1  }
0xa0: {  	s15 =	simm.s32 $0x280  }
0xa1: {  	[tilespmem:s15], [sflag:$0xA] =	stream.linear.gather [hbm4b:s16+s13], $0x80, $0x38;
	[tilespmem:$0x1C480] =	vst v63  }
0xa2: {  	s15 =	sld [smem:$0x7E3];
	_ =	sdelay $0x1  }
0xa3: {  	p3 =	por $0x1, $0x1;
	s16 =	simm.s32 $0x680  }
0xa4: {  	[tilespmem:s16], [sflag:$0xA] =	stream.linear.gather [hbm4b:s15+s13], $0x80, $0x38;
	[tilespmem:$0x1C480] =	vst v63  }
0xa5: {  	s13 =	simm.s32 @!p3 $0x3  }
0xa6: {  	_ =	swait.ge @!p3 [sflag:s13], $0x4000  }
0xa7: {  	s16 =	rddreg [dreg:$0x15]  }
0xa8: {  	[sflag:s13] =	ssyncset.done @!p3 $0x0;
	s15 =	rddreg [dreg:$0x14]  }
0xa9: {  	[sflag:s13] =	ssyncadd.s32 @!p3 $0xFFFFC000;
	s14 =	sadd.s32 $0x0, s16;
	s16 =	simm.s32 $0x300  }
0xaa: {  	[tilespmem:s16], [sflag:$0xB] =	stream.linear.gather [hbm4b:s14+s3], $0x80, $0x38;
	[tilespmem:$0x1C480] =	vst v63  }
0xab: {  	s16 =	sadd.s32 $0x0, s15  }
0xac: {  	[tilespmem:s25], [sflag:$0xB] =	stream.linear.gather [hbm4b:s16+s3], $0x80, $0x38;
	[tilespmem:$0x1C480] =	vst v63  }
0xad: {  	_ =	swait.ge [sflag:s26], $0x80  }
0xae: {  	[sflag:s26] =	ssyncset.done $0x0  }
0xaf: {  	[sflag:s26] =	ssyncadd.s32 $0xFFFFFF80  }
0xb0: {  	_ =	swait.ge [sflag:s26], $0x80  }
0xb1: {  	[sflag:s26] =	ssyncset.done $0x0  }
0xb2: {  	s13 =	simm.s32 @!p3 $0x2;
	[sflag:s26] =	ssyncadd.s32 $0xFFFFFF80  }
0xb3: {  	[tilespmem:s9], [sflag:$0x1] =	stream.indirect.gather [hbm4b:s21+s12], $0x80, s3, s12, $0xb8;
	[tilespmem:$0x1C480] =	vst v63  }
0xb4: {  	_ =	swait.ge @!p3 [sflag:s13], $0x4000  }
0xb5: {  	s14 =	simm.s32 @!p3 $0x4800;
	s15 =	simm.s32 @!p3 $0x4;
	[sflag:s13] =	ssyncset.done @!p3 $0x0  }
0xb6: {  	s16 =	simm.s32 @!p3 $0x780;
	[sflag:s13] =	ssyncadd.s32 @!p3 $0xFFFFC000;
	s13 =	simm.s32 @!p3 $0x80  }
0xb7: {  	[spmem:s1] =	stream.indirect.scatter.add.f32 @!p3 [tilespmem:s14], [sflag:$0x4], $0x80, s16, s13, $0xb8;
	[tilespmem:$0x1C480] =	vst v63  }
0xb8: {  	_ =	swait.ge @!p3 [sflag:s15], $0x4000  }
0xb9: {  	s14 =	rddreg [dreg:$0x13];
	[sflag:s15] =	ssyncset.done @!p3 $0x0  }
0xba: {  	s16 =	rddreg [dreg:$0x12];
	[sflag:s15] =	ssyncadd.s32 @!p3 $0xFFFFC000;
	s13 =	sadd.s32 $0x0, s14  }
0xbb: {  	[tilespmem:s28], [sflag:$0xC] =	stream.linear.gather [hbm4b:s13+s3], $0x80, $0x38;
	[tilespmem:$0x1C480] =	vst v63  }
0xbc: {  	s15 =	sadd.s32 $0x0, s16;
	s16 =	simm.s32 $0x780  }
0xbd: {  	[tilespmem:s16], [sflag:$0xC] =	stream.linear.gather [hbm4b:s15+s3], $0x80, $0x38;
	[tilespmem:$0x1C480] =	vst v63  }
0xbe: {  	_ =	swait.ge [sflag:s30], $0x80  }
0xbf: {  	[sflag:s30] =	ssyncset.done $0x0  }
0xc0: {  	[sflag:s30] =	ssyncadd.s32 $0xFFFFFF80  }
0xc1: {  	_ =	swait.ge [sflag:s30], $0x80  }
0xc2: {  	[sflag:s30] =	ssyncset.done $0x0  }
0xc3: {  	[sflag:s30] =	ssyncadd.s32 $0xFFFFFF80  }
0xc4: {  	[tilespmem:s31], [sflag:$0x2] =	stream.indirect.gather [hbm4b:s21+s12], $0x80, s12, s12, $0xb8;
	[tilespmem:$0x1C480] =	vst v63  }
0xc5: {  	_ =	swait.ge [sflag:s0], $0x4000  }
0xc6: {  	[sflag:s0] =	ssyncset.done $0x0  }
0xc7: {  	[sflag:s0] =	ssyncadd.s32 $0xFFFFC000  }
0xc8: {  	[spmem:s1] =	stream.indirect.scatter.add.f32 [tilespmem:s9], [sflag:$0x3], $0x80, s17, s12, $0xb8;
	[tilespmem:$0x1C480] =	vst v63  }
0xc9: {  	_ =	swait.ge [sflag:s2], $0x4000  }
0xca: {  	s13 =	rddreg [dreg:$0x11]  }
0xcb: {  	p3 =	por $0x0, $0x0;
	[sflag:s2] =	ssyncset.done $0x0;
	s14 =	rddreg [dreg:$0x10]  }
0xcc: {  	[sflag:s2] =	ssyncadd.s32 $0xFFFFC000;
	s15 =	sadd.s32 @!p3 $0x0, s13;
	s13 =	simm.s32 @!p3 $0x0  }
0xcd: {  	[tilespmem:s13], [sflag:$0x5] =	stream.linear.gather @!p3 [hbm4b:s15+s13], $0x80, $0x38;
	[tilespmem:$0x1C480] =	vst v63  }
0xce: {  	s14 =	sadd.s32 @!p3 $0x0, s14;
	s15 =	simm.s32 @!p3 $0x400  }
0xcf: {  	[tilespmem:s15], [sflag:$0x5] =	stream.linear.gather @!p3 [hbm4b:s14+s13], $0x80, $0x38;
	[tilespmem:$0x1C480] =	vst v63  }
0xd0: {  	_ =	swait.ge [sflag:s4], $0x80  }
0xd1: {  	[sflag:s4] =	ssyncset.done $0x0  }
0xd2: {  	[sflag:s4] =	ssyncadd.s32 $0xFFFFFF80  }
0xd3: {  	_ =	swait.ge [sflag:s4], $0x80  }
0xd4: {  	[sflag:s4] =	ssyncset.done $0x0  }
0xd5: {  	[sflag:s4] =	ssyncadd.s32 $0xFFFFFF80  }
0xd6: {  	[tilespmem:s9], [sflag:$0x1] =	stream.indirect.gather [hbm4b:s21+s12], $0x80, s19, s12, $0xb8;
	[tilespmem:$0x1C480] =	vst v63  }
0xd7: {  	_ =	swait.ge [sflag:s5], $0x4000  }
0xd8: {  	[sflag:s5] =	ssyncset.done $0x0  }
0xd9: {  	[sflag:s5] =	ssyncadd.s32 $0xFFFFC000  }
0xda: {  	[spmem:s1] =	stream.indirect.scatter.add.f32 [tilespmem:s31], [sflag:$0x4], $0x80, s18, s12, $0xb8;
	[tilespmem:$0x1C480] =	vst v63  }
0xdb: {  	_ =	swait.ge [sflag:s6], $0x4000  }
0xdc: {  	s16 =	simm.s32 @!p3 $0x80;
	s14 =	rddreg [dreg:$0xf];
	[sflag:s6] =	ssyncset.done $0x0  }
0xdd: {  	s15 =	rddreg [dreg:$0xe];
	[sflag:s6] =	ssyncadd.s32 $0xFFFFC000;
	s14 =	sadd.s32 @!p3 $0x0, s14  }
0xde: {  	[tilespmem:s16], [sflag:$0x6] =	stream.linear.gather @!p3 [hbm4b:s14+s13], $0x80, $0x38;
	[tilespmem:$0x1C480] =	vst v63  }
0xdf: {  	s14 =	sadd.s32 @!p3 $0x0, s15;
	s15 =	simm.s32 @!p3 $0x480  }
0xe0: {  	[tilespmem:s15], [sflag:$0x6] =	stream.linear.gather @!p3 [hbm4b:s14+s13], $0x80, $0x38;
	[tilespmem:$0x1C480] =	vst v63  }
0xe1: {  	_ =	swait.ge [sflag:s7], $0x80  }
0xe2: {  	[sflag:s7] =	ssyncset.done $0x0  }
0xe3: {  	[sflag:s7] =	ssyncadd.s32 $0xFFFFFF80  }
0xe4: {  	_ =	swait.ge [sflag:s7], $0x80  }
0xe5: {  	[sflag:s7] =	ssyncset.done $0x0  }
0xe6: {  	[sflag:s7] =	ssyncadd.s32 $0xFFFFFF80  }
0xe7: {  	[tilespmem:s31], [sflag:$0x2] =	stream.indirect.gather [hbm4b:s21+s12], $0x80, s23, s12, $0xb8;
	[tilespmem:$0x1C480] =	vst v63  }
0xe8: {  	_ =	swait.ge [sflag:s0], $0x4000  }
0xe9: {  	[sflag:s0] =	ssyncset.done $0x0  }
0xea: {  	[sflag:s0] =	ssyncadd.s32 $0xFFFFC000  }
0xeb: {  	[spmem:s1] =	stream.indirect.scatter.add.f32 [tilespmem:s9], [sflag:$0x3], $0x80, s20, s12, $0xb8;
	[tilespmem:$0x1C480] =	vst v63  }
0xec: {  	_ =	swait.ge [sflag:s2], $0x4000  }
0xed: {  	s16 =	simm.s32 @!p3 $0x100;
	s14 =	rddreg [dreg:$0xd];
	[sflag:s2] =	ssyncset.done $0x0  }
0xee: {  	s15 =	rddreg [dreg:$0xc];
	[sflag:s2] =	ssyncadd.s32 $0xFFFFC000;
	s14 =	sadd.s32 @!p3 $0x0, s14  }
0xef: {  	[tilespmem:s16], [sflag:$0x7] =	stream.linear.gather @!p3 [hbm4b:s14+s13], $0x80, $0x38;
	[tilespmem:$0x1C480] =	vst v63  }
0xf0: {  	s14 =	sadd.s32 @!p3 $0x0, s15;
	s15 =	simm.s32 @!p3 $0x500  }
0xf1: {  	[tilespmem:s15], [sflag:$0x7] =	stream.linear.gather @!p3 [hbm4b:s14+s13], $0x80, $0x38;
	[tilespmem:$0x1C480] =	vst v63  }
0xf2: {  	_ =	swait.ge [sflag:s8], $0x80  }
0xf3: {  	[sflag:s8] =	ssyncset.done $0x0  }
0xf4: {  	[sflag:s8] =	ssyncadd.s32 $0xFFFFFF80  }
0xf5: {  	_ =	swait.ge [sflag:s8], $0x80  }
0xf6: {  	[sflag:s8] =	ssyncset.done $0x0  }
0xf7: {  	[sflag:s8] =	ssyncadd.s32 $0xFFFFFF80  }
0xf8: {  	[tilespmem:s9], [sflag:$0x1] =	stream.indirect.gather [hbm4b:s21+s12], $0x80, s29, s12, $0xb8;
	[tilespmem:$0x1C480] =	vst v63  }
0xf9: {  	_ =	swait.ge [sflag:s5], $0x4000  }
0xfa: {  	[sflag:s5] =	ssyncset.done $0x0  }
0xfb: {  	[sflag:s5] =	ssyncadd.s32 $0xFFFFC000  }
0xfc: {  	[spmem:s1] =	stream.indirect.scatter.add.f32 [tilespmem:s31], [sflag:$0x4], $0x80, s24, s12, $0xb8;
	[tilespmem:$0x1C480] =	vst v63  }
0xfd: {  	_ =	swait.ge [sflag:s6], $0x4000  }
0xfe: {  	s16 =	simm.s32 @!p3 $0x180;
	s14 =	rddreg [dreg:$0xb];
	[sflag:s6] =	ssyncset.done $0x0  }
0xff: {  	s15 =	rddreg [dreg:$0xa];
	[sflag:s6] =	ssyncadd.s32 $0xFFFFC000;
	s14 =	sadd.s32 @!p3 $0x0, s14  }
0x100: {  	[tilespmem:s16], [sflag:$0x8] =	stream.linear.gather @!p3 [hbm4b:s14+s13], $0x80, $0x38;
	[tilespmem:$0x1C480] =	vst v63  }
0x101: {  	s14 =	sadd.s32 @!p3 $0x0, s15;
	s15 =	simm.s32 @!p3 $0x580  }
0x102: {  	[tilespmem:s15], [sflag:$0x8] =	stream.linear.gather @!p3 [hbm4b:s14+s13], $0x80, $0x38;
	[tilespmem:$0x1C480] =	vst v63  }
0x103: {  	_ =	swait.ge [sflag:s22], $0x80  }
0x104: {  	[sflag:s22] =	ssyncset.done $0x0  }
0x105: {  	[sflag:s22] =	ssyncadd.s32 $0xFFFFFF80  }
0x106: {  	_ =	swait.ge [sflag:s22], $0x80  }
0x107: {  	[sflag:s22] =	ssyncset.done $0x0  }
0x108: {  	s20 =	simm.s32 $0x280;
	[sflag:s22] =	ssyncadd.s32 $0xFFFFFF80  }
0x109: {  	[tilespmem:s31], [sflag:$0x2] =	stream.indirect.gather [hbm4b:s21+s12], $0x80, s20, s12, $0xb8;
	[tilespmem:$0x1C480] =	vst v63  }
0x10a: {  	_ =	swait.ge [sflag:s0], $0x4000  }
0x10b: {  	[sflag:s0] =	ssyncset.done $0x0  }
0x10c: {  	s23 =	simm.s32 $0x600;
	[sflag:s0] =	ssyncadd.s32 $0xFFFFC000  }
0x10d: {  	[spmem:s1] =	stream.indirect.scatter.add.f32 [tilespmem:s9], [sflag:$0x3], $0x80, s23, s12, $0xb8;
	[tilespmem:$0x1C480] =	vst v63  }
0x10e: {  	_ =	swait.ge [sflag:s2], $0x4000  }
0x10f: {  	s16 =	simm.s32 @!p3 $0x200;
	s14 =	rddreg [dreg:$0x9];
	[sflag:s2] =	ssyncset.done $0x0  }
0x110: {  	s15 =	rddreg [dreg:$0x8];
	[sflag:s2] =	ssyncadd.s32 $0xFFFFC000;
	s14 =	sadd.s32 @!p3 $0x0, s14  }
0x111: {  	[tilespmem:s16], [sflag:$0x9] =	stream.linear.gather @!p3 [hbm4b:s14+s13], $0x80, $0x38;
	[tilespmem:$0x1C480] =	vst v63  }
0x112: {  	s14 =	sadd.s32 @!p3 $0x0, s15;
	s15 =	simm.s32 @!p3 $0x600  }
0x113: {  	[tilespmem:s15], [sflag:$0x9] =	stream.linear.gather @!p3 [hbm4b:s14+s13], $0x80, $0x38;
	[tilespmem:$0x1C480] =	vst v63  }
0x114: {  	_ =	swait.ge [sflag:s10], $0x80  }
0x115: {  	[sflag:s10] =	ssyncset.done $0x0  }
0x116: {  	[sflag:s10] =	ssyncadd.s32 $0xFFFFFF80  }
0x117: {  	_ =	swait.ge [sflag:s10], $0x80  }
0x118: {  	[sflag:s10] =	ssyncset.done $0x0  }
0x119: {  	s18 =	simm.s32 $0x300;
	[sflag:s10] =	ssyncadd.s32 $0xFFFFFF80  }
0x11a: {  	[tilespmem:s9], [sflag:$0x1] =	stream.indirect.gather [hbm4b:s21+s12], $0x80, s18, s12, $0xb8;
	[tilespmem:$0x1C480] =	vst v63  }
0x11b: {  	_ =	swait.ge [sflag:s5], $0x4000  }
0x11c: {  	[sflag:s5] =	ssyncset.done $0x0  }
0x11d: {  	s24 =	simm.s32 $0x680;
	[sflag:s5] =	ssyncadd.s32 $0xFFFFC000  }
0x11e: {  	[spmem:s1] =	stream.indirect.scatter.add.f32 [tilespmem:s31], [sflag:$0x4], $0x80, s24, s12, $0xb8;
	[tilespmem:$0x1C480] =	vst v63  }
0x11f: {  	_ =	swait.ge [sflag:s6], $0x4000  }
0x120: {  	s16 =	simm.s32 @!p3 $0x280;
	s14 =	rddreg [dreg:$0x7];
	[sflag:s6] =	ssyncset.done $0x0  }
0x121: {  	s15 =	rddreg [dreg:$0x6];
	[sflag:s6] =	ssyncadd.s32 $0xFFFFC000;
	s14 =	sadd.s32 @!p3 $0x0, s14  }
0x122: {  	[tilespmem:s16], [sflag:$0xA] =	stream.linear.gather @!p3 [hbm4b:s14+s13], $0x80, $0x38;
	[tilespmem:$0x1C480] =	vst v63  }
0x123: {  	s14 =	sadd.s32 @!p3 $0x0, s15;
	s15 =	simm.s32 @!p3 $0x680  }
0x124: {  	[tilespmem:s15], [sflag:$0xA] =	stream.linear.gather @!p3 [hbm4b:s14+s13], $0x80, $0x38;
	[tilespmem:$0x1C480] =	vst v63  }
0x125: {  	_ =	swait.ge [sflag:s11], $0x80  }
0x126: {  	[sflag:s11] =	ssyncset.done $0x0  }
0x127: {  	[sflag:s11] =	ssyncadd.s32 $0xFFFFFF80  }
0x128: {  	_ =	swait.ge [sflag:s11], $0x80  }
0x129: {  	p4 =	por $0x0, $0x0;
	[sflag:s11] =	ssyncset.done $0x0  }
0x12a: {  	s29 =	simm.s32 $0x100;
	s20 =	simm.s32 $0x400;
	[sflag:s11] =	ssyncadd.s32 $0xFFFFFF80  }
0x12b: {  	[tilespmem:s31], [sflag:$0x2] =	stream.indirect.gather [hbm4b:s21+s12], $0x80, s28, s12, $0xb8;
	[tilespmem:$0x1C480] =	vst v63  }
0x12c: {  	s23 =	simm.s32 $0x480;
	s24 =	simm.s32 $0x180;
	_ =	swait.ge [sflag:s0], $0x4000  }
0x12d: {  	s13 =	simm.s32 $0x80;
	s14 =	simm.s32 $0x100;
	[sflag:s0] =	ssyncset.done $0x0  }
.LBB2_8:
0x12e: {  	s16 =	simm.s32 @!p4 $0x3;
	[sflag:s0] =	ssyncadd.s32 $0xFFFFC000  }
0x12f: {  	[spmem:s1] =	stream.indirect.scatter.add.f32 [tilespmem:s9], [sflag:$0x3], $0x80, s25, s12, $0xb8;
	[tilespmem:$0x1C480] =	vst v63  }
0x130: {  	_ =	swait.ge @!p4 [sflag:s16], $0x4000  }
0x131: {  	[sflag:s16] =	ssyncset.done @!p4 $0x0;
	s17 =	rddreg [dreg:$0x15]  }
0x132: {  	s19 =	rddreg [dreg:$0x14];
	[sflag:s16] =	ssyncadd.s32 @!p4 $0xFFFFC000;
	s17 =	sadd.s32 s13, s17  }
0x133: {  	[tilespmem:s18], [sflag:$0xB] =	stream.linear.gather [hbm4b:s17+s3], $0x80, $0x38;
	[tilespmem:$0x1C480] =	vst v63  }
0x134: {  	s16 =	sadd.s32 s13, s19  }
0x135: {  	[tilespmem:s25], [sflag:$0xB] =	stream.linear.gather [hbm4b:s16+s3], $0x80, $0x38;
	[tilespmem:$0x1C480] =	vst v63  }
0x136: {  	_ =	swait.ge [sflag:s26], $0x80  }
0x137: {  	[sflag:s26] =	ssyncset.done $0x0  }
0x138: {  	[sflag:s26] =	ssyncadd.s32 $0xFFFFFF80  }
0x139: {  	_ =	swait.ge [sflag:s26], $0x80  }
0x13a: {  	[sflag:s26] =	ssyncset.done $0x0  }
0x13b: {  	s16 =	simm.s32 @!p4 $0x2;
	[sflag:s26] =	ssyncadd.s32 $0xFFFFFF80  }
0x13c: {  	[tilespmem:s9], [sflag:$0x1] =	stream.indirect.gather [hbm4b:s21+s12], $0x80, s3, s12, $0xb8;
	[tilespmem:$0x1C480] =	vst v63  }
0x13d: {  	_ =	swait.ge @!p4 [sflag:s16], $0x4000  }
0x13e: {  	s19 =	simm.s32 @!p4 $0x780;
	s17 =	simm.s32 @!p4 $0x4800;
	[sflag:s16] =	ssyncset.done @!p4 $0x0  }
0x13f: {  	s18 =	simm.s32 @!p4 $0x4;
	[sflag:s16] =	ssyncadd.s32 @!p4 $0xFFFFC000;
	s16 =	simm.s32 @!p4 $0x80  }
0x140: {  	[spmem:s1] =	stream.indirect.scatter.add.f32 @!p4 [tilespmem:s17], [sflag:$0x4], $0x80, s19, s16, $0xb8;
	[tilespmem:$0x1C480] =	vst v63  }
0x141: {  	_ =	swait.ge @!p4 [sflag:s18], $0x4000  }
0x142: {  	s17 =	rddreg [dreg:$0x13];
	[sflag:s18] =	ssyncset.done @!p4 $0x0  }
0x143: {  	s19 =	rddreg [dreg:$0x12];
	[sflag:s18] =	ssyncadd.s32 @!p4 $0xFFFFC000;
	s16 =	sadd.s32 s13, s17  }
0x144: {  	[tilespmem:s28], [sflag:$0xC] =	stream.linear.gather [hbm4b:s16+s3], $0x80, $0x38;
	[tilespmem:$0x1C480] =	vst v63  }
0x145: {  	s18 =	sadd.s32 s13, s19;
	s19 =	simm.s32 $0x780  }
0x146: {  	[tilespmem:s19], [sflag:$0xC] =	stream.linear.gather [hbm4b:s18+s3], $0x80, $0x38;
	[tilespmem:$0x1C480] =	vst v63  }
0x147: {  	_ =	swait.ge [sflag:s30], $0x80  }
0x148: {  	[sflag:s30] =	ssyncset.done $0x0  }
0x149: {  	[sflag:s30] =	ssyncadd.s32 $0xFFFFFF80  }
0x14a: {  	_ =	swait.ge [sflag:s30], $0x80  }
0x14b: {  	[sflag:s30] =	ssyncset.done $0x0  }
0x14c: {  	[sflag:s30] =	ssyncadd.s32 $0xFFFFFF80  }
0x14d: {  	[tilespmem:s31], [sflag:$0x2] =	stream.indirect.gather [hbm4b:s21+s12], $0x80, s12, s12, $0xb8;
	[tilespmem:$0x1C480] =	vst v63  }
0x14e: {  	_ =	swait.ge [sflag:s0], $0x4000  }
0x14f: {  	[sflag:s0] =	ssyncset.done $0x0  }
0x150: {  	[sflag:s0] =	ssyncadd.s32 $0xFFFFC000  }
0x151: {  	[spmem:s1] =	stream.indirect.scatter.add.f32 [tilespmem:s9], [sflag:$0x3], $0x80, s20, s12, $0xb8;
	[tilespmem:$0x1C480] =	vst v63  }
0x152: {  	_ =	swait.ge [sflag:s2], $0x4000  }
0x153: {  	s16 =	rddreg [dreg:$0x11]  }
0x154: {  	p4 =	seq.s32 s13, $0x480;
	[sflag:s2] =	ssyncset.done $0x0;
	s17 =	rddreg [dreg:$0x10]  }
0x155: {  	[sflag:s2] =	ssyncadd.s32 $0xFFFFC000;
	s18 =	sadd.s32 @!p4 s13, s16;
	s16 =	simm.s32 @!p4 $0x0  }
0x156: {  	[tilespmem:s16], [sflag:$0x5] =	stream.linear.gather @!p4 [hbm4b:s18+s16], $0x80, $0x38;
	[tilespmem:$0x1C480] =	vst v63  }
0x157: {  	s17 =	sadd.s32 @!p4 s13, s17;
	s18 =	simm.s32 @!p4 $0x400  }
0x158: {  	[tilespmem:s18], [sflag:$0x5] =	stream.linear.gather @!p4 [hbm4b:s17+s16], $0x80, $0x38;
	[tilespmem:$0x1C480] =	vst v63  }
0x159: {  	_ =	swait.ge [sflag:s4], $0x80  }
0x15a: {  	[sflag:s4] =	ssyncset.done $0x0  }
0x15b: {  	[sflag:s4] =	ssyncadd.s32 $0xFFFFFF80  }
0x15c: {  	_ =	swait.ge [sflag:s4], $0x80  }
0x15d: {  	[sflag:s4] =	ssyncset.done $0x0  }
0x15e: {  	[sflag:s4] =	ssyncadd.s32 $0xFFFFFF80  }
0x15f: {  	[tilespmem:s9], [sflag:$0x1] =	stream.indirect.gather [hbm4b:s21+s12], $0x80, s29, s12, $0xb8;
	[tilespmem:$0x1C480] =	vst v63  }
0x160: {  	_ =	swait.ge [sflag:s5], $0x4000  }
0x161: {  	[sflag:s5] =	ssyncset.done $0x0  }
0x162: {  	[sflag:s5] =	ssyncadd.s32 $0xFFFFC000  }
0x163: {  	[spmem:s1] =	stream.indirect.scatter.add.f32 [tilespmem:s31], [sflag:$0x4], $0x80, s23, s12, $0xb8;
	[tilespmem:$0x1C480] =	vst v63  }
0x164: {  	_ =	swait.ge [sflag:s6], $0x4000  }
0x165: {  	s19 =	simm.s32 @!p4 $0x80;
	s17 =	rddreg [dreg:$0xf];
	[sflag:s6] =	ssyncset.done $0x0  }
0x166: {  	s18 =	rddreg [dreg:$0xe];
	[sflag:s6] =	ssyncadd.s32 $0xFFFFC000;
	s17 =	sadd.s32 @!p4 s13, s17  }
0x167: {  	[tilespmem:s19], [sflag:$0x6] =	stream.linear.gather @!p4 [hbm4b:s17+s16], $0x80, $0x38;
	[tilespmem:$0x1C480] =	vst v63  }
0x168: {  	s17 =	sadd.s32 @!p4 s13, s18;
	s18 =	simm.s32 @!p4 $0x480  }
0x169: {  	[tilespmem:s18], [sflag:$0x6] =	stream.linear.gather @!p4 [hbm4b:s17+s16], $0x80, $0x38;
	[tilespmem:$0x1C480] =	vst v63  }
0x16a: {  	_ =	swait.ge [sflag:s7], $0x80  }
0x16b: {  	[sflag:s7] =	ssyncset.done $0x0  }
0x16c: {  	[sflag:s7] =	ssyncadd.s32 $0xFFFFFF80  }
0x16d: {  	_ =	swait.ge [sflag:s7], $0x80  }
0x16e: {  	[sflag:s7] =	ssyncset.done $0x0  }
0x16f: {  	[sflag:s7] =	ssyncadd.s32 $0xFFFFFF80  }
0x170: {  	[tilespmem:s31], [sflag:$0x2] =	stream.indirect.gather [hbm4b:s21+s12], $0x80, s24, s12, $0xb8;
	[tilespmem:$0x1C480] =	vst v63  }
0x171: {  	_ =	swait.ge [sflag:s0], $0x4000  }
0x172: {  	[sflag:s0] =	ssyncset.done $0x0  }
0x173: {  	s18 =	simm.s32 $0x500;
	[sflag:s0] =	ssyncadd.s32 $0xFFFFC000  }
0x174: {  	[spmem:s1] =	stream.indirect.scatter.add.f32 [tilespmem:s9], [sflag:$0x3], $0x80, s18, s12, $0xb8;
	[tilespmem:$0x1C480] =	vst v63  }
0x175: {  	_ =	swait.ge [sflag:s2], $0x4000  }
0x176: {  	s19 =	simm.s32 @!p4 $0x100;
	s17 =	rddreg [dreg:$0xd];
	[sflag:s2] =	ssyncset.done $0x0  }
0x177: {  	s18 =	rddreg [dreg:$0xc];
	[sflag:s2] =	ssyncadd.s32 $0xFFFFC000;
	s17 =	sadd.s32 @!p4 s13, s17  }
0x178: {  	[tilespmem:s19], [sflag:$0x7] =	stream.linear.gather @!p4 [hbm4b:s17+s16], $0x80, $0x38;
	[tilespmem:$0x1C480] =	vst v63  }
0x179: {  	s17 =	sadd.s32 @!p4 s13, s18;
	s18 =	simm.s32 @!p4 $0x500  }
0x17a: {  	[tilespmem:s18], [sflag:$0x7] =	stream.linear.gather @!p4 [hbm4b:s17+s16], $0x80, $0x38;
	[tilespmem:$0x1C480] =	vst v63  }
0x17b: {  	_ =	swait.ge [sflag:s8], $0x80  }
0x17c: {  	[sflag:s8] =	ssyncset.done $0x0  }
0x17d: {  	[sflag:s8] =	ssyncadd.s32 $0xFFFFFF80  }
0x17e: {  	_ =	swait.ge [sflag:s8], $0x80  }
0x17f: {  	[sflag:s8] =	ssyncset.done $0x0  }
0x180: {  	s19 =	simm.s32 $0x200;
	[sflag:s8] =	ssyncadd.s32 $0xFFFFFF80  }
0x181: {  	[tilespmem:s9], [sflag:$0x1] =	stream.indirect.gather [hbm4b:s21+s12], $0x80, s19, s12, $0xb8;
	[tilespmem:$0x1C480] =	vst v63  }
0x182: {  	_ =	swait.ge [sflag:s5], $0x4000  }
0x183: {  	[sflag:s5] =	ssyncset.done $0x0  }
0x184: {  	s18 =	simm.s32 $0x580;
	[sflag:s5] =	ssyncadd.s32 $0xFFFFC000  }
0x185: {  	[spmem:s1] =	stream.indirect.scatter.add.f32 [tilespmem:s31], [sflag:$0x4], $0x80, s18, s12, $0xb8;
	[tilespmem:$0x1C480] =	vst v63  }
0x186: {  	_ =	swait.ge [sflag:s6], $0x4000  }
0x187: {  	s19 =	simm.s32 @!p4 $0x180;
	s17 =	rddreg [dreg:$0xb];
	[sflag:s6] =	ssyncset.done $0x0  }
0x188: {  	s18 =	rddreg [dreg:$0xa];
	[sflag:s6] =	ssyncadd.s32 $0xFFFFC000;
	s17 =	sadd.s32 @!p4 s13, s17  }
0x189: {  	[tilespmem:s19], [sflag:$0x8] =	stream.linear.gather @!p4 [hbm4b:s17+s16], $0x80, $0x38;
	[tilespmem:$0x1C480] =	vst v63  }
0x18a: {  	s17 =	sadd.s32 @!p4 s13, s18;
	s18 =	simm.s32 @!p4 $0x580  }
0x18b: {  	[tilespmem:s18], [sflag:$0x8] =	stream.linear.gather @!p4 [hbm4b:s17+s16], $0x80, $0x38;
	[tilespmem:$0x1C480] =	vst v63  }
0x18c: {  	_ =	swait.ge [sflag:s22], $0x80  }
0x18d: {  	[sflag:s22] =	ssyncset.done $0x0  }
0x18e: {  	[sflag:s22] =	ssyncadd.s32 $0xFFFFFF80  }
0x18f: {  	_ =	swait.ge [sflag:s22], $0x80  }
0x190: {  	[sflag:s22] =	ssyncset.done $0x0  }
0x191: {  	s19 =	simm.s32 $0x280;
	[sflag:s22] =	ssyncadd.s32 $0xFFFFFF80  }
0x192: {  	[tilespmem:s31], [sflag:$0x2] =	stream.indirect.gather [hbm4b:s21+s12], $0x80, s19, s12, $0xb8;
	[tilespmem:$0x1C480] =	vst v63  }
0x193: {  	_ =	swait.ge [sflag:s0], $0x4000  }
0x194: {  	[sflag:s0] =	ssyncset.done $0x0  }
0x195: {  	s18 =	simm.s32 $0x600;
	[sflag:s0] =	ssyncadd.s32 $0xFFFFC000  }
0x196: {  	[spmem:s1] =	stream.indirect.scatter.add.f32 [tilespmem:s9], [sflag:$0x3], $0x80, s18, s12, $0xb8;
	[tilespmem:$0x1C480] =	vst v63  }
0x197: {  	_ =	swait.ge [sflag:s2], $0x4000  }
0x198: {  	s19 =	simm.s32 @!p4 $0x200;
	s17 =	rddreg [dreg:$0x9];
	[sflag:s2] =	ssyncset.done $0x0  }
0x199: {  	s18 =	rddreg [dreg:$0x8];
	[sflag:s2] =	ssyncadd.s32 $0xFFFFC000;
	s17 =	sadd.s32 @!p4 s13, s17  }
0x19a: {  	[tilespmem:s19], [sflag:$0x9] =	stream.linear.gather @!p4 [hbm4b:s17+s16], $0x80, $0x38;
	[tilespmem:$0x1C480] =	vst v63  }
0x19b: {  	s17 =	sadd.s32 @!p4 s13, s18;
	s18 =	simm.s32 @!p4 $0x600  }
0x19c: {  	[tilespmem:s18], [sflag:$0x9] =	stream.linear.gather @!p4 [hbm4b:s17+s16], $0x80, $0x38;
	[tilespmem:$0x1C480] =	vst v63  }
0x19d: {  	_ =	swait.ge [sflag:s10], $0x80  }
0x19e: {  	[sflag:s10] =	ssyncset.done $0x0  }
0x19f: {  	[sflag:s10] =	ssyncadd.s32 $0xFFFFFF80  }
0x1a0: {  	_ =	swait.ge [sflag:s10], $0x80  }
0x1a1: {  	[sflag:s10] =	ssyncset.done $0x0  }
0x1a2: {  	s25 =	simm.s32 $0x300;
	[sflag:s10] =	ssyncadd.s32 $0xFFFFFF80  }
0x1a3: {  	[tilespmem:s9], [sflag:$0x1] =	stream.indirect.gather [hbm4b:s21+s12], $0x80, s25, s12, $0xb8;
	[tilespmem:$0x1C480] =	vst v63  }
0x1a4: {  	_ =	swait.ge [sflag:s5], $0x4000  }
0x1a5: {  	[sflag:s5] =	ssyncset.done $0x0  }
0x1a6: {  	s19 =	simm.s32 $0x680;
	[sflag:s5] =	ssyncadd.s32 $0xFFFFC000  }
0x1a7: {  	[spmem:s1] =	stream.indirect.scatter.add.f32 [tilespmem:s31], [sflag:$0x4], $0x80, s19, s12, $0xb8;
	[tilespmem:$0x1C480] =	vst v63  }
0x1a8: {  	_ =	swait.ge [sflag:s6], $0x4000  }
0x1a9: {  	s19 =	simm.s32 @!p4 $0x280;
	s17 =	rddreg [dreg:$0x7];
	[sflag:s6] =	ssyncset.done $0x0  }
0x1aa: {  	s18 =	rddreg [dreg:$0x6];
	[sflag:s6] =	ssyncadd.s32 $0xFFFFC000;
	s17 =	sadd.s32 @!p4 s13, s17  }
0x1ab: {  	[tilespmem:s19], [sflag:$0xA] =	stream.linear.gather @!p4 [hbm4b:s17+s16], $0x80, $0x38;
	[tilespmem:$0x1C480] =	vst v63  }
0x1ac: {  	s17 =	sadd.s32 @!p4 s13, s18;
	s18 =	simm.s32 @!p4 $0x680  }
0x1ad: {  	[tilespmem:s18], [sflag:$0xA] =	stream.linear.gather @!p4 [hbm4b:s17+s16], $0x80, $0x38;
	[tilespmem:$0x1C480] =	vst v63  }
0x1ae: {  	_ =	swait.ge [sflag:s11], $0x80  }
0x1af: {  	[sflag:s11] =	ssyncset.done $0x0  }
0x1b0: {  	s15 =	smov.u32 s14;
	s14 =	sadd.s32 $0x80, s14;
	[sflag:s11] =	ssyncadd.s32 $0xFFFFFF80  }
0x1b1: {  	p3 =	sne.s32 s14, $0x500;
	_ =	swait.ge [sflag:s11], $0x80  }
.Ltmp4:
0x1b2: {  	[sflag:s11] =	ssyncset.done $0x0;
	(pc) =	sbr.rel @p3 .LBB2_8-.Ltmp4, $4  }
0x1b3: {  	[sflag:s11] =	ssyncadd.s32 $0xFFFFFF80  }
0x1b4: {  	[tilespmem:s31], [sflag:$0x2] =	stream.indirect.gather [hbm4b:s21+s12], $0x80, s28, s12, $0xb8;
	[tilespmem:$0x1C480] =	vst v63  }
0x1b5: {  	s25 =	simm.s32 $0x700;
	s13 =	smov.u32 s15;
	_ =	swait.ge [sflag:s0], $0x4000  }
0x1b6: {  	s18 =	simm.s32 $0x300;
	p4 =	seq.s32 s13, $0x0;
	[sflag:s0] =	ssyncset.done $0x0  }
0x1b7: {  	s14 =	simm.s32 @!p4 $0x3;
	[sflag:s0] =	ssyncadd.s32 $0xFFFFC000  }
0x1b8: {  	[spmem:s1] =	stream.indirect.scatter.add.f32 [tilespmem:s9], [sflag:$0x3], $0x80, s25, s12, $0xb8;
	[tilespmem:$0x1C480] =	vst v63  }
0x1b9: {  	_ =	swait.ge @!p4 [sflag:s14], $0x4000  }
0x1ba: {  	s15 =	rddreg [dreg:$0x15];
	[sflag:s14] =	ssyncset.done @!p4 $0x0  }
0x1bb: {  	s16 =	rddreg [dreg:$0x14];
	[sflag:s14] =	ssyncadd.s32 @!p4 $0xFFFFC000;
	s15 =	sadd.s32 s13, s15  }
0x1bc: {  	[tilespmem:s18], [sflag:$0xB] =	stream.linear.gather [hbm4b:s15+s3], $0x80, $0x38;
	[tilespmem:$0x1C480] =	vst v63  }
0x1bd: {  	s16 =	sadd.s32 s13, s16  }
0x1be: {  	[tilespmem:s25], [sflag:$0xB] =	stream.linear.gather [hbm4b:s16+s3], $0x80, $0x38;
	[tilespmem:$0x1C480] =	vst v63  }
0x1bf: {  	_ =	swait.ge [sflag:s26], $0x80  }
0x1c0: {  	[sflag:s26] =	ssyncset.done $0x0  }
0x1c1: {  	[sflag:s26] =	ssyncadd.s32 $0xFFFFFF80  }
0x1c2: {  	_ =	swait.ge [sflag:s26], $0x80  }
0x1c3: {  	[sflag:s26] =	ssyncset.done $0x0  }
0x1c4: {  	s14 =	simm.s32 @!p4 $0x2;
	[sflag:s26] =	ssyncadd.s32 $0xFFFFFF80  }
0x1c5: {  	[tilespmem:s9], [sflag:$0x1] =	stream.indirect.gather [hbm4b:s21+s12], $0x80, s3, s12, $0xb8;
	[tilespmem:$0x1C480] =	vst v63  }
0x1c6: {  	_ =	swait.ge @!p4 [sflag:s14], $0x4000  }
0x1c7: {  	s17 =	simm.s32 @!p4 $0x780;
	s15 =	simm.s32 @!p4 $0x4800;
	[sflag:s14] =	ssyncset.done @!p4 $0x0  }
0x1c8: {  	s16 =	simm.s32 @!p4 $0x4;
	[sflag:s14] =	ssyncadd.s32 @!p4 $0xFFFFC000;
	s14 =	simm.s32 @!p4 $0x80  }
0x1c9: {  	[spmem:s1] =	stream.indirect.scatter.add.f32 @!p4 [tilespmem:s15], [sflag:$0x4], $0x80, s17, s14, $0xb8;
	[tilespmem:$0x1C480] =	vst v63  }
0x1ca: {  	_ =	swait.ge @!p4 [sflag:s16], $0x4000  }
0x1cb: {  	s17 =	rddreg [dreg:$0x13];
	[sflag:s16] =	ssyncset.done @!p4 $0x0  }
0x1cc: {  	s19 =	rddreg [dreg:$0x12];
	[sflag:s16] =	ssyncadd.s32 @!p4 $0xFFFFC000;
	s14 =	sadd.s32 s13, s17  }
0x1cd: {  	[tilespmem:s28], [sflag:$0xC] =	stream.linear.gather [hbm4b:s14+s3], $0x80, $0x38;
	[tilespmem:$0x1C480] =	vst v63  }
0x1ce: {  	s17 =	sadd.s32 s13, s19;
	s19 =	simm.s32 $0x780  }
0x1cf: {  	[tilespmem:s19], [sflag:$0xC] =	stream.linear.gather [hbm4b:s17+s3], $0x80, $0x38;
	[tilespmem:$0x1C480] =	vst v63  }
0x1d0: {  	_ =	swait.ge [sflag:s30], $0x80  }
0x1d1: {  	[sflag:s30] =	ssyncset.done $0x0  }
0x1d2: {  	[sflag:s30] =	ssyncadd.s32 $0xFFFFFF80  }
0x1d3: {  	_ =	swait.ge [sflag:s30], $0x80  }
0x1d4: {  	[sflag:s30] =	ssyncset.done $0x0  }
0x1d5: {  	[sflag:s30] =	ssyncadd.s32 $0xFFFFFF80  }
0x1d6: {  	[tilespmem:s31], [sflag:$0x2] =	stream.indirect.gather [hbm4b:s21+s12], $0x80, s12, s12, $0xb8;
	[tilespmem:$0x1C480] =	vst v63  }
0x1d7: {  	_ =	swait.ge [sflag:s0], $0x4000  }
0x1d8: {  	[sflag:s0] =	ssyncset.done $0x0  }
0x1d9: {  	[sflag:s0] =	ssyncadd.s32 $0xFFFFC000  }
0x1da: {  	[spmem:s1] =	stream.indirect.scatter.add.f32 [tilespmem:s9], [sflag:$0x3], $0x80, s20, s12, $0xb8;
	[tilespmem:$0x1C480] =	vst v63  }
0x1db: {  	_ =	swait.ge [sflag:s2], $0x4000  }
0x1dc: {  	s14 =	rddreg [dreg:$0x11]  }
0x1dd: {  	p3 =	seq.s32 s13, $0x480;
	[sflag:s2] =	ssyncset.done $0x0;
	s15 =	rddreg [dreg:$0x10]  }
0x1de: {  	[sflag:s2] =	ssyncadd.s32 $0xFFFFC000;
	s16 =	sadd.s32 @!p3 s13, s14;
	s14 =	simm.s32 @!p3 $0x0  }
0x1df: {  	[tilespmem:s14], [sflag:$0x5] =	stream.linear.gather @!p3 [hbm4b:s16+s14], $0x80, $0x38;
	[tilespmem:$0x1C480] =	vst v63  }
0x1e0: {  	s15 =	sadd.s32 @!p3 s13, s15;
	s16 =	simm.s32 @!p3 $0x400  }
0x1e1: {  	[tilespmem:s16], [sflag:$0x5] =	stream.linear.gather @!p3 [hbm4b:s15+s14], $0x80, $0x38;
	[tilespmem:$0x1C480] =	vst v63  }
0x1e2: {  	_ =	swait.ge [sflag:s4], $0x80  }
0x1e3: {  	[sflag:s4] =	ssyncset.done $0x0  }
0x1e4: {  	[sflag:s4] =	ssyncadd.s32 $0xFFFFFF80  }
0x1e5: {  	_ =	swait.ge [sflag:s4], $0x80  }
0x1e6: {  	[sflag:s4] =	ssyncset.done $0x0  }
0x1e7: {  	[sflag:s4] =	ssyncadd.s32 $0xFFFFFF80  }
0x1e8: {  	[tilespmem:s9], [sflag:$0x1] =	stream.indirect.gather [hbm4b:s21+s12], $0x80, s29, s12, $0xb8;
	[tilespmem:$0x1C480] =	vst v63  }
0x1e9: {  	_ =	swait.ge [sflag:s5], $0x4000  }
0x1ea: {  	[sflag:s5] =	ssyncset.done $0x0  }
0x1eb: {  	[sflag:s5] =	ssyncadd.s32 $0xFFFFC000  }
0x1ec: {  	[spmem:s1] =	stream.indirect.scatter.add.f32 [tilespmem:s31], [sflag:$0x4], $0x80, s23, s12, $0xb8;
	[tilespmem:$0x1C480] =	vst v63  }
0x1ed: {  	_ =	swait.ge [sflag:s6], $0x4000  }
0x1ee: {  	s17 =	simm.s32 @!p3 $0x80;
	s15 =	rddreg [dreg:$0xf];
	[sflag:s6] =	ssyncset.done $0x0  }
0x1ef: {  	s16 =	rddreg [dreg:$0xe];
	[sflag:s6] =	ssyncadd.s32 $0xFFFFC000;
	s15 =	sadd.s32 @!p3 s13, s15  }
0x1f0: {  	[tilespmem:s17], [sflag:$0x6] =	stream.linear.gather @!p3 [hbm4b:s15+s14], $0x80, $0x38;
	[tilespmem:$0x1C480] =	vst v63  }
0x1f1: {  	s15 =	sadd.s32 @!p3 s13, s16;
	s16 =	simm.s32 @!p3 $0x480  }
0x1f2: {  	[tilespmem:s16], [sflag:$0x6] =	stream.linear.gather @!p3 [hbm4b:s15+s14], $0x80, $0x38;
	[tilespmem:$0x1C480] =	vst v63  }
0x1f3: {  	_ =	swait.ge [sflag:s7], $0x80  }
0x1f4: {  	[sflag:s7] =	ssyncset.done $0x0  }
0x1f5: {  	[sflag:s7] =	ssyncadd.s32 $0xFFFFFF80  }
0x1f6: {  	_ =	swait.ge [sflag:s7], $0x80  }
0x1f7: {  	[sflag:s7] =	ssyncset.done $0x0  }
0x1f8: {  	[sflag:s7] =	ssyncadd.s32 $0xFFFFFF80  }
0x1f9: {  	[tilespmem:s31], [sflag:$0x2] =	stream.indirect.gather [hbm4b:s21+s12], $0x80, s24, s12, $0xb8;
	[tilespmem:$0x1C480] =	vst v63  }
0x1fa: {  	_ =	swait.ge [sflag:s0], $0x4000  }
0x1fb: {  	[sflag:s0] =	ssyncset.done $0x0  }
0x1fc: {  	s20 =	simm.s32 $0x500;
	[sflag:s0] =	ssyncadd.s32 $0xFFFFC000  }
0x1fd: {  	[spmem:s1] =	stream.indirect.scatter.add.f32 [tilespmem:s9], [sflag:$0x3], $0x80, s20, s12, $0xb8;
	[tilespmem:$0x1C480] =	vst v63  }
0x1fe: {  	_ =	swait.ge [sflag:s2], $0x4000  }
0x1ff: {  	s17 =	simm.s32 @!p3 $0x100;
	s15 =	rddreg [dreg:$0xd];
	[sflag:s2] =	ssyncset.done $0x0  }
0x200: {  	s16 =	rddreg [dreg:$0xc];
	[sflag:s2] =	ssyncadd.s32 $0xFFFFC000;
	s15 =	sadd.s32 @!p3 s13, s15  }
0x201: {  	[tilespmem:s17], [sflag:$0x7] =	stream.linear.gather @!p3 [hbm4b:s15+s14], $0x80, $0x38;
	[tilespmem:$0x1C480] =	vst v63  }
0x202: {  	s15 =	sadd.s32 @!p3 s13, s16;
	s16 =	simm.s32 @!p3 $0x500  }
0x203: {  	[tilespmem:s16], [sflag:$0x7] =	stream.linear.gather @!p3 [hbm4b:s15+s14], $0x80, $0x38;
	[tilespmem:$0x1C480] =	vst v63  }
0x204: {  	_ =	swait.ge [sflag:s8], $0x80  }
0x205: {  	[sflag:s8] =	ssyncset.done $0x0  }
0x206: {  	[sflag:s8] =	ssyncadd.s32 $0xFFFFFF80  }
0x207: {  	_ =	swait.ge [sflag:s8], $0x80  }
0x208: {  	[sflag:s8] =	ssyncset.done $0x0  }
0x209: {  	s23 =	simm.s32 $0x200;
	[sflag:s8] =	ssyncadd.s32 $0xFFFFFF80  }
0x20a: {  	[tilespmem:s9], [sflag:$0x1] =	stream.indirect.gather [hbm4b:s21+s12], $0x80, s23, s12, $0xb8;
	[tilespmem:$0x1C480] =	vst v63  }
0x20b: {  	_ =	swait.ge [sflag:s5], $0x4000  }
0x20c: {  	[sflag:s5] =	ssyncset.done $0x0  }
0x20d: {  	s24 =	simm.s32 $0x580;
	[sflag:s5] =	ssyncadd.s32 $0xFFFFC000  }
0x20e: {  	[spmem:s1] =	stream.indirect.scatter.add.f32 [tilespmem:s31], [sflag:$0x4], $0x80, s24, s12, $0xb8;
	[tilespmem:$0x1C480] =	vst v63  }
0x20f: {  	_ =	swait.ge [sflag:s6], $0x4000  }
0x210: {  	s17 =	simm.s32 @!p3 $0x180;
	s15 =	rddreg [dreg:$0xb];
	[sflag:s6] =	ssyncset.done $0x0  }
0x211: {  	s16 =	rddreg [dreg:$0xa];
	[sflag:s6] =	ssyncadd.s32 $0xFFFFC000;
	s15 =	sadd.s32 @!p3 s13, s15  }
0x212: {  	[tilespmem:s17], [sflag:$0x8] =	stream.linear.gather @!p3 [hbm4b:s15+s14], $0x80, $0x38;
	[tilespmem:$0x1C480] =	vst v63  }
0x213: {  	s15 =	sadd.s32 @!p3 s13, s16;
	s16 =	simm.s32 @!p3 $0x580  }
0x214: {  	[tilespmem:s16], [sflag:$0x8] =	stream.linear.gather @!p3 [hbm4b:s15+s14], $0x80, $0x38;
	[tilespmem:$0x1C480] =	vst v63  }
0x215: {  	_ =	swait.ge [sflag:s22], $0x80  }
0x216: {  	[sflag:s22] =	ssyncset.done $0x0  }
0x217: {  	[sflag:s22] =	ssyncadd.s32 $0xFFFFFF80  }
0x218: {  	_ =	swait.ge [sflag:s22], $0x80  }
0x219: {  	[sflag:s22] =	ssyncset.done $0x0  }
0x21a: {  	s16 =	simm.s32 $0x280;
	[sflag:s22] =	ssyncadd.s32 $0xFFFFFF80  }
0x21b: {  	[tilespmem:s31], [sflag:$0x2] =	stream.indirect.gather [hbm4b:s21+s12], $0x80, s16, s12, $0xb8;
	[tilespmem:$0x1C480] =	vst v63  }
0x21c: {  	_ =	swait.ge [sflag:s0], $0x4000  }
0x21d: {  	[sflag:s0] =	ssyncset.done $0x0  }
0x21e: {  	s17 =	simm.s32 $0x600;
	[sflag:s0] =	ssyncadd.s32 $0xFFFFC000  }
0x21f: {  	[spmem:s1] =	stream.indirect.scatter.add.f32 [tilespmem:s9], [sflag:$0x3], $0x80, s17, s12, $0xb8;
	[tilespmem:$0x1C480] =	vst v63  }
0x220: {  	_ =	swait.ge [sflag:s2], $0x4000  }
0x221: {  	s17 =	simm.s32 @!p3 $0x200;
	s15 =	rddreg [dreg:$0x9];
	[sflag:s2] =	ssyncset.done $0x0  }
0x222: {  	s16 =	rddreg [dreg:$0x8];
	[sflag:s2] =	ssyncadd.s32 $0xFFFFC000;
	s15 =	sadd.s32 @!p3 s13, s15  }
0x223: {  	[tilespmem:s17], [sflag:$0x9] =	stream.linear.gather @!p3 [hbm4b:s15+s14], $0x80, $0x38;
	[tilespmem:$0x1C480] =	vst v63  }
0x224: {  	s15 =	sadd.s32 @!p3 s13, s16;
	s16 =	simm.s32 @!p3 $0x600  }
0x225: {  	[tilespmem:s16], [sflag:$0x9] =	stream.linear.gather @!p3 [hbm4b:s15+s14], $0x80, $0x38;
	[tilespmem:$0x1C480] =	vst v63  }
0x226: {  	_ =	swait.ge [sflag:s10], $0x80  }
0x227: {  	[sflag:s10] =	ssyncset.done $0x0  }
0x228: {  	[sflag:s10] =	ssyncadd.s32 $0xFFFFFF80  }
0x229: {  	_ =	swait.ge [sflag:s10], $0x80  }
0x22a: {  	[sflag:s10] =	ssyncset.done $0x0  }
0x22b: {  	[sflag:s10] =	ssyncadd.s32 $0xFFFFFF80  }
0x22c: {  	[tilespmem:s9], [sflag:$0x1] =	stream.indirect.gather [hbm4b:s21+s12], $0x80, s18, s12, $0xb8;
	[tilespmem:$0x1C480] =	vst v63  }
0x22d: {  	_ =	swait.ge [sflag:s5], $0x4000  }
0x22e: {  	[sflag:s5] =	ssyncset.done $0x0  }
0x22f: {  	s20 =	simm.s32 $0x680;
	[sflag:s5] =	ssyncadd.s32 $0xFFFFC000  }
0x230: {  	[spmem:s1] =	stream.indirect.scatter.add.f32 [tilespmem:s31], [sflag:$0x4], $0x80, s20, s12, $0xb8;
	[tilespmem:$0x1C480] =	vst v63  }
0x231: {  	_ =	swait.ge [sflag:s6], $0x4000  }
0x232: {  	s17 =	simm.s32 @!p3 $0x280;
	s15 =	rddreg [dreg:$0x7];
	[sflag:s6] =	ssyncset.done $0x0  }
0x233: {  	s16 =	rddreg [dreg:$0x6];
	[sflag:s6] =	ssyncadd.s32 $0xFFFFC000;
	s15 =	sadd.s32 @!p3 s13, s15  }
0x234: {  	[tilespmem:s17], [sflag:$0xA] =	stream.linear.gather @!p3 [hbm4b:s15+s14], $0x80, $0x38;
	[tilespmem:$0x1C480] =	vst v63  }
0x235: {  	s13 =	sadd.s32 @!p3 s13, s16;
	s15 =	simm.s32 @!p3 $0x680  }
0x236: {  	[tilespmem:s15], [sflag:$0xA] =	stream.linear.gather @!p3 [hbm4b:s13+s14], $0x80, $0x38;
	[tilespmem:$0x1C480] =	vst v63  }
0x237: {  	_ =	swait.ge [sflag:s11], $0x80  }
0x238: {  	[sflag:s11] =	ssyncset.done $0x0  }
0x239: {  	[sflag:s11] =	ssyncadd.s32 $0xFFFFFF80  }
0x23a: {  	_ =	swait.ge [sflag:s11], $0x80  }
0x23b: {  	[sflag:s11] =	ssyncset.done $0x0  }
0x23c: {  	[sflag:s11] =	ssyncadd.s32 $0xFFFFFF80  }
0x23d: {  	[tilespmem:s31], [sflag:$0x2] =	stream.indirect.gather [hbm4b:s21+s12], $0x80, s28, s12, $0xb8;
	[tilespmem:$0x1C480] =	vst v63  }
0x23e: {  	_ =	swait.ge [sflag:s0], $0x4000  }
0x23f: {  	[sflag:s0] =	ssyncset.done $0x0  }
0x240: {  	[sflag:s0] =	ssyncadd.s32 $0xFFFFC000  }
0x241: {  	[spmem:s1] =	stream.indirect.scatter.add.f32 [tilespmem:s9], [sflag:$0x3], $0x80, s25, s12, $0xb8;
	[tilespmem:$0x1C480] =	vst v63  }
0x242: {  	_ =	swait.ge [sflag:s5], $0x4000  }
0x243: {  	[sflag:s5] =	ssyncset.done $0x0  }
0x244: {  	[sflag:s5] =	ssyncadd.s32 $0xFFFFC000  }
0x245: {  	[spmem:s1] =	stream.indirect.scatter.add.f32 [tilespmem:s31], [sflag:$0x4], $0x80, s19, s12, $0xb8;
	[tilespmem:$0x1C480] =	vst v63  }
0x246: {  	_ =	swait.ge [sflag:s2], $0x4000  }
0x247: {  	[sflag:s2] =	ssyncset.done $0x0  }
0x248: {  	[sflag:s2] =	ssyncadd.s32 $0xFFFFC000  }
0x249: {  	_ =	swait.ge [sflag:s6], $0x4000  }
0x24a: {  	[sflag:s6] =	ssyncset.done $0x0  }
0x24b: {  	[sflag:s6] =	ssyncadd.s32 $0xFFFFC000  }
0x24c: {  	[bflag:$0x0] =	sbarrier.arrive $0xFFFF  }
0x24d: {  	s13 =	sld [smem:$0x7F9]  }
0x24e: {  	s15 =	sld [smem:$0x7E9];
	_ =	sdelay $0x1  }
0x24f: {  	s14 =	simm.s32 @p0 $0x1FCD;
	s13 =	sshrl.u32 @p0 s13, $0x3  }
0x250: {  	[hbm:s15], [sflag:s14] =	dma.local @p0 [spmem:s13], $0x800  }
0x251: {  	s13 =	simm.s32 @p0 $0xD  }
0x252: {  	_ =	swait.ge @p0 [sflag:s13], $0x800  }
0x253: {  	s15 =	sld [smem:$0x7FA]  }
0x254: {  	s16 =	sld [smem:$0x7EA]  }
0x255: {  	[sflag:s13] =	ssyncset.done @p0 $0x0  }
0x256: {  	[sflag:s13] =	ssyncadd.s32 @p0 $0xFFFFF800;
	s15 =	sshrl.u32 @p0 s15, $0x3  }
0x257: {  	[hbm:s16], [sflag:s14] =	dma.local @p0 [spmem:s15], $0x800  }
0x258: {  	_ =	swait.ge @p0 [sflag:s13], $0x800  }
0x259: {  	s15 =	sld [smem:$0x7FB]  }
0x25a: {  	s16 =	sld [smem:$0x7EB]  }
0x25b: {  	[sflag:s13] =	ssyncset.done @p0 $0x0  }
0x25c: {  	[sflag:s13] =	ssyncadd.s32 @p0 $0xFFFFF800;
	s15 =	sshrl.u32 @p0 s15, $0x3  }
0x25d: {  	[hbm:s16], [sflag:s14] =	dma.local @p0 [spmem:s15], $0x800  }
0x25e: {  	_ =	swait.ge @p0 [sflag:s13], $0x800  }
0x25f: {  	s15 =	sld [smem:$0x7FC]  }
0x260: {  	s16 =	sld [smem:$0x7EC]  }
0x261: {  	[sflag:s13] =	ssyncset.done @p0 $0x0  }
0x262: {  	[sflag:s13] =	ssyncadd.s32 @p0 $0xFFFFF800;
	s15 =	sshrl.u32 @p0 s15, $0x3  }
0x263: {  	[hbm:s16], [sflag:s14] =	dma.local @p0 [spmem:s15], $0x800  }
0x264: {  	_ =	swait.ge @p0 [sflag:s13], $0x800  }
0x265: {  	s15 =	sld [smem:$0x7FD]  }
0x266: {  	s16 =	sld [smem:$0x7ED]  }
0x267: {  	[sflag:s13] =	ssyncset.done @p0 $0x0  }
0x268: {  	[sflag:s13] =	ssyncadd.s32 @p0 $0xFFFFF800;
	s15 =	sshrl.u32 @p0 s15, $0x3  }
0x269: {  	[hbm:s16], [sflag:s14] =	dma.local @p0 [spmem:s15], $0x800  }
0x26a: {  	s14 =	stileid.u32;
	_ =	swait.ge @p0 [sflag:s13], $0x800  }
0x26b: {  	s14 =	sshll.u32 @!p0 s14, $0x6;
	[sflag:s13] =	ssyncset.done @p0 $0x0  }
0x26c: {  	[sflag:s13] =	ssyncadd.s32 @p0 $0xFFFFF800;
	s13 =	sor.u32 @!p0 $0x1C0D, s14;
	s14 =	sld [smem:$0x7F5]  }
0x26d: {  	s15 =	sld [smem:$0x7E4];
	_ =	sdelay $0x1  }
0x26e: {  	s14 =	sshrl.u32 @!p0 s14, $0x3  }
0x26f: {  	[hbm:s15], [sflag:s13] =	dma.local @!p0 [spmem:s14], $0x800  }
0x270: {  	s14 =	simm.s32 @!p0 $0xD  }
0x271: {  	_ =	swait.ge @!p0 [sflag:s14], $0x800  }
0x272: {  	s15 =	sld [smem:$0x7E5]  }
0x273: {  	s16 =	sld [smem:$0x7EF]  }
0x274: {  	[sflag:s14] =	ssyncset.done @!p0 $0x0  }
0x275: {  	[sflag:s14] =	ssyncadd.s32 @!p0 $0xFFFFF800  }
0x276: {  	[hbm:s15], [sflag:s13] =	dma.local @!p0 [spmem:s16], $0x800  }
0x277: {  	_ =	swait.ge @!p0 [sflag:s14], $0x800  }
0x278: {  	s15 =	sld [smem:$0x7E6]  }
0x279: {  	s16 =	sld [smem:$0x7F0]  }
0x27a: {  	[sflag:s14] =	ssyncset.done @!p0 $0x0  }
0x27b: {  	[sflag:s14] =	ssyncadd.s32 @!p0 $0xFFFFF800  }
0x27c: {  	[hbm:s15], [sflag:s13] =	dma.local @!p0 [spmem:s16], $0x800  }
0x27d: {  	_ =	swait.ge @!p0 [sflag:s14], $0x800  }
0x27e: {  	s15 =	sld [smem:$0x7E7]  }
0x27f: {  	s16 =	sld [smem:$0x7F1]  }
0x280: {  	[sflag:s14] =	ssyncset.done @!p0 $0x0  }
0x281: {  	[sflag:s14] =	ssyncadd.s32 @!p0 $0xFFFFF800  }
0x282: {  	[hbm:s15], [sflag:s13] =	dma.local @!p0 [spmem:s16], $0x800  }
0x283: {  	_ =	swait.ge @!p0 [sflag:s14], $0x800  }
0x284: {  	s15 =	sld [smem:$0x7E8]  }
0x285: {  	s16 =	sld [smem:$0x7F7]  }
0x286: {  	[sflag:s14] =	ssyncset.done @!p0 $0x0  }
0x287: {  	[sflag:s14] =	ssyncadd.s32 @!p0 $0xFFFFF800  }
0x288: {  	[hbm:s15], [sflag:s13] =	dma.local @!p0 [spmem:s16], $0x700  }
0x289: {  	_ =	swait.ge @!p0 [sflag:s14], $0x700  }
0x28a: {  	s23 =	sld [smem:$0x7E1]  }
0x28b: {  	s24 =	sld [smem:$0x7EE];
	_ =	sdelay $0x1  }
0x28c: {  	s16 =	sadd.s32 $0x1, s23  }
0x28d: {  	p3 =	sne.s32 s16, s24  }
.Ltmp5:
0x28e: {  	_ = 	snop;
	(pc) =	sbr.rel @p3 .LBB2_1-.Ltmp5, $4  }
0x28f: {  	s29 =	simm.s32 $0x200  }
0x290: {  	s18 =	simm.s32 $0x480;
	s20 =	simm.s32 $0x500;
	s17 =	simm.s32 $0x400  }
0x291: {  	s19 =	simm.s32 $0x100;
	s15 =	simm.s32 $0xD;
	[sflag:s14] =	ssyncset.done @!p0 $0x0  }
0x292: {  	[sflag:s14] =	ssyncadd.s32 @!p0 $0xFFFFF900;
	s23 =	simm.s32 $0x180;
	s24 =	simm.s32 $0x580  }
0x293: {  	_ =	sfence.sel $0x180000  }
0x294: {  	[bflag:$0x0] =	sbarrier.arrive $0xFFFF  }
0x295: {  	_ =	strace $0x9000004D  }
0x296: {  	[bflag:$0x2] =	sbarrier.arrive $0xFFFF  }
0x297: {  	s0 =	rddreg [dreg:$0x5]  }
0x298: {  	s0 =	sadd.s32 @!p2 $0x100000, s0  }
0x299: {  	[sflag:s0] =	ssyncadd.tile.s32 @!p2 $0x1;
	_ =	shalt  }
.Lfunc_end2:
_tile_overlayer_lowered:
.L_overlay_start_2:
0x29a: {  	(tag) =	ssettag $0x2  }
0x29b: {  	s0 =	rddreg [dreg:$0x0];
	s2 =	stileid.u32  }
0x29c: {  	s1 =	rddreg [dreg:$0x1];
	p0 =	sne.s32 s2, $0x0  }
0x29d: {  	s3 =	rddreg [dreg:$0x2];
	[bflag:$0x3] =	sbarrier.arrive $0xFFFF;
	s2 =	simm.s32 @!p0 $0x1C0D  }
0x29e: {  	[timem:s3], [sflag:s2] =	dma.local @!p0 [hbm:s0], s1  }
0x29f: {  	s0 =	simm.s32 @!p0 $0xD  }
0x2a0: {  	_ =	swait.ge @!p0 [sflag:s0], s1  }
0x2a1: {  	s1 =	ssub.s32 @!p0 $0x0, s1;
	[sflag:s0] =	ssyncset.done @!p0 $0x0  }
0x2a2: {  	[sflag:s0] =	ssyncadd.s32 @!p0 s1  }
0x2a3: {  	[bflag:$0x3] =	sbarrier.arrive $0xFFFF  }
0x2a4: {  	_ =	shalt  }

// kernel: kernel.9.cloned.1.call-start
scs
__scs_entry_jumppad:
0x0: {  	(pc) =	sbr.rel $0x88, $3  }
0x1: {  	(tag) =	ssettag $0x0;
	lr =	simm.s32 $0x1  }
0x2: {  	[smem:$0x3F90] =	sst lr;
	_ =	strace $0xD0000000  }
0x3: {  	_ = 	snop  }
0x4: {  	_ = 	snop  }
0x5: {  	_ = 	snop  }
0x6: {  	_ = 	snop  }
0x7: {  	_ = 	snop  }
__scs_overlays_trampoline_lowered:
0x8: {  	[smem:$0x3F9F] =	sst s0  }
0x9: {  	[smem:$0x3FA0] =	sst s1  }
0xa: {  	[smem:$0x3FA1] =	sst s2  }
0xb: {  	[smem:$0x3FA2] =	sst s3  }
0xc: {  	[smem:$0x3FA3] =	sst s4  }
0xd: {  	[smem:$0x3FA4] =	sst s5  }
0xe: {  	[smem:$0x3FA5] =	sst s6  }
0xf: {  	[smem:$0x3FA6] =	sst s7  }
0x10: {  	[smem:$0x3FA7] =	sst s8  }
0x11: {  	[smem:$0x3FA8] =	sst s9;
	s0 =	simm.s32 @!p0 $0x0  }
0x12: {  	s1 =	sld [smem:$0x3F8E];
	s0 =	simm.s32 @p0 $0x1  }
0x13: {  	[smem:$0x3FA9] =	sst s0;
	s0 =	simm.s32 @!p1 $0x0  }
0x14: {  	s2 =	sld [smem:$0x3F8D];
	s0 =	simm.s32 @p1 $0x1  }
0x15: {  	[smem:$0x3FAA] =	sst s0;
	s0 =	simm.s32 @!p2 $0x0  }
0x16: {  	s3 =	sld [smem:$0x3FDB];
	s0 =	simm.s32 @p2 $0x1  }
0x17: {  	s4 =	simm.s32 $0x1BF5;
	[smem:$0x3FAC] =	sst s0  }
0x18: {  	s0 =	sld [smem:$0x3F8F];
	_ =	swait.ge [sflag:s4], $0x0  }
0x19: {  	s7 =	sld [smem:$0x3F90]  }
0x1a: {  	s8 =	sadd.s32 $0xFFFFE003, lr  }
0x1b: {  	s9 =	sadd.s32 $0xFFFFFEF7, lr;
	s5 =	simm.s32 $0xFFFFFFFF;
	p2 =	slt.u32 s8, $0xFFFFF086  }
0x1c: {  	p1 =	slt.u32 s9, $0xF7A;
	s5 =	simm.s32 @!p2 $0x0  }
0x1d: {  	s5 =	simm.s32 @p1 $0x1;
	p0 =	seq.s32 s7, s2  }
0x1e: {  	s7 =	smul.u32 @!p0 $0xF7A, s2;
	p2 =	seq.s32 @!p0 s5, $0x0  }
0x1f: {  	s9 =	smul.u32 $0xF7A, s1;
	s8 =	simm.s32 @!p0 $0x1BF5;
	p2 =	por !p2, p0  }
0x20: {  	[sflag:s8] =	ssyncset.s32 @!p0 $0xFFFFF086;
	s6 =	sadd.s32 @!p0 s3, s7;
	s7 =	simm.s32 @!p0 $0x108  }
0x21: {  	s3 =	sadd.s32 s3, s9;
	s6 =	sadd.s32 @!p0 $0x88, s6;
	s7 =	simm.s32 @p2 $0x1082  }
0x22: {  	[simem:s7], [sflag:s8] =	dma.local @!p0 [hbm:s6], $0xF7A  }
0x23: {  	s9 =	sor.u32 $0xD0000000, s2;
	s6 =	simm.s32 $0x108;
	_ =	swait.ge @!p0 [sflag:s8], $0x0  }
0x24: {  	s3 =	sadd.s32 $0x88, s3;
	s6 =	simm.s32 @!p1 $0x1082;
	[sflag:s4] =	ssyncset.s32 $0xFFFFF086  }
0x25: {  	[simem:s6], [sflag:s4] =	dma.local [hbm:s3], $0xF7A  }
0x26: {  	[smem:$0x3F90] =	sst s1;
	(tag) =	ssettag s2;
	_ =	strace s9  }
0x27: {  	s1 =	sld [smem:$0x3FA0]  }
0x28: {  	s2 =	sld [smem:$0x3FA1]  }
0x29: {  	s4 =	sld [smem:$0x3FA3]  }
0x2a: {  	p0 =	seq.s32 s5, $0x0;
	s5 =	sld [smem:$0x3FA4]  }
0x2b: {  	s6 =	sld [smem:$0x3FA5]  }
0x2c: {  	s7 =	sld [smem:$0x3FA6]  }
0x2d: {  	s3 =	simm.s32 $0x108;
	s8 =	sld [smem:$0x3FA7]  }
0x2e: {  	s3 =	simm.s32 @!p0 $0x1082;
	s9 =	sld [smem:$0x3FA8]  }
0x2f: {  	lr =	sadd.s32 s0, s3;
	s0 =	sld [smem:$0x3F9F]  }
0x30: {  	s3 =	sld [smem:$0x3FA2]  }
0x31: {  	[smem:$0x3FAB] =	sst s10  }
0x32: {  	s10 =	sld [smem:$0x3FA9];
	_ =	sdelay $0x3  }
0x33: {  	p0 =	seq.s32 s10, $0x1;
	s10 =	sld [smem:$0x3FAB];
	_ =	sdelay $0x3  }
0x34: {  	[smem:$0x3FAB] =	sst s10  }
0x35: {  	s10 =	sld [smem:$0x3FAA];
	_ =	sdelay $0x3  }
0x36: {  	p1 =	seq.s32 s10, $0x1;
	s10 =	sld [smem:$0x3FAB];
	_ =	sdelay $0x3  }
0x37: {  	[smem:$0x3FAB] =	sst s10  }
0x38: {  	s10 =	sld [smem:$0x3FAC]  }
0x39: {  	_ = 	snop;
	(pc) =	sbr.ind lr, $3  }
0x3a: {  	_ = 	snop  }
0x3b: {  	_ = 	snop  }
0x3c: {  	p2 =	seq.s32 s10, $0x1;
	s10 =	sld [smem:$0x3FAB]  }
0x3d: {  	_ =	shalt  }
0x3e: {  	_ =	shalt  }
0x3f: {  	_ =	shalt  }
0x40: {  	_ =	shalt  }
0x41: {  	_ =	shalt  }
0x42: {  	_ =	shalt  }
0x43: {  	_ =	shalt  }
0x44: {  	_ =	shalt  }
0x45: {  	_ =	shalt  }
0x46: {  	_ =	shalt  }
0x47: {  	_ =	shalt  }
0x48: {  	_ =	shalt  }
0x49: {  	_ =	shalt  }
0x4a: {  	_ =	shalt  }
0x4b: {  	_ =	shalt  }
0x4c: {  	_ =	shalt  }
0x4d: {  	_ =	shalt  }
0x4e: {  	_ =	shalt  }
0x4f: {  	_ =	shalt  }
0x50: {  	_ =	shalt  }
0x51: {  	_ =	shalt  }
0x52: {  	_ =	shalt  }
0x53: {  	_ =	shalt  }
0x54: {  	_ =	shalt  }
0x55: {  	_ =	shalt  }
0x56: {  	_ =	shalt  }
0x57: {  	_ =	shalt  }
0x58: {  	_ =	shalt  }
0x59: {  	_ =	shalt  }
0x5a: {  	_ =	shalt  }
0x5b: {  	_ =	shalt  }
0x5c: {  	_ =	shalt  }
0x5d: {  	_ =	shalt  }
0x5e: {  	_ =	shalt  }
0x5f: {  	_ =	shalt  }
0x60: {  	_ =	shalt  }
0x61: {  	_ =	shalt  }
0x62: {  	_ =	shalt  }
0x63: {  	_ =	shalt  }
0x64: {  	_ =	shalt  }
0x65: {  	_ =	shalt  }
0x66: {  	_ =	shalt  }
0x67: {  	_ =	shalt  }
0x68: {  	_ =	shalt  }
0x69: {  	_ =	shalt  }
0x6a: {  	_ =	shalt  }
0x6b: {  	_ =	shalt  }
0x6c: {  	_ =	shalt  }
0x6d: {  	_ =	shalt  }
0x6e: {  	_ =	shalt  }
0x6f: {  	_ =	shalt  }
0x70: {  	_ =	shalt  }
0x71: {  	_ =	shalt  }
0x72: {  	_ =	shalt  }
0x73: {  	_ =	shalt  }
0x74: {  	_ =	shalt  }
0x75: {  	_ =	shalt  }
0x76: {  	_ =	shalt  }
0x77: {  	_ =	shalt  }
0x78: {  	_ =	shalt  }
0x79: {  	_ =	shalt  }
0x7a: {  	_ =	shalt  }
0x7b: {  	_ =	shalt  }
0x7c: {  	_ =	shalt  }
0x7d: {  	_ =	shalt  }
0x7e: {  	_ =	shalt  }
0x7f: {  	_ =	shalt  }
0x80: {  	_ =	shalt  }
0x81: {  	_ =	shalt  }
0x82: {  	_ =	shalt  }
0x83: {  	_ =	shalt  }
0x84: {  	_ =	shalt  }
0x85: {  	_ =	shalt  }
0x86: {  	_ =	shalt  }
0x87: {  	_ =	shalt  }
.Lfunc_end0:
.L_simem_size_0:
called_computation_lowered:
.L_overlay_start_0:
0x88: {  	s2 =	sld [smem:$0x3FD9]  }
0x89: {  	s3 =	sld [smem:$0x3FFE];
	_ =	sdelay $0x1  }
0x8a: {  	s1 =	srdreg.scid  }
0x8b: {  	s0 =	sand.u32 $0x1, s1  }
0x8c: {  	s14 =	sshll.u32 s0, $0xA;
	s2 =	sadd.s32 s3, s2  }
0x8d: {  	s2 =	sadd.s32 s2, s14  }
0x8e: {  	[smem:$0x3FB7] =	sst s2  }
0x8f: {  	_ = 	snop  }
0x90: {  	s2 =	sld [smem:$0x3FD0];
	_ =	sdelay $0x2  }
0x91: {  	s4 =	simm.s32 $0xA;
	s5 =	simm.s32 $0x10;
	s15 =	sld [smem:$0x3FC9]  }
0x92: {  	[smem:s5], [sflag:s4] =	dma.local [hbm:s2], $0x1  }
0x93: {  	_ =	swait.eq [sflag:s4], $0x1  }
0x94: {  	[sflag:s4] =	ssyncset.done $0x0  }
0x95: {  	[sflag:s4] =	ssyncadd.s32 $0xFFFFFFFF  }
0x96: {  	s16 =	sld [smem:$0x10];
	(tm) =	ssettm $0x1  }
0x97: {  	s17 =	sld [smem:$0x3FFB];
	_ =	sdelay $0x3  }
0x98: {  	_ =	strace s17  }
0x99: {  	s4 =	sld [smem:$0x3FFC];
	_ =	sdelay $0x3  }
0x9a: {  	_ =	strace s4  }
0x9b: {  	s4 =	sld [smem:$0x3FFD];
	_ =	sdelay $0x3  }
0x9c: {  	_ =	strace s4  }
0x9d: {  	_ =	strace $0x8FFFFFFF  }
0x9e: {  	s18 =	sld [smem:$0x3FDB];
	_ =	sdelay $0x1  }
0x9f: {  	s19 =	simm.s32 $_scs_section_size  }
0xa0: {  	s6 =	simm.s32 $_size__tile_overlayer_lowered;
	s7 =	simm.s32 $_tile_overlayer_lowered  }
0xa1: {  	s22 =	simm.s32 $0x1BFF;
	s21 =	sshll.u32 s7, $0x1;
	s4 =	sadd.s32 s19, s18  }
0xa2: {  	s8 =	simm.s32 $0x0;
	s20 =	sshll.u32 s6, $0x1;
	s6 =	sadd.s32 s21, s4  }
0xa3: {  	[timem:s8], [sflag:s22] =	dma.local [hbm:s6], s20  }
0xa4: {  	_ =	swait.ge [sflag:s22], s20  }
0xa5: {  	s5 =	ssub.s32 $0x0, s20;
	[sflag:s22] =	ssyncset.done $0x0  }
0xa6: {  	[sflag:s22] =	ssyncadd.s32 s5;
	_ =	sdelay $0x1  }
0xa7: {  	s23 =	simm.s32 $0x1B8B  }
0xa8: {  	_ =	swait.ge [sflag:s23], $0x1  }
0xa9: {  	[sflag:s23] =	ssyncset.done $0x0  }
0xaa: {  	s25 =	simm.s32 $0x1B8E;
	s24 =	sld [smem:$0x3FFE];
	[sflag:s23] =	ssyncadd.s32 $0xFFFFFFFF  }
0xab: {  	s26 =	simm.s32 $execute0_lowered;
	[smem:$0x3FD2] =	sst s25  }
0xac: {  	s6 =	sshll.u32 s26, $0x1;
	_ =	strace $0x80000046;
	[dreg:$0x1] =	wrdreg $0xFFFFFFFF  }
0xad: {  	s28 =	simm.s32 $_size_execute0_lowered;
	s4 =	sadd.s32 s4, s6;
	[dreg:$0x0] =	wrdreg $0x0  }
0xae: {  	s6 =	sshll.u32 s28, $0x1;
	[dreg:$0x2] =	wrdreg s4  }
0xaf: {  	[dreg:$0x3] =	wrdreg s6  }
0xb0: {  	[dreg:$0x4] =	wrdreg $0xC0  }
0xb1: {  	_ =	task [dreg:s8], $0x5FFFF  }
0xb2: {  	[dreg:$0x1] =	wrdreg $0xFFFFFFFF  }
0xb3: {  	[dreg:$0x0] =	wrdreg $0x60  }
0xb4: {  	[dreg:$0x2] =	wrdreg s24  }
0xb5: {  	[dreg:$0x3] =	wrdreg s15  }
0xb6: {  	[dreg:$0x4] =	wrdreg s16  }
0xb7: {  	[dreg:$0x5] =	wrdreg $0x9  }
0xb8: {  	_ =	task.clear_ibuf [dreg:s8], $0x6FFFF;
	_ =	strace $0x90000046  }
0xb9: {  	s29 =	simm.s32 $0x9;
	_ =	strace $0x80000048  }
0xba: {  	_ =	swait.ge [sflag:s29], $0x1  }
0xbb: {  	[sflag:s29] =	ssyncadd.s32 $0xFFFFFFFF  }
0xbc: {  	_ =	strace $0x90000048  }
0xbd: {  	_ =	sfence  }
0xbe: {  	s30 =	sld [smem:$0x0];
	_ =	sdelay $0x2  }
0xbf: {  	s31 =	sshll.u32 s1, $0xD;
	s1 =	sshrl.u32 s1, $0x2  }
0xc0: {  	s3 =	sand.u32 $0x4000, s31;
	s1 =	sadd.s32 s1, s30  }
0xc1: {  	s0 =	sor.u32 s3, s0;
	s1 =	sshll.u32 s1, $0x11  }
0xc2: {  	s0 =	sor.u32 s1, s0  }
0xc3: {  	s0 =	sadd.s32 $0x8F2B, s0  }
0xc4: {  	[sflag:s0] =	ssyncadd.remote.s32 $0x1  }
0xc5: {  	_ =	sfence.sel $0xFFFF  }
0xc6: {  	[dreg:$0x0] =	wrdreg $0xFFFFFFFF;
	(pc) =	sbr.abs _section_cstart, $3  }
0xc7: {  	[dreg:$0x1] =	wrdreg $0xFFFFFFFF  }
0xc8: {  	_ =	task.clear_ibuf [dreg:s8], $0x2FFFF;
	_ =	strace $0x9FFFFFFF  }
0xc9: {  	(tm) =	ssettm $0x7FFFFFFF  }
tec
execute0_lowered:
.L_overlay_start_1:
0x0: {  	(tag) =	ssettag $0x1  }
0x1: {  	s4 =	rddreg [dreg:$0x0]  }
0x2: {  	s7 =	rddreg [dreg:$0x1]  }
0x3: {  	s0 =	srdreg.scid;
	s8 =	rddreg [dreg:$0x2]  }
0x4: {  	s30 =	stileid.u32;
	s2 =	simm.s32 $0x0;
	s15 =	simm.s32 $0x2F80  }
0x5: {  	s16 =	simm.s32 $0x2;
	s17 =	simm.s32 $0x68;
	s18 =	simm.s32 $0x3100  }
0x6: {  	s19 =	simm.s32 $0x2FE8;
	s20 =	simm.s32 $0x6500;
	s21 =	simm.s32 $0x3050  }
0x7: {  	s22 =	simm.s32 $0x9900;
	s23 =	simm.s32 $0x2780;
	s5 =	sand.u32 $0x1, s0  }
0x8: {  	s25 =	simm.s32 $0x400;
	s26 =	simm.s32 $0x1;
	s3 =	sshll.u32 s5, $0x4  }
0x9: {  	s28 =	simm.s32 $0x0;
	[smem:$0x7FF] =	sst s2;
	s24 =	sor.u32 s30, s3  }
0xa: {  	s9 =	sshll.u32 s30, $0x7;
	_ =	strace $0x80000047;
	s3 =	smul.u32 $0x2710, s24  }
0xb: {  	s9 =	sand.u32 $0x380, s9;
	s5 =	ssub.s32 $0x2, s5;
	s31 =	smul.u32 $0x27, s24  }
0xc: {  	s10 =	sshrl.u32 s5, $0x1;
	s6 =	sshrl.u32 s24, $0x3;
	s11 =	smul.u32 $0x1380, s24  }
0xd: {  	s10 =	ssub.s32 s5, s10;
	s6 =	smul.u32 $0x13C00, s6;
	s3 =	sshrl.u32 s3, $0x3  }
0xe: {  	p0 =	sne.s32 s24, $0x0;
	s24 =	simm.s32 $0x80;
	s14 =	sadd.s32 s3, s4  }
0xf: {  	s3 =	sadd.s32 $0xDA00, s4;
	s6 =	sor.u32 s9, s6;
	s9 =	smax.u32 s10, $0x1  }
0x10: {  	s6 =	sshrl.u32 s6, $0x3;
	s10 =	sadd.s32 $0x3C00, s14;
	s12 =	sadd.s32 $0x3DF4, s14  }
0x11: {  	s13 =	sadd.s32 $0x3EEE, s14;
	s6 =	sadd.s32 s6, s4;
	s4 =	sadd.s32 s7, s31  }
0x12: {  	s7 =	sadd.s32 $0x4E0, s7;
	s5 =	sadd.s32 $0x11A00, s6;
	s6 =	sadd.s32 s8, s11  }
0x13: {  	v0 =	vimm.f32 $0.0e+00;
	v1 =	vimm.f32 $1.000000000e+00;
	s8 =	sadd.s32 $0x27000, s8;
	s11 =	sadd.s32 $0x3CFA, s14;
	s14 =	sadd.s32 $0x3FE8, s14  }
.LBB2_1:
0x14: {  	[tilespmem:s15], [sflag:$0x2] =	stream.linear.gather [hbm4b:s4+s2], $0x138, $0x38;
	[tilespmem:$0xD580] =	vst v63  }
0x15: {  	_ =	swait.ge [sflag:s16], $0x138  }
0x16: {  	[sflag:s16] =	ssyncset.done $0x0  }
0x17: {  	[sflag:s16] =	ssyncadd.s32 $0xFFFFFEC8  }
0x18: {  	[tilespmem:s18], [sflag:$0x1] =	stream.indirect.gather [hbm4b:s3+s17], $0x80, s15, s17, $0xb8;
	[tilespmem:$0xD580] =	vst v63  }
0x19: {  	_ = 	snop  }
0x1a: {  	[tilespmem:s20], [sflag:$0x1] =	stream.indirect.gather [hbm4b:s3+s17], $0x80, s19, s17, $0xb8;
	[tilespmem:$0xD580] =	vst v63  }
0x1b: {  	s29 =	simm.s32 $0x40;
	s30 =	simm.s32 $0x0  }
0x1c: {  	[tilespmem:s22], [sflag:$0x1] =	stream.indirect.gather [hbm4b:s3+s17], $0x80, s21, s17, $0xb8;
	[tilespmem:$0xD580] =	vst v63  }
.LBB2_2:
0x1d: {  	p1 =	sne.s32 s29, $0x9C00;
	[tilespmem:s30+$0x0] =	vst v0;
	s30 =	smov.u32 s29;
	s29 =	sadd.s32 $0x40, s29  }
.Ltmp0:
0x1e: {  	(pc) =	sbr.rel @p1 .LBB2_2-.Ltmp0, $2  }
0x1f: {  	_ =	sdelay $0x2  }
0x20: {  	s30 =	sshra.s32 s30, $0x2  }
0x21: {  	[tilespmem:s30+$0x0] =	vst v0;
	s29 =	simm.s32 $0x0  }
0x22: {  	[tilespmem:s23], [sflag:$0x2] =	stream.linear.gather [hbm4b:s10+s29], $0x7D0, $0x38;
	[tilespmem:$0xD580] =	vst v63  }
0x23: {  	_ =	swait.ge [sflag:s16], $0x7D0  }
0x24: {  	[sflag:s16] =	ssyncset.done $0x0  }
0x25: {  	s30 =	simm.s32 $0x0;
	s29 =	simm.s32 $0x40;
	[sflag:s16] =	ssyncadd.s32 $0xFFFFF830  }
.LBB2_4:
0x26: {  	p1 =	sne.s32 s29, $0x1F00;
	v2 =	vld [tilespmem:s30+$0x2780];
	_ =	sdelay $0x3  }
.Ltmp1:
0x27: {  	(pc) =	sbr.rel @p1 .LBB2_4-.Ltmp1, $2  }
0x28: {  	_ =	sdelay $0x2  }
0x29: {  	s30 =	sshra.s32 s29, $0x2;
	s29 =	sadd.s32 $0x40, s29;
	[tilespmem:v2+s2+$0x0] =	vst.idx.add.f32.msk $0xffff, v1  }
0x2a: {  	v2 =	vld [tilespmem:s30+$0x2780];
	_ =	sdelay $0x7  }
0x2b: {  	s29 =	simm.s32 $0x0;
	[tilespmem:v2+s2+$0x0] =	vst.idx.add.f32.msk $0xffff, v1  }
0x2c: {  	[tilespmem:s23], [sflag:$0x2] =	stream.linear.gather [hbm4b:s11+s29], $0x7D0, $0x38;
	[tilespmem:$0xD580] =	vst v63  }
0x2d: {  	_ =	swait.ge [sflag:s16], $0x7D0  }
0x2e: {  	[sflag:s16] =	ssyncset.done $0x0  }
0x2f: {  	s30 =	simm.s32 $0x0;
	s29 =	simm.s32 $0x40;
	[sflag:s16] =	ssyncadd.s32 $0xFFFFF830  }
.LBB2_6:
0x30: {  	p1 =	sne.s32 s29, $0x1F00;
	v2 =	vld [tilespmem:s30+$0x2780];
	_ =	sdelay $0x3  }
.Ltmp2:
0x31: {  	(pc) =	sbr.rel @p1 .LBB2_6-.Ltmp2, $2  }
0x32: {  	_ =	sdelay $0x2  }
0x33: {  	s30 =	sshra.s32 s29, $0x2;
	s29 =	sadd.s32 $0x40, s29;
	[tilespmem:v2+s2+$0x0] =	vst.idx.add.f32.msk $0xffff, v1  }
0x34: {  	v2 =	vld [tilespmem:s30+$0x2780];
	_ =	sdelay $0x7  }
0x35: {  	s29 =	simm.s32 $0x0;
	[tilespmem:v2+s2+$0x0] =	vst.idx.add.f32.msk $0xffff, v1  }
0x36: {  	[tilespmem:s23], [sflag:$0x2] =	stream.linear.gather [hbm4b:s12+s29], $0x7D0, $0x38;
	[tilespmem:$0xD580] =	vst v63  }
0x37: {  	_ =	swait.ge [sflag:s16], $0x7D0  }
0x38: {  	[sflag:s16] =	ssyncset.done $0x0  }
0x39: {  	s30 =	simm.s32 $0x0;
	s29 =	simm.s32 $0x40;
	[sflag:s16] =	ssyncadd.s32 $0xFFFFF830  }
.LBB2_8:
0x3a: {  	p1 =	sne.s32 s29, $0x1F00;
	v2 =	vld [tilespmem:s30+$0x2780];
	_ =	sdelay $0x3  }
.Ltmp3:
0x3b: {  	(pc) =	sbr.rel @p1 .LBB2_8-.Ltmp3, $2  }
0x3c: {  	_ =	sdelay $0x2  }
0x3d: {  	s30 =	sshra.s32 s29, $0x2;
	s29 =	sadd.s32 $0x40, s29;
	[tilespmem:v2+s2+$0x0] =	vst.idx.add.f32.msk $0xffff, v1  }
0x3e: {  	v2 =	vld [tilespmem:s30+$0x2780];
	_ =	sdelay $0x7  }
0x3f: {  	s29 =	simm.s32 $0x0;
	[tilespmem:v2+s2+$0x0] =	vst.idx.add.f32.msk $0xffff, v1  }
0x40: {  	[tilespmem:s23], [sflag:$0x2] =	stream.linear.gather [hbm4b:s13+s29], $0x7D0, $0x38;
	[tilespmem:$0xD580] =	vst v63  }
0x41: {  	_ =	swait.ge [sflag:s16], $0x7D0  }
0x42: {  	[sflag:s16] =	ssyncset.done $0x0  }
0x43: {  	s30 =	simm.s32 $0x0;
	s29 =	simm.s32 $0x40;
	[sflag:s16] =	ssyncadd.s32 $0xFFFFF830  }
.LBB2_10:
0x44: {  	p1 =	sne.s32 s29, $0x1F00;
	v2 =	vld [tilespmem:s30+$0x2780];
	_ =	sdelay $0x3  }
.Ltmp4:
0x45: {  	(pc) =	sbr.rel @p1 .LBB2_10-.Ltmp4, $2  }
0x46: {  	_ =	sdelay $0x2  }
0x47: {  	s30 =	sshra.s32 s29, $0x2;
	s29 =	sadd.s32 $0x40, s29;
	[tilespmem:v2+s2+$0x0] =	vst.idx.add.f32.msk $0xffff, v1  }
0x48: {  	v2 =	vld [tilespmem:s30+$0x2780];
	_ =	sdelay $0x7  }
0x49: {  	s29 =	simm.s32 $0x0;
	[tilespmem:v2+s2+$0x0] =	vst.idx.add.f32.msk $0xffff, v1  }
0x4a: {  	[tilespmem:s23], [sflag:$0x2] =	stream.linear.gather [hbm4b:s14+s29], $0x7D0, $0x38;
	[tilespmem:$0xD580] =	vst v63  }
0x4b: {  	_ =	swait.ge [sflag:s16], $0x7D0  }
0x4c: {  	[sflag:s16] =	ssyncset.done $0x0  }
0x4d: {  	s30 =	simm.s32 $0x0;
	s29 =	simm.s32 $0x40;
	[sflag:s16] =	ssyncadd.s32 $0xFFFFF830  }
.LBB2_12:
0x4e: {  	p1 =	sne.s32 s29, $0x1F00;
	v2 =	vld [tilespmem:s30+$0x2780];
	_ =	sdelay $0x3  }
.Ltmp5:
0x4f: {  	(pc) =	sbr.rel @p1 .LBB2_12-.Ltmp5, $2  }
0x50: {  	_ =	sdelay $0x2  }
0x51: {  	s30 =	sshra.s32 s29, $0x2;
	s29 =	sadd.s32 $0x40, s29;
	[tilespmem:v2+s2+$0x0] =	vst.idx.add.f32.msk $0xffff, v1  }
0x52: {  	v2 =	vld [tilespmem:s30+$0x2780];
	_ =	sdelay $0x7  }
0x53: {  	[tilespmem:v2+s2+$0x0] =	vst.idx.add.f32.msk $0xffff, v1  }
0x54: {  	[hbm4b:s5+s24] =	stream.strided.scatter [tilespmem:s2], [sflag:$0x2], $0x2780, s25, s24, $0x38;
	[tilespmem:$0xD580] =	vst v63  }
0x55: {  	_ =	swait.ge [sflag:s16], $0x2780  }
0x56: {  	[sflag:s16] =	ssyncset.done $0x0  }
0x57: {  	[sflag:s16] =	ssyncadd.s32 $0xFFFFD880  }
0x58: {  	_ =	swait.ge [sflag:s26], $0x3400  }
0x59: {  	[sflag:s26] =	ssyncset.done $0x0  }
0x5a: {  	[sflag:s26] =	ssyncadd.s32 $0xFFFFCC00  }
0x5b: {  	_ =	swait.ge [sflag:s26], $0x3400  }
0x5c: {  	[sflag:s26] =	ssyncset.done $0x0  }
0x5d: {  	[sflag:s26] =	ssyncadd.s32 $0xFFFFCC00  }
0x5e: {  	_ =	swait.ge [sflag:s26], $0x3400  }
0x5f: {  	[sflag:s26] =	ssyncset.done $0x0  }
0x60: {  	[sflag:s26] =	ssyncadd.s32 $0xFFFFCC00  }
0x61: {  	[hbm4b:s6+s2] =	stream.linear.scatter [tilespmem:s18], [sflag:$0x2], $0x9C00, $0x38;
	[tilespmem:$0xD580] =	vst v63  }
0x62: {  	_ =	swait.ge [sflag:s16], $0x9C00  }
0x63: {  	s29 =	simm.s32 @!p0 $0x0;
	[sflag:s16] =	ssyncset.done $0x0  }
0x64: {  	s30 =	simm.s32 @!p0 $0xCD00;
	s31 =	simm.s32 @!p0 $0x2;
	[sflag:s16] =	ssyncadd.s32 $0xFFFF6400  }
0x65: {  	[tilespmem:s30], [sflag:$0x2] =	stream.linear.gather @!p0 [hbm4b:s7+s29], $0x10, $0x38;
	[tilespmem:$0xD580] =	vst v63  }
0x66: {  	_ =	swait.ge @!p0 [sflag:s31], $0x10  }
0x67: {  	[sflag:s31] =	ssyncset.done @!p0 $0x0  }
0x68: {  	s0 =	simm.s32 @!p0 $0x10;
	s1 =	simm.s32 @!p0 $0xCD80;
	[sflag:s31] =	ssyncadd.s32 @!p0 $0xFFFFFFF0  }
0x69: {  	[tilespmem:s1], [sflag:$0x1] =	stream.indirect.gather @!p0 [hbm4b:s3+s0], $0x80, s30, s0, $0xb8;
	[tilespmem:$0xD580] =	vst v63  }
0x6a: {  	s0 =	simm.s32 @!p0 $0x1  }
0x6b: {  	s28 =	sadd.s32 $0x1, s28;
	_ =	swait.ge @!p0 [sflag:s0], $0x800  }
0x6c: {  	p1 =	sne.s32 s28, s9;
	[sflag:s0] =	ssyncset.done @!p0 $0x0  }
.Ltmp6:
0x6d: {  	[sflag:s0] =	ssyncadd.s32 @!p0 $0xFFFFF800;
	(pc) =	sbr.rel @p1 .LBB2_1-.Ltmp6, $4  }
0x6e: {  	[hbm4b:s8+s29] =	stream.linear.scatter @!p0 [tilespmem:s1], [sflag:$0x2], $0x800, $0x38;
	[tilespmem:$0xD580] =	vst v63  }
0x6f: {  	_ =	swait.ge @!p0 [sflag:s31], $0x800  }
0x70: {  	[sflag:s31] =	ssyncset.done @!p0 $0x0  }
0x71: {  	[sflag:s31] =	ssyncadd.s32 @!p0 $0xFFFFF800  }
0x72: {  	_ =	sfence.sel $0x180000  }
0x73: {  	[bflag:$0x0] =	sbarrier.arrive $0xFFFF  }
0x74: {  	_ =	strace $0x90000047  }
0x75: {  	s0 =	stileid.u32;
	[bflag:$0x2] =	sbarrier.arrive $0xFFFF  }
0x76: {  	p0 =	sne.s32 s0, $0x0;
	s0 =	rddreg [dreg:$0x3]  }
0x77: {  	s0 =	sadd.s32 @!p0 $0x100000, s0  }
0x78: {  	[sflag:s0] =	ssyncadd.tile.s32 @!p0 $0x1;
	_ =	shalt  }
.Lfunc_end2:
_tile_overlayer_lowered:
.L_overlay_start_2:
0x79: {  	(tag) =	ssettag $0x2  }
0x7a: {  	s0 =	rddreg [dreg:$0x0];
	s2 =	stileid.u32  }
0x7b: {  	s1 =	rddreg [dreg:$0x1];
	p0 =	sne.s32 s2, $0x0  }
0x7c: {  	s3 =	rddreg [dreg:$0x2];
	[bflag:$0x3] =	sbarrier.arrive $0xFFFF;
	s2 =	simm.s32 @!p0 $0x1C02  }
0x7d: {  	[timem:s3], [sflag:s2] =	dma.local @!p0 [hbm:s0], s1  }
0x7e: {  	s0 =	simm.s32 @!p0 $0x2  }
0x7f: {  	_ =	swait.ge @!p0 [sflag:s0], s1  }
0x80: {  	s1 =	ssub.s32 @!p0 $0x0, s1;
	[sflag:s0] =	ssyncset.done @!p0 $0x0  }
0x81: {  	[sflag:s0] =	ssyncadd.s32 @!p0 s1  }
0x82: {  	[bflag:$0x3] =	sbarrier.arrive $0xFFFF  }
0x83: {  	_ =	shalt  }

</sc_bundles>
